<compile_context>
chip_gen: v7x
topology: tpu7x:2x2x1
jax: 0.10.2.dev20260603
libtpu: 0.0.44.dev20260713+nightly
codegen_flags: <defaults>
</compile_context>

<pallas_src>
import functools

import jax
import jax.numpy as jnp
from jax import lax
from jax.experimental import pallas as pl
from jax.experimental.pallas import tpu as pltpu
from jax.experimental.pallas import tpu_sc as plsc

NC = 2
NS = 16
NWORK = NC * NS
L = 16
RW = 128
K4 = 4096
NB = 62
QP = K4 * NB


def _tc_repack(tt, E):

    def body(i0, i1, i2, i3, out_ref):
        xcat = jnp.concatenate(
            [i0[...], i1[...], i2[...], i3[...]], axis=0)
        eye = (lax.broadcasted_iota(jnp.int32, (RW, RW), 0)
               == lax.broadcasted_iota(jnp.int32, (RW, RW), 1)
               ).astype(jnp.float32)
        dn = (((0,), (0,)), ((), ()))
        out_ref[...] = lax.dot_general(
            xcat, eye, dn, preferred_element_type=jnp.float32)

    last_blk = 244

    return pl.pallas_call(
        body,
        grid=(NB,),
        in_specs=[
            pl.BlockSpec(
                (E, K4),
                lambda g, j=j: (0, jnp.minimum(j * NB + g, last_blk)))
            for j in range(4)
        ],
        out_specs=pl.BlockSpec((K4, RW), lambda g: (g, 0)),
        out_shape=jax.ShapeDtypeStruct((QP, RW), jnp.float32),
    )(tt, tt, tt, tt)


def _group_of(v):
    one = jnp.int32(1)
    zero = jnp.int32(0)
    return (jnp.where(v >= QP, one, zero)
            + jnp.where(v >= 2 * QP, one, zero)
            + jnp.where(v >= 3 * QP, one, zero))


def _sc_scores(pin, pout, i_idx, o_idx, n_idx, B, E, W, N):
    b_per = B // NWORK
    C = 64
    n_ch = b_per // C
    G = C // L

    mesh = plsc.VectorSubcoreMesh(core_axis_name="c", subcore_axis_name="s")

    @functools.partial(
        pl.kernel,
        out_type=(
            jax.ShapeDtypeStruct((B,), jnp.float32),
            jax.ShapeDtypeStruct((B,), jnp.float32),
        ),
        mesh=mesh,
        compiler_params=pltpu.CompilerParams(needs_layout_passes=False),
        scratch_types=[
            pltpu.VMEM((C,), jnp.int32),
            pltpu.VMEM((C * W,), jnp.int32),
            pltpu.VMEM((C * N,), jnp.int32),
            pltpu.VMEM((C,), jnp.int32),
            pltpu.VMEM((C * W,), jnp.int32),
            pltpu.VMEM((C * N,), jnp.int32),
            pltpu.VMEM((C, RW), jnp.float32),
            pltpu.VMEM((C * W, RW), jnp.float32),
            pltpu.VMEM((C * N, RW), jnp.float32),
            pltpu.VMEM((C,), jnp.float32),
            pltpu.VMEM((C,), jnp.float32),
            pltpu.SemaphoreType.DMA,
        ],
    )
    def k(pin_hbm, pout_hbm, ii_hbm, oi_hbm, ni_hbm, spos_hbm, sneg_hbm,
          iv, ov, nv, ivs, ovs, nvs, irows, orows, nrows, sp, sn, sem):
        wid = lax.axis_index("s") * NC + lax.axis_index("c")

        def chunk(c, _):
            base = wid * b_per + c * C
            pltpu.sync_copy(ii_hbm.at[pl.ds(base, C)], iv)
            pltpu.sync_copy(oi_hbm.at[pl.ds(base * W, C * W)], ov)
            pltpu.sync_copy(ni_hbm.at[pl.ds(base * N, C * N)], nv)
            for src, dst, nv_ in ((iv, ivs, C), (ov, ovs, C * W),
                                  (nv, nvs, C * N)):
                for kk in range(nv_ // L):
                    s = pl.ds(kk * L, L)
                    v = src[s]
                    dst[s] = v - _group_of(v) * QP
            cp_i = pltpu.async_copy(pin_hbm.at[ivs], irows, sem)
            cp_o = pltpu.async_copy(pout_hbm.at[ovs], orows, sem)
            cp_n = pltpu.async_copy(pout_hbm.at[nvs], nrows, sem)
            cp_i.wait()
            cp_o.wait()
            cp_n.wait()

            def group(g, _):
                bvec = g * L + lax.iota(jnp.int32, L)
                icol = _group_of(plsc.load_gather(iv, [bvec])) * E
                ocols = []
                for w in range(W):
                    ocols.append(
                        _group_of(plsc.load_gather(ov, [bvec * W + w])) * E)
                ncols = []
                for n in range(N):
                    ncols.append(
                        _group_of(plsc.load_gather(nv, [bvec * N + n])) * E)
                pacc = jnp.zeros((L,), jnp.float32)
                nacc = jnp.zeros((L,), jnp.float32)
                lane = lax.iota(jnp.int32, L)
                for e in range(E):
                    ev = jnp.bitwise_and(e + lane, E - 1)
                    v_in = plsc.load_gather(irows, [bvec, icol + ev])
                    pe = plsc.load_gather(orows, [bvec * W, ocols[0] + ev])
                    for w in range(1, W):
                        pe = pe + plsc.load_gather(
                            orows, [bvec * W + w, ocols[w] + ev])
                    ne = plsc.load_gather(nrows, [bvec * N, ncols[0] + ev])
                    for n in range(1, N):
                        ne = ne + plsc.load_gather(
                            nrows, [bvec * N + n, ncols[n] + ev])
                    pacc = pacc + v_in * pe
                    nacc = nacc + v_in * ne
                sp[pl.ds(g * L, L)] = pacc
                sn[pl.ds(g * L, L)] = nacc
                return 0

            lax.fori_loop(0, G, group, 0)
            pltpu.sync_copy(sp, spos_hbm.at[pl.ds(base, C)])
            pltpu.sync_copy(sn, sneg_hbm.at[pl.ds(base, C)])
            return 0

        lax.fori_loop(0, n_ch, chunk, 0)

    return k(pin, pout, i_idx, o_idx, n_idx)


def _tc_loss(s_pos, s_neg, B):

    def body(sp_ref, sn_ref, o_ref):
        def logsig(x):
            return jnp.minimum(x, 0.0) - jnp.log1p(jnp.exp(-jnp.abs(x)))

        o_ref[0, 0] = jnp.sum(logsig(sn_ref[...]) - logsig(sp_ref[...])) \
            * (1.0 / B)

    return pl.pallas_call(
        body,
        in_specs=[
            pl.BlockSpec(memory_space=pltpu.VMEM),
            pl.BlockSpec(memory_space=pltpu.VMEM),
        ],
        out_specs=pl.BlockSpec(memory_space=pltpu.SMEM),
        out_shape=jax.ShapeDtypeStruct((1, 1), jnp.float32),
    )(s_pos, s_neg)


def kernel(i, o, neg, in_table, out_table):
    B = i.shape[0]
    W = o.shape[1]
    N = neg.shape[1]
    E = in_table.shape[1]
    pin = _tc_repack(in_table.T, E)
    pout = _tc_repack(out_table.T, E)
    i32 = i.astype(jnp.int32)
    o32 = o.astype(jnp.int32).reshape(-1)
    n32 = neg.astype(jnp.int32).reshape(-1)
    s_pos, s_neg = _sc_scores(pin, pout, i32, o32, n32, B, E, W, N)
    loss = _tc_loss(s_pos.reshape(128, -1), s_neg.reshape(128, -1), B)
    return loss[0, 0]

# --- scband reference (transcript-rebuilt; emitter-appended) ---
"""Pipeline reference for scband-skipgram-word2vec-20564303413897 (READ-ONLY COPY).

The authoritative reference and input builder live on the scoring server;
editing this copy changes nothing except your own understanding.
"""

import jax, jax.numpy as jnp
import numpy as np

VOCAB = 1000000
EMBED = 32
BATCH = 16384
WINDOW = 4
NNEG = 5
PAD = 0

def setup_inputs(seed: int = 0) -> dict:
    key = jax.random.key(seed)
    k1, k2, k3, k4, k5 = jax.random.split(key, 5)
    i = jax.random.randint(k1, (BATCH,), 0, VOCAB, dtype=jnp.int64) if jax.config.jax_enable_x64 else jax.random.randint(k1, (BATCH,), 0, VOCAB, dtype=jnp.int32)
    o = jax.random.randint(k2, (BATCH, WINDOW), 0, VOCAB, dtype=i.dtype)
    neg = jax.random.randint(k3, (BATCH, NNEG), 0, VOCAB, dtype=i.dtype)
    in_table = jax.random.normal(k4, (VOCAB, EMBED), dtype=jnp.float32)
    out_table = jax.random.normal(k5, (VOCAB, EMBED), dtype=jnp.float32)
    # padding_idx rows are zero-initialized in nn.Embedding semantics
    in_table = in_table.at[PAD].set(0.0)
    out_table = out_table.at[PAD].set(0.0)
    return {"i": i, "o": o, "neg": neg, "in_table": in_table, "out_table": out_table}

def reference(i, o, neg, in_table, out_table):
    # in_embeds = self.in_embeddings(i)            -> [B, E]
    in_embeds = jnp.take(in_table, i, axis=0)
    # out_embeds = self.out_embeddings(o)          -> [B, W, E]
    out_embeds = jnp.take(out_table, o, axis=0)
    # bmm(out_embeds, in_embeds.unsqueeze(2)).squeeze(2) -> [B, W]
    pos_scores = jnp.einsum('bwe,be->bw', out_embeds, in_embeds)
    pos_val = jax.nn.log_sigmoid(pos_scores.sum(axis=1))
    # neg_embeds = self.out_embeddings(neg)        -> [B, N, E]
    neg_embeds = jnp.take(out_table, neg, axis=0)
    neg_scores = jnp.einsum('bne,be->bn', neg_embeds, in_embeds)
    neg_val = -jax.nn.log_sigmoid(neg_scores.sum(axis=1))
    return -(pos_val + neg_val).mean()

if __name__ == "__main__":
    import jax
    _d = setup_inputs()
    print(jax.jit(kernel)(*tuple(_d.values())))

</pallas_src>

<mosaic_0001>
#map = affine_map<(d0, d1) -> (0, 0)>
#map1 = affine_map<(d0, d1) -> (0)>
module attributes {stable_mosaic.version = 14 : i64} {
  func.func @k(%arg0: i32, %arg1: i32, %arg2: memref<253952x128xf32, #tpu.memory_space<hbm>>, %arg3: memref<253952x128xf32, #tpu.memory_space<hbm>>, %arg4: memref<16384xi32, #tpu.memory_space<hbm>>, %arg5: memref<65536xi32, #tpu.memory_space<hbm>>, %arg6: memref<81920xi32, #tpu.memory_space<hbm>>, %arg7: memref<16384xf32, #tpu.memory_space<hbm>>, %arg8: memref<16384xf32, #tpu.memory_space<hbm>>, %arg9: memref<64xi32, #tpu.memory_space<vmem>>, %arg10: memref<256xi32, #tpu.memory_space<vmem>>, %arg11: memref<320xi32, #tpu.memory_space<vmem>>, %arg12: memref<64xi32, #tpu.memory_space<vmem>>, %arg13: memref<256xi32, #tpu.memory_space<vmem>>, %arg14: memref<320xi32, #tpu.memory_space<vmem>>, %arg15: memref<64x128xf32, #tpu.memory_space<vmem>>, %arg16: memref<256x128xf32, #tpu.memory_space<vmem>>, %arg17: memref<320x128xf32, #tpu.memory_space<vmem>>, %arg18: memref<64xf32, #tpu.memory_space<vmem>>, %arg19: memref<64xf32, #tpu.memory_space<vmem>>, %arg20: memref<!tpu.dma_semaphore, #tpu.memory_space<semaphore_mem>>) attributes {dimension_semantics = [#tpu.dimension_semantics<core_parallel>, #tpu.dimension_semantics<subcore_parallel>], iteration_bounds = array<i64: 2, 16>, scalar_prefetch = 0 : i64, scratch_operands = 12 : i64, tpu.core_type = #tpu.core_type<sc_vector_subcore>, window_params = [{transform_indices = #map}, {transform_indices = #map}, {transform_indices = #map1}, {transform_indices = #map1}, {transform_indices = #map1}, {transform_indices = #map1}, {transform_indices = #map1}]} {
    %mul3A = arith.constant 2 : i32
    %mul3A_0 = arith.muli %arg1, %mul3A : i32
    %add3A = arith.addi %mul3A_0, %arg0 : i32
    %scan3A = arith.constant 0 : i32
    %scan3A_1 = arith.constant 0 : i32
    %scan3A_2 = arith.constant 8 : i32
    %scan3A_3 = arith.addi %scan3A_1, %scan3A_2 : i32
    %scan3A_4 = arith.constant 1 : i32
    %scan3A_5 = scf.for %scan3A_7 = %scan3A_1 to %scan3A_3 step %scan3A_4 iter_args(%scan3A_8 = %scan3A) -> (i32)  : i32 {
      %mul3A_9 = arith.constant 512 : i32
      %mul3A_10 = arith.muli %add3A, %mul3A_9 : i32
      %mul3A_11 = arith.constant 64 : i32
      %mul3A_12 = arith.muli %scan3A_7, %mul3A_11 : i32
      %add3A_13 = arith.addi %mul3A_10, %mul3A_12 : i32
      "tpu.region"() ({
        %run_scoped3A = tpu.sem_alloc : memref<!tpu.dma_semaphore, #tpu.memory_space<semaphore_mem>>
        %dma_start3A_1395 = tpu.memref_slice %arg4[%add3A_13] : memref<16384xi32, #tpu.memory_space<hbm>> -> memref<64xi32, #tpu.memory_space<hbm>>
        %dma_start3A_1396 = tpu.memref_slice %arg4[%add3A_13] : memref<16384xi32, #tpu.memory_space<hbm>> -> memref<64xi32, #tpu.memory_space<hbm>>
        tpu.enqueue_dma source(%dma_start3A_1396 : memref<64xi32, #tpu.memory_space<hbm>>) target(%arg9 : memref<64xi32, #tpu.memory_space<vmem>>) target_semaphore(%run_scoped3A : memref<!tpu.dma_semaphore, #tpu.memory_space<semaphore_mem>>)
        %dma_wait3A_1397 = tpu.memref_slice %arg4[%add3A_13] : memref<16384xi32, #tpu.memory_space<hbm>> -> memref<64xi32, #tpu.memory_space<hbm>>
        %dma_wait3A_1398 = tpu.memref_slice %arg4[%add3A_13] : memref<16384xi32, #tpu.memory_space<hbm>> -> memref<64xi32, #tpu.memory_space<hbm>>
        tpu.wait_dma2 semaphore(%run_scoped3A : memref<!tpu.dma_semaphore, #tpu.memory_space<semaphore_mem>>) src(%dma_wait3A_1398 : memref<64xi32, #tpu.memory_space<hbm>>) dst(%arg9 : memref<64xi32, #tpu.memory_space<vmem>>)
        tpu.yield
      }) : () -> ()
      %mul3A_14 = arith.constant 4 : i32
      %mul3A_15 = arith.muli %add3A_13, %mul3A_14 : i32
      "tpu.region"() ({
        %run_scoped3A = tpu.sem_alloc : memref<!tpu.dma_semaphore, #tpu.memory_space<semaphore_mem>>
        %dma_start3A_1395 = tpu.memref_slice %arg5[%mul3A_15] : memref<65536xi32, #tpu.memory_space<hbm>> -> memref<256xi32, #tpu.memory_space<hbm>>
        %dma_start3A_1396 = tpu.memref_slice %arg5[%mul3A_15] : memref<65536xi32, #tpu.memory_space<hbm>> -> memref<256xi32, #tpu.memory_space<hbm>>
        tpu.enqueue_dma source(%dma_start3A_1396 : memref<256xi32, #tpu.memory_space<hbm>>) target(%arg10 : memref<256xi32, #tpu.memory_space<vmem>>) target_semaphore(%run_scoped3A : memref<!tpu.dma_semaphore, #tpu.memory_space<semaphore_mem>>)
        %dma_wait3A_1397 = tpu.memref_slice %arg5[%mul3A_15] : memref<65536xi32, #tpu.memory_space<hbm>> -> memref<256xi32, #tpu.memory_space<hbm>>
        %dma_wait3A_1398 = tpu.memref_slice %arg5[%mul3A_15] : memref<65536xi32, #tpu.memory_space<hbm>> -> memref<256xi32, #tpu.memory_space<hbm>>
        tpu.wait_dma2 semaphore(%run_scoped3A : memref<!tpu.dma_semaphore, #tpu.memory_space<semaphore_mem>>) src(%dma_wait3A_1398 : memref<256xi32, #tpu.memory_space<hbm>>) dst(%arg10 : memref<256xi32, #tpu.memory_space<vmem>>)
        tpu.yield
      }) : () -> ()
      %mul3A_16 = arith.constant 5 : i32
      %mul3A_17 = arith.muli %add3A_13, %mul3A_16 : i32
      "tpu.region"() ({
        %run_scoped3A = tpu.sem_alloc : memref<!tpu.dma_semaphore, #tpu.memory_space<semaphore_mem>>
        %dma_start3A_1395 = tpu.memref_slice %arg6[%mul3A_17] : memref<81920xi32, #tpu.memory_space<hbm>> -> memref<320xi32, #tpu.memory_space<hbm>>
        %dma_start3A_1396 = tpu.memref_slice %arg6[%mul3A_17] : memref<81920xi32, #tpu.memory_space<hbm>> -> memref<320xi32, #tpu.memory_space<hbm>>
        tpu.enqueue_dma source(%dma_start3A_1396 : memref<320xi32, #tpu.memory_space<hbm>>) target(%arg11 : memref<320xi32, #tpu.memory_space<vmem>>) target_semaphore(%run_scoped3A : memref<!tpu.dma_semaphore, #tpu.memory_space<semaphore_mem>>)
        %dma_wait3A_1397 = tpu.memref_slice %arg6[%mul3A_17] : memref<81920xi32, #tpu.memory_space<hbm>> -> memref<320xi32, #tpu.memory_space<hbm>>
        %dma_wait3A_1398 = tpu.memref_slice %arg6[%mul3A_17] : memref<81920xi32, #tpu.memory_space<hbm>> -> memref<320xi32, #tpu.memory_space<hbm>>
        tpu.wait_dma2 semaphore(%run_scoped3A : memref<!tpu.dma_semaphore, #tpu.memory_space<semaphore_mem>>) src(%dma_wait3A_1398 : memref<320xi32, #tpu.memory_space<hbm>>) dst(%arg11 : memref<320xi32, #tpu.memory_space<vmem>>)
        tpu.yield
      }) : () -> ()
      %get3A = arith.constant 0 : index
      %get3A_18 = tpu.vector_load %arg9[%get3A] {strides = array<i32>} : memref<64xi32, #tpu.memory_space<vmem>>, vector<16xi32>,
      %ge3A = arith.constant 253952 : i32
      %ge3A_19 = vector.broadcast %ge3A : i32 to vector<16xi32>
      %ge3A_20 = arith.cmpi sge, %get3A_18, %ge3A_19 : vector<16xi32>
      %jit3A = arith.constant 1 : i32
      %jit3A_21 = arith.constant 0 : i32
      %broadcast_in_dim3A = vector.broadcast %jit3A : i32 to vector<16xi32>
      %broadcast_in_dim3A_22 = vector.broadcast %jit3A_21 : i32 to vector<16xi32>
      %select_n3A = arith.select %ge3A_20, %broadcast_in_dim3A, %broadcast_in_dim3A_22 : vector<16xi1>, vector<16xi32>
      %ge3A_23 = arith.constant 507904 : i32
      %ge3A_24 = vector.broadcast %ge3A_23 : i32 to vector<16xi32>
      %ge3A_25 = arith.cmpi sge, %get3A_18, %ge3A_24 : vector<16xi32>
      %jit3A_26 = arith.constant 1 : i32
      %jit3A_27 = arith.constant 0 : i32
      %broadcast_in_dim3A_28 = vector.broadcast %jit3A_26 : i32 to vector<16xi32>
      %broadcast_in_dim3A_29 = vector.broadcast %jit3A_27 : i32 to vector<16xi32>
      %select_n3A_30 = arith.select %ge3A_25, %broadcast_in_dim3A_28, %broadcast_in_dim3A_29 : vector<16xi1>, vector<16xi32>
      %add3A_31 = arith.addi %select_n3A, %select_n3A_30 : vector<16xi32>
      %ge3A_32 = arith.constant 761856 : i32
      %ge3A_33 = vector.broadcast %ge3A_32 : i32 to vector<16xi32>
      %ge3A_34 = arith.cmpi sge, %get3A_18, %ge3A_33 : vector<16xi32>
      %jit3A_35 = arith.constant 1 : i32
      %jit3A_36 = arith.constant 0 : i32
      %broadcast_in_dim3A_37 = vector.broadcast %jit3A_35 : i32 to vector<16xi32>
      %broadcast_in_dim3A_38 = vector.broadcast %jit3A_36 : i32 to vector<16xi32>
      %select_n3A_39 = arith.select %ge3A_34, %broadcast_in_dim3A_37, %broadcast_in_dim3A_38 : vector<16xi1>, vector<16xi32>
      %add3A_40 = arith.addi %add3A_31, %select_n3A_39 : vector<16xi32>
      %mul3A_41 = arith.constant 253952 : i32
      %mul3A_42 = vector.broadcast %mul3A_41 : i32 to vector<16xi32>
      %mul3A_43 = arith.muli %add3A_40, %mul3A_42 : vector<16xi32>
      %sub3A = arith.subi %get3A_18, %mul3A_43 : vector<16xi32>
      %swap3A = arith.constant 0 : index
      %swap3A_44 = tpu.vector_load %arg12[%swap3A] {strides = array<i32>} : memref<64xi32, #tpu.memory_space<vmem>>, vector<16xi32>,
      tpu.vector_store %arg12[%swap3A], %sub3A {strides = array<i32>} : memref<64xi32, #tpu.memory_space<vmem>>, vector<16xi32>,
      %get3A_45 = arith.constant 16 : index
      %get3A_46 = tpu.vector_load %arg9[%get3A_45] {strides = array<i32>} : memref<64xi32, #tpu.memory_space<vmem>>, vector<16xi32>,
      %ge3A_47 = arith.constant 253952 : i32
      %ge3A_48 = vector.broadcast %ge3A_47 : i32 to vector<16xi32>
      %ge3A_49 = arith.cmpi sge, %get3A_46, %ge3A_48 : vector<16xi32>
      %jit3A_50 = arith.constant 1 : i32
      %jit3A_51 = arith.constant 0 : i32
      %broadcast_in_dim3A_52 = vector.broadcast %jit3A_50 : i32 to vector<16xi32>
      %broadcast_in_dim3A_53 = vector.broadcast %jit3A_51 : i32 to vector<16xi32>
      %select_n3A_54 = arith.select %ge3A_49, %broadcast_in_dim3A_52, %broadcast_in_dim3A_53 : vector<16xi1>, vector<16xi32>
      %ge3A_55 = arith.constant 507904 : i32
      %ge3A_56 = vector.broadcast %ge3A_55 : i32 to vector<16xi32>
      %ge3A_57 = arith.cmpi sge, %get3A_46, %ge3A_56 : vector<16xi32>
      %jit3A_58 = arith.constant 1 : i32
      %jit3A_59 = arith.constant 0 : i32
      %broadcast_in_dim3A_60 = vector.broadcast %jit3A_58 : i32 to vector<16xi32>
      %broadcast_in_dim3A_61 = vector.broadcast %jit3A_59 : i32 to vector<16xi32>
      %select_n3A_62 = arith.select %ge3A_57, %broadcast_in_dim3A_60, %broadcast_in_dim3A_61 : vector<16xi1>, vector<16xi32>
      %add3A_63 = arith.addi %select_n3A_54, %select_n3A_62 : vector<16xi32>
      %ge3A_64 = arith.constant 761856 : i32
      %ge3A_65 = vector.broadcast %ge3A_64 : i32 to vector<16xi32>
      %ge3A_66 = arith.cmpi sge, %get3A_46, %ge3A_65 : vector<16xi32>
      %jit3A_67 = arith.constant 1 : i32
      %jit3A_68 = arith.constant 0 : i32
      %broadcast_in_dim3A_69 = vector.broadcast %jit3A_67 : i32 to vector<16xi32>
      %broadcast_in_dim3A_70 = vector.broadcast %jit3A_68 : i32 to vector<16xi32>
      %select_n3A_71 = arith.select %ge3A_66, %broadcast_in_dim3A_69, %broadcast_in_dim3A_70 : vector<16xi1>, vector<16xi32>
      %add3A_72 = arith.addi %add3A_63, %select_n3A_71 : vector<16xi32>
      %mul3A_73 = arith.constant 253952 : i32
      %mul3A_74 = vector.broadcast %mul3A_73 : i32 to vector<16xi32>
      %mul3A_75 = arith.muli %add3A_72, %mul3A_74 : vector<16xi32>
      %sub3A_76 = arith.subi %get3A_46, %mul3A_75 : vector<16xi32>
      %swap3A_77 = arith.constant 16 : index
      %swap3A_78 = tpu.vector_load %arg12[%swap3A_77] {strides = array<i32>} : memref<64xi32, #tpu.memory_space<vmem>>, vector<16xi32>,
      tpu.vector_store %arg12[%swap3A_77], %sub3A_76 {strides = array<i32>} : memref<64xi32, #tpu.memory_space<vmem>>, vector<16xi32>,
      %get3A_79 = arith.constant 32 : index
      %get3A_80 = tpu.vector_load %arg9[%get3A_79] {strides = array<i32>} : memref<64xi32, #tpu.memory_space<vmem>>, vector<16xi32>,
      %ge3A_81 = arith.constant 253952 : i32
      %ge3A_82 = vector.broadcast %ge3A_81 : i32 to vector<16xi32>
      %ge3A_83 = arith.cmpi sge, %get3A_80, %ge3A_82 : vector<16xi32>
      %jit3A_84 = arith.constant 1 : i32
      %jit3A_85 = arith.constant 0 : i32
      %broadcast_in_dim3A_86 = vector.broadcast %jit3A_84 : i32 to vector<16xi32>
      %broadcast_in_dim3A_87 = vector.broadcast %jit3A_85 : i32 to vector<16xi32>
      %select_n3A_88 = arith.select %ge3A_83, %broadcast_in_dim3A_86, %broadcast_in_dim3A_87 : vector<16xi1>, vector<16xi32>
      %ge3A_89 = arith.constant 507904 : i32
      %ge3A_90 = vector.broadcast %ge3A_89 : i32 to vector<16xi32>
      %ge3A_91 = arith.cmpi sge, %get3A_80, %ge3A_90 : vector<16xi32>
      %jit3A_92 = arith.constant 1 : i32
      %jit3A_93 = arith.constant 0 : i32
      %broadcast_in_dim3A_94 = vector.broadcast %jit3A_92 : i32 to vector<16xi32>
      %broadcast_in_dim3A_95 = vector.broadcast %jit3A_93 : i32 to vector<16xi32>
      %select_n3A_96 = arith.select %ge3A_91, %broadcast_in_dim3A_94, %broadcast_in_dim3A_95 : vector<16xi1>, vector<16xi32>
      %add3A_97 = arith.addi %select_n3A_88, %select_n3A_96 : vector<16xi32>
      %ge3A_98 = arith.constant 761856 : i32
      %ge3A_99 = vector.broadcast %ge3A_98 : i32 to vector<16xi32>
      %ge3A_100 = arith.cmpi sge, %get3A_80, %ge3A_99 : vector<16xi32>
      %jit3A_101 = arith.constant 1 : i32
      %jit3A_102 = arith.constant 0 : i32
      %broadcast_in_dim3A_103 = vector.broadcast %jit3A_101 : i32 to vector<16xi32>
      %broadcast_in_dim3A_104 = vector.broadcast %jit3A_102 : i32 to vector<16xi32>
      %select_n3A_105 = arith.select %ge3A_100, %broadcast_in_dim3A_103, %broadcast_in_dim3A_104 : vector<16xi1>, vector<16xi32>
      %add3A_106 = arith.addi %add3A_97, %select_n3A_105 : vector<16xi32>
      %mul3A_107 = arith.constant 253952 : i32
      %mul3A_108 = vector.broadcast %mul3A_107 : i32 to vector<16xi32>
      %mul3A_109 = arith.muli %add3A_106, %mul3A_108 : vector<16xi32>
      %sub3A_110 = arith.subi %get3A_80, %mul3A_109 : vector<16xi32>
      %swap3A_111 = arith.constant 32 : index
      %swap3A_112 = tpu.vector_load %arg12[%swap3A_111] {strides = array<i32>} : memref<64xi32, #tpu.memory_space<vmem>>, vector<16xi32>,
      tpu.vector_store %arg12[%swap3A_111], %sub3A_110 {strides = array<i32>} : memref<64xi32, #tpu.memory_space<vmem>>, vector<16xi32>,
      %get3A_113 = arith.constant 48 : index
      %get3A_114 = tpu.vector_load %arg9[%get3A_113] {strides = array<i32>} : memref<64xi32, #tpu.memory_space<vmem>>, vector<16xi32>,
      %ge3A_115 = arith.constant 253952 : i32
      %ge3A_116 = vector.broadcast %ge3A_115 : i32 to vector<16xi32>
      %ge3A_117 = arith.cmpi sge, %get3A_114, %ge3A_116 : vector<16xi32>
      %jit3A_118 = arith.constant 1 : i32
      %jit3A_119 = arith.constant 0 : i32
      %broadcast_in_dim3A_120 = vector.broadcast %jit3A_118 : i32 to vector<16xi32>
      %broadcast_in_dim3A_121 = vector.broadcast %jit3A_119 : i32 to vector<16xi32>
      %select_n3A_122 = arith.select %ge3A_117, %broadcast_in_dim3A_120, %broadcast_in_dim3A_121 : vector<16xi1>, vector<16xi32>
      %ge3A_123 = arith.constant 507904 : i32
      %ge3A_124 = vector.broadcast %ge3A_123 : i32 to vector<16xi32>
      %ge3A_125 = arith.cmpi sge, %get3A_114, %ge3A_124 : vector<16xi32>
      %jit3A_126 = arith.constant 1 : i32
      %jit3A_127 = arith.constant 0 : i32
      %broadcast_in_dim3A_128 = vector.broadcast %jit3A_126 : i32 to vector<16xi32>
      %broadcast_in_dim3A_129 = vector.broadcast %jit3A_127 : i32 to vector<16xi32>
      %select_n3A_130 = arith.select %ge3A_125, %broadcast_in_dim3A_128, %broadcast_in_dim3A_129 : vector<16xi1>, vector<16xi32>
      %add3A_131 = arith.addi %select_n3A_122, %select_n3A_130 : vector<16xi32>
      %ge3A_132 = arith.constant 761856 : i32
      %ge3A_133 = vector.broadcast %ge3A_132 : i32 to vector<16xi32>
      %ge3A_134 = arith.cmpi sge, %get3A_114, %ge3A_133 : vector<16xi32>
      %jit3A_135 = arith.constant 1 : i32
      %jit3A_136 = arith.constant 0 : i32
      %broadcast_in_dim3A_137 = vector.broadcast %jit3A_135 : i32 to vector<16xi32>
      %broadcast_in_dim3A_138 = vector.broadcast %jit3A_136 : i32 to vector<16xi32>
      %select_n3A_139 = arith.select %ge3A_134, %broadcast_in_dim3A_137, %broadcast_in_dim3A_138 : vector<16xi1>, vector<16xi32>
      %add3A_140 = arith.addi %add3A_131, %select_n3A_139 : vector<16xi32>
      %mul3A_141 = arith.constant 253952 : i32
      %mul3A_142 = vector.broadcast %mul3A_141 : i32 to vector<16xi32>
      %mul3A_143 = arith.muli %add3A_140, %mul3A_142 : vector<16xi32>
      %sub3A_144 = arith.subi %get3A_114, %mul3A_143 : vector<16xi32>
      %swap3A_145 = arith.constant 48 : index
      %swap3A_146 = tpu.vector_load %arg12[%swap3A_145] {strides = array<i32>} : memref<64xi32, #tpu.memory_space<vmem>>, vector<16xi32>,
      tpu.vector_store %arg12[%swap3A_145], %sub3A_144 {strides = array<i32>} : memref<64xi32, #tpu.memory_space<vmem>>, vector<16xi32>,
      %get3A_147 = arith.constant 0 : index
      %get3A_148 = tpu.vector_load %arg10[%get3A_147] {strides = array<i32>} : memref<256xi32, #tpu.memory_space<vmem>>, vector<16xi32>,
      %ge3A_149 = arith.constant 253952 : i32
      %ge3A_150 = vector.broadcast %ge3A_149 : i32 to vector<16xi32>
      %ge3A_151 = arith.cmpi sge, %get3A_148, %ge3A_150 : vector<16xi32>
      %jit3A_152 = arith.constant 1 : i32
      %jit3A_153 = arith.constant 0 : i32
      %broadcast_in_dim3A_154 = vector.broadcast %jit3A_152 : i32 to vector<16xi32>
      %broadcast_in_dim3A_155 = vector.broadcast %jit3A_153 : i32 to vector<16xi32>
      %select_n3A_156 = arith.select %ge3A_151, %broadcast_in_dim3A_154, %broadcast_in_dim3A_155 : vector<16xi1>, vector<16xi32>
      %ge3A_157 = arith.constant 507904 : i32
      %ge3A_158 = vector.broadcast %ge3A_157 : i32 to vector<16xi32>
      %ge3A_159 = arith.cmpi sge, %get3A_148, %ge3A_158 : vector<16xi32>
      %jit3A_160 = arith.constant 1 : i32
      %jit3A_161 = arith.constant 0 : i32
      %broadcast_in_dim3A_162 = vector.broadcast %jit3A_160 : i32 to vector<16xi32>
      %broadcast_in_dim3A_163 = vector.broadcast %jit3A_161 : i32 to vector<16xi32>
      %select_n3A_164 = arith.select %ge3A_159, %broadcast_in_dim3A_162, %broadcast_in_dim3A_163 : vector<16xi1>, vector<16xi32>
      %add3A_165 = arith.addi %select_n3A_156, %select_n3A_164 : vector<16xi32>
      %ge3A_166 = arith.constant 761856 : i32
      %ge3A_167 = vector.broadcast %ge3A_166 : i32 to vector<16xi32>
      %ge3A_168 = arith.cmpi sge, %get3A_148, %ge3A_167 : vector<16xi32>
      %jit3A_169 = arith.constant 1 : i32
      %jit3A_170 = arith.constant 0 : i32
      %broadcast_in_dim3A_171 = vector.broadcast %jit3A_169 : i32 to vector<16xi32>
      %broadcast_in_dim3A_172 = vector.broadcast %jit3A_170 : i32 to vector<16xi32>
      %select_n3A_173 = arith.select %ge3A_168, %broadcast_in_dim3A_171, %broadcast_in_dim3A_172 : vector<16xi1>, vector<16xi32>
      %add3A_174 = arith.addi %add3A_165, %select_n3A_173 : vector<16xi32>
      %mul3A_175 = arith.constant 253952 : i32
      %mul3A_176 = vector.broadcast %mul3A_175 : i32 to vector<16xi32>
      %mul3A_177 = arith.muli %add3A_174, %mul3A_176 : vector<16xi32>
      %sub3A_178 = arith.subi %get3A_148, %mul3A_177 : vector<16xi32>
      %swap3A_179 = arith.constant 0 : index
      %swap3A_180 = tpu.vector_load %arg13[%swap3A_179] {strides = array<i32>} : memref<256xi32, #tpu.memory_space<vmem>>, vector<16xi32>,
      tpu.vector_store %arg13[%swap3A_179], %sub3A_178 {strides = array<i32>} : memref<256xi32, #tpu.memory_space<vmem>>, vector<16xi32>,
      %get3A_181 = arith.constant 16 : index
      %get3A_182 = tpu.vector_load %arg10[%get3A_181] {strides = array<i32>} : memref<256xi32, #tpu.memory_space<vmem>>, vector<16xi32>,
      %ge3A_183 = arith.constant 253952 : i32
      %ge3A_184 = vector.broadcast %ge3A_183 : i32 to vector<16xi32>
      %ge3A_185 = arith.cmpi sge, %get3A_182, %ge3A_184 : vector<16xi32>
      %jit3A_186 = arith.constant 1 : i32
      %jit3A_187 = arith.constant 0 : i32
      %broadcast_in_dim3A_188 = vector.broadcast %jit3A_186 : i32 to vector<16xi32>
      %broadcast_in_dim3A_189 = vector.broadcast %jit3A_187 : i32 to vector<16xi32>
      %select_n3A_190 = arith.select %ge3A_185, %broadcast_in_dim3A_188, %broadcast_in_dim3A_189 : vector<16xi1>, vector<16xi32>
      %ge3A_191 = arith.constant 507904 : i32
      %ge3A_192 = vector.broadcast %ge3A_191 : i32 to vector<16xi32>
      %ge3A_193 = arith.cmpi sge, %get3A_182, %ge3A_192 : vector<16xi32>
      %jit3A_194 = arith.constant 1 : i32
      %jit3A_195 = arith.constant 0 : i32
      %broadcast_in_dim3A_196 = vector.broadcast %jit3A_194 : i32 to vector<16xi32>
      %broadcast_in_dim3A_197 = vector.broadcast %jit3A_195 : i32 to vector<16xi32>
      %select_n3A_198 = arith.select %ge3A_193, %broadcast_in_dim3A_196, %broadcast_in_dim3A_197 : vector<16xi1>, vector<16xi32>
      %add3A_199 = arith.addi %select_n3A_190, %select_n3A_198 : vector<16xi32>
      %ge3A_200 = arith.constant 761856 : i32
      %ge3A_201 = vector.broadcast %ge3A_200 : i32 to vector<16xi32>
      %ge3A_202 = arith.cmpi sge, %get3A_182, %ge3A_201 : vector<16xi32>
      %jit3A_203 = arith.constant 1 : i32
      %jit3A_204 = arith.constant 0 : i32
      %broadcast_in_dim3A_205 = vector.broadcast %jit3A_203 : i32 to vector<16xi32>
      %broadcast_in_dim3A_206 = vector.broadcast %jit3A_204 : i32 to vector<16xi32>
      %select_n3A_207 = arith.select %ge3A_202, %broadcast_in_dim3A_205, %broadcast_in_dim3A_206 : vector<16xi1>, vector<16xi32>
      %add3A_208 = arith.addi %add3A_199, %select_n3A_207 : vector<16xi32>
      %mul3A_209 = arith.constant 253952 : i32
      %mul3A_210 = vector.broadcast %mul3A_209 : i32 to vector<16xi32>
      %mul3A_211 = arith.muli %add3A_208, %mul3A_210 : vector<16xi32>
      %sub3A_212 = arith.subi %get3A_182, %mul3A_211 : vector<16xi32>
      %swap3A_213 = arith.constant 16 : index
      %swap3A_214 = tpu.vector_load %arg13[%swap3A_213] {strides = array<i32>} : memref<256xi32, #tpu.memory_space<vmem>>, vector<16xi32>,
      tpu.vector_store %arg13[%swap3A_213], %sub3A_212 {strides = array<i32>} : memref<256xi32, #tpu.memory_space<vmem>>, vector<16xi32>,
      %get3A_215 = arith.constant 32 : index
      %get3A_216 = tpu.vector_load %arg10[%get3A_215] {strides = array<i32>} : memref<256xi32, #tpu.memory_space<vmem>>, vector<16xi32>,
      %ge3A_217 = arith.constant 253952 : i32
      %ge3A_218 = vector.broadcast %ge3A_217 : i32 to vector<16xi32>
      %ge3A_219 = arith.cmpi sge, %get3A_216, %ge3A_218 : vector<16xi32>
      %jit3A_220 = arith.constant 1 : i32
      %jit3A_221 = arith.constant 0 : i32
      %broadcast_in_dim3A_222 = vector.broadcast %jit3A_220 : i32 to vector<16xi32>
      %broadcast_in_dim3A_223 = vector.broadcast %jit3A_221 : i32 to vector<16xi32>
      %select_n3A_224 = arith.select %ge3A_219, %broadcast_in_dim3A_222, %broadcast_in_dim3A_223 : vector<16xi1>, vector<16xi32>
      %ge3A_225 = arith.constant 507904 : i32
      %ge3A_226 = vector.broadcast %ge3A_225 : i32 to vector<16xi32>
      %ge3A_227 = arith.cmpi sge, %get3A_216, %ge3A_226 : vector<16xi32>
      %jit3A_228 = arith.constant 1 : i32
      %jit3A_229 = arith.constant 0 : i32
      %broadcast_in_dim3A_230 = vector.broadcast %jit3A_228 : i32 to vector<16xi32>
      %broadcast_in_dim3A_231 = vector.broadcast %jit3A_229 : i32 to vector<16xi32>
      %select_n3A_232 = arith.select %ge3A_227, %broadcast_in_dim3A_230, %broadcast_in_dim3A_231 : vector<16xi1>, vector<16xi32>
      %add3A_233 = arith.addi %select_n3A_224, %select_n3A_232 : vector<16xi32>
      %ge3A_234 = arith.constant 761856 : i32
      %ge3A_235 = vector.broadcast %ge3A_234 : i32 to vector<16xi32>
      %ge3A_236 = arith.cmpi sge, %get3A_216, %ge3A_235 : vector<16xi32>
      %jit3A_237 = arith.constant 1 : i32
      %jit3A_238 = arith.constant 0 : i32
      %broadcast_in_dim3A_239 = vector.broadcast %jit3A_237 : i32 to vector<16xi32>
      %broadcast_in_dim3A_240 = vector.broadcast %jit3A_238 : i32 to vector<16xi32>
      %select_n3A_241 = arith.select %ge3A_236, %broadcast_in_dim3A_239, %broadcast_in_dim3A_240 : vector<16xi1>, vector<16xi32>
      %add3A_242 = arith.addi %add3A_233, %select_n3A_241 : vector<16xi32>
      %mul3A_243 = arith.constant 253952 : i32
      %mul3A_244 = vector.broadcast %mul3A_243 : i32 to vector<16xi32>
      %mul3A_245 = arith.muli %add3A_242, %mul3A_244 : vector<16xi32>
      %sub3A_246 = arith.subi %get3A_216, %mul3A_245 : vector<16xi32>
      %swap3A_247 = arith.constant 32 : index
      %swap3A_248 = tpu.vector_load %arg13[%swap3A_247] {strides = array<i32>} : memref<256xi32, #tpu.memory_space<vmem>>, vector<16xi32>,
      tpu.vector_store %arg13[%swap3A_247], %sub3A_246 {strides = array<i32>} : memref<256xi32, #tpu.memory_space<vmem>>, vector<16xi32>,
      %get3A_249 = arith.constant 48 : index
      %get3A_250 = tpu.vector_load %arg10[%get3A_249] {strides = array<i32>} : memref<256xi32, #tpu.memory_space<vmem>>, vector<16xi32>,
      %ge3A_251 = arith.constant 253952 : i32
      %ge3A_252 = vector.broadcast %ge3A_251 : i32 to vector<16xi32>
      %ge3A_253 = arith.cmpi sge, %get3A_250, %ge3A_252 : vector<16xi32>
      %jit3A_254 = arith.constant 1 : i32
      %jit3A_255 = arith.constant 0 : i32
      %broadcast_in_dim3A_256 = vector.broadcast %jit3A_254 : i32 to vector<16xi32>
      %broadcast_in_dim3A_257 = vector.broadcast %jit3A_255 : i32 to vector<16xi32>
      %select_n3A_258 = arith.select %ge3A_253, %broadcast_in_dim3A_256, %broadcast_in_dim3A_257 : vector<16xi1>, vector<16xi32>
      %ge3A_259 = arith.constant 507904 : i32
      %ge3A_260 = vector.broadcast %ge3A_259 : i32 to vector<16xi32>
      %ge3A_261 = arith.cmpi sge, %get3A_250, %ge3A_260 : vector<16xi32>
      %jit3A_262 = arith.constant 1 : i32
      %jit3A_263 = arith.constant 0 : i32
      %broadcast_in_dim3A_264 = vector.broadcast %jit3A_262 : i32 to vector<16xi32>
      %broadcast_in_dim3A_265 = vector.broadcast %jit3A_263 : i32 to vector<16xi32>
      %select_n3A_266 = arith.select %ge3A_261, %broadcast_in_dim3A_264, %broadcast_in_dim3A_265 : vector<16xi1>, vector<16xi32>
      %add3A_267 = arith.addi %select_n3A_258, %select_n3A_266 : vector<16xi32>
      %ge3A_268 = arith.constant 761856 : i32
      %ge3A_269 = vector.broadcast %ge3A_268 : i32 to vector<16xi32>
      %ge3A_270 = arith.cmpi sge, %get3A_250, %ge3A_269 : vector<16xi32>
      %jit3A_271 = arith.constant 1 : i32
      %jit3A_272 = arith.constant 0 : i32
      %broadcast_in_dim3A_273 = vector.broadcast %jit3A_271 : i32 to vector<16xi32>
      %broadcast_in_dim3A_274 = vector.broadcast %jit3A_272 : i32 to vector<16xi32>
      %select_n3A_275 = arith.select %ge3A_270, %broadcast_in_dim3A_273, %broadcast_in_dim3A_274 : vector<16xi1>, vector<16xi32>
      %add3A_276 = arith.addi %add3A_267, %select_n3A_275 : vector<16xi32>
      %mul3A_277 = arith.constant 253952 : i32
      %mul3A_278 = vector.broadcast %mul3A_277 : i32 to vector<16xi32>
      %mul3A_279 = arith.muli %add3A_276, %mul3A_278 : vector<16xi32>
      %sub3A_280 = arith.subi %get3A_250, %mul3A_279 : vector<16xi32>
      %swap3A_281 = arith.constant 48 : index
      %swap3A_282 = tpu.vector_load %arg13[%swap3A_281] {strides = array<i32>} : memref<256xi32, #tpu.memory_space<vmem>>, vector<16xi32>,
      tpu.vector_store %arg13[%swap3A_281], %sub3A_280 {strides = array<i32>} : memref<256xi32, #tpu.memory_space<vmem>>, vector<16xi32>,
      %get3A_283 = arith.constant 64 : index
      %get3A_284 = tpu.vector_load %arg10[%get3A_283] {strides = array<i32>} : memref<256xi32, #tpu.memory_space<vmem>>, vector<16xi32>,
      %ge3A_285 = arith.constant 253952 : i32
      %ge3A_286 = vector.broadcast %ge3A_285 : i32 to vector<16xi32>
      %ge3A_287 = arith.cmpi sge, %get3A_284, %ge3A_286 : vector<16xi32>
      %jit3A_288 = arith.constant 1 : i32
      %jit3A_289 = arith.constant 0 : i32
      %broadcast_in_dim3A_290 = vector.broadcast %jit3A_288 : i32 to vector<16xi32>
      %broadcast_in_dim3A_291 = vector.broadcast %jit3A_289 : i32 to vector<16xi32>
      %select_n3A_292 = arith.select %ge3A_287, %broadcast_in_dim3A_290, %broadcast_in_dim3A_291 : vector<16xi1>, vector<16xi32>
      %ge3A_293 = arith.constant 507904 : i32
      %ge3A_294 = vector.broadcast %ge3A_293 : i32 to vector<16xi32>
      %ge3A_295 = arith.cmpi sge, %get3A_284, %ge3A_294 : vector<16xi32>
      %jit3A_296 = arith.constant 1 : i32
      %jit3A_297 = arith.constant 0 : i32
      %broadcast_in_dim3A_298 = vector.broadcast %jit3A_296 : i32 to vector<16xi32>
      %broadcast_in_dim3A_299 = vector.broadcast %jit3A_297 : i32 to vector<16xi32>
      %select_n3A_300 = arith.select %ge3A_295, %broadcast_in_dim3A_298, %broadcast_in_dim3A_299 : vector<16xi1>, vector<16xi32>
      %add3A_301 = arith.addi %select_n3A_292, %select_n3A_300 : vector<16xi32>
      %ge3A_302 = arith.constant 761856 : i32
      %ge3A_303 = vector.broadcast %ge3A_302 : i32 to vector<16xi32>
      %ge3A_304 = arith.cmpi sge, %get3A_284, %ge3A_303 : vector<16xi32>
      %jit3A_305 = arith.constant 1 : i32
      %jit3A_306 = arith.constant 0 : i32
      %broadcast_in_dim3A_307 = vector.broadcast %jit3A_305 : i32 to vector<16xi32>
      %broadcast_in_dim3A_308 = vector.broadcast %jit3A_306 : i32 to vector<16xi32>
      %select_n3A_309 = arith.select %ge3A_304, %broadcast_in_dim3A_307, %broadcast_in_dim3A_308 : vector<16xi1>, vector<16xi32>
      %add3A_310 = arith.addi %add3A_301, %select_n3A_309 : vector<16xi32>
      %mul3A_311 = arith.constant 253952 : i32
      %mul3A_312 = vector.broadcast %mul3A_311 : i32 to vector<16xi32>
      %mul3A_313 = arith.muli %add3A_310, %mul3A_312 : vector<16xi32>
      %sub3A_314 = arith.subi %get3A_284, %mul3A_313 : vector<16xi32>
      %swap3A_315 = arith.constant 64 : index
      %swap3A_316 = tpu.vector_load %arg13[%swap3A_315] {strides = array<i32>} : memref<256xi32, #tpu.memory_space<vmem>>, vector<16xi32>,
      tpu.vector_store %arg13[%swap3A_315], %sub3A_314 {strides = array<i32>} : memref<256xi32, #tpu.memory_space<vmem>>, vector<16xi32>,
      %get3A_317 = arith.constant 80 : index
      %get3A_318 = tpu.vector_load %arg10[%get3A_317] {strides = array<i32>} : memref<256xi32, #tpu.memory_space<vmem>>, vector<16xi32>,
      %ge3A_319 = arith.constant 253952 : i32
      %ge3A_320 = vector.broadcast %ge3A_319 : i32 to vector<16xi32>
      %ge3A_321 = arith.cmpi sge, %get3A_318, %ge3A_320 : vector<16xi32>
      %jit3A_322 = arith.constant 1 : i32
      %jit3A_323 = arith.constant 0 : i32
      %broadcast_in_dim3A_324 = vector.broadcast %jit3A_322 : i32 to vector<16xi32>
      %broadcast_in_dim3A_325 = vector.broadcast %jit3A_323 : i32 to vector<16xi32>
      %select_n3A_326 = arith.select %ge3A_321, %broadcast_in_dim3A_324, %broadcast_in_dim3A_325 : vector<16xi1>, vector<16xi32>
      %ge3A_327 = arith.constant 507904 : i32
      %ge3A_328 = vector.broadcast %ge3A_327 : i32 to vector<16xi32>
      %ge3A_329 = arith.cmpi sge, %get3A_318, %ge3A_328 : vector<16xi32>
      %jit3A_330 = arith.constant 1 : i32
      %jit3A_331 = arith.constant 0 : i32
      %broadcast_in_dim3A_332 = vector.broadcast %jit3A_330 : i32 to vector<16xi32>
      %broadcast_in_dim3A_333 = vector.broadcast %jit3A_331 : i32 to vector<16xi32>
      %select_n3A_334 = arith.select %ge3A_329, %broadcast_in_dim3A_332, %broadcast_in_dim3A_333 : vector<16xi1>, vector<16xi32>
      %add3A_335 = arith.addi %select_n3A_326, %select_n3A_334 : vector<16xi32>
      %ge3A_336 = arith.constant 761856 : i32
      %ge3A_337 = vector.broadcast %ge3A_336 : i32 to vector<16xi32>
      %ge3A_338 = arith.cmpi sge, %get3A_318, %ge3A_337 : vector<16xi32>
      %jit3A_339 = arith.constant 1 : i32
      %jit3A_340 = arith.constant 0 : i32
      %broadcast_in_dim3A_341 = vector.broadcast %jit3A_339 : i32 to vector<16xi32>
      %broadcast_in_dim3A_342 = vector.broadcast %jit3A_340 : i32 to vector<16xi32>
      %select_n3A_343 = arith.select %ge3A_338, %broadcast_in_dim3A_341, %broadcast_in_dim3A_342 : vector<16xi1>, vector<16xi32>
      %add3A_344 = arith.addi %add3A_335, %select_n3A_343 : vector<16xi32>
      %mul3A_345 = arith.constant 253952 : i32
      %mul3A_346 = vector.broadcast %mul3A_345 : i32 to vector<16xi32>
      %mul3A_347 = arith.muli %add3A_344, %mul3A_346 : vector<16xi32>
      %sub3A_348 = arith.subi %get3A_318, %mul3A_347 : vector<16xi32>
      %swap3A_349 = arith.constant 80 : index
      %swap3A_350 = tpu.vector_load %arg13[%swap3A_349] {strides = array<i32>} : memref<256xi32, #tpu.memory_space<vmem>>, vector<16xi32>,
      tpu.vector_store %arg13[%swap3A_349], %sub3A_348 {strides = array<i32>} : memref<256xi32, #tpu.memory_space<vmem>>, vector<16xi32>,
      %get3A_351 = arith.constant 96 : index
      %get3A_352 = tpu.vector_load %arg10[%get3A_351] {strides = array<i32>} : memref<256xi32, #tpu.memory_space<vmem>>, vector<16xi32>,
      %ge3A_353 = arith.constant 253952 : i32
      %ge3A_354 = vector.broadcast %ge3A_353 : i32 to vector<16xi32>
      %ge3A_355 = arith.cmpi sge, %get3A_352, %ge3A_354 : vector<16xi32>
      %jit3A_356 = arith.constant 1 : i32
      %jit3A_357 = arith.constant 0 : i32
      %broadcast_in_dim3A_358 = vector.broadcast %jit3A_356 : i32 to vector<16xi32>
      %broadcast_in_dim3A_359 = vector.broadcast %jit3A_357 : i32 to vector<16xi32>
      %select_n3A_360 = arith.select %ge3A_355, %broadcast_in_dim3A_358, %broadcast_in_dim3A_359 : vector<16xi1>, vector<16xi32>
      %ge3A_361 = arith.constant 507904 : i32
      %ge3A_362 = vector.broadcast %ge3A_361 : i32 to vector<16xi32>
      %ge3A_363 = arith.cmpi sge, %get3A_352, %ge3A_362 : vector<16xi32>
      %jit3A_364 = arith.constant 1 : i32
      %jit3A_365 = arith.constant 0 : i32
      %broadcast_in_dim3A_366 = vector.broadcast %jit3A_364 : i32 to vector<16xi32>
      %broadcast_in_dim3A_367 = vector.broadcast %jit3A_365 : i32 to vector<16xi32>
      %select_n3A_368 = arith.select %ge3A_363, %broadcast_in_dim3A_366, %broadcast_in_dim3A_367 : vector<16xi1>, vector<16xi32>
      %add3A_369 = arith.addi %select_n3A_360, %select_n3A_368 : vector<16xi32>
      %ge3A_370 = arith.constant 761856 : i32
      %ge3A_371 = vector.broadcast %ge3A_370 : i32 to vector<16xi32>
      %ge3A_372 = arith.cmpi sge, %get3A_352, %ge3A_371 : vector<16xi32>
      %jit3A_373 = arith.constant 1 : i32
      %jit3A_374 = arith.constant 0 : i32
      %broadcast_in_dim3A_375 = vector.broadcast %jit3A_373 : i32 to vector<16xi32>
      %broadcast_in_dim3A_376 = vector.broadcast %jit3A_374 : i32 to vector<16xi32>
      %select_n3A_377 = arith.select %ge3A_372, %broadcast_in_dim3A_375, %broadcast_in_dim3A_376 : vector<16xi1>, vector<16xi32>
      %add3A_378 = arith.addi %add3A_369, %select_n3A_377 : vector<16xi32>
      %mul3A_379 = arith.constant 253952 : i32
      %mul3A_380 = vector.broadcast %mul3A_379 : i32 to vector<16xi32>
      %mul3A_381 = arith.muli %add3A_378, %mul3A_380 : vector<16xi32>
      %sub3A_382 = arith.subi %get3A_352, %mul3A_381 : vector<16xi32>
      %swap3A_383 = arith.constant 96 : index
      %swap3A_384 = tpu.vector_load %arg13[%swap3A_383] {strides = array<i32>} : memref<256xi32, #tpu.memory_space<vmem>>, vector<16xi32>,
      tpu.vector_store %arg13[%swap3A_383], %sub3A_382 {strides = array<i32>} : memref<256xi32, #tpu.memory_space<vmem>>, vector<16xi32>,
      %get3A_385 = arith.constant 112 : index
      %get3A_386 = tpu.vector_load %arg10[%get3A_385] {strides = array<i32>} : memref<256xi32, #tpu.memory_space<vmem>>, vector<16xi32>,
      %ge3A_387 = arith.constant 253952 : i32
      %ge3A_388 = vector.broadcast %ge3A_387 : i32 to vector<16xi32>
      %ge3A_389 = arith.cmpi sge, %get3A_386, %ge3A_388 : vector<16xi32>
      %jit3A_390 = arith.constant 1 : i32
      %jit3A_391 = arith.constant 0 : i32
      %broadcast_in_dim3A_392 = vector.broadcast %jit3A_390 : i32 to vector<16xi32>
      %broadcast_in_dim3A_393 = vector.broadcast %jit3A_391 : i32 to vector<16xi32>
      %select_n3A_394 = arith.select %ge3A_389, %broadcast_in_dim3A_392, %broadcast_in_dim3A_393 : vector<16xi1>, vector<16xi32>
      %ge3A_395 = arith.constant 507904 : i32
      %ge3A_396 = vector.broadcast %ge3A_395 : i32 to vector<16xi32>
      %ge3A_397 = arith.cmpi sge, %get3A_386, %ge3A_396 : vector<16xi32>
      %jit3A_398 = arith.constant 1 : i32
      %jit3A_399 = arith.constant 0 : i32
      %broadcast_in_dim3A_400 = vector.broadcast %jit3A_398 : i32 to vector<16xi32>
      %broadcast_in_dim3A_401 = vector.broadcast %jit3A_399 : i32 to vector<16xi32>
      %select_n3A_402 = arith.select %ge3A_397, %broadcast_in_dim3A_400, %broadcast_in_dim3A_401 : vector<16xi1>, vector<16xi32>
      %add3A_403 = arith.addi %select_n3A_394, %select_n3A_402 : vector<16xi32>
      %ge3A_404 = arith.constant 761856 : i32
      %ge3A_405 = vector.broadcast %ge3A_404 : i32 to vector<16xi32>
      %ge3A_406 = arith.cmpi sge, %get3A_386, %ge3A_405 : vector<16xi32>
      %jit3A_407 = arith.constant 1 : i32
      %jit3A_408 = arith.constant 0 : i32
      %broadcast_in_dim3A_409 = vector.broadcast %jit3A_407 : i32 to vector<16xi32>
      %broadcast_in_dim3A_410 = vector.broadcast %jit3A_408 : i32 to vector<16xi32>
      %select_n3A_411 = arith.select %ge3A_406, %broadcast_in_dim3A_409, %broadcast_in_dim3A_410 : vector<16xi1>, vector<16xi32>
      %add3A_412 = arith.addi %add3A_403, %select_n3A_411 : vector<16xi32>
      %mul3A_413 = arith.constant 253952 : i32
      %mul3A_414 = vector.broadcast %mul3A_413 : i32 to vector<16xi32>
      %mul3A_415 = arith.muli %add3A_412, %mul3A_414 : vector<16xi32>
      %sub3A_416 = arith.subi %get3A_386, %mul3A_415 : vector<16xi32>
      %swap3A_417 = arith.constant 112 : index
      %swap3A_418 = tpu.vector_load %arg13[%swap3A_417] {strides = array<i32>} : memref<256xi32, #tpu.memory_space<vmem>>, vector<16xi32>,
      tpu.vector_store %arg13[%swap3A_417], %sub3A_416 {strides = array<i32>} : memref<256xi32, #tpu.memory_space<vmem>>, vector<16xi32>,
      %get3A_419 = arith.constant 128 : index
      %get3A_420 = tpu.vector_load %arg10[%get3A_419] {strides = array<i32>} : memref<256xi32, #tpu.memory_space<vmem>>, vector<16xi32>,
      %ge3A_421 = arith.constant 253952 : i32
      %ge3A_422 = vector.broadcast %ge3A_421 : i32 to vector<16xi32>
      %ge3A_423 = arith.cmpi sge, %get3A_420, %ge3A_422 : vector<16xi32>
      %jit3A_424 = arith.constant 1 : i32
      %jit3A_425 = arith.constant 0 : i32
      %broadcast_in_dim3A_426 = vector.broadcast %jit3A_424 : i32 to vector<16xi32>
      %broadcast_in_dim3A_427 = vector.broadcast %jit3A_425 : i32 to vector<16xi32>
      %select_n3A_428 = arith.select %ge3A_423, %broadcast_in_dim3A_426, %broadcast_in_dim3A_427 : vector<16xi1>, vector<16xi32>
      %ge3A_429 = arith.constant 507904 : i32
      %ge3A_430 = vector.broadcast %ge3A_429 : i32 to vector<16xi32>
      %ge3A_431 = arith.cmpi sge, %get3A_420, %ge3A_430 : vector<16xi32>
      %jit3A_432 = arith.constant 1 : i32
      %jit3A_433 = arith.constant 0 : i32
      %broadcast_in_dim3A_434 = vector.broadcast %jit3A_432 : i32 to vector<16xi32>
      %broadcast_in_dim3A_435 = vector.broadcast %jit3A_433 : i32 to vector<16xi32>
      %select_n3A_436 = arith.select %ge3A_431, %broadcast_in_dim3A_434, %broadcast_in_dim3A_435 : vector<16xi1>, vector<16xi32>
      %add3A_437 = arith.addi %select_n3A_428, %select_n3A_436 : vector<16xi32>
      %ge3A_438 = arith.constant 761856 : i32
      %ge3A_439 = vector.broadcast %ge3A_438 : i32 to vector<16xi32>
      %ge3A_440 = arith.cmpi sge, %get3A_420, %ge3A_439 : vector<16xi32>
      %jit3A_441 = arith.constant 1 : i32
      %jit3A_442 = arith.constant 0 : i32
      %broadcast_in_dim3A_443 = vector.broadcast %jit3A_441 : i32 to vector<16xi32>
      %broadcast_in_dim3A_444 = vector.broadcast %jit3A_442 : i32 to vector<16xi32>
      %select_n3A_445 = arith.select %ge3A_440, %broadcast_in_dim3A_443, %broadcast_in_dim3A_444 : vector<16xi1>, vector<16xi32>
      %add3A_446 = arith.addi %add3A_437, %select_n3A_445 : vector<16xi32>
      %mul3A_447 = arith.constant 253952 : i32
      %mul3A_448 = vector.broadcast %mul3A_447 : i32 to vector<16xi32>
      %mul3A_449 = arith.muli %add3A_446, %mul3A_448 : vector<16xi32>
      %sub3A_450 = arith.subi %get3A_420, %mul3A_449 : vector<16xi32>
      %swap3A_451 = arith.constant 128 : index
      %swap3A_452 = tpu.vector_load %arg13[%swap3A_451] {strides = array<i32>} : memref<256xi32, #tpu.memory_space<vmem>>, vector<16xi32>,
      tpu.vector_store %arg13[%swap3A_451], %sub3A_450 {strides = array<i32>} : memref<256xi32, #tpu.memory_space<vmem>>, vector<16xi32>,
      %get3A_453 = arith.constant 144 : index
      %get3A_454 = tpu.vector_load %arg10[%get3A_453] {strides = array<i32>} : memref<256xi32, #tpu.memory_space<vmem>>, vector<16xi32>,
      %ge3A_455 = arith.constant 253952 : i32
      %ge3A_456 = vector.broadcast %ge3A_455 : i32 to vector<16xi32>
      %ge3A_457 = arith.cmpi sge, %get3A_454, %ge3A_456 : vector<16xi32>
      %jit3A_458 = arith.constant 1 : i32
      %jit3A_459 = arith.constant 0 : i32
      %broadcast_in_dim3A_460 = vector.broadcast %jit3A_458 : i32 to vector<16xi32>
      %broadcast_in_dim3A_461 = vector.broadcast %jit3A_459 : i32 to vector<16xi32>
      %select_n3A_462 = arith.select %ge3A_457, %broadcast_in_dim3A_460, %broadcast_in_dim3A_461 : vector<16xi1>, vector<16xi32>
      %ge3A_463 = arith.constant 507904 : i32
      %ge3A_464 = vector.broadcast %ge3A_463 : i32 to vector<16xi32>
      %ge3A_465 = arith.cmpi sge, %get3A_454, %ge3A_464 : vector<16xi32>
      %jit3A_466 = arith.constant 1 : i32
      %jit3A_467 = arith.constant 0 : i32
      %broadcast_in_dim3A_468 = vector.broadcast %jit3A_466 : i32 to vector<16xi32>
      %broadcast_in_dim3A_469 = vector.broadcast %jit3A_467 : i32 to vector<16xi32>
      %select_n3A_470 = arith.select %ge3A_465, %broadcast_in_dim3A_468, %broadcast_in_dim3A_469 : vector<16xi1>, vector<16xi32>
      %add3A_471 = arith.addi %select_n3A_462, %select_n3A_470 : vector<16xi32>
      %ge3A_472 = arith.constant 761856 : i32
      %ge3A_473 = vector.broadcast %ge3A_472 : i32 to vector<16xi32>
      %ge3A_474 = arith.cmpi sge, %get3A_454, %ge3A_473 : vector<16xi32>
      %jit3A_475 = arith.constant 1 : i32
      %jit3A_476 = arith.constant 0 : i32
      %broadcast_in_dim3A_477 = vector.broadcast %jit3A_475 : i32 to vector<16xi32>
      %broadcast_in_dim3A_478 = vector.broadcast %jit3A_476 : i32 to vector<16xi32>
      %select_n3A_479 = arith.select %ge3A_474, %broadcast_in_dim3A_477, %broadcast_in_dim3A_478 : vector<16xi1>, vector<16xi32>
      %add3A_480 = arith.addi %add3A_471, %select_n3A_479 : vector<16xi32>
      %mul3A_481 = arith.constant 253952 : i32
      %mul3A_482 = vector.broadcast %mul3A_481 : i32 to vector<16xi32>
      %mul3A_483 = arith.muli %add3A_480, %mul3A_482 : vector<16xi32>
      %sub3A_484 = arith.subi %get3A_454, %mul3A_483 : vector<16xi32>
      %swap3A_485 = arith.constant 144 : index
      %swap3A_486 = tpu.vector_load %arg13[%swap3A_485] {strides = array<i32>} : memref<256xi32, #tpu.memory_space<vmem>>, vector<16xi32>,
      tpu.vector_store %arg13[%swap3A_485], %sub3A_484 {strides = array<i32>} : memref<256xi32, #tpu.memory_space<vmem>>, vector<16xi32>,
      %get3A_487 = arith.constant 160 : index
      %get3A_488 = tpu.vector_load %arg10[%get3A_487] {strides = array<i32>} : memref<256xi32, #tpu.memory_space<vmem>>, vector<16xi32>,
      %ge3A_489 = arith.constant 253952 : i32
      %ge3A_490 = vector.broadcast %ge3A_489 : i32 to vector<16xi32>
      %ge3A_491 = arith.cmpi sge, %get3A_488, %ge3A_490 : vector<16xi32>
      %jit3A_492 = arith.constant 1 : i32
      %jit3A_493 = arith.constant 0 : i32
      %broadcast_in_dim3A_494 = vector.broadcast %jit3A_492 : i32 to vector<16xi32>
      %broadcast_in_dim3A_495 = vector.broadcast %jit3A_493 : i32 to vector<16xi32>
      %select_n3A_496 = arith.select %ge3A_491, %broadcast_in_dim3A_494, %broadcast_in_dim3A_495 : vector<16xi1>, vector<16xi32>
      %ge3A_497 = arith.constant 507904 : i32
      %ge3A_498 = vector.broadcast %ge3A_497 : i32 to vector<16xi32>
      %ge3A_499 = arith.cmpi sge, %get3A_488, %ge3A_498 : vector<16xi32>
      %jit3A_500 = arith.constant 1 : i32
      %jit3A_501 = arith.constant 0 : i32
      %broadcast_in_dim3A_502 = vector.broadcast %jit3A_500 : i32 to vector<16xi32>
      %broadcast_in_dim3A_503 = vector.broadcast %jit3A_501 : i32 to vector<16xi32>
      %select_n3A_504 = arith.select %ge3A_499, %broadcast_in_dim3A_502, %broadcast_in_dim3A_503 : vector<16xi1>, vector<16xi32>
      %add3A_505 = arith.addi %select_n3A_496, %select_n3A_504 : vector<16xi32>
      %ge3A_506 = arith.constant 761856 : i32
      %ge3A_507 = vector.broadcast %ge3A_506 : i32 to vector<16xi32>
      %ge3A_508 = arith.cmpi sge, %get3A_488, %ge3A_507 : vector<16xi32>
      %jit3A_509 = arith.constant 1 : i32
      %jit3A_510 = arith.constant 0 : i32
      %broadcast_in_dim3A_511 = vector.broadcast %jit3A_509 : i32 to vector<16xi32>
      %broadcast_in_dim3A_512 = vector.broadcast %jit3A_510 : i32 to vector<16xi32>
      %select_n3A_513 = arith.select %ge3A_508, %broadcast_in_dim3A_511, %broadcast_in_dim3A_512 : vector<16xi1>, vector<16xi32>
      %add3A_514 = arith.addi %add3A_505, %select_n3A_513 : vector<16xi32>
      %mul3A_515 = arith.constant 253952 : i32
      %mul3A_516 = vector.broadcast %mul3A_515 : i32 to vector<16xi32>
      %mul3A_517 = arith.muli %add3A_514, %mul3A_516 : vector<16xi32>
      %sub3A_518 = arith.subi %get3A_488, %mul3A_517 : vector<16xi32>
      %swap3A_519 = arith.constant 160 : index
      %swap3A_520 = tpu.vector_load %arg13[%swap3A_519] {strides = array<i32>} : memref<256xi32, #tpu.memory_space<vmem>>, vector<16xi32>,
      tpu.vector_store %arg13[%swap3A_519], %sub3A_518 {strides = array<i32>} : memref<256xi32, #tpu.memory_space<vmem>>, vector<16xi32>,
      %get3A_521 = arith.constant 176 : index
      %get3A_522 = tpu.vector_load %arg10[%get3A_521] {strides = array<i32>} : memref<256xi32, #tpu.memory_space<vmem>>, vector<16xi32>,
      %ge3A_523 = arith.constant 253952 : i32
      %ge3A_524 = vector.broadcast %ge3A_523 : i32 to vector<16xi32>
      %ge3A_525 = arith.cmpi sge, %get3A_522, %ge3A_524 : vector<16xi32>
      %jit3A_526 = arith.constant 1 : i32
      %jit3A_527 = arith.constant 0 : i32
      %broadcast_in_dim3A_528 = vector.broadcast %jit3A_526 : i32 to vector<16xi32>
      %broadcast_in_dim3A_529 = vector.broadcast %jit3A_527 : i32 to vector<16xi32>
      %select_n3A_530 = arith.select %ge3A_525, %broadcast_in_dim3A_528, %broadcast_in_dim3A_529 : vector<16xi1>, vector<16xi32>
      %ge3A_531 = arith.constant 507904 : i32
      %ge3A_532 = vector.broadcast %ge3A_531 : i32 to vector<16xi32>
      %ge3A_533 = arith.cmpi sge, %get3A_522, %ge3A_532 : vector<16xi32>
      %jit3A_534 = arith.constant 1 : i32
      %jit3A_535 = arith.constant 0 : i32
      %broadcast_in_dim3A_536 = vector.broadcast %jit3A_534 : i32 to vector<16xi32>
      %broadcast_in_dim3A_537 = vector.broadcast %jit3A_535 : i32 to vector<16xi32>
      %select_n3A_538 = arith.select %ge3A_533, %broadcast_in_dim3A_536, %broadcast_in_dim3A_537 : vector<16xi1>, vector<16xi32>
      %add3A_539 = arith.addi %select_n3A_530, %select_n3A_538 : vector<16xi32>
      %ge3A_540 = arith.constant 761856 : i32
      %ge3A_541 = vector.broadcast %ge3A_540 : i32 to vector<16xi32>
      %ge3A_542 = arith.cmpi sge, %get3A_522, %ge3A_541 : vector<16xi32>
      %jit3A_543 = arith.constant 1 : i32
      %jit3A_544 = arith.constant 0 : i32
      %broadcast_in_dim3A_545 = vector.broadcast %jit3A_543 : i32 to vector<16xi32>
      %broadcast_in_dim3A_546 = vector.broadcast %jit3A_544 : i32 to vector<16xi32>
      %select_n3A_547 = arith.select %ge3A_542, %broadcast_in_dim3A_545, %broadcast_in_dim3A_546 : vector<16xi1>, vector<16xi32>
      %add3A_548 = arith.addi %add3A_539, %select_n3A_547 : vector<16xi32>
      %mul3A_549 = arith.constant 253952 : i32
      %mul3A_550 = vector.broadcast %mul3A_549 : i32 to vector<16xi32>
      %mul3A_551 = arith.muli %add3A_548, %mul3A_550 : vector<16xi32>
      %sub3A_552 = arith.subi %get3A_522, %mul3A_551 : vector<16xi32>
      %swap3A_553 = arith.constant 176 : index
      %swap3A_554 = tpu.vector_load %arg13[%swap3A_553] {strides = array<i32>} : memref<256xi32, #tpu.memory_space<vmem>>, vector<16xi32>,
      tpu.vector_store %arg13[%swap3A_553], %sub3A_552 {strides = array<i32>} : memref<256xi32, #tpu.memory_space<vmem>>, vector<16xi32>,
      %get3A_555 = arith.constant 192 : index
      %get3A_556 = tpu.vector_load %arg10[%get3A_555] {strides = array<i32>} : memref<256xi32, #tpu.memory_space<vmem>>, vector<16xi32>,
      %ge3A_557 = arith.constant 253952 : i32
      %ge3A_558 = vector.broadcast %ge3A_557 : i32 to vector<16xi32>
      %ge3A_559 = arith.cmpi sge, %get3A_556, %ge3A_558 : vector<16xi32>
      %jit3A_560 = arith.constant 1 : i32
      %jit3A_561 = arith.constant 0 : i32
      %broadcast_in_dim3A_562 = vector.broadcast %jit3A_560 : i32 to vector<16xi32>
      %broadcast_in_dim3A_563 = vector.broadcast %jit3A_561 : i32 to vector<16xi32>
      %select_n3A_564 = arith.select %ge3A_559, %broadcast_in_dim3A_562, %broadcast_in_dim3A_563 : vector<16xi1>, vector<16xi32>
      %ge3A_565 = arith.constant 507904 : i32
      %ge3A_566 = vector.broadcast %ge3A_565 : i32 to vector<16xi32>
      %ge3A_567 = arith.cmpi sge, %get3A_556, %ge3A_566 : vector<16xi32>
      %jit3A_568 = arith.constant 1 : i32
      %jit3A_569 = arith.constant 0 : i32
      %broadcast_in_dim3A_570 = vector.broadcast %jit3A_568 : i32 to vector<16xi32>
      %broadcast_in_dim3A_571 = vector.broadcast %jit3A_569 : i32 to vector<16xi32>
      %select_n3A_572 = arith.select %ge3A_567, %broadcast_in_dim3A_570, %broadcast_in_dim3A_571 : vector<16xi1>, vector<16xi32>
      %add3A_573 = arith.addi %select_n3A_564, %select_n3A_572 : vector<16xi32>
      %ge3A_574 = arith.constant 761856 : i32
      %ge3A_575 = vector.broadcast %ge3A_574 : i32 to vector<16xi32>
      %ge3A_576 = arith.cmpi sge, %get3A_556, %ge3A_575 : vector<16xi32>
      %jit3A_577 = arith.constant 1 : i32
      %jit3A_578 = arith.constant 0 : i32
      %broadcast_in_dim3A_579 = vector.broadcast %jit3A_577 : i32 to vector<16xi32>
      %broadcast_in_dim3A_580 = vector.broadcast %jit3A_578 : i32 to vector<16xi32>
      %select_n3A_581 = arith.select %ge3A_576, %broadcast_in_dim3A_579, %broadcast_in_dim3A_580 : vector<16xi1>, vector<16xi32>
      %add3A_582 = arith.addi %add3A_573, %select_n3A_581 : vector<16xi32>
      %mul3A_583 = arith.constant 253952 : i32
      %mul3A_584 = vector.broadcast %mul3A_583 : i32 to vector<16xi32>
      %mul3A_585 = arith.muli %add3A_582, %mul3A_584 : vector<16xi32>
      %sub3A_586 = arith.subi %get3A_556, %mul3A_585 : vector<16xi32>
      %swap3A_587 = arith.constant 192 : index
      %swap3A_588 = tpu.vector_load %arg13[%swap3A_587] {strides = array<i32>} : memref<256xi32, #tpu.memory_space<vmem>>, vector<16xi32>,
      tpu.vector_store %arg13[%swap3A_587], %sub3A_586 {strides = array<i32>} : memref<256xi32, #tpu.memory_space<vmem>>, vector<16xi32>,
      %get3A_589 = arith.constant 208 : index
      %get3A_590 = tpu.vector_load %arg10[%get3A_589] {strides = array<i32>} : memref<256xi32, #tpu.memory_space<vmem>>, vector<16xi32>,
      %ge3A_591 = arith.constant 253952 : i32
      %ge3A_592 = vector.broadcast %ge3A_591 : i32 to vector<16xi32>
      %ge3A_593 = arith.cmpi sge, %get3A_590, %ge3A_592 : vector<16xi32>
      %jit3A_594 = arith.constant 1 : i32
      %jit3A_595 = arith.constant 0 : i32
      %broadcast_in_dim3A_596 = vector.broadcast %jit3A_594 : i32 to vector<16xi32>
      %broadcast_in_dim3A_597 = vector.broadcast %jit3A_595 : i32 to vector<16xi32>
      %select_n3A_598 = arith.select %ge3A_593, %broadcast_in_dim3A_596, %broadcast_in_dim3A_597 : vector<16xi1>, vector<16xi32>
      %ge3A_599 = arith.constant 507904 : i32
      %ge3A_600 = vector.broadcast %ge3A_599 : i32 to vector<16xi32>
      %ge3A_601 = arith.cmpi sge, %get3A_590, %ge3A_600 : vector<16xi32>
      %jit3A_602 = arith.constant 1 : i32
      %jit3A_603 = arith.constant 0 : i32
      %broadcast_in_dim3A_604 = vector.broadcast %jit3A_602 : i32 to vector<16xi32>
      %broadcast_in_dim3A_605 = vector.broadcast %jit3A_603 : i32 to vector<16xi32>
      %select_n3A_606 = arith.select %ge3A_601, %broadcast_in_dim3A_604, %broadcast_in_dim3A_605 : vector<16xi1>, vector<16xi32>
      %add3A_607 = arith.addi %select_n3A_598, %select_n3A_606 : vector<16xi32>
      %ge3A_608 = arith.constant 761856 : i32
      %ge3A_609 = vector.broadcast %ge3A_608 : i32 to vector<16xi32>
      %ge3A_610 = arith.cmpi sge, %get3A_590, %ge3A_609 : vector<16xi32>
      %jit3A_611 = arith.constant 1 : i32
      %jit3A_612 = arith.constant 0 : i32
      %broadcast_in_dim3A_613 = vector.broadcast %jit3A_611 : i32 to vector<16xi32>
      %broadcast_in_dim3A_614 = vector.broadcast %jit3A_612 : i32 to vector<16xi32>
      %select_n3A_615 = arith.select %ge3A_610, %broadcast_in_dim3A_613, %broadcast_in_dim3A_614 : vector<16xi1>, vector<16xi32>
      %add3A_616 = arith.addi %add3A_607, %select_n3A_615 : vector<16xi32>
      %mul3A_617 = arith.constant 253952 : i32
      %mul3A_618 = vector.broadcast %mul3A_617 : i32 to vector<16xi32>
      %mul3A_619 = arith.muli %add3A_616, %mul3A_618 : vector<16xi32>
      %sub3A_620 = arith.subi %get3A_590, %mul3A_619 : vector<16xi32>
      %swap3A_621 = arith.constant 208 : index
      %swap3A_622 = tpu.vector_load %arg13[%swap3A_621] {strides = array<i32>} : memref<256xi32, #tpu.memory_space<vmem>>, vector<16xi32>,
      tpu.vector_store %arg13[%swap3A_621], %sub3A_620 {strides = array<i32>} : memref<256xi32, #tpu.memory_space<vmem>>, vector<16xi32>,
      %get3A_623 = arith.constant 224 : index
      %get3A_624 = tpu.vector_load %arg10[%get3A_623] {strides = array<i32>} : memref<256xi32, #tpu.memory_space<vmem>>, vector<16xi32>,
      %ge3A_625 = arith.constant 253952 : i32
      %ge3A_626 = vector.broadcast %ge3A_625 : i32 to vector<16xi32>
      %ge3A_627 = arith.cmpi sge, %get3A_624, %ge3A_626 : vector<16xi32>
      %jit3A_628 = arith.constant 1 : i32
      %jit3A_629 = arith.constant 0 : i32
      %broadcast_in_dim3A_630 = vector.broadcast %jit3A_628 : i32 to vector<16xi32>
      %broadcast_in_dim3A_631 = vector.broadcast %jit3A_629 : i32 to vector<16xi32>
      %select_n3A_632 = arith.select %ge3A_627, %broadcast_in_dim3A_630, %broadcast_in_dim3A_631 : vector<16xi1>, vector<16xi32>
      %ge3A_633 = arith.constant 507904 : i32
      %ge3A_634 = vector.broadcast %ge3A_633 : i32 to vector<16xi32>
      %ge3A_635 = arith.cmpi sge, %get3A_624, %ge3A_634 : vector<16xi32>
      %jit3A_636 = arith.constant 1 : i32
      %jit3A_637 = arith.constant 0 : i32
      %broadcast_in_dim3A_638 = vector.broadcast %jit3A_636 : i32 to vector<16xi32>
      %broadcast_in_dim3A_639 = vector.broadcast %jit3A_637 : i32 to vector<16xi32>
      %select_n3A_640 = arith.select %ge3A_635, %broadcast_in_dim3A_638, %broadcast_in_dim3A_639 : vector<16xi1>, vector<16xi32>
      %add3A_641 = arith.addi %select_n3A_632, %select_n3A_640 : vector<16xi32>
      %ge3A_642 = arith.constant 761856 : i32
      %ge3A_643 = vector.broadcast %ge3A_642 : i32 to vector<16xi32>
      %ge3A_644 = arith.cmpi sge, %get3A_624, %ge3A_643 : vector<16xi32>
      %jit3A_645 = arith.constant 1 : i32
      %jit3A_646 = arith.constant 0 : i32
      %broadcast_in_dim3A_647 = vector.broadcast %jit3A_645 : i32 to vector<16xi32>
      %broadcast_in_dim3A_648 = vector.broadcast %jit3A_646 : i32 to vector<16xi32>
      %select_n3A_649 = arith.select %ge3A_644, %broadcast_in_dim3A_647, %broadcast_in_dim3A_648 : vector<16xi1>, vector<16xi32>
      %add3A_650 = arith.addi %add3A_641, %select_n3A_649 : vector<16xi32>
      %mul3A_651 = arith.constant 253952 : i32
      %mul3A_652 = vector.broadcast %mul3A_651 : i32 to vector<16xi32>
      %mul3A_653 = arith.muli %add3A_650, %mul3A_652 : vector<16xi32>
      %sub3A_654 = arith.subi %get3A_624, %mul3A_653 : vector<16xi32>
      %swap3A_655 = arith.constant 224 : index
      %swap3A_656 = tpu.vector_load %arg13[%swap3A_655] {strides = array<i32>} : memref<256xi32, #tpu.memory_space<vmem>>, vector<16xi32>,
      tpu.vector_store %arg13[%swap3A_655], %sub3A_654 {strides = array<i32>} : memref<256xi32, #tpu.memory_space<vmem>>, vector<16xi32>,
      %get3A_657 = arith.constant 240 : index
      %get3A_658 = tpu.vector_load %arg10[%get3A_657] {strides = array<i32>} : memref<256xi32, #tpu.memory_space<vmem>>, vector<16xi32>,
      %ge3A_659 = arith.constant 253952 : i32
      %ge3A_660 = vector.broadcast %ge3A_659 : i32 to vector<16xi32>
      %ge3A_661 = arith.cmpi sge, %get3A_658, %ge3A_660 : vector<16xi32>
      %jit3A_662 = arith.constant 1 : i32
      %jit3A_663 = arith.constant 0 : i32
      %broadcast_in_dim3A_664 = vector.broadcast %jit3A_662 : i32 to vector<16xi32>
      %broadcast_in_dim3A_665 = vector.broadcast %jit3A_663 : i32 to vector<16xi32>
      %select_n3A_666 = arith.select %ge3A_661, %broadcast_in_dim3A_664, %broadcast_in_dim3A_665 : vector<16xi1>, vector<16xi32>
      %ge3A_667 = arith.constant 507904 : i32
      %ge3A_668 = vector.broadcast %ge3A_667 : i32 to vector<16xi32>
      %ge3A_669 = arith.cmpi sge, %get3A_658, %ge3A_668 : vector<16xi32>
      %jit3A_670 = arith.constant 1 : i32
      %jit3A_671 = arith.constant 0 : i32
      %broadcast_in_dim3A_672 = vector.broadcast %jit3A_670 : i32 to vector<16xi32>
      %broadcast_in_dim3A_673 = vector.broadcast %jit3A_671 : i32 to vector<16xi32>
      %select_n3A_674 = arith.select %ge3A_669, %broadcast_in_dim3A_672, %broadcast_in_dim3A_673 : vector<16xi1>, vector<16xi32>
      %add3A_675 = arith.addi %select_n3A_666, %select_n3A_674 : vector<16xi32>
      %ge3A_676 = arith.constant 761856 : i32
      %ge3A_677 = vector.broadcast %ge3A_676 : i32 to vector<16xi32>
      %ge3A_678 = arith.cmpi sge, %get3A_658, %ge3A_677 : vector<16xi32>
      %jit3A_679 = arith.constant 1 : i32
      %jit3A_680 = arith.constant 0 : i32
      %broadcast_in_dim3A_681 = vector.broadcast %jit3A_679 : i32 to vector<16xi32>
      %broadcast_in_dim3A_682 = vector.broadcast %jit3A_680 : i32 to vector<16xi32>
      %select_n3A_683 = arith.select %ge3A_678, %broadcast_in_dim3A_681, %broadcast_in_dim3A_682 : vector<16xi1>, vector<16xi32>
      %add3A_684 = arith.addi %add3A_675, %select_n3A_683 : vector<16xi32>
      %mul3A_685 = arith.constant 253952 : i32
      %mul3A_686 = vector.broadcast %mul3A_685 : i32 to vector<16xi32>
      %mul3A_687 = arith.muli %add3A_684, %mul3A_686 : vector<16xi32>
      %sub3A_688 = arith.subi %get3A_658, %mul3A_687 : vector<16xi32>
      %swap3A_689 = arith.constant 240 : index
      %swap3A_690 = tpu.vector_load %arg13[%swap3A_689] {strides = array<i32>} : memref<256xi32, #tpu.memory_space<vmem>>, vector<16xi32>,
      tpu.vector_store %arg13[%swap3A_689], %sub3A_688 {strides = array<i32>} : memref<256xi32, #tpu.memory_space<vmem>>, vector<16xi32>,
      %get3A_691 = arith.constant 0 : index
      %get3A_692 = tpu.vector_load %arg11[%get3A_691] {strides = array<i32>} : memref<320xi32, #tpu.memory_space<vmem>>, vector<16xi32>,
      %ge3A_693 = arith.constant 253952 : i32
      %ge3A_694 = vector.broadcast %ge3A_693 : i32 to vector<16xi32>
      %ge3A_695 = arith.cmpi sge, %get3A_692, %ge3A_694 : vector<16xi32>
      %jit3A_696 = arith.constant 1 : i32
      %jit3A_697 = arith.constant 0 : i32
      %broadcast_in_dim3A_698 = vector.broadcast %jit3A_696 : i32 to vector<16xi32>
      %broadcast_in_dim3A_699 = vector.broadcast %jit3A_697 : i32 to vector<16xi32>
      %select_n3A_700 = arith.select %ge3A_695, %broadcast_in_dim3A_698, %broadcast_in_dim3A_699 : vector<16xi1>, vector<16xi32>
      %ge3A_701 = arith.constant 507904 : i32
      %ge3A_702 = vector.broadcast %ge3A_701 : i32 to vector<16xi32>
      %ge3A_703 = arith.cmpi sge, %get3A_692, %ge3A_702 : vector<16xi32>
      %jit3A_704 = arith.constant 1 : i32
      %jit3A_705 = arith.constant 0 : i32
      %broadcast_in_dim3A_706 = vector.broadcast %jit3A_704 : i32 to vector<16xi32>
      %broadcast_in_dim3A_707 = vector.broadcast %jit3A_705 : i32 to vector<16xi32>
      %select_n3A_708 = arith.select %ge3A_703, %broadcast_in_dim3A_706, %broadcast_in_dim3A_707 : vector<16xi1>, vector<16xi32>
      %add3A_709 = arith.addi %select_n3A_700, %select_n3A_708 : vector<16xi32>
      %ge3A_710 = arith.constant 761856 : i32
      %ge3A_711 = vector.broadcast %ge3A_710 : i32 to vector<16xi32>
      %ge3A_712 = arith.cmpi sge, %get3A_692, %ge3A_711 : vector<16xi32>
      %jit3A_713 = arith.constant 1 : i32
      %jit3A_714 = arith.constant 0 : i32
      %broadcast_in_dim3A_715 = vector.broadcast %jit3A_713 : i32 to vector<16xi32>
      %broadcast_in_dim3A_716 = vector.broadcast %jit3A_714 : i32 to vector<16xi32>
      %select_n3A_717 = arith.select %ge3A_712, %broadcast_in_dim3A_715, %broadcast_in_dim3A_716 : vector<16xi1>, vector<16xi32>
      %add3A_718 = arith.addi %add3A_709, %select_n3A_717 : vector<16xi32>
      %mul3A_719 = arith.constant 253952 : i32
      %mul3A_720 = vector.broadcast %mul3A_719 : i32 to vector<16xi32>
      %mul3A_721 = arith.muli %add3A_718, %mul3A_720 : vector<16xi32>
      %sub3A_722 = arith.subi %get3A_692, %mul3A_721 : vector<16xi32>
      %swap3A_723 = arith.constant 0 : index
      %swap3A_724 = tpu.vector_load %arg14[%swap3A_723] {strides = array<i32>} : memref<320xi32, #tpu.memory_space<vmem>>, vector<16xi32>,
      tpu.vector_store %arg14[%swap3A_723], %sub3A_722 {strides = array<i32>} : memref<320xi32, #tpu.memory_space<vmem>>, vector<16xi32>,
      %get3A_725 = arith.constant 16 : index
      %get3A_726 = tpu.vector_load %arg11[%get3A_725] {strides = array<i32>} : memref<320xi32, #tpu.memory_space<vmem>>, vector<16xi32>,
      %ge3A_727 = arith.constant 253952 : i32
      %ge3A_728 = vector.broadcast %ge3A_727 : i32 to vector<16xi32>
      %ge3A_729 = arith.cmpi sge, %get3A_726, %ge3A_728 : vector<16xi32>
      %jit3A_730 = arith.constant 1 : i32
      %jit3A_731 = arith.constant 0 : i32
      %broadcast_in_dim3A_732 = vector.broadcast %jit3A_730 : i32 to vector<16xi32>
      %broadcast_in_dim3A_733 = vector.broadcast %jit3A_731 : i32 to vector<16xi32>
      %select_n3A_734 = arith.select %ge3A_729, %broadcast_in_dim3A_732, %broadcast_in_dim3A_733 : vector<16xi1>, vector<16xi32>
      %ge3A_735 = arith.constant 507904 : i32
      %ge3A_736 = vector.broadcast %ge3A_735 : i32 to vector<16xi32>
      %ge3A_737 = arith.cmpi sge, %get3A_726, %ge3A_736 : vector<16xi32>
      %jit3A_738 = arith.constant 1 : i32
      %jit3A_739 = arith.constant 0 : i32
      %broadcast_in_dim3A_740 = vector.broadcast %jit3A_738 : i32 to vector<16xi32>
      %broadcast_in_dim3A_741 = vector.broadcast %jit3A_739 : i32 to vector<16xi32>
      %select_n3A_742 = arith.select %ge3A_737, %broadcast_in_dim3A_740, %broadcast_in_dim3A_741 : vector<16xi1>, vector<16xi32>
      %add3A_743 = arith.addi %select_n3A_734, %select_n3A_742 : vector<16xi32>
      %ge3A_744 = arith.constant 761856 : i32
      %ge3A_745 = vector.broadcast %ge3A_744 : i32 to vector<16xi32>
      %ge3A_746 = arith.cmpi sge, %get3A_726, %ge3A_745 : vector<16xi32>
      %jit3A_747 = arith.constant 1 : i32
      %jit3A_748 = arith.constant 0 : i32
      %broadcast_in_dim3A_749 = vector.broadcast %jit3A_747 : i32 to vector<16xi32>
      %broadcast_in_dim3A_750 = vector.broadcast %jit3A_748 : i32 to vector<16xi32>
      %select_n3A_751 = arith.select %ge3A_746, %broadcast_in_dim3A_749, %broadcast_in_dim3A_750 : vector<16xi1>, vector<16xi32>
      %add3A_752 = arith.addi %add3A_743, %select_n3A_751 : vector<16xi32>
      %mul3A_753 = arith.constant 253952 : i32
      %mul3A_754 = vector.broadcast %mul3A_753 : i32 to vector<16xi32>
      %mul3A_755 = arith.muli %add3A_752, %mul3A_754 : vector<16xi32>
      %sub3A_756 = arith.subi %get3A_726, %mul3A_755 : vector<16xi32>
      %swap3A_757 = arith.constant 16 : index
      %swap3A_758 = tpu.vector_load %arg14[%swap3A_757] {strides = array<i32>} : memref<320xi32, #tpu.memory_space<vmem>>, vector<16xi32>,
      tpu.vector_store %arg14[%swap3A_757], %sub3A_756 {strides = array<i32>} : memref<320xi32, #tpu.memory_space<vmem>>, vector<16xi32>,
      %get3A_759 = arith.constant 32 : index
      %get3A_760 = tpu.vector_load %arg11[%get3A_759] {strides = array<i32>} : memref<320xi32, #tpu.memory_space<vmem>>, vector<16xi32>,
      %ge3A_761 = arith.constant 253952 : i32
      %ge3A_762 = vector.broadcast %ge3A_761 : i32 to vector<16xi32>
      %ge3A_763 = arith.cmpi sge, %get3A_760, %ge3A_762 : vector<16xi32>
      %jit3A_764 = arith.constant 1 : i32
      %jit3A_765 = arith.constant 0 : i32
      %broadcast_in_dim3A_766 = vector.broadcast %jit3A_764 : i32 to vector<16xi32>
      %broadcast_in_dim3A_767 = vector.broadcast %jit3A_765 : i32 to vector<16xi32>
      %select_n3A_768 = arith.select %ge3A_763, %broadcast_in_dim3A_766, %broadcast_in_dim3A_767 : vector<16xi1>, vector<16xi32>
      %ge3A_769 = arith.constant 507904 : i32
      %ge3A_770 = vector.broadcast %ge3A_769 : i32 to vector<16xi32>
      %ge3A_771 = arith.cmpi sge, %get3A_760, %ge3A_770 : vector<16xi32>
      %jit3A_772 = arith.constant 1 : i32
      %jit3A_773 = arith.constant 0 : i32
      %broadcast_in_dim3A_774 = vector.broadcast %jit3A_772 : i32 to vector<16xi32>
      %broadcast_in_dim3A_775 = vector.broadcast %jit3A_773 : i32 to vector<16xi32>
      %select_n3A_776 = arith.select %ge3A_771, %broadcast_in_dim3A_774, %broadcast_in_dim3A_775 : vector<16xi1>, vector<16xi32>
      %add3A_777 = arith.addi %select_n3A_768, %select_n3A_776 : vector<16xi32>
      %ge3A_778 = arith.constant 761856 : i32
      %ge3A_779 = vector.broadcast %ge3A_778 : i32 to vector<16xi32>
      %ge3A_780 = arith.cmpi sge, %get3A_760, %ge3A_779 : vector<16xi32>
      %jit3A_781 = arith.constant 1 : i32
      %jit3A_782 = arith.constant 0 : i32
      %broadcast_in_dim3A_783 = vector.broadcast %jit3A_781 : i32 to vector<16xi32>
      %broadcast_in_dim3A_784 = vector.broadcast %jit3A_782 : i32 to vector<16xi32>
      %select_n3A_785 = arith.select %ge3A_780, %broadcast_in_dim3A_783, %broadcast_in_dim3A_784 : vector<16xi1>, vector<16xi32>
      %add3A_786 = arith.addi %add3A_777, %select_n3A_785 : vector<16xi32>
      %mul3A_787 = arith.constant 253952 : i32
      %mul3A_788 = vector.broadcast %mul3A_787 : i32 to vector<16xi32>
      %mul3A_789 = arith.muli %add3A_786, %mul3A_788 : vector<16xi32>
      %sub3A_790 = arith.subi %get3A_760, %mul3A_789 : vector<16xi32>
      %swap3A_791 = arith.constant 32 : index
      %swap3A_792 = tpu.vector_load %arg14[%swap3A_791] {strides = array<i32>} : memref<320xi32, #tpu.memory_space<vmem>>, vector<16xi32>,
      tpu.vector_store %arg14[%swap3A_791], %sub3A_790 {strides = array<i32>} : memref<320xi32, #tpu.memory_space<vmem>>, vector<16xi32>,
      %get3A_793 = arith.constant 48 : index
      %get3A_794 = tpu.vector_load %arg11[%get3A_793] {strides = array<i32>} : memref<320xi32, #tpu.memory_space<vmem>>, vector<16xi32>,
      %ge3A_795 = arith.constant 253952 : i32
      %ge3A_796 = vector.broadcast %ge3A_795 : i32 to vector<16xi32>
      %ge3A_797 = arith.cmpi sge, %get3A_794, %ge3A_796 : vector<16xi32>
      %jit3A_798 = arith.constant 1 : i32
      %jit3A_799 = arith.constant 0 : i32
      %broadcast_in_dim3A_800 = vector.broadcast %jit3A_798 : i32 to vector<16xi32>
      %broadcast_in_dim3A_801 = vector.broadcast %jit3A_799 : i32 to vector<16xi32>
      %select_n3A_802 = arith.select %ge3A_797, %broadcast_in_dim3A_800, %broadcast_in_dim3A_801 : vector<16xi1>, vector<16xi32>
      %ge3A_803 = arith.constant 507904 : i32
      %ge3A_804 = vector.broadcast %ge3A_803 : i32 to vector<16xi32>
      %ge3A_805 = arith.cmpi sge, %get3A_794, %ge3A_804 : vector<16xi32>
      %jit3A_806 = arith.constant 1 : i32
      %jit3A_807 = arith.constant 0 : i32
      %broadcast_in_dim3A_808 = vector.broadcast %jit3A_806 : i32 to vector<16xi32>
      %broadcast_in_dim3A_809 = vector.broadcast %jit3A_807 : i32 to vector<16xi32>
      %select_n3A_810 = arith.select %ge3A_805, %broadcast_in_dim3A_808, %broadcast_in_dim3A_809 : vector<16xi1>, vector<16xi32>
      %add3A_811 = arith.addi %select_n3A_802, %select_n3A_810 : vector<16xi32>
      %ge3A_812 = arith.constant 761856 : i32
      %ge3A_813 = vector.broadcast %ge3A_812 : i32 to vector<16xi32>
      %ge3A_814 = arith.cmpi sge, %get3A_794, %ge3A_813 : vector<16xi32>
      %jit3A_815 = arith.constant 1 : i32
      %jit3A_816 = arith.constant 0 : i32
      %broadcast_in_dim3A_817 = vector.broadcast %jit3A_815 : i32 to vector<16xi32>
      %broadcast_in_dim3A_818 = vector.broadcast %jit3A_816 : i32 to vector<16xi32>
      %select_n3A_819 = arith.select %ge3A_814, %broadcast_in_dim3A_817, %broadcast_in_dim3A_818 : vector<16xi1>, vector<16xi32>
      %add3A_820 = arith.addi %add3A_811, %select_n3A_819 : vector<16xi32>
      %mul3A_821 = arith.constant 253952 : i32
      %mul3A_822 = vector.broadcast %mul3A_821 : i32 to vector<16xi32>
      %mul3A_823 = arith.muli %add3A_820, %mul3A_822 : vector<16xi32>
      %sub3A_824 = arith.subi %get3A_794, %mul3A_823 : vector<16xi32>
      %swap3A_825 = arith.constant 48 : index
      %swap3A_826 = tpu.vector_load %arg14[%swap3A_825] {strides = array<i32>} : memref<320xi32, #tpu.memory_space<vmem>>, vector<16xi32>,
      tpu.vector_store %arg14[%swap3A_825], %sub3A_824 {strides = array<i32>} : memref<320xi32, #tpu.memory_space<vmem>>, vector<16xi32>,
      %get3A_827 = arith.constant 64 : index
      %get3A_828 = tpu.vector_load %arg11[%get3A_827] {strides = array<i32>} : memref<320xi32, #tpu.memory_space<vmem>>, vector<16xi32>,
      %ge3A_829 = arith.constant 253952 : i32
      %ge3A_830 = vector.broadcast %ge3A_829 : i32 to vector<16xi32>
      %ge3A_831 = arith.cmpi sge, %get3A_828, %ge3A_830 : vector<16xi32>
      %jit3A_832 = arith.constant 1 : i32
      %jit3A_833 = arith.constant 0 : i32
      %broadcast_in_dim3A_834 = vector.broadcast %jit3A_832 : i32 to vector<16xi32>
      %broadcast_in_dim3A_835 = vector.broadcast %jit3A_833 : i32 to vector<16xi32>
      %select_n3A_836 = arith.select %ge3A_831, %broadcast_in_dim3A_834, %broadcast_in_dim3A_835 : vector<16xi1>, vector<16xi32>
      %ge3A_837 = arith.constant 507904 : i32
      %ge3A_838 = vector.broadcast %ge3A_837 : i32 to vector<16xi32>
      %ge3A_839 = arith.cmpi sge, %get3A_828, %ge3A_838 : vector<16xi32>
      %jit3A_840 = arith.constant 1 : i32
      %jit3A_841 = arith.constant 0 : i32
      %broadcast_in_dim3A_842 = vector.broadcast %jit3A_840 : i32 to vector<16xi32>
      %broadcast_in_dim3A_843 = vector.broadcast %jit3A_841 : i32 to vector<16xi32>
      %select_n3A_844 = arith.select %ge3A_839, %broadcast_in_dim3A_842, %broadcast_in_dim3A_843 : vector<16xi1>, vector<16xi32>
      %add3A_845 = arith.addi %select_n3A_836, %select_n3A_844 : vector<16xi32>
      %ge3A_846 = arith.constant 761856 : i32
      %ge3A_847 = vector.broadcast %ge3A_846 : i32 to vector<16xi32>
      %ge3A_848 = arith.cmpi sge, %get3A_828, %ge3A_847 : vector<16xi32>
      %jit3A_849 = arith.constant 1 : i32
      %jit3A_850 = arith.constant 0 : i32
      %broadcast_in_dim3A_851 = vector.broadcast %jit3A_849 : i32 to vector<16xi32>
      %broadcast_in_dim3A_852 = vector.broadcast %jit3A_850 : i32 to vector<16xi32>
      %select_n3A_853 = arith.select %ge3A_848, %broadcast_in_dim3A_851, %broadcast_in_dim3A_852 : vector<16xi1>, vector<16xi32>
      %add3A_854 = arith.addi %add3A_845, %select_n3A_853 : vector<16xi32>
      %mul3A_855 = arith.constant 253952 : i32
      %mul3A_856 = vector.broadcast %mul3A_855 : i32 to vector<16xi32>
      %mul3A_857 = arith.muli %add3A_854, %mul3A_856 : vector<16xi32>
      %sub3A_858 = arith.subi %get3A_828, %mul3A_857 : vector<16xi32>
      %swap3A_859 = arith.constant 64 : index
      %swap3A_860 = tpu.vector_load %arg14[%swap3A_859] {strides = array<i32>} : memref<320xi32, #tpu.memory_space<vmem>>, vector<16xi32>,
      tpu.vector_store %arg14[%swap3A_859], %sub3A_858 {strides = array<i32>} : memref<320xi32, #tpu.memory_space<vmem>>, vector<16xi32>,
      %get3A_861 = arith.constant 80 : index
      %get3A_862 = tpu.vector_load %arg11[%get3A_861] {strides = array<i32>} : memref<320xi32, #tpu.memory_space<vmem>>, vector<16xi32>,
      %ge3A_863 = arith.constant 253952 : i32
      %ge3A_864 = vector.broadcast %ge3A_863 : i32 to vector<16xi32>
      %ge3A_865 = arith.cmpi sge, %get3A_862, %ge3A_864 : vector<16xi32>
      %jit3A_866 = arith.constant 1 : i32
      %jit3A_867 = arith.constant 0 : i32
      %broadcast_in_dim3A_868 = vector.broadcast %jit3A_866 : i32 to vector<16xi32>
      %broadcast_in_dim3A_869 = vector.broadcast %jit3A_867 : i32 to vector<16xi32>
      %select_n3A_870 = arith.select %ge3A_865, %broadcast_in_dim3A_868, %broadcast_in_dim3A_869 : vector<16xi1>, vector<16xi32>
      %ge3A_871 = arith.constant 507904 : i32
      %ge3A_872 = vector.broadcast %ge3A_871 : i32 to vector<16xi32>
      %ge3A_873 = arith.cmpi sge, %get3A_862, %ge3A_872 : vector<16xi32>
      %jit3A_874 = arith.constant 1 : i32
      %jit3A_875 = arith.constant 0 : i32
      %broadcast_in_dim3A_876 = vector.broadcast %jit3A_874 : i32 to vector<16xi32>
      %broadcast_in_dim3A_877 = vector.broadcast %jit3A_875 : i32 to vector<16xi32>
      %select_n3A_878 = arith.select %ge3A_873, %broadcast_in_dim3A_876, %broadcast_in_dim3A_877 : vector<16xi1>, vector<16xi32>
      %add3A_879 = arith.addi %select_n3A_870, %select_n3A_878 : vector<16xi32>
      %ge3A_880 = arith.constant 761856 : i32
      %ge3A_881 = vector.broadcast %ge3A_880 : i32 to vector<16xi32>
      %ge3A_882 = arith.cmpi sge, %get3A_862, %ge3A_881 : vector<16xi32>
      %jit3A_883 = arith.constant 1 : i32
      %jit3A_884 = arith.constant 0 : i32
      %broadcast_in_dim3A_885 = vector.broadcast %jit3A_883 : i32 to vector<16xi32>
      %broadcast_in_dim3A_886 = vector.broadcast %jit3A_884 : i32 to vector<16xi32>
      %select_n3A_887 = arith.select %ge3A_882, %broadcast_in_dim3A_885, %broadcast_in_dim3A_886 : vector<16xi1>, vector<16xi32>
      %add3A_888 = arith.addi %add3A_879, %select_n3A_887 : vector<16xi32>
      %mul3A_889 = arith.constant 253952 : i32
      %mul3A_890 = vector.broadcast %mul3A_889 : i32 to vector<16xi32>
      %mul3A_891 = arith.muli %add3A_888, %mul3A_890 : vector<16xi32>
      %sub3A_892 = arith.subi %get3A_862, %mul3A_891 : vector<16xi32>
      %swap3A_893 = arith.constant 80 : index
      %swap3A_894 = tpu.vector_load %arg14[%swap3A_893] {strides = array<i32>} : memref<320xi32, #tpu.memory_space<vmem>>, vector<16xi32>,
      tpu.vector_store %arg14[%swap3A_893], %sub3A_892 {strides = array<i32>} : memref<320xi32, #tpu.memory_space<vmem>>, vector<16xi32>,
      %get3A_895 = arith.constant 96 : index
      %get3A_896 = tpu.vector_load %arg11[%get3A_895] {strides = array<i32>} : memref<320xi32, #tpu.memory_space<vmem>>, vector<16xi32>,
      %ge3A_897 = arith.constant 253952 : i32
      %ge3A_898 = vector.broadcast %ge3A_897 : i32 to vector<16xi32>
      %ge3A_899 = arith.cmpi sge, %get3A_896, %ge3A_898 : vector<16xi32>
      %jit3A_900 = arith.constant 1 : i32
      %jit3A_901 = arith.constant 0 : i32
      %broadcast_in_dim3A_902 = vector.broadcast %jit3A_900 : i32 to vector<16xi32>
      %broadcast_in_dim3A_903 = vector.broadcast %jit3A_901 : i32 to vector<16xi32>
      %select_n3A_904 = arith.select %ge3A_899, %broadcast_in_dim3A_902, %broadcast_in_dim3A_903 : vector<16xi1>, vector<16xi32>
      %ge3A_905 = arith.constant 507904 : i32
      %ge3A_906 = vector.broadcast %ge3A_905 : i32 to vector<16xi32>
      %ge3A_907 = arith.cmpi sge, %get3A_896, %ge3A_906 : vector<16xi32>
      %jit3A_908 = arith.constant 1 : i32
      %jit3A_909 = arith.constant 0 : i32
      %broadcast_in_dim3A_910 = vector.broadcast %jit3A_908 : i32 to vector<16xi32>
      %broadcast_in_dim3A_911 = vector.broadcast %jit3A_909 : i32 to vector<16xi32>
      %select_n3A_912 = arith.select %ge3A_907, %broadcast_in_dim3A_910, %broadcast_in_dim3A_911 : vector<16xi1>, vector<16xi32>
      %add3A_913 = arith.addi %select_n3A_904, %select_n3A_912 : vector<16xi32>
      %ge3A_914 = arith.constant 761856 : i32
      %ge3A_915 = vector.broadcast %ge3A_914 : i32 to vector<16xi32>
      %ge3A_916 = arith.cmpi sge, %get3A_896, %ge3A_915 : vector<16xi32>
      %jit3A_917 = arith.constant 1 : i32
      %jit3A_918 = arith.constant 0 : i32
      %broadcast_in_dim3A_919 = vector.broadcast %jit3A_917 : i32 to vector<16xi32>
      %broadcast_in_dim3A_920 = vector.broadcast %jit3A_918 : i32 to vector<16xi32>
      %select_n3A_921 = arith.select %ge3A_916, %broadcast_in_dim3A_919, %broadcast_in_dim3A_920 : vector<16xi1>, vector<16xi32>
      %add3A_922 = arith.addi %add3A_913, %select_n3A_921 : vector<16xi32>
      %mul3A_923 = arith.constant 253952 : i32
      %mul3A_924 = vector.broadcast %mul3A_923 : i32 to vector<16xi32>
      %mul3A_925 = arith.muli %add3A_922, %mul3A_924 : vector<16xi32>
      %sub3A_926 = arith.subi %get3A_896, %mul3A_925 : vector<16xi32>
      %swap3A_927 = arith.constant 96 : index
      %swap3A_928 = tpu.vector_load %arg14[%swap3A_927] {strides = array<i32>} : memref<320xi32, #tpu.memory_space<vmem>>, vector<16xi32>,
      tpu.vector_store %arg14[%swap3A_927], %sub3A_926 {strides = array<i32>} : memref<320xi32, #tpu.memory_space<vmem>>, vector<16xi32>,
      %get3A_929 = arith.constant 112 : index
      %get3A_930 = tpu.vector_load %arg11[%get3A_929] {strides = array<i32>} : memref<320xi32, #tpu.memory_space<vmem>>, vector<16xi32>,
      %ge3A_931 = arith.constant 253952 : i32
      %ge3A_932 = vector.broadcast %ge3A_931 : i32 to vector<16xi32>
      %ge3A_933 = arith.cmpi sge, %get3A_930, %ge3A_932 : vector<16xi32>
      %jit3A_934 = arith.constant 1 : i32
      %jit3A_935 = arith.constant 0 : i32
      %broadcast_in_dim3A_936 = vector.broadcast %jit3A_934 : i32 to vector<16xi32>
      %broadcast_in_dim3A_937 = vector.broadcast %jit3A_935 : i32 to vector<16xi32>
      %select_n3A_938 = arith.select %ge3A_933, %broadcast_in_dim3A_936, %broadcast_in_dim3A_937 : vector<16xi1>, vector<16xi32>
      %ge3A_939 = arith.constant 507904 : i32
      %ge3A_940 = vector.broadcast %ge3A_939 : i32 to vector<16xi32>
      %ge3A_941 = arith.cmpi sge, %get3A_930, %ge3A_940 : vector<16xi32>
      %jit3A_942 = arith.constant 1 : i32
      %jit3A_943 = arith.constant 0 : i32
      %broadcast_in_dim3A_944 = vector.broadcast %jit3A_942 : i32 to vector<16xi32>
      %broadcast_in_dim3A_945 = vector.broadcast %jit3A_943 : i32 to vector<16xi32>
      %select_n3A_946 = arith.select %ge3A_941, %broadcast_in_dim3A_944, %broadcast_in_dim3A_945 : vector<16xi1>, vector<16xi32>
      %add3A_947 = arith.addi %select_n3A_938, %select_n3A_946 : vector<16xi32>
      %ge3A_948 = arith.constant 761856 : i32
      %ge3A_949 = vector.broadcast %ge3A_948 : i32 to vector<16xi32>
      %ge3A_950 = arith.cmpi sge, %get3A_930, %ge3A_949 : vector<16xi32>
      %jit3A_951 = arith.constant 1 : i32
      %jit3A_952 = arith.constant 0 : i32
      %broadcast_in_dim3A_953 = vector.broadcast %jit3A_951 : i32 to vector<16xi32>
      %broadcast_in_dim3A_954 = vector.broadcast %jit3A_952 : i32 to vector<16xi32>
      %select_n3A_955 = arith.select %ge3A_950, %broadcast_in_dim3A_953, %broadcast_in_dim3A_954 : vector<16xi1>, vector<16xi32>
      %add3A_956 = arith.addi %add3A_947, %select_n3A_955 : vector<16xi32>
      %mul3A_957 = arith.constant 253952 : i32
      %mul3A_958 = vector.broadcast %mul3A_957 : i32 to vector<16xi32>
      %mul3A_959 = arith.muli %add3A_956, %mul3A_958 : vector<16xi32>
      %sub3A_960 = arith.subi %get3A_930, %mul3A_959 : vector<16xi32>
      %swap3A_961 = arith.constant 112 : index
      %swap3A_962 = tpu.vector_load %arg14[%swap3A_961] {strides = array<i32>} : memref<320xi32, #tpu.memory_space<vmem>>, vector<16xi32>,
      tpu.vector_store %arg14[%swap3A_961], %sub3A_960 {strides = array<i32>} : memref<320xi32, #tpu.memory_space<vmem>>, vector<16xi32>,
      %get3A_963 = arith.constant 128 : index
      %get3A_964 = tpu.vector_load %arg11[%get3A_963] {strides = array<i32>} : memref<320xi32, #tpu.memory_space<vmem>>, vector<16xi32>,
      %ge3A_965 = arith.constant 253952 : i32
      %ge3A_966 = vector.broadcast %ge3A_965 : i32 to vector<16xi32>
      %ge3A_967 = arith.cmpi sge, %get3A_964, %ge3A_966 : vector<16xi32>
      %jit3A_968 = arith.constant 1 : i32
      %jit3A_969 = arith.constant 0 : i32
      %broadcast_in_dim3A_970 = vector.broadcast %jit3A_968 : i32 to vector<16xi32>
      %broadcast_in_dim3A_971 = vector.broadcast %jit3A_969 : i32 to vector<16xi32>
      %select_n3A_972 = arith.select %ge3A_967, %broadcast_in_dim3A_970, %broadcast_in_dim3A_971 : vector<16xi1>, vector<16xi32>
      %ge3A_973 = arith.constant 507904 : i32
      %ge3A_974 = vector.broadcast %ge3A_973 : i32 to vector<16xi32>
      %ge3A_975 = arith.cmpi sge, %get3A_964, %ge3A_974 : vector<16xi32>
      %jit3A_976 = arith.constant 1 : i32
      %jit3A_977 = arith.constant 0 : i32
      %broadcast_in_dim3A_978 = vector.broadcast %jit3A_976 : i32 to vector<16xi32>
      %broadcast_in_dim3A_979 = vector.broadcast %jit3A_977 : i32 to vector<16xi32>
      %select_n3A_980 = arith.select %ge3A_975, %broadcast_in_dim3A_978, %broadcast_in_dim3A_979 : vector<16xi1>, vector<16xi32>
      %add3A_981 = arith.addi %select_n3A_972, %select_n3A_980 : vector<16xi32>
      %ge3A_982 = arith.constant 761856 : i32
      %ge3A_983 = vector.broadcast %ge3A_982 : i32 to vector<16xi32>
      %ge3A_984 = arith.cmpi sge, %get3A_964, %ge3A_983 : vector<16xi32>
      %jit3A_985 = arith.constant 1 : i32
      %jit3A_986 = arith.constant 0 : i32
      %broadcast_in_dim3A_987 = vector.broadcast %jit3A_985 : i32 to vector<16xi32>
      %broadcast_in_dim3A_988 = vector.broadcast %jit3A_986 : i32 to vector<16xi32>
      %select_n3A_989 = arith.select %ge3A_984, %broadcast_in_dim3A_987, %broadcast_in_dim3A_988 : vector<16xi1>, vector<16xi32>
      %add3A_990 = arith.addi %add3A_981, %select_n3A_989 : vector<16xi32>
      %mul3A_991 = arith.constant 253952 : i32
      %mul3A_992 = vector.broadcast %mul3A_991 : i32 to vector<16xi32>
      %mul3A_993 = arith.muli %add3A_990, %mul3A_992 : vector<16xi32>
      %sub3A_994 = arith.subi %get3A_964, %mul3A_993 : vector<16xi32>
      %swap3A_995 = arith.constant 128 : index
      %swap3A_996 = tpu.vector_load %arg14[%swap3A_995] {strides = array<i32>} : memref<320xi32, #tpu.memory_space<vmem>>, vector<16xi32>,
      tpu.vector_store %arg14[%swap3A_995], %sub3A_994 {strides = array<i32>} : memref<320xi32, #tpu.memory_space<vmem>>, vector<16xi32>,
      %get3A_997 = arith.constant 144 : index
      %get3A_998 = tpu.vector_load %arg11[%get3A_997] {strides = array<i32>} : memref<320xi32, #tpu.memory_space<vmem>>, vector<16xi32>,
      %ge3A_999 = arith.constant 253952 : i32
      %ge3A_1000 = vector.broadcast %ge3A_999 : i32 to vector<16xi32>
      %ge3A_1001 = arith.cmpi sge, %get3A_998, %ge3A_1000 : vector<16xi32>
      %jit3A_1002 = arith.constant 1 : i32
      %jit3A_1003 = arith.constant 0 : i32
      %broadcast_in_dim3A_1004 = vector.broadcast %jit3A_1002 : i32 to vector<16xi32>
      %broadcast_in_dim3A_1005 = vector.broadcast %jit3A_1003 : i32 to vector<16xi32>
      %select_n3A_1006 = arith.select %ge3A_1001, %broadcast_in_dim3A_1004, %broadcast_in_dim3A_1005 : vector<16xi1>, vector<16xi32>
      %ge3A_1007 = arith.constant 507904 : i32
      %ge3A_1008 = vector.broadcast %ge3A_1007 : i32 to vector<16xi32>
      %ge3A_1009 = arith.cmpi sge, %get3A_998, %ge3A_1008 : vector<16xi32>
      %jit3A_1010 = arith.constant 1 : i32
      %jit3A_1011 = arith.constant 0 : i32
      %broadcast_in_dim3A_1012 = vector.broadcast %jit3A_1010 : i32 to vector<16xi32>
      %broadcast_in_dim3A_1013 = vector.broadcast %jit3A_1011 : i32 to vector<16xi32>
      %select_n3A_1014 = arith.select %ge3A_1009, %broadcast_in_dim3A_1012, %broadcast_in_dim3A_1013 : vector<16xi1>, vector<16xi32>
      %add3A_1015 = arith.addi %select_n3A_1006, %select_n3A_1014 : vector<16xi32>
      %ge3A_1016 = arith.constant 761856 : i32
      %ge3A_1017 = vector.broadcast %ge3A_1016 : i32 to vector<16xi32>
      %ge3A_1018 = arith.cmpi sge, %get3A_998, %ge3A_1017 : vector<16xi32>
      %jit3A_1019 = arith.constant 1 : i32
      %jit3A_1020 = arith.constant 0 : i32
      %broadcast_in_dim3A_1021 = vector.broadcast %jit3A_1019 : i32 to vector<16xi32>
      %broadcast_in_dim3A_1022 = vector.broadcast %jit3A_1020 : i32 to vector<16xi32>
      %select_n3A_1023 = arith.select %ge3A_1018, %broadcast_in_dim3A_1021, %broadcast_in_dim3A_1022 : vector<16xi1>, vector<16xi32>
      %add3A_1024 = arith.addi %add3A_1015, %select_n3A_1023 : vector<16xi32>
      %mul3A_1025 = arith.constant 253952 : i32
      %mul3A_1026 = vector.broadcast %mul3A_1025 : i32 to vector<16xi32>
      %mul3A_1027 = arith.muli %add3A_1024, %mul3A_1026 : vector<16xi32>
      %sub3A_1028 = arith.subi %get3A_998, %mul3A_1027 : vector<16xi32>
      %swap3A_1029 = arith.constant 144 : index
      %swap3A_1030 = tpu.vector_load %arg14[%swap3A_1029] {strides = array<i32>} : memref<320xi32, #tpu.memory_space<vmem>>, vector<16xi32>,
      tpu.vector_store %arg14[%swap3A_1029], %sub3A_1028 {strides = array<i32>} : memref<320xi32, #tpu.memory_space<vmem>>, vector<16xi32>,
      %get3A_1031 = arith.constant 160 : index
      %get3A_1032 = tpu.vector_load %arg11[%get3A_1031] {strides = array<i32>} : memref<320xi32, #tpu.memory_space<vmem>>, vector<16xi32>,
      %ge3A_1033 = arith.constant 253952 : i32
      %ge3A_1034 = vector.broadcast %ge3A_1033 : i32 to vector<16xi32>
      %ge3A_1035 = arith.cmpi sge, %get3A_1032, %ge3A_1034 : vector<16xi32>
      %jit3A_1036 = arith.constant 1 : i32
      %jit3A_1037 = arith.constant 0 : i32
      %broadcast_in_dim3A_1038 = vector.broadcast %jit3A_1036 : i32 to vector<16xi32>
      %broadcast_in_dim3A_1039 = vector.broadcast %jit3A_1037 : i32 to vector<16xi32>
      %select_n3A_1040 = arith.select %ge3A_1035, %broadcast_in_dim3A_1038, %broadcast_in_dim3A_1039 : vector<16xi1>, vector<16xi32>
      %ge3A_1041 = arith.constant 507904 : i32
      %ge3A_1042 = vector.broadcast %ge3A_1041 : i32 to vector<16xi32>
      %ge3A_1043 = arith.cmpi sge, %get3A_1032, %ge3A_1042 : vector<16xi32>
      %jit3A_1044 = arith.constant 1 : i32
      %jit3A_1045 = arith.constant 0 : i32
      %broadcast_in_dim3A_1046 = vector.broadcast %jit3A_1044 : i32 to vector<16xi32>
      %broadcast_in_dim3A_1047 = vector.broadcast %jit3A_1045 : i32 to vector<16xi32>
      %select_n3A_1048 = arith.select %ge3A_1043, %broadcast_in_dim3A_1046, %broadcast_in_dim3A_1047 : vector<16xi1>, vector<16xi32>
      %add3A_1049 = arith.addi %select_n3A_1040, %select_n3A_1048 : vector<16xi32>
      %ge3A_1050 = arith.constant 761856 : i32
      %ge3A_1051 = vector.broadcast %ge3A_1050 : i32 to vector<16xi32>
      %ge3A_1052 = arith.cmpi sge, %get3A_1032, %ge3A_1051 : vector<16xi32>
      %jit3A_1053 = arith.constant 1 : i32
      %jit3A_1054 = arith.constant 0 : i32
      %broadcast_in_dim3A_1055 = vector.broadcast %jit3A_1053 : i32 to vector<16xi32>
      %broadcast_in_dim3A_1056 = vector.broadcast %jit3A_1054 : i32 to vector<16xi32>
      %select_n3A_1057 = arith.select %ge3A_1052, %broadcast_in_dim3A_1055, %broadcast_in_dim3A_1056 : vector<16xi1>, vector<16xi32>
      %add3A_1058 = arith.addi %add3A_1049, %select_n3A_1057 : vector<16xi32>
      %mul3A_1059 = arith.constant 253952 : i32
      %mul3A_1060 = vector.broadcast %mul3A_1059 : i32 to vector<16xi32>
      %mul3A_1061 = arith.muli %add3A_1058, %mul3A_1060 : vector<16xi32>
      %sub3A_1062 = arith.subi %get3A_1032, %mul3A_1061 : vector<16xi32>
      %swap3A_1063 = arith.constant 160 : index
      %swap3A_1064 = tpu.vector_load %arg14[%swap3A_1063] {strides = array<i32>} : memref<320xi32, #tpu.memory_space<vmem>>, vector<16xi32>,
      tpu.vector_store %arg14[%swap3A_1063], %sub3A_1062 {strides = array<i32>} : memref<320xi32, #tpu.memory_space<vmem>>, vector<16xi32>,
      %get3A_1065 = arith.constant 176 : index
      %get3A_1066 = tpu.vector_load %arg11[%get3A_1065] {strides = array<i32>} : memref<320xi32, #tpu.memory_space<vmem>>, vector<16xi32>,
      %ge3A_1067 = arith.constant 253952 : i32
      %ge3A_1068 = vector.broadcast %ge3A_1067 : i32 to vector<16xi32>
      %ge3A_1069 = arith.cmpi sge, %get3A_1066, %ge3A_1068 : vector<16xi32>
      %jit3A_1070 = arith.constant 1 : i32
      %jit3A_1071 = arith.constant 0 : i32
      %broadcast_in_dim3A_1072 = vector.broadcast %jit3A_1070 : i32 to vector<16xi32>
      %broadcast_in_dim3A_1073 = vector.broadcast %jit3A_1071 : i32 to vector<16xi32>
      %select_n3A_1074 = arith.select %ge3A_1069, %broadcast_in_dim3A_1072, %broadcast_in_dim3A_1073 : vector<16xi1>, vector<16xi32>
      %ge3A_1075 = arith.constant 507904 : i32
      %ge3A_1076 = vector.broadcast %ge3A_1075 : i32 to vector<16xi32>
      %ge3A_1077 = arith.cmpi sge, %get3A_1066, %ge3A_1076 : vector<16xi32>
      %jit3A_1078 = arith.constant 1 : i32
      %jit3A_1079 = arith.constant 0 : i32
      %broadcast_in_dim3A_1080 = vector.broadcast %jit3A_1078 : i32 to vector<16xi32>
      %broadcast_in_dim3A_1081 = vector.broadcast %jit3A_1079 : i32 to vector<16xi32>
      %select_n3A_1082 = arith.select %ge3A_1077, %broadcast_in_dim3A_1080, %broadcast_in_dim3A_1081 : vector<16xi1>, vector<16xi32>
      %add3A_1083 = arith.addi %select_n3A_1074, %select_n3A_1082 : vector<16xi32>
      %ge3A_1084 = arith.constant 761856 : i32
      %ge3A_1085 = vector.broadcast %ge3A_1084 : i32 to vector<16xi32>
      %ge3A_1086 = arith.cmpi sge, %get3A_1066, %ge3A_1085 : vector<16xi32>
      %jit3A_1087 = arith.constant 1 : i32
      %jit3A_1088 = arith.constant 0 : i32
      %broadcast_in_dim3A_1089 = vector.broadcast %jit3A_1087 : i32 to vector<16xi32>
      %broadcast_in_dim3A_1090 = vector.broadcast %jit3A_1088 : i32 to vector<16xi32>
      %select_n3A_1091 = arith.select %ge3A_1086, %broadcast_in_dim3A_1089, %broadcast_in_dim3A_1090 : vector<16xi1>, vector<16xi32>
      %add3A_1092 = arith.addi %add3A_1083, %select_n3A_1091 : vector<16xi32>
      %mul3A_1093 = arith.constant 253952 : i32
      %mul3A_1094 = vector.broadcast %mul3A_1093 : i32 to vector<16xi32>
      %mul3A_1095 = arith.muli %add3A_1092, %mul3A_1094 : vector<16xi32>
      %sub3A_1096 = arith.subi %get3A_1066, %mul3A_1095 : vector<16xi32>
      %swap3A_1097 = arith.constant 176 : index
      %swap3A_1098 = tpu.vector_load %arg14[%swap3A_1097] {strides = array<i32>} : memref<320xi32, #tpu.memory_space<vmem>>, vector<16xi32>,
      tpu.vector_store %arg14[%swap3A_1097], %sub3A_1096 {strides = array<i32>} : memref<320xi32, #tpu.memory_space<vmem>>, vector<16xi32>,
      %get3A_1099 = arith.constant 192 : index
      %get3A_1100 = tpu.vector_load %arg11[%get3A_1099] {strides = array<i32>} : memref<320xi32, #tpu.memory_space<vmem>>, vector<16xi32>,
      %ge3A_1101 = arith.constant 253952 : i32
      %ge3A_1102 = vector.broadcast %ge3A_1101 : i32 to vector<16xi32>
      %ge3A_1103 = arith.cmpi sge, %get3A_1100, %ge3A_1102 : vector<16xi32>
      %jit3A_1104 = arith.constant 1 : i32
      %jit3A_1105 = arith.constant 0 : i32
      %broadcast_in_dim3A_1106 = vector.broadcast %jit3A_1104 : i32 to vector<16xi32>
      %broadcast_in_dim3A_1107 = vector.broadcast %jit3A_1105 : i32 to vector<16xi32>
      %select_n3A_1108 = arith.select %ge3A_1103, %broadcast_in_dim3A_1106, %broadcast_in_dim3A_1107 : vector<16xi1>, vector<16xi32>
      %ge3A_1109 = arith.constant 507904 : i32
      %ge3A_1110 = vector.broadcast %ge3A_1109 : i32 to vector<16xi32>
      %ge3A_1111 = arith.cmpi sge, %get3A_1100, %ge3A_1110 : vector<16xi32>
      %jit3A_1112 = arith.constant 1 : i32
      %jit3A_1113 = arith.constant 0 : i32
      %broadcast_in_dim3A_1114 = vector.broadcast %jit3A_1112 : i32 to vector<16xi32>
      %broadcast_in_dim3A_1115 = vector.broadcast %jit3A_1113 : i32 to vector<16xi32>
      %select_n3A_1116 = arith.select %ge3A_1111, %broadcast_in_dim3A_1114, %broadcast_in_dim3A_1115 : vector<16xi1>, vector<16xi32>
      %add3A_1117 = arith.addi %select_n3A_1108, %select_n3A_1116 : vector<16xi32>
      %ge3A_1118 = arith.constant 761856 : i32
      %ge3A_1119 = vector.broadcast %ge3A_1118 : i32 to vector<16xi32>
      %ge3A_1120 = arith.cmpi sge, %get3A_1100, %ge3A_1119 : vector<16xi32>
      %jit3A_1121 = arith.constant 1 : i32
      %jit3A_1122 = arith.constant 0 : i32
      %broadcast_in_dim3A_1123 = vector.broadcast %jit3A_1121 : i32 to vector<16xi32>
      %broadcast_in_dim3A_1124 = vector.broadcast %jit3A_1122 : i32 to vector<16xi32>
      %select_n3A_1125 = arith.select %ge3A_1120, %broadcast_in_dim3A_1123, %broadcast_in_dim3A_1124 : vector<16xi1>, vector<16xi32>
      %add3A_1126 = arith.addi %add3A_1117, %select_n3A_1125 : vector<16xi32>
      %mul3A_1127 = arith.constant 253952 : i32
      %mul3A_1128 = vector.broadcast %mul3A_1127 : i32 to vector<16xi32>
      %mul3A_1129 = arith.muli %add3A_1126, %mul3A_1128 : vector<16xi32>
      %sub3A_1130 = arith.subi %get3A_1100, %mul3A_1129 : vector<16xi32>
      %swap3A_1131 = arith.constant 192 : index
      %swap3A_1132 = tpu.vector_load %arg14[%swap3A_1131] {strides = array<i32>} : memref<320xi32, #tpu.memory_space<vmem>>, vector<16xi32>,
      tpu.vector_store %arg14[%swap3A_1131], %sub3A_1130 {strides = array<i32>} : memref<320xi32, #tpu.memory_space<vmem>>, vector<16xi32>,
      %get3A_1133 = arith.constant 208 : index
      %get3A_1134 = tpu.vector_load %arg11[%get3A_1133] {strides = array<i32>} : memref<320xi32, #tpu.memory_space<vmem>>, vector<16xi32>,
      %ge3A_1135 = arith.constant 253952 : i32
      %ge3A_1136 = vector.broadcast %ge3A_1135 : i32 to vector<16xi32>
      %ge3A_1137 = arith.cmpi sge, %get3A_1134, %ge3A_1136 : vector<16xi32>
      %jit3A_1138 = arith.constant 1 : i32
      %jit3A_1139 = arith.constant 0 : i32
      %broadcast_in_dim3A_1140 = vector.broadcast %jit3A_1138 : i32 to vector<16xi32>
      %broadcast_in_dim3A_1141 = vector.broadcast %jit3A_1139 : i32 to vector<16xi32>
      %select_n3A_1142 = arith.select %ge3A_1137, %broadcast_in_dim3A_1140, %broadcast_in_dim3A_1141 : vector<16xi1>, vector<16xi32>
      %ge3A_1143 = arith.constant 507904 : i32
      %ge3A_1144 = vector.broadcast %ge3A_1143 : i32 to vector<16xi32>
      %ge3A_1145 = arith.cmpi sge, %get3A_1134, %ge3A_1144 : vector<16xi32>
      %jit3A_1146 = arith.constant 1 : i32
      %jit3A_1147 = arith.constant 0 : i32
      %broadcast_in_dim3A_1148 = vector.broadcast %jit3A_1146 : i32 to vector<16xi32>
      %broadcast_in_dim3A_1149 = vector.broadcast %jit3A_1147 : i32 to vector<16xi32>
      %select_n3A_1150 = arith.select %ge3A_1145, %broadcast_in_dim3A_1148, %broadcast_in_dim3A_1149 : vector<16xi1>, vector<16xi32>
      %add3A_1151 = arith.addi %select_n3A_1142, %select_n3A_1150 : vector<16xi32>
      %ge3A_1152 = arith.constant 761856 : i32
      %ge3A_1153 = vector.broadcast %ge3A_1152 : i32 to vector<16xi32>
      %ge3A_1154 = arith.cmpi sge, %get3A_1134, %ge3A_1153 : vector<16xi32>
      %jit3A_1155 = arith.constant 1 : i32
      %jit3A_1156 = arith.constant 0 : i32
      %broadcast_in_dim3A_1157 = vector.broadcast %jit3A_1155 : i32 to vector<16xi32>
      %broadcast_in_dim3A_1158 = vector.broadcast %jit3A_1156 : i32 to vector<16xi32>
      %select_n3A_1159 = arith.select %ge3A_1154, %broadcast_in_dim3A_1157, %broadcast_in_dim3A_1158 : vector<16xi1>, vector<16xi32>
      %add3A_1160 = arith.addi %add3A_1151, %select_n3A_1159 : vector<16xi32>
      %mul3A_1161 = arith.constant 253952 : i32
      %mul3A_1162 = vector.broadcast %mul3A_1161 : i32 to vector<16xi32>
      %mul3A_1163 = arith.muli %add3A_1160, %mul3A_1162 : vector<16xi32>
      %sub3A_1164 = arith.subi %get3A_1134, %mul3A_1163 : vector<16xi32>
      %swap3A_1165 = arith.constant 208 : index
      %swap3A_1166 = tpu.vector_load %arg14[%swap3A_1165] {strides = array<i32>} : memref<320xi32, #tpu.memory_space<vmem>>, vector<16xi32>,
      tpu.vector_store %arg14[%swap3A_1165], %sub3A_1164 {strides = array<i32>} : memref<320xi32, #tpu.memory_space<vmem>>, vector<16xi32>,
      %get3A_1167 = arith.constant 224 : index
      %get3A_1168 = tpu.vector_load %arg11[%get3A_1167] {strides = array<i32>} : memref<320xi32, #tpu.memory_space<vmem>>, vector<16xi32>,
      %ge3A_1169 = arith.constant 253952 : i32
      %ge3A_1170 = vector.broadcast %ge3A_1169 : i32 to vector<16xi32>
      %ge3A_1171 = arith.cmpi sge, %get3A_1168, %ge3A_1170 : vector<16xi32>
      %jit3A_1172 = arith.constant 1 : i32
      %jit3A_1173 = arith.constant 0 : i32
      %broadcast_in_dim3A_1174 = vector.broadcast %jit3A_1172 : i32 to vector<16xi32>
      %broadcast_in_dim3A_1175 = vector.broadcast %jit3A_1173 : i32 to vector<16xi32>
      %select_n3A_1176 = arith.select %ge3A_1171, %broadcast_in_dim3A_1174, %broadcast_in_dim3A_1175 : vector<16xi1>, vector<16xi32>
      %ge3A_1177 = arith.constant 507904 : i32
      %ge3A_1178 = vector.broadcast %ge3A_1177 : i32 to vector<16xi32>
      %ge3A_1179 = arith.cmpi sge, %get3A_1168, %ge3A_1178 : vector<16xi32>
      %jit3A_1180 = arith.constant 1 : i32
      %jit3A_1181 = arith.constant 0 : i32
      %broadcast_in_dim3A_1182 = vector.broadcast %jit3A_1180 : i32 to vector<16xi32>
      %broadcast_in_dim3A_1183 = vector.broadcast %jit3A_1181 : i32 to vector<16xi32>
      %select_n3A_1184 = arith.select %ge3A_1179, %broadcast_in_dim3A_1182, %broadcast_in_dim3A_1183 : vector<16xi1>, vector<16xi32>
      %add3A_1185 = arith.addi %select_n3A_1176, %select_n3A_1184 : vector<16xi32>
      %ge3A_1186 = arith.constant 761856 : i32
      %ge3A_1187 = vector.broadcast %ge3A_1186 : i32 to vector<16xi32>
      %ge3A_1188 = arith.cmpi sge, %get3A_1168, %ge3A_1187 : vector<16xi32>
      %jit3A_1189 = arith.constant 1 : i32
      %jit3A_1190 = arith.constant 0 : i32
      %broadcast_in_dim3A_1191 = vector.broadcast %jit3A_1189 : i32 to vector<16xi32>
      %broadcast_in_dim3A_1192 = vector.broadcast %jit3A_1190 : i32 to vector<16xi32>
      %select_n3A_1193 = arith.select %ge3A_1188, %broadcast_in_dim3A_1191, %broadcast_in_dim3A_1192 : vector<16xi1>, vector<16xi32>
      %add3A_1194 = arith.addi %add3A_1185, %select_n3A_1193 : vector<16xi32>
      %mul3A_1195 = arith.constant 253952 : i32
      %mul3A_1196 = vector.broadcast %mul3A_1195 : i32 to vector<16xi32>
      %mul3A_1197 = arith.muli %add3A_1194, %mul3A_1196 : vector<16xi32>
      %sub3A_1198 = arith.subi %get3A_1168, %mul3A_1197 : vector<16xi32>
      %swap3A_1199 = arith.constant 224 : index
      %swap3A_1200 = tpu.vector_load %arg14[%swap3A_1199] {strides = array<i32>} : memref<320xi32, #tpu.memory_space<vmem>>, vector<16xi32>,
      tpu.vector_store %arg14[%swap3A_1199], %sub3A_1198 {strides = array<i32>} : memref<320xi32, #tpu.memory_space<vmem>>, vector<16xi32>,
      %get3A_1201 = arith.constant 240 : index
      %get3A_1202 = tpu.vector_load %arg11[%get3A_1201] {strides = array<i32>} : memref<320xi32, #tpu.memory_space<vmem>>, vector<16xi32>,
      %ge3A_1203 = arith.constant 253952 : i32
      %ge3A_1204 = vector.broadcast %ge3A_1203 : i32 to vector<16xi32>
      %ge3A_1205 = arith.cmpi sge, %get3A_1202, %ge3A_1204 : vector<16xi32>
      %jit3A_1206 = arith.constant 1 : i32
      %jit3A_1207 = arith.constant 0 : i32
      %broadcast_in_dim3A_1208 = vector.broadcast %jit3A_1206 : i32 to vector<16xi32>
      %broadcast_in_dim3A_1209 = vector.broadcast %jit3A_1207 : i32 to vector<16xi32>
      %select_n3A_1210 = arith.select %ge3A_1205, %broadcast_in_dim3A_1208, %broadcast_in_dim3A_1209 : vector<16xi1>, vector<16xi32>
      %ge3A_1211 = arith.constant 507904 : i32
      %ge3A_1212 = vector.broadcast %ge3A_1211 : i32 to vector<16xi32>
      %ge3A_1213 = arith.cmpi sge, %get3A_1202, %ge3A_1212 : vector<16xi32>
      %jit3A_1214 = arith.constant 1 : i32
      %jit3A_1215 = arith.constant 0 : i32
      %broadcast_in_dim3A_1216 = vector.broadcast %jit3A_1214 : i32 to vector<16xi32>
      %broadcast_in_dim3A_1217 = vector.broadcast %jit3A_1215 : i32 to vector<16xi32>
      %select_n3A_1218 = arith.select %ge3A_1213, %broadcast_in_dim3A_1216, %broadcast_in_dim3A_1217 : vector<16xi1>, vector<16xi32>
      %add3A_1219 = arith.addi %select_n3A_1210, %select_n3A_1218 : vector<16xi32>
      %ge3A_1220 = arith.constant 761856 : i32
      %ge3A_1221 = vector.broadcast %ge3A_1220 : i32 to vector<16xi32>
      %ge3A_1222 = arith.cmpi sge, %get3A_1202, %ge3A_1221 : vector<16xi32>
      %jit3A_1223 = arith.constant 1 : i32
      %jit3A_1224 = arith.constant 0 : i32
      %broadcast_in_dim3A_1225 = vector.broadcast %jit3A_1223 : i32 to vector<16xi32>
      %broadcast_in_dim3A_1226 = vector.broadcast %jit3A_1224 : i32 to vector<16xi32>
      %select_n3A_1227 = arith.select %ge3A_1222, %broadcast_in_dim3A_1225, %broadcast_in_dim3A_1226 : vector<16xi1>, vector<16xi32>
      %add3A_1228 = arith.addi %add3A_1219, %select_n3A_1227 : vector<16xi32>
      %mul3A_1229 = arith.constant 253952 : i32
      %mul3A_1230 = vector.broadcast %mul3A_1229 : i32 to vector<16xi32>
      %mul3A_1231 = arith.muli %add3A_1228, %mul3A_1230 : vector<16xi32>
      %sub3A_1232 = arith.subi %get3A_1202, %mul3A_1231 : vector<16xi32>
      %swap3A_1233 = arith.constant 240 : index
      %swap3A_1234 = tpu.vector_load %arg14[%swap3A_1233] {strides = array<i32>} : memref<320xi32, #tpu.memory_space<vmem>>, vector<16xi32>,
      tpu.vector_store %arg14[%swap3A_1233], %sub3A_1232 {strides = array<i32>} : memref<320xi32, #tpu.memory_space<vmem>>, vector<16xi32>,
      %get3A_1235 = arith.constant 256 : index
      %get3A_1236 = tpu.vector_load %arg11[%get3A_1235] {strides = array<i32>} : memref<320xi32, #tpu.memory_space<vmem>>, vector<16xi32>,
      %ge3A_1237 = arith.constant 253952 : i32
      %ge3A_1238 = vector.broadcast %ge3A_1237 : i32 to vector<16xi32>
      %ge3A_1239 = arith.cmpi sge, %get3A_1236, %ge3A_1238 : vector<16xi32>
      %jit3A_1240 = arith.constant 1 : i32
      %jit3A_1241 = arith.constant 0 : i32
      %broadcast_in_dim3A_1242 = vector.broadcast %jit3A_1240 : i32 to vector<16xi32>
      %broadcast_in_dim3A_1243 = vector.broadcast %jit3A_1241 : i32 to vector<16xi32>
      %select_n3A_1244 = arith.select %ge3A_1239, %broadcast_in_dim3A_1242, %broadcast_in_dim3A_1243 : vector<16xi1>, vector<16xi32>
      %ge3A_1245 = arith.constant 507904 : i32
      %ge3A_1246 = vector.broadcast %ge3A_1245 : i32 to vector<16xi32>
      %ge3A_1247 = arith.cmpi sge, %get3A_1236, %ge3A_1246 : vector<16xi32>
      %jit3A_1248 = arith.constant 1 : i32
      %jit3A_1249 = arith.constant 0 : i32
      %broadcast_in_dim3A_1250 = vector.broadcast %jit3A_1248 : i32 to vector<16xi32>
      %broadcast_in_dim3A_1251 = vector.broadcast %jit3A_1249 : i32 to vector<16xi32>
      %select_n3A_1252 = arith.select %ge3A_1247, %broadcast_in_dim3A_1250, %broadcast_in_dim3A_1251 : vector<16xi1>, vector<16xi32>
      %add3A_1253 = arith.addi %select_n3A_1244, %select_n3A_1252 : vector<16xi32>
      %ge3A_1254 = arith.constant 761856 : i32
      %ge3A_1255 = vector.broadcast %ge3A_1254 : i32 to vector<16xi32>
      %ge3A_1256 = arith.cmpi sge, %get3A_1236, %ge3A_1255 : vector<16xi32>
      %jit3A_1257 = arith.constant 1 : i32
      %jit3A_1258 = arith.constant 0 : i32
      %broadcast_in_dim3A_1259 = vector.broadcast %jit3A_1257 : i32 to vector<16xi32>
      %broadcast_in_dim3A_1260 = vector.broadcast %jit3A_1258 : i32 to vector<16xi32>
      %select_n3A_1261 = arith.select %ge3A_1256, %broadcast_in_dim3A_1259, %broadcast_in_dim3A_1260 : vector<16xi1>, vector<16xi32>
      %add3A_1262 = arith.addi %add3A_1253, %select_n3A_1261 : vector<16xi32>
      %mul3A_1263 = arith.constant 253952 : i32
      %mul3A_1264 = vector.broadcast %mul3A_1263 : i32 to vector<16xi32>
      %mul3A_1265 = arith.muli %add3A_1262, %mul3A_1264 : vector<16xi32>
      %sub3A_1266 = arith.subi %get3A_1236, %mul3A_1265 : vector<16xi32>
      %swap3A_1267 = arith.constant 256 : index
      %swap3A_1268 = tpu.vector_load %arg14[%swap3A_1267] {strides = array<i32>} : memref<320xi32, #tpu.memory_space<vmem>>, vector<16xi32>,
      tpu.vector_store %arg14[%swap3A_1267], %sub3A_1266 {strides = array<i32>} : memref<320xi32, #tpu.memory_space<vmem>>, vector<16xi32>,
      %get3A_1269 = arith.constant 272 : index
      %get3A_1270 = tpu.vector_load %arg11[%get3A_1269] {strides = array<i32>} : memref<320xi32, #tpu.memory_space<vmem>>, vector<16xi32>,
      %ge3A_1271 = arith.constant 253952 : i32
      %ge3A_1272 = vector.broadcast %ge3A_1271 : i32 to vector<16xi32>
      %ge3A_1273 = arith.cmpi sge, %get3A_1270, %ge3A_1272 : vector<16xi32>
      %jit3A_1274 = arith.constant 1 : i32
      %jit3A_1275 = arith.constant 0 : i32
      %broadcast_in_dim3A_1276 = vector.broadcast %jit3A_1274 : i32 to vector<16xi32>
      %broadcast_in_dim3A_1277 = vector.broadcast %jit3A_1275 : i32 to vector<16xi32>
      %select_n3A_1278 = arith.select %ge3A_1273, %broadcast_in_dim3A_1276, %broadcast_in_dim3A_1277 : vector<16xi1>, vector<16xi32>
      %ge3A_1279 = arith.constant 507904 : i32
      %ge3A_1280 = vector.broadcast %ge3A_1279 : i32 to vector<16xi32>
      %ge3A_1281 = arith.cmpi sge, %get3A_1270, %ge3A_1280 : vector<16xi32>
      %jit3A_1282 = arith.constant 1 : i32
      %jit3A_1283 = arith.constant 0 : i32
      %broadcast_in_dim3A_1284 = vector.broadcast %jit3A_1282 : i32 to vector<16xi32>
      %broadcast_in_dim3A_1285 = vector.broadcast %jit3A_1283 : i32 to vector<16xi32>
      %select_n3A_1286 = arith.select %ge3A_1281, %broadcast_in_dim3A_1284, %broadcast_in_dim3A_1285 : vector<16xi1>, vector<16xi32>
      %add3A_1287 = arith.addi %select_n3A_1278, %select_n3A_1286 : vector<16xi32>
      %ge3A_1288 = arith.constant 761856 : i32
      %ge3A_1289 = vector.broadcast %ge3A_1288 : i32 to vector<16xi32>
      %ge3A_1290 = arith.cmpi sge, %get3A_1270, %ge3A_1289 : vector<16xi32>
      %jit3A_1291 = arith.constant 1 : i32
      %jit3A_1292 = arith.constant 0 : i32
      %broadcast_in_dim3A_1293 = vector.broadcast %jit3A_1291 : i32 to vector<16xi32>
      %broadcast_in_dim3A_1294 = vector.broadcast %jit3A_1292 : i32 to vector<16xi32>
      %select_n3A_1295 = arith.select %ge3A_1290, %broadcast_in_dim3A_1293, %broadcast_in_dim3A_1294 : vector<16xi1>, vector<16xi32>
      %add3A_1296 = arith.addi %add3A_1287, %select_n3A_1295 : vector<16xi32>
      %mul3A_1297 = arith.constant 253952 : i32
      %mul3A_1298 = vector.broadcast %mul3A_1297 : i32 to vector<16xi32>
      %mul3A_1299 = arith.muli %add3A_1296, %mul3A_1298 : vector<16xi32>
      %sub3A_1300 = arith.subi %get3A_1270, %mul3A_1299 : vector<16xi32>
      %swap3A_1301 = arith.constant 272 : index
      %swap3A_1302 = tpu.vector_load %arg14[%swap3A_1301] {strides = array<i32>} : memref<320xi32, #tpu.memory_space<vmem>>, vector<16xi32>,
      tpu.vector_store %arg14[%swap3A_1301], %sub3A_1300 {strides = array<i32>} : memref<320xi32, #tpu.memory_space<vmem>>, vector<16xi32>,
      %get3A_1303 = arith.constant 288 : index
      %get3A_1304 = tpu.vector_load %arg11[%get3A_1303] {strides = array<i32>} : memref<320xi32, #tpu.memory_space<vmem>>, vector<16xi32>,
      %ge3A_1305 = arith.constant 253952 : i32
      %ge3A_1306 = vector.broadcast %ge3A_1305 : i32 to vector<16xi32>
      %ge3A_1307 = arith.cmpi sge, %get3A_1304, %ge3A_1306 : vector<16xi32>
      %jit3A_1308 = arith.constant 1 : i32
      %jit3A_1309 = arith.constant 0 : i32
      %broadcast_in_dim3A_1310 = vector.broadcast %jit3A_1308 : i32 to vector<16xi32>
      %broadcast_in_dim3A_1311 = vector.broadcast %jit3A_1309 : i32 to vector<16xi32>
      %select_n3A_1312 = arith.select %ge3A_1307, %broadcast_in_dim3A_1310, %broadcast_in_dim3A_1311 : vector<16xi1>, vector<16xi32>
      %ge3A_1313 = arith.constant 507904 : i32
      %ge3A_1314 = vector.broadcast %ge3A_1313 : i32 to vector<16xi32>
      %ge3A_1315 = arith.cmpi sge, %get3A_1304, %ge3A_1314 : vector<16xi32>
      %jit3A_1316 = arith.constant 1 : i32
      %jit3A_1317 = arith.constant 0 : i32
      %broadcast_in_dim3A_1318 = vector.broadcast %jit3A_1316 : i32 to vector<16xi32>
      %broadcast_in_dim3A_1319 = vector.broadcast %jit3A_1317 : i32 to vector<16xi32>
      %select_n3A_1320 = arith.select %ge3A_1315, %broadcast_in_dim3A_1318, %broadcast_in_dim3A_1319 : vector<16xi1>, vector<16xi32>
      %add3A_1321 = arith.addi %select_n3A_1312, %select_n3A_1320 : vector<16xi32>
      %ge3A_1322 = arith.constant 761856 : i32
      %ge3A_1323 = vector.broadcast %ge3A_1322 : i32 to vector<16xi32>
      %ge3A_1324 = arith.cmpi sge, %get3A_1304, %ge3A_1323 : vector<16xi32>
      %jit3A_1325 = arith.constant 1 : i32
      %jit3A_1326 = arith.constant 0 : i32
      %broadcast_in_dim3A_1327 = vector.broadcast %jit3A_1325 : i32 to vector<16xi32>
      %broadcast_in_dim3A_1328 = vector.broadcast %jit3A_1326 : i32 to vector<16xi32>
      %select_n3A_1329 = arith.select %ge3A_1324, %broadcast_in_dim3A_1327, %broadcast_in_dim3A_1328 : vector<16xi1>, vector<16xi32>
      %add3A_1330 = arith.addi %add3A_1321, %select_n3A_1329 : vector<16xi32>
      %mul3A_1331 = arith.constant 253952 : i32
      %mul3A_1332 = vector.broadcast %mul3A_1331 : i32 to vector<16xi32>
      %mul3A_1333 = arith.muli %add3A_1330, %mul3A_1332 : vector<16xi32>
      %sub3A_1334 = arith.subi %get3A_1304, %mul3A_1333 : vector<16xi32>
      %swap3A_1335 = arith.constant 288 : index
      %swap3A_1336 = tpu.vector_load %arg14[%swap3A_1335] {strides = array<i32>} : memref<320xi32, #tpu.memory_space<vmem>>, vector<16xi32>,
      tpu.vector_store %arg14[%swap3A_1335], %sub3A_1334 {strides = array<i32>} : memref<320xi32, #tpu.memory_space<vmem>>, vector<16xi32>,
      %get3A_1337 = arith.constant 304 : index
      %get3A_1338 = tpu.vector_load %arg11[%get3A_1337] {strides = array<i32>} : memref<320xi32, #tpu.memory_space<vmem>>, vector<16xi32>,
      %ge3A_1339 = arith.constant 253952 : i32
      %ge3A_1340 = vector.broadcast %ge3A_1339 : i32 to vector<16xi32>
      %ge3A_1341 = arith.cmpi sge, %get3A_1338, %ge3A_1340 : vector<16xi32>
      %jit3A_1342 = arith.constant 1 : i32
      %jit3A_1343 = arith.constant 0 : i32
      %broadcast_in_dim3A_1344 = vector.broadcast %jit3A_1342 : i32 to vector<16xi32>
      %broadcast_in_dim3A_1345 = vector.broadcast %jit3A_1343 : i32 to vector<16xi32>
      %select_n3A_1346 = arith.select %ge3A_1341, %broadcast_in_dim3A_1344, %broadcast_in_dim3A_1345 : vector<16xi1>, vector<16xi32>
      %ge3A_1347 = arith.constant 507904 : i32
      %ge3A_1348 = vector.broadcast %ge3A_1347 : i32 to vector<16xi32>
      %ge3A_1349 = arith.cmpi sge, %get3A_1338, %ge3A_1348 : vector<16xi32>
      %jit3A_1350 = arith.constant 1 : i32
      %jit3A_1351 = arith.constant 0 : i32
      %broadcast_in_dim3A_1352 = vector.broadcast %jit3A_1350 : i32 to vector<16xi32>
      %broadcast_in_dim3A_1353 = vector.broadcast %jit3A_1351 : i32 to vector<16xi32>
      %select_n3A_1354 = arith.select %ge3A_1349, %broadcast_in_dim3A_1352, %broadcast_in_dim3A_1353 : vector<16xi1>, vector<16xi32>
      %add3A_1355 = arith.addi %select_n3A_1346, %select_n3A_1354 : vector<16xi32>
      %ge3A_1356 = arith.constant 761856 : i32
      %ge3A_1357 = vector.broadcast %ge3A_1356 : i32 to vector<16xi32>
      %ge3A_1358 = arith.cmpi sge, %get3A_1338, %ge3A_1357 : vector<16xi32>
      %jit3A_1359 = arith.constant 1 : i32
      %jit3A_1360 = arith.constant 0 : i32
      %broadcast_in_dim3A_1361 = vector.broadcast %jit3A_1359 : i32 to vector<16xi32>
      %broadcast_in_dim3A_1362 = vector.broadcast %jit3A_1360 : i32 to vector<16xi32>
      %select_n3A_1363 = arith.select %ge3A_1358, %broadcast_in_dim3A_1361, %broadcast_in_dim3A_1362 : vector<16xi1>, vector<16xi32>
      %add3A_1364 = arith.addi %add3A_1355, %select_n3A_1363 : vector<16xi32>
      %mul3A_1365 = arith.constant 253952 : i32
      %mul3A_1366 = vector.broadcast %mul3A_1365 : i32 to vector<16xi32>
      %mul3A_1367 = arith.muli %add3A_1364, %mul3A_1366 : vector<16xi32>
      %sub3A_1368 = arith.subi %get3A_1338, %mul3A_1367 : vector<16xi32>
      %swap3A_1369 = arith.constant 304 : index
      %swap3A_1370 = tpu.vector_load %arg14[%swap3A_1369] {strides = array<i32>} : memref<320xi32, #tpu.memory_space<vmem>>, vector<16xi32>,
      tpu.vector_store %arg14[%swap3A_1369], %sub3A_1368 {strides = array<i32>} : memref<320xi32, #tpu.memory_space<vmem>>, vector<16xi32>,
      %dma_start3A = arith.constant 0 : i32
      %dma_start3A_1371 = arith.constant 0 : i32
      %dma_start3A_1372 = tpu.memref_slice %arg2[%dma_start3A, %dma_start3A_1371] : memref<253952x128xf32, #tpu.memory_space<hbm>> -> memref<253952x128xf32, #tpu.memory_space<hbm>>
      tpu.enqueue_indirect_dma source(%dma_start3A_1372 : memref<253952x128xf32, #tpu.memory_space<hbm>>) target(%arg15 : memref<64x128xf32, #tpu.memory_space<vmem>>) offsets(%arg12 : memref<64xi32, #tpu.memory_space<vmem>>) semaphore(%arg20 : memref<!tpu.dma_semaphore, #tpu.memory_space<semaphore_mem>>)
      %dma_start3A_1373 = arith.constant 0 : i32
      %dma_start3A_1374 = arith.constant 0 : i32
      %dma_start3A_1375 = tpu.memref_slice %arg3[%dma_start3A_1373, %dma_start3A_1374] : memref<253952x128xf32, #tpu.memory_space<hbm>> -> memref<253952x128xf32, #tpu.memory_space<hbm>>
      tpu.enqueue_indirect_dma source(%dma_start3A_1375 : memref<253952x128xf32, #tpu.memory_space<hbm>>) target(%arg16 : memref<256x128xf32, #tpu.memory_space<vmem>>) offsets(%arg13 : memref<256xi32, #tpu.memory_space<vmem>>) semaphore(%arg20 : memref<!tpu.dma_semaphore, #tpu.memory_space<semaphore_mem>>)
      %dma_start3A_1376 = arith.constant 0 : i32
      %dma_start3A_1377 = arith.constant 0 : i32
      %dma_start3A_1378 = tpu.memref_slice %arg3[%dma_start3A_1376, %dma_start3A_1377] : memref<253952x128xf32, #tpu.memory_space<hbm>> -> memref<253952x128xf32, #tpu.memory_space<hbm>>
      tpu.enqueue_indirect_dma source(%dma_start3A_1378 : memref<253952x128xf32, #tpu.memory_space<hbm>>) target(%arg17 : memref<320x128xf32, #tpu.memory_space<vmem>>) offsets(%arg14 : memref<320xi32, #tpu.memory_space<vmem>>) semaphore(%arg20 : memref<!tpu.dma_semaphore, #tpu.memory_space<semaphore_mem>>)
      %dma_wait3A = arith.constant 0 : i32
      %dma_wait3A_1379 = arith.constant 0 : i32
      %dma_wait3A_1380 = tpu.memref_slice %arg2[%dma_wait3A, %dma_wait3A_1379] : memref<253952x128xf32, #tpu.memory_space<hbm>> -> memref<253952x128xf32, #tpu.memory_space<hbm>>
      tpu.wait_indirect_dma semaphore(%arg20 : memref<!tpu.dma_semaphore, #tpu.memory_space<semaphore_mem>>) src(%dma_wait3A_1380 : memref<253952x128xf32, #tpu.memory_space<hbm>>) dst(%arg15 : memref<64x128xf32, #tpu.memory_space<vmem>>)
      %dma_wait3A_1381 = arith.constant 0 : i32
      %dma_wait3A_1382 = arith.constant 0 : i32
      %dma_wait3A_1383 = tpu.memref_slice %arg3[%dma_wait3A_1381, %dma_wait3A_1382] : memref<253952x128xf32, #tpu.memory_space<hbm>> -> memref<253952x128xf32, #tpu.memory_space<hbm>>
      tpu.wait_indirect_dma semaphore(%arg20 : memref<!tpu.dma_semaphore, #tpu.memory_space<semaphore_mem>>) src(%dma_wait3A_1383 : memref<253952x128xf32, #tpu.memory_space<hbm>>) dst(%arg16 : memref<256x128xf32, #tpu.memory_space<vmem>>)
      %dma_wait3A_1384 = arith.constant 0 : i32
      %dma_wait3A_1385 = arith.constant 0 : i32
      %dma_wait3A_1386 = tpu.memref_slice %arg3[%dma_wait3A_1384, %dma_wait3A_1385] : memref<253952x128xf32, #tpu.memory_space<hbm>> -> memref<253952x128xf32, #tpu.memory_space<hbm>>
      tpu.wait_indirect_dma semaphore(%arg20 : memref<!tpu.dma_semaphore, #tpu.memory_space<semaphore_mem>>) src(%dma_wait3A_1386 : memref<253952x128xf32, #tpu.memory_space<hbm>>) dst(%arg17 : memref<320x128xf32, #tpu.memory_space<vmem>>)
      %scan3A_1387 = arith.constant 0 : i32
      %scan3A_1388 = arith.constant 0 : i32
      %scan3A_1389 = arith.constant 4 : i32
      %scan3A_1390 = arith.addi %scan3A_1388, %scan3A_1389 : i32
      %scan3A_1391 = arith.constant 1 : i32
      %scan3A_1392 = scf.for %scan3A_1395 = %scan3A_1388 to %scan3A_1390 step %scan3A_1391 iter_args(%scan3A_1396 = %scan3A_1387) -> (i32)  : i32 {
        %mul3A_1397 = arith.constant 16 : i32
        %mul3A_1398 = arith.muli %scan3A_1395, %mul3A_1397 : i32
        %iota3A = tpu.iota {dimensions = array<i32: 0>} : vector<16xi32>
        %add3A_1399 = vector.broadcast %mul3A_1398 : i32 to vector<16xi32>
        %add3A_1400 = arith.addi %add3A_1399, %iota3A : vector<16xi32>
        %gather3A = tpu.vector_load_idx %arg9[%add3A_1400] : memref<64xi32, #tpu.memory_space<vmem>>[vector<16xi32>], vector<16xi32>,
        %ge3A_1401 = arith.constant 253952 : i32
        %ge3A_1402 = vector.broadcast %ge3A_1401 : i32 to vector<16xi32>
        %ge3A_1403 = arith.cmpi sge, %gather3A, %ge3A_1402 : vector<16xi32>
        %jit3A_1404 = arith.constant 1 : i32
        %jit3A_1405 = arith.constant 0 : i32
        %broadcast_in_dim3A_1406 = vector.broadcast %jit3A_1404 : i32 to vector<16xi32>
        %broadcast_in_dim3A_1407 = vector.broadcast %jit3A_1405 : i32 to vector<16xi32>
        %select_n3A_1408 = arith.select %ge3A_1403, %broadcast_in_dim3A_1406, %broadcast_in_dim3A_1407 : vector<16xi1>, vector<16xi32>
        %ge3A_1409 = arith.constant 507904 : i32
        %ge3A_1410 = vector.broadcast %ge3A_1409 : i32 to vector<16xi32>
        %ge3A_1411 = arith.cmpi sge, %gather3A, %ge3A_1410 : vector<16xi32>
        %jit3A_1412 = arith.constant 1 : i32
        %jit3A_1413 = arith.constant 0 : i32
        %broadcast_in_dim3A_1414 = vector.broadcast %jit3A_1412 : i32 to vector<16xi32>
        %broadcast_in_dim3A_1415 = vector.broadcast %jit3A_1413 : i32 to vector<16xi32>
        %select_n3A_1416 = arith.select %ge3A_1411, %broadcast_in_dim3A_1414, %broadcast_in_dim3A_1415 : vector<16xi1>, vector<16xi32>
        %add3A_1417 = arith.addi %select_n3A_1408, %select_n3A_1416 : vector<16xi32>
        %ge3A_1418 = arith.constant 761856 : i32
        %ge3A_1419 = vector.broadcast %ge3A_1418 : i32 to vector<16xi32>
        %ge3A_1420 = arith.cmpi sge, %gather3A, %ge3A_1419 : vector<16xi32>
        %jit3A_1421 = arith.constant 1 : i32
        %jit3A_1422 = arith.constant 0 : i32
        %broadcast_in_dim3A_1423 = vector.broadcast %jit3A_1421 : i32 to vector<16xi32>
        %broadcast_in_dim3A_1424 = vector.broadcast %jit3A_1422 : i32 to vector<16xi32>
        %select_n3A_1425 = arith.select %ge3A_1420, %broadcast_in_dim3A_1423, %broadcast_in_dim3A_1424 : vector<16xi1>, vector<16xi32>
        %add3A_1426 = arith.addi %add3A_1417, %select_n3A_1425 : vector<16xi32>
        %mul3A_1427 = arith.constant 32 : i32
        %mul3A_1428 = vector.broadcast %mul3A_1427 : i32 to vector<16xi32>
        %mul3A_1429 = arith.muli %add3A_1426, %mul3A_1428 : vector<16xi32>
        %mul3A_1430 = arith.constant 4 : i32
        %mul3A_1431 = vector.broadcast %mul3A_1430 : i32 to vector<16xi32>
        %mul3A_1432 = arith.muli %add3A_1400, %mul3A_1431 : vector<16xi32>
        %add3A_1433 = arith.constant 0 : i32
        %add3A_1434 = vector.broadcast %add3A_1433 : i32 to vector<16xi32>
        %add3A_1435 = arith.addi %mul3A_1432, %add3A_1434 : vector<16xi32>
        %gather3A_1436 = tpu.vector_load_idx %arg10[%add3A_1435] : memref<256xi32, #tpu.memory_space<vmem>>[vector<16xi32>], vector<16xi32>,
        %ge3A_1437 = arith.constant 253952 : i32
        %ge3A_1438 = vector.broadcast %ge3A_1437 : i32 to vector<16xi32>
        %ge3A_1439 = arith.cmpi sge, %gather3A_1436, %ge3A_1438 : vector<16xi32>
        %jit3A_1440 = arith.constant 1 : i32
        %jit3A_1441 = arith.constant 0 : i32
        %broadcast_in_dim3A_1442 = vector.broadcast %jit3A_1440 : i32 to vector<16xi32>
        %broadcast_in_dim3A_1443 = vector.broadcast %jit3A_1441 : i32 to vector<16xi32>
        %select_n3A_1444 = arith.select %ge3A_1439, %broadcast_in_dim3A_1442, %broadcast_in_dim3A_1443 : vector<16xi1>, vector<16xi32>
        %ge3A_1445 = arith.constant 507904 : i32
        %ge3A_1446 = vector.broadcast %ge3A_1445 : i32 to vector<16xi32>
        %ge3A_1447 = arith.cmpi sge, %gather3A_1436, %ge3A_1446 : vector<16xi32>
        %jit3A_1448 = arith.constant 1 : i32
        %jit3A_1449 = arith.constant 0 : i32
        %broadcast_in_dim3A_1450 = vector.broadcast %jit3A_1448 : i32 to vector<16xi32>
        %broadcast_in_dim3A_1451 = vector.broadcast %jit3A_1449 : i32 to vector<16xi32>
        %select_n3A_1452 = arith.select %ge3A_1447, %broadcast_in_dim3A_1450, %broadcast_in_dim3A_1451 : vector<16xi1>, vector<16xi32>
        %add3A_1453 = arith.addi %select_n3A_1444, %select_n3A_1452 : vector<16xi32>
        %ge3A_1454 = arith.constant 761856 : i32
        %ge3A_1455 = vector.broadcast %ge3A_1454 : i32 to vector<16xi32>
        %ge3A_1456 = arith.cmpi sge, %gather3A_1436, %ge3A_1455 : vector<16xi32>
        %jit3A_1457 = arith.constant 1 : i32
        %jit3A_1458 = arith.constant 0 : i32
        %broadcast_in_dim3A_1459 = vector.broadcast %jit3A_1457 : i32 to vector<16xi32>
        %broadcast_in_dim3A_1460 = vector.broadcast %jit3A_1458 : i32 to vector<16xi32>
        %select_n3A_1461 = arith.select %ge3A_1456, %broadcast_in_dim3A_1459, %broadcast_in_dim3A_1460 : vector<16xi1>, vector<16xi32>
        %add3A_1462 = arith.addi %add3A_1453, %select_n3A_1461 : vector<16xi32>
        %mul3A_1463 = arith.constant 32 : i32
        %mul3A_1464 = vector.broadcast %mul3A_1463 : i32 to vector<16xi32>
        %mul3A_1465 = arith.muli %add3A_1462, %mul3A_1464 : vector<16xi32>
        %mul3A_1466 = arith.constant 4 : i32
        %mul3A_1467 = vector.broadcast %mul3A_1466 : i32 to vector<16xi32>
        %mul3A_1468 = arith.muli %add3A_1400, %mul3A_1467 : vector<16xi32>
        %add3A_1469 = arith.constant 1 : i32
        %add3A_1470 = vector.broadcast %add3A_1469 : i32 to vector<16xi32>
        %add3A_1471 = arith.addi %mul3A_1468, %add3A_1470 : vector<16xi32>
        %gather3A_1472 = tpu.vector_load_idx %arg10[%add3A_1471] : memref<256xi32, #tpu.memory_space<vmem>>[vector<16xi32>], vector<16xi32>,
        %ge3A_1473 = arith.constant 253952 : i32
        %ge3A_1474 = vector.broadcast %ge3A_1473 : i32 to vector<16xi32>
        %ge3A_1475 = arith.cmpi sge, %gather3A_1472, %ge3A_1474 : vector<16xi32>
        %jit3A_1476 = arith.constant 1 : i32
        %jit3A_1477 = arith.constant 0 : i32
        %broadcast_in_dim3A_1478 = vector.broadcast %jit3A_1476 : i32 to vector<16xi32>
        %broadcast_in_dim3A_1479 = vector.broadcast %jit3A_1477 : i32 to vector<16xi32>
        %select_n3A_1480 = arith.select %ge3A_1475, %broadcast_in_dim3A_1478, %broadcast_in_dim3A_1479 : vector<16xi1>, vector<16xi32>
        %ge3A_1481 = arith.constant 507904 : i32
        %ge3A_1482 = vector.broadcast %ge3A_1481 : i32 to vector<16xi32>
        %ge3A_1483 = arith.cmpi sge, %gather3A_1472, %ge3A_1482 : vector<16xi32>
        %jit3A_1484 = arith.constant 1 : i32
        %jit3A_1485 = arith.constant 0 : i32
        %broadcast_in_dim3A_1486 = vector.broadcast %jit3A_1484 : i32 to vector<16xi32>
        %broadcast_in_dim3A_1487 = vector.broadcast %jit3A_1485 : i32 to vector<16xi32>
        %select_n3A_1488 = arith.select %ge3A_1483, %broadcast_in_dim3A_1486, %broadcast_in_dim3A_1487 : vector<16xi1>, vector<16xi32>
        %add3A_1489 = arith.addi %select_n3A_1480, %select_n3A_1488 : vector<16xi32>
        %ge3A_1490 = arith.constant 761856 : i32
        %ge3A_1491 = vector.broadcast %ge3A_1490 : i32 to vector<16xi32>
        %ge3A_1492 = arith.cmpi sge, %gather3A_1472, %ge3A_1491 : vector<16xi32>
        %jit3A_1493 = arith.constant 1 : i32
        %jit3A_1494 = arith.constant 0 : i32
        %broadcast_in_dim3A_1495 = vector.broadcast %jit3A_1493 : i32 to vector<16xi32>
        %broadcast_in_dim3A_1496 = vector.broadcast %jit3A_1494 : i32 to vector<16xi32>
        %select_n3A_1497 = arith.select %ge3A_1492, %broadcast_in_dim3A_1495, %broadcast_in_dim3A_1496 : vector<16xi1>, vector<16xi32>
        %add3A_1498 = arith.addi %add3A_1489, %select_n3A_1497 : vector<16xi32>
        %mul3A_1499 = arith.constant 32 : i32
        %mul3A_1500 = vector.broadcast %mul3A_1499 : i32 to vector<16xi32>
        %mul3A_1501 = arith.muli %add3A_1498, %mul3A_1500 : vector<16xi32>
        %mul3A_1502 = arith.constant 4 : i32
        %mul3A_1503 = vector.broadcast %mul3A_1502 : i32 to vector<16xi32>
        %mul3A_1504 = arith.muli %add3A_1400, %mul3A_1503 : vector<16xi32>
        %add3A_1505 = arith.constant 2 : i32
        %add3A_1506 = vector.broadcast %add3A_1505 : i32 to vector<16xi32>
        %add3A_1507 = arith.addi %mul3A_1504, %add3A_1506 : vector<16xi32>
        %gather3A_1508 = tpu.vector_load_idx %arg10[%add3A_1507] : memref<256xi32, #tpu.memory_space<vmem>>[vector<16xi32>], vector<16xi32>,
        %ge3A_1509 = arith.constant 253952 : i32
        %ge3A_1510 = vector.broadcast %ge3A_1509 : i32 to vector<16xi32>
        %ge3A_1511 = arith.cmpi sge, %gather3A_1508, %ge3A_1510 : vector<16xi32>
        %jit3A_1512 = arith.constant 1 : i32
        %jit3A_1513 = arith.constant 0 : i32
        %broadcast_in_dim3A_1514 = vector.broadcast %jit3A_1512 : i32 to vector<16xi32>
        %broadcast_in_dim3A_1515 = vector.broadcast %jit3A_1513 : i32 to vector<16xi32>
        %select_n3A_1516 = arith.select %ge3A_1511, %broadcast_in_dim3A_1514, %broadcast_in_dim3A_1515 : vector<16xi1>, vector<16xi32>
        %ge3A_1517 = arith.constant 507904 : i32
        %ge3A_1518 = vector.broadcast %ge3A_1517 : i32 to vector<16xi32>
        %ge3A_1519 = arith.cmpi sge, %gather3A_1508, %ge3A_1518 : vector<16xi32>
        %jit3A_1520 = arith.constant 1 : i32
        %jit3A_1521 = arith.constant 0 : i32
        %broadcast_in_dim3A_1522 = vector.broadcast %jit3A_1520 : i32 to vector<16xi32>
        %broadcast_in_dim3A_1523 = vector.broadcast %jit3A_1521 : i32 to vector<16xi32>
        %select_n3A_1524 = arith.select %ge3A_1519, %broadcast_in_dim3A_1522, %broadcast_in_dim3A_1523 : vector<16xi1>, vector<16xi32>
        %add3A_1525 = arith.addi %select_n3A_1516, %select_n3A_1524 : vector<16xi32>
        %ge3A_1526 = arith.constant 761856 : i32
        %ge3A_1527 = vector.broadcast %ge3A_1526 : i32 to vector<16xi32>
        %ge3A_1528 = arith.cmpi sge, %gather3A_1508, %ge3A_1527 : vector<16xi32>
        %jit3A_1529 = arith.constant 1 : i32
        %jit3A_1530 = arith.constant 0 : i32
        %broadcast_in_dim3A_1531 = vector.broadcast %jit3A_1529 : i32 to vector<16xi32>
        %broadcast_in_dim3A_1532 = vector.broadcast %jit3A_1530 : i32 to vector<16xi32>
        %select_n3A_1533 = arith.select %ge3A_1528, %broadcast_in_dim3A_1531, %broadcast_in_dim3A_1532 : vector<16xi1>, vector<16xi32>
        %add3A_1534 = arith.addi %add3A_1525, %select_n3A_1533 : vector<16xi32>
        %mul3A_1535 = arith.constant 32 : i32
        %mul3A_1536 = vector.broadcast %mul3A_1535 : i32 to vector<16xi32>
        %mul3A_1537 = arith.muli %add3A_1534, %mul3A_1536 : vector<16xi32>
        %mul3A_1538 = arith.constant 4 : i32
        %mul3A_1539 = vector.broadcast %mul3A_1538 : i32 to vector<16xi32>
        %mul3A_1540 = arith.muli %add3A_1400, %mul3A_1539 : vector<16xi32>
        %add3A_1541 = arith.constant 3 : i32
        %add3A_1542 = vector.broadcast %add3A_1541 : i32 to vector<16xi32>
        %add3A_1543 = arith.addi %mul3A_1540, %add3A_1542 : vector<16xi32>
        %gather3A_1544 = tpu.vector_load_idx %arg10[%add3A_1543] : memref<256xi32, #tpu.memory_space<vmem>>[vector<16xi32>], vector<16xi32>,
        %ge3A_1545 = arith.constant 253952 : i32
        %ge3A_1546 = vector.broadcast %ge3A_1545 : i32 to vector<16xi32>
        %ge3A_1547 = arith.cmpi sge, %gather3A_1544, %ge3A_1546 : vector<16xi32>
        %jit3A_1548 = arith.constant 1 : i32
        %jit3A_1549 = arith.constant 0 : i32
        %broadcast_in_dim3A_1550 = vector.broadcast %jit3A_1548 : i32 to vector<16xi32>
        %broadcast_in_dim3A_1551 = vector.broadcast %jit3A_1549 : i32 to vector<16xi32>
        %select_n3A_1552 = arith.select %ge3A_1547, %broadcast_in_dim3A_1550, %broadcast_in_dim3A_1551 : vector<16xi1>, vector<16xi32>
        %ge3A_1553 = arith.constant 507904 : i32
        %ge3A_1554 = vector.broadcast %ge3A_1553 : i32 to vector<16xi32>
        %ge3A_1555 = arith.cmpi sge, %gather3A_1544, %ge3A_1554 : vector<16xi32>
        %jit3A_1556 = arith.constant 1 : i32
        %jit3A_1557 = arith.constant 0 : i32
        %broadcast_in_dim3A_1558 = vector.broadcast %jit3A_1556 : i32 to vector<16xi32>
        %broadcast_in_dim3A_1559 = vector.broadcast %jit3A_1557 : i32 to vector<16xi32>
        %select_n3A_1560 = arith.select %ge3A_1555, %broadcast_in_dim3A_1558, %broadcast_in_dim3A_1559 : vector<16xi1>, vector<16xi32>
        %add3A_1561 = arith.addi %select_n3A_1552, %select_n3A_1560 : vector<16xi32>
        %ge3A_1562 = arith.constant 761856 : i32
        %ge3A_1563 = vector.broadcast %ge3A_1562 : i32 to vector<16xi32>
        %ge3A_1564 = arith.cmpi sge, %gather3A_1544, %ge3A_1563 : vector<16xi32>
        %jit3A_1565 = arith.constant 1 : i32
        %jit3A_1566 = arith.constant 0 : i32
        %broadcast_in_dim3A_1567 = vector.broadcast %jit3A_1565 : i32 to vector<16xi32>
        %broadcast_in_dim3A_1568 = vector.broadcast %jit3A_1566 : i32 to vector<16xi32>
        %select_n3A_1569 = arith.select %ge3A_1564, %broadcast_in_dim3A_1567, %broadcast_in_dim3A_1568 : vector<16xi1>, vector<16xi32>
        %add3A_1570 = arith.addi %add3A_1561, %select_n3A_1569 : vector<16xi32>
        %mul3A_1571 = arith.constant 32 : i32
        %mul3A_1572 = vector.broadcast %mul3A_1571 : i32 to vector<16xi32>
        %mul3A_1573 = arith.muli %add3A_1570, %mul3A_1572 : vector<16xi32>
        %mul3A_1574 = arith.constant 5 : i32
        %mul3A_1575 = vector.broadcast %mul3A_1574 : i32 to vector<16xi32>
        %mul3A_1576 = arith.muli %add3A_1400, %mul3A_1575 : vector<16xi32>
        %add3A_1577 = arith.constant 0 : i32
        %add3A_1578 = vector.broadcast %add3A_1577 : i32 to vector<16xi32>
        %add3A_1579 = arith.addi %mul3A_1576, %add3A_1578 : vector<16xi32>
        %gather3A_1580 = tpu.vector_load_idx %arg11[%add3A_1579] : memref<320xi32, #tpu.memory_space<vmem>>[vector<16xi32>], vector<16xi32>,
        %ge3A_1581 = arith.constant 253952 : i32
        %ge3A_1582 = vector.broadcast %ge3A_1581 : i32 to vector<16xi32>
        %ge3A_1583 = arith.cmpi sge, %gather3A_1580, %ge3A_1582 : vector<16xi32>
        %jit3A_1584 = arith.constant 1 : i32
        %jit3A_1585 = arith.constant 0 : i32
        %broadcast_in_dim3A_1586 = vector.broadcast %jit3A_1584 : i32 to vector<16xi32>
        %broadcast_in_dim3A_1587 = vector.broadcast %jit3A_1585 : i32 to vector<16xi32>
        %select_n3A_1588 = arith.select %ge3A_1583, %broadcast_in_dim3A_1586, %broadcast_in_dim3A_1587 : vector<16xi1>, vector<16xi32>
        %ge3A_1589 = arith.constant 507904 : i32
        %ge3A_1590 = vector.broadcast %ge3A_1589 : i32 to vector<16xi32>
        %ge3A_1591 = arith.cmpi sge, %gather3A_1580, %ge3A_1590 : vector<16xi32>
        %jit3A_1592 = arith.constant 1 : i32
        %jit3A_1593 = arith.constant 0 : i32
        %broadcast_in_dim3A_1594 = vector.broadcast %jit3A_1592 : i32 to vector<16xi32>
        %broadcast_in_dim3A_1595 = vector.broadcast %jit3A_1593 : i32 to vector<16xi32>
        %select_n3A_1596 = arith.select %ge3A_1591, %broadcast_in_dim3A_1594, %broadcast_in_dim3A_1595 : vector<16xi1>, vector<16xi32>
        %add3A_1597 = arith.addi %select_n3A_1588, %select_n3A_1596 : vector<16xi32>
        %ge3A_1598 = arith.constant 761856 : i32
        %ge3A_1599 = vector.broadcast %ge3A_1598 : i32 to vector<16xi32>
        %ge3A_1600 = arith.cmpi sge, %gather3A_1580, %ge3A_1599 : vector<16xi32>
        %jit3A_1601 = arith.constant 1 : i32
        %jit3A_1602 = arith.constant 0 : i32
        %broadcast_in_dim3A_1603 = vector.broadcast %jit3A_1601 : i32 to vector<16xi32>
        %broadcast_in_dim3A_1604 = vector.broadcast %jit3A_1602 : i32 to vector<16xi32>
        %select_n3A_1605 = arith.select %ge3A_1600, %broadcast_in_dim3A_1603, %broadcast_in_dim3A_1604 : vector<16xi1>, vector<16xi32>
        %add3A_1606 = arith.addi %add3A_1597, %select_n3A_1605 : vector<16xi32>
        %mul3A_1607 = arith.constant 32 : i32
        %mul3A_1608 = vector.broadcast %mul3A_1607 : i32 to vector<16xi32>
        %mul3A_1609 = arith.muli %add3A_1606, %mul3A_1608 : vector<16xi32>
        %mul3A_1610 = arith.constant 5 : i32
        %mul3A_1611 = vector.broadcast %mul3A_1610 : i32 to vector<16xi32>
        %mul3A_1612 = arith.muli %add3A_1400, %mul3A_1611 : vector<16xi32>
        %add3A_1613 = arith.constant 1 : i32
        %add3A_1614 = vector.broadcast %add3A_1613 : i32 to vector<16xi32>
        %add3A_1615 = arith.addi %mul3A_1612, %add3A_1614 : vector<16xi32>
        %gather3A_1616 = tpu.vector_load_idx %arg11[%add3A_1615] : memref<320xi32, #tpu.memory_space<vmem>>[vector<16xi32>], vector<16xi32>,
        %ge3A_1617 = arith.constant 253952 : i32
        %ge3A_1618 = vector.broadcast %ge3A_1617 : i32 to vector<16xi32>
        %ge3A_1619 = arith.cmpi sge, %gather3A_1616, %ge3A_1618 : vector<16xi32>
        %jit3A_1620 = arith.constant 1 : i32
        %jit3A_1621 = arith.constant 0 : i32
        %broadcast_in_dim3A_1622 = vector.broadcast %jit3A_1620 : i32 to vector<16xi32>
        %broadcast_in_dim3A_1623 = vector.broadcast %jit3A_1621 : i32 to vector<16xi32>
        %select_n3A_1624 = arith.select %ge3A_1619, %broadcast_in_dim3A_1622, %broadcast_in_dim3A_1623 : vector<16xi1>, vector<16xi32>
        %ge3A_1625 = arith.constant 507904 : i32
        %ge3A_1626 = vector.broadcast %ge3A_1625 : i32 to vector<16xi32>
        %ge3A_1627 = arith.cmpi sge, %gather3A_1616, %ge3A_1626 : vector<16xi32>
        %jit3A_1628 = arith.constant 1 : i32
        %jit3A_1629 = arith.constant 0 : i32
        %broadcast_in_dim3A_1630 = vector.broadcast %jit3A_1628 : i32 to vector<16xi32>
        %broadcast_in_dim3A_1631 = vector.broadcast %jit3A_1629 : i32 to vector<16xi32>
        %select_n3A_1632 = arith.select %ge3A_1627, %broadcast_in_dim3A_1630, %broadcast_in_dim3A_1631 : vector<16xi1>, vector<16xi32>
        %add3A_1633 = arith.addi %select_n3A_1624, %select_n3A_1632 : vector<16xi32>
        %ge3A_1634 = arith.constant 761856 : i32
        %ge3A_1635 = vector.broadcast %ge3A_1634 : i32 to vector<16xi32>
        %ge3A_1636 = arith.cmpi sge, %gather3A_1616, %ge3A_1635 : vector<16xi32>
        %jit3A_1637 = arith.constant 1 : i32
        %jit3A_1638 = arith.constant 0 : i32
        %broadcast_in_dim3A_1639 = vector.broadcast %jit3A_1637 : i32 to vector<16xi32>
        %broadcast_in_dim3A_1640 = vector.broadcast %jit3A_1638 : i32 to vector<16xi32>
        %select_n3A_1641 = arith.select %ge3A_1636, %broadcast_in_dim3A_1639, %broadcast_in_dim3A_1640 : vector<16xi1>, vector<16xi32>
        %add3A_1642 = arith.addi %add3A_1633, %select_n3A_1641 : vector<16xi32>
        %mul3A_1643 = arith.constant 32 : i32
        %mul3A_1644 = vector.broadcast %mul3A_1643 : i32 to vector<16xi32>
        %mul3A_1645 = arith.muli %add3A_1642, %mul3A_1644 : vector<16xi32>
        %mul3A_1646 = arith.constant 5 : i32
        %mul3A_1647 = vector.broadcast %mul3A_1646 : i32 to vector<16xi32>
        %mul3A_1648 = arith.muli %add3A_1400, %mul3A_1647 : vector<16xi32>
        %add3A_1649 = arith.constant 2 : i32
        %add3A_1650 = vector.broadcast %add3A_1649 : i32 to vector<16xi32>
        %add3A_1651 = arith.addi %mul3A_1648, %add3A_1650 : vector<16xi32>
        %gather3A_1652 = tpu.vector_load_idx %arg11[%add3A_1651] : memref<320xi32, #tpu.memory_space<vmem>>[vector<16xi32>], vector<16xi32>,
        %ge3A_1653 = arith.constant 253952 : i32
        %ge3A_1654 = vector.broadcast %ge3A_1653 : i32 to vector<16xi32>
        %ge3A_1655 = arith.cmpi sge, %gather3A_1652, %ge3A_1654 : vector<16xi32>
        %jit3A_1656 = arith.constant 1 : i32
        %jit3A_1657 = arith.constant 0 : i32
        %broadcast_in_dim3A_1658 = vector.broadcast %jit3A_1656 : i32 to vector<16xi32>
        %broadcast_in_dim3A_1659 = vector.broadcast %jit3A_1657 : i32 to vector<16xi32>
        %select_n3A_1660 = arith.select %ge3A_1655, %broadcast_in_dim3A_1658, %broadcast_in_dim3A_1659 : vector<16xi1>, vector<16xi32>
        %ge3A_1661 = arith.constant 507904 : i32
        %ge3A_1662 = vector.broadcast %ge3A_1661 : i32 to vector<16xi32>
        %ge3A_1663 = arith.cmpi sge, %gather3A_1652, %ge3A_1662 : vector<16xi32>
        %jit3A_1664 = arith.constant 1 : i32
        %jit3A_1665 = arith.constant 0 : i32
        %broadcast_in_dim3A_1666 = vector.broadcast %jit3A_1664 : i32 to vector<16xi32>
        %broadcast_in_dim3A_1667 = vector.broadcast %jit3A_1665 : i32 to vector<16xi32>
        %select_n3A_1668 = arith.select %ge3A_1663, %broadcast_in_dim3A_1666, %broadcast_in_dim3A_1667 : vector<16xi1>, vector<16xi32>
        %add3A_1669 = arith.addi %select_n3A_1660, %select_n3A_1668 : vector<16xi32>
        %ge3A_1670 = arith.constant 761856 : i32
        %ge3A_1671 = vector.broadcast %ge3A_1670 : i32 to vector<16xi32>
        %ge3A_1672 = arith.cmpi sge, %gather3A_1652, %ge3A_1671 : vector<16xi32>
        %jit3A_1673 = arith.constant 1 : i32
        %jit3A_1674 = arith.constant 0 : i32
        %broadcast_in_dim3A_1675 = vector.broadcast %jit3A_1673 : i32 to vector<16xi32>
        %broadcast_in_dim3A_1676 = vector.broadcast %jit3A_1674 : i32 to vector<16xi32>
        %select_n3A_1677 = arith.select %ge3A_1672, %broadcast_in_dim3A_1675, %broadcast_in_dim3A_1676 : vector<16xi1>, vector<16xi32>
        %add3A_1678 = arith.addi %add3A_1669, %select_n3A_1677 : vector<16xi32>
        %mul3A_1679 = arith.constant 32 : i32
        %mul3A_1680 = vector.broadcast %mul3A_1679 : i32 to vector<16xi32>
        %mul3A_1681 = arith.muli %add3A_1678, %mul3A_1680 : vector<16xi32>
        %mul3A_1682 = arith.constant 5 : i32
        %mul3A_1683 = vector.broadcast %mul3A_1682 : i32 to vector<16xi32>
        %mul3A_1684 = arith.muli %add3A_1400, %mul3A_1683 : vector<16xi32>
        %add3A_1685 = arith.constant 3 : i32
        %add3A_1686 = vector.broadcast %add3A_1685 : i32 to vector<16xi32>
        %add3A_1687 = arith.addi %mul3A_1684, %add3A_1686 : vector<16xi32>
        %gather3A_1688 = tpu.vector_load_idx %arg11[%add3A_1687] : memref<320xi32, #tpu.memory_space<vmem>>[vector<16xi32>], vector<16xi32>,
        %ge3A_1689 = arith.constant 253952 : i32
        %ge3A_1690 = vector.broadcast %ge3A_1689 : i32 to vector<16xi32>
        %ge3A_1691 = arith.cmpi sge, %gather3A_1688, %ge3A_1690 : vector<16xi32>
        %jit3A_1692 = arith.constant 1 : i32
        %jit3A_1693 = arith.constant 0 : i32
        %broadcast_in_dim3A_1694 = vector.broadcast %jit3A_1692 : i32 to vector<16xi32>
        %broadcast_in_dim3A_1695 = vector.broadcast %jit3A_1693 : i32 to vector<16xi32>
        %select_n3A_1696 = arith.select %ge3A_1691, %broadcast_in_dim3A_1694, %broadcast_in_dim3A_1695 : vector<16xi1>, vector<16xi32>
        %ge3A_1697 = arith.constant 507904 : i32
        %ge3A_1698 = vector.broadcast %ge3A_1697 : i32 to vector<16xi32>
        %ge3A_1699 = arith.cmpi sge, %gather3A_1688, %ge3A_1698 : vector<16xi32>
        %jit3A_1700 = arith.constant 1 : i32
        %jit3A_1701 = arith.constant 0 : i32
        %broadcast_in_dim3A_1702 = vector.broadcast %jit3A_1700 : i32 to vector<16xi32>
        %broadcast_in_dim3A_1703 = vector.broadcast %jit3A_1701 : i32 to vector<16xi32>
        %select_n3A_1704 = arith.select %ge3A_1699, %broadcast_in_dim3A_1702, %broadcast_in_dim3A_1703 : vector<16xi1>, vector<16xi32>
        %add3A_1705 = arith.addi %select_n3A_1696, %select_n3A_1704 : vector<16xi32>
        %ge3A_1706 = arith.constant 761856 : i32
        %ge3A_1707 = vector.broadcast %ge3A_1706 : i32 to vector<16xi32>
        %ge3A_1708 = arith.cmpi sge, %gather3A_1688, %ge3A_1707 : vector<16xi32>
        %jit3A_1709 = arith.constant 1 : i32
        %jit3A_1710 = arith.constant 0 : i32
        %broadcast_in_dim3A_1711 = vector.broadcast %jit3A_1709 : i32 to vector<16xi32>
        %broadcast_in_dim3A_1712 = vector.broadcast %jit3A_1710 : i32 to vector<16xi32>
        %select_n3A_1713 = arith.select %ge3A_1708, %broadcast_in_dim3A_1711, %broadcast_in_dim3A_1712 : vector<16xi1>, vector<16xi32>
        %add3A_1714 = arith.addi %add3A_1705, %select_n3A_1713 : vector<16xi32>
        %mul3A_1715 = arith.constant 32 : i32
        %mul3A_1716 = vector.broadcast %mul3A_1715 : i32 to vector<16xi32>
        %mul3A_1717 = arith.muli %add3A_1714, %mul3A_1716 : vector<16xi32>
        %mul3A_1718 = arith.constant 5 : i32
        %mul3A_1719 = vector.broadcast %mul3A_1718 : i32 to vector<16xi32>
        %mul3A_1720 = arith.muli %add3A_1400, %mul3A_1719 : vector<16xi32>
        %add3A_1721 = arith.constant 4 : i32
        %add3A_1722 = vector.broadcast %add3A_1721 : i32 to vector<16xi32>
        %add3A_1723 = arith.addi %mul3A_1720, %add3A_1722 : vector<16xi32>
        %gather3A_1724 = tpu.vector_load_idx %arg11[%add3A_1723] : memref<320xi32, #tpu.memory_space<vmem>>[vector<16xi32>], vector<16xi32>,
        %ge3A_1725 = arith.constant 253952 : i32
        %ge3A_1726 = vector.broadcast %ge3A_1725 : i32 to vector<16xi32>
        %ge3A_1727 = arith.cmpi sge, %gather3A_1724, %ge3A_1726 : vector<16xi32>
        %jit3A_1728 = arith.constant 1 : i32
        %jit3A_1729 = arith.constant 0 : i32
        %broadcast_in_dim3A_1730 = vector.broadcast %jit3A_1728 : i32 to vector<16xi32>
        %broadcast_in_dim3A_1731 = vector.broadcast %jit3A_1729 : i32 to vector<16xi32>
        %select_n3A_1732 = arith.select %ge3A_1727, %broadcast_in_dim3A_1730, %broadcast_in_dim3A_1731 : vector<16xi1>, vector<16xi32>
        %ge3A_1733 = arith.constant 507904 : i32
        %ge3A_1734 = vector.broadcast %ge3A_1733 : i32 to vector<16xi32>
        %ge3A_1735 = arith.cmpi sge, %gather3A_1724, %ge3A_1734 : vector<16xi32>
        %jit3A_1736 = arith.constant 1 : i32
        %jit3A_1737 = arith.constant 0 : i32
        %broadcast_in_dim3A_1738 = vector.broadcast %jit3A_1736 : i32 to vector<16xi32>
        %broadcast_in_dim3A_1739 = vector.broadcast %jit3A_1737 : i32 to vector<16xi32>
        %select_n3A_1740 = arith.select %ge3A_1735, %broadcast_in_dim3A_1738, %broadcast_in_dim3A_1739 : vector<16xi1>, vector<16xi32>
        %add3A_1741 = arith.addi %select_n3A_1732, %select_n3A_1740 : vector<16xi32>
        %ge3A_1742 = arith.constant 761856 : i32
        %ge3A_1743 = vector.broadcast %ge3A_1742 : i32 to vector<16xi32>
        %ge3A_1744 = arith.cmpi sge, %gather3A_1724, %ge3A_1743 : vector<16xi32>
        %jit3A_1745 = arith.constant 1 : i32
        %jit3A_1746 = arith.constant 0 : i32
        %broadcast_in_dim3A_1747 = vector.broadcast %jit3A_1745 : i32 to vector<16xi32>
        %broadcast_in_dim3A_1748 = vector.broadcast %jit3A_1746 : i32 to vector<16xi32>
        %select_n3A_1749 = arith.select %ge3A_1744, %broadcast_in_dim3A_1747, %broadcast_in_dim3A_1748 : vector<16xi1>, vector<16xi32>
        %add3A_1750 = arith.addi %add3A_1741, %select_n3A_1749 : vector<16xi32>
        %mul3A_1751 = arith.constant 32 : i32
        %mul3A_1752 = vector.broadcast %mul3A_1751 : i32 to vector<16xi32>
        %mul3A_1753 = arith.muli %add3A_1750, %mul3A_1752 : vector<16xi32>
        %broadcast_in_dim3A_1754 = arith.constant 0.000000e+00 : f32
        %broadcast_in_dim3A_1755 = vector.broadcast %broadcast_in_dim3A_1754 : f32 to vector<16xf32>
        %broadcast_in_dim3A_1756 = arith.constant 0.000000e+00 : f32
        %broadcast_in_dim3A_1757 = vector.broadcast %broadcast_in_dim3A_1756 : f32 to vector<16xf32>
        %iota3A_1758 = tpu.iota {dimensions = array<i32: 0>} : vector<16xi32>
        %add3A_1759 = arith.constant 0 : i32
        %add3A_1760 = vector.broadcast %add3A_1759 : i32 to vector<16xi32>
        %add3A_1761 = arith.addi %add3A_1760, %iota3A_1758 : vector<16xi32>
        %and3A = arith.constant 31 : i32
        %and3A_1762 = vector.broadcast %and3A : i32 to vector<16xi32>
        %and3A_1763 = arith.andi %add3A_1761, %and3A_1762 : vector<16xi32>
        %add3A_1764 = arith.addi %mul3A_1429, %and3A_1763 : vector<16xi32>
        %gather3A_1765 = tpu.vector_load_idx %arg15[%add3A_1400, %add3A_1764] : memref<64x128xf32, #tpu.memory_space<vmem>>[vector<16xi32>, vector<16xi32>], vector<16xf32>,
        %mul3A_1766 = arith.constant 4 : i32
        %mul3A_1767 = vector.broadcast %mul3A_1766 : i32 to vector<16xi32>
        %mul3A_1768 = arith.muli %add3A_1400, %mul3A_1767 : vector<16xi32>
        %add3A_1769 = arith.addi %mul3A_1465, %and3A_1763 : vector<16xi32>
        %gather3A_1770 = tpu.vector_load_idx %arg16[%mul3A_1768, %add3A_1769] : memref<256x128xf32, #tpu.memory_space<vmem>>[vector<16xi32>, vector<16xi32>], vector<16xf32>,
        %mul3A_1771 = arith.constant 4 : i32
        %mul3A_1772 = vector.broadcast %mul3A_1771 : i32 to vector<16xi32>
        %mul3A_1773 = arith.muli %add3A_1400, %mul3A_1772 : vector<16xi32>
        %add3A_1774 = arith.constant 1 : i32
        %add3A_1775 = vector.broadcast %add3A_1774 : i32 to vector<16xi32>
        %add3A_1776 = arith.addi %mul3A_1773, %add3A_1775 : vector<16xi32>
        %add3A_1777 = arith.addi %mul3A_1501, %and3A_1763 : vector<16xi32>
        %gather3A_1778 = tpu.vector_load_idx %arg16[%add3A_1776, %add3A_1777] : memref<256x128xf32, #tpu.memory_space<vmem>>[vector<16xi32>, vector<16xi32>], vector<16xf32>,
        %add3A_1779 = arith.addf %gather3A_1770, %gather3A_1778 : vector<16xf32>
        %mul3A_1780 = arith.constant 4 : i32
        %mul3A_1781 = vector.broadcast %mul3A_1780 : i32 to vector<16xi32>
        %mul3A_1782 = arith.muli %add3A_1400, %mul3A_1781 : vector<16xi32>
        %add3A_1783 = arith.constant 2 : i32
        %add3A_1784 = vector.broadcast %add3A_1783 : i32 to vector<16xi32>
        %add3A_1785 = arith.addi %mul3A_1782, %add3A_1784 : vector<16xi32>
        %add3A_1786 = arith.addi %mul3A_1537, %and3A_1763 : vector<16xi32>
        %gather3A_1787 = tpu.vector_load_idx %arg16[%add3A_1785, %add3A_1786] : memref<256x128xf32, #tpu.memory_space<vmem>>[vector<16xi32>, vector<16xi32>], vector<16xf32>,
        %add3A_1788 = arith.addf %add3A_1779, %gather3A_1787 : vector<16xf32>
        %mul3A_1789 = arith.constant 4 : i32
        %mul3A_1790 = vector.broadcast %mul3A_1789 : i32 to vector<16xi32>
        %mul3A_1791 = arith.muli %add3A_1400, %mul3A_1790 : vector<16xi32>
        %add3A_1792 = arith.constant 3 : i32
        %add3A_1793 = vector.broadcast %add3A_1792 : i32 to vector<16xi32>
        %add3A_1794 = arith.addi %mul3A_1791, %add3A_1793 : vector<16xi32>
        %add3A_1795 = arith.addi %mul3A_1573, %and3A_1763 : vector<16xi32>
        %gather3A_1796 = tpu.vector_load_idx %arg16[%add3A_1794, %add3A_1795] : memref<256x128xf32, #tpu.memory_space<vmem>>[vector<16xi32>, vector<16xi32>], vector<16xf32>,
        %add3A_1797 = arith.addf %add3A_1788, %gather3A_1796 : vector<16xf32>
        %mul3A_1798 = arith.constant 5 : i32
        %mul3A_1799 = vector.broadcast %mul3A_1798 : i32 to vector<16xi32>
        %mul3A_1800 = arith.muli %add3A_1400, %mul3A_1799 : vector<16xi32>
        %add3A_1801 = arith.addi %mul3A_1609, %and3A_1763 : vector<16xi32>
        %gather3A_1802 = tpu.vector_load_idx %arg17[%mul3A_1800, %add3A_1801] : memref<320x128xf32, #tpu.memory_space<vmem>>[vector<16xi32>, vector<16xi32>], vector<16xf32>,
        %mul3A_1803 = arith.constant 5 : i32
        %mul3A_1804 = vector.broadcast %mul3A_1803 : i32 to vector<16xi32>
        %mul3A_1805 = arith.muli %add3A_1400, %mul3A_1804 : vector<16xi32>
        %add3A_1806 = arith.constant 1 : i32
        %add3A_1807 = vector.broadcast %add3A_1806 : i32 to vector<16xi32>
        %add3A_1808 = arith.addi %mul3A_1805, %add3A_1807 : vector<16xi32>
        %add3A_1809 = arith.addi %mul3A_1645, %and3A_1763 : vector<16xi32>
        %gather3A_1810 = tpu.vector_load_idx %arg17[%add3A_1808, %add3A_1809] : memref<320x128xf32, #tpu.memory_space<vmem>>[vector<16xi32>, vector<16xi32>], vector<16xf32>,
        %add3A_1811 = arith.addf %gather3A_1802, %gather3A_1810 : vector<16xf32>
        %mul3A_1812 = arith.constant 5 : i32
        %mul3A_1813 = vector.broadcast %mul3A_1812 : i32 to vector<16xi32>
        %mul3A_1814 = arith.muli %add3A_1400, %mul3A_1813 : vector<16xi32>
        %add3A_1815 = arith.constant 2 : i32
        %add3A_1816 = vector.broadcast %add3A_1815 : i32 to vector<16xi32>
        %add3A_1817 = arith.addi %mul3A_1814, %add3A_1816 : vector<16xi32>
        %add3A_1818 = arith.addi %mul3A_1681, %and3A_1763 : vector<16xi32>
        %gather3A_1819 = tpu.vector_load_idx %arg17[%add3A_1817, %add3A_1818] : memref<320x128xf32, #tpu.memory_space<vmem>>[vector<16xi32>, vector<16xi32>], vector<16xf32>,
        %add3A_1820 = arith.addf %add3A_1811, %gather3A_1819 : vector<16xf32>
        %mul3A_1821 = arith.constant 5 : i32
        %mul3A_1822 = vector.broadcast %mul3A_1821 : i32 to vector<16xi32>
        %mul3A_1823 = arith.muli %add3A_1400, %mul3A_1822 : vector<16xi32>
        %add3A_1824 = arith.constant 3 : i32
        %add3A_1825 = vector.broadcast %add3A_1824 : i32 to vector<16xi32>
        %add3A_1826 = arith.addi %mul3A_1823, %add3A_1825 : vector<16xi32>
        %add3A_1827 = arith.addi %mul3A_1717, %and3A_1763 : vector<16xi32>
        %gather3A_1828 = tpu.vector_load_idx %arg17[%add3A_1826, %add3A_1827] : memref<320x128xf32, #tpu.memory_space<vmem>>[vector<16xi32>, vector<16xi32>], vector<16xf32>,
        %add3A_1829 = arith.addf %add3A_1820, %gather3A_1828 : vector<16xf32>
        %mul3A_1830 = arith.constant 5 : i32
        %mul3A_1831 = vector.broadcast %mul3A_1830 : i32 to vector<16xi32>
        %mul3A_1832 = arith.muli %add3A_1400, %mul3A_1831 : vector<16xi32>
        %add3A_1833 = arith.constant 4 : i32
        %add3A_1834 = vector.broadcast %add3A_1833 : i32 to vector<16xi32>
        %add3A_1835 = arith.addi %mul3A_1832, %add3A_1834 : vector<16xi32>
        %add3A_1836 = arith.addi %mul3A_1753, %and3A_1763 : vector<16xi32>
        %gather3A_1837 = tpu.vector_load_idx %arg17[%add3A_1835, %add3A_1836] : memref<320x128xf32, #tpu.memory_space<vmem>>[vector<16xi32>, vector<16xi32>], vector<16xf32>,
        %add3A_1838 = arith.addf %add3A_1829, %gather3A_1837 : vector<16xf32>
        %mul3A_1839 = arith.mulf %gather3A_1765, %add3A_1797 : vector<16xf32>
        %add3A_1840 = arith.addf %broadcast_in_dim3A_1755, %mul3A_1839 : vector<16xf32>
        %mul3A_1841 = arith.mulf %gather3A_1765, %add3A_1838 : vector<16xf32>
        %add3A_1842 = arith.addf %broadcast_in_dim3A_1757, %mul3A_1841 : vector<16xf32>
        %add3A_1843 = arith.constant 1 : i32
        %add3A_1844 = vector.broadcast %add3A_1843 : i32 to vector<16xi32>
        %add3A_1845 = arith.addi %add3A_1844, %iota3A_1758 : vector<16xi32>
        %and3A_1846 = arith.constant 31 : i32
        %and3A_1847 = vector.broadcast %and3A_1846 : i32 to vector<16xi32>
        %and3A_1848 = arith.andi %add3A_1845, %and3A_1847 : vector<16xi32>
        %add3A_1849 = arith.addi %mul3A_1429, %and3A_1848 : vector<16xi32>
        %gather3A_1850 = tpu.vector_load_idx %arg15[%add3A_1400, %add3A_1849] : memref<64x128xf32, #tpu.memory_space<vmem>>[vector<16xi32>, vector<16xi32>], vector<16xf32>,
        %mul3A_1851 = arith.constant 4 : i32
        %mul3A_1852 = vector.broadcast %mul3A_1851 : i32 to vector<16xi32>
        %mul3A_1853 = arith.muli %add3A_1400, %mul3A_1852 : vector<16xi32>
        %add3A_1854 = arith.addi %mul3A_1465, %and3A_1848 : vector<16xi32>
        %gather3A_1855 = tpu.vector_load_idx %arg16[%mul3A_1853, %add3A_1854] : memref<256x128xf32, #tpu.memory_space<vmem>>[vector<16xi32>, vector<16xi32>], vector<16xf32>,
        %mul3A_1856 = arith.constant 4 : i32
        %mul3A_1857 = vector.broadcast %mul3A_1856 : i32 to vector<16xi32>
        %mul3A_1858 = arith.muli %add3A_1400, %mul3A_1857 : vector<16xi32>
        %add3A_1859 = arith.constant 1 : i32
        %add3A_1860 = vector.broadcast %add3A_1859 : i32 to vector<16xi32>
        %add3A_1861 = arith.addi %mul3A_1858, %add3A_1860 : vector<16xi32>
        %add3A_1862 = arith.addi %mul3A_1501, %and3A_1848 : vector<16xi32>
        %gather3A_1863 = tpu.vector_load_idx %arg16[%add3A_1861, %add3A_1862] : memref<256x128xf32, #tpu.memory_space<vmem>>[vector<16xi32>, vector<16xi32>], vector<16xf32>,
        %add3A_1864 = arith.addf %gather3A_1855, %gather3A_1863 : vector<16xf32>
        %mul3A_1865 = arith.constant 4 : i32
        %mul3A_1866 = vector.broadcast %mul3A_1865 : i32 to vector<16xi32>
        %mul3A_1867 = arith.muli %add3A_1400, %mul3A_1866 : vector<16xi32>
        %add3A_1868 = arith.constant 2 : i32
        %add3A_1869 = vector.broadcast %add3A_1868 : i32 to vector<16xi32>
        %add3A_1870 = arith.addi %mul3A_1867, %add3A_1869 : vector<16xi32>
        %add3A_1871 = arith.addi %mul3A_1537, %and3A_1848 : vector<16xi32>
        %gather3A_1872 = tpu.vector_load_idx %arg16[%add3A_1870, %add3A_1871] : memref<256x128xf32, #tpu.memory_space<vmem>>[vector<16xi32>, vector<16xi32>], vector<16xf32>,
        %add3A_1873 = arith.addf %add3A_1864, %gather3A_1872 : vector<16xf32>
        %mul3A_1874 = arith.constant 4 : i32
        %mul3A_1875 = vector.broadcast %mul3A_1874 : i32 to vector<16xi32>
        %mul3A_1876 = arith.muli %add3A_1400, %mul3A_1875 : vector<16xi32>
        %add3A_1877 = arith.constant 3 : i32
        %add3A_1878 = vector.broadcast %add3A_1877 : i32 to vector<16xi32>
        %add3A_1879 = arith.addi %mul3A_1876, %add3A_1878 : vector<16xi32>
        %add3A_1880 = arith.addi %mul3A_1573, %and3A_1848 : vector<16xi32>
        %gather3A_1881 = tpu.vector_load_idx %arg16[%add3A_1879, %add3A_1880] : memref<256x128xf32, #tpu.memory_space<vmem>>[vector<16xi32>, vector<16xi32>], vector<16xf32>,
        %add3A_1882 = arith.addf %add3A_1873, %gather3A_1881 : vector<16xf32>
        %mul3A_1883 = arith.constant 5 : i32
        %mul3A_1884 = vector.broadcast %mul3A_1883 : i32 to vector<16xi32>
        %mul3A_1885 = arith.muli %add3A_1400, %mul3A_1884 : vector<16xi32>
        %add3A_1886 = arith.addi %mul3A_1609, %and3A_1848 : vector<16xi32>
        %gather3A_1887 = tpu.vector_load_idx %arg17[%mul3A_1885, %add3A_1886] : memref<320x128xf32, #tpu.memory_space<vmem>>[vector<16xi32>, vector<16xi32>], vector<16xf32>,
        %mul3A_1888 = arith.constant 5 : i32
        %mul3A_1889 = vector.broadcast %mul3A_1888 : i32 to vector<16xi32>
        %mul3A_1890 = arith.muli %add3A_1400, %mul3A_1889 : vector<16xi32>
        %add3A_1891 = arith.constant 1 : i32
        %add3A_1892 = vector.broadcast %add3A_1891 : i32 to vector<16xi32>
        %add3A_1893 = arith.addi %mul3A_1890, %add3A_1892 : vector<16xi32>
        %add3A_1894 = arith.addi %mul3A_1645, %and3A_1848 : vector<16xi32>
        %gather3A_1895 = tpu.vector_load_idx %arg17[%add3A_1893, %add3A_1894] : memref<320x128xf32, #tpu.memory_space<vmem>>[vector<16xi32>, vector<16xi32>], vector<16xf32>,
        %add3A_1896 = arith.addf %gather3A_1887, %gather3A_1895 : vector<16xf32>
        %mul3A_1897 = arith.constant 5 : i32
        %mul3A_1898 = vector.broadcast %mul3A_1897 : i32 to vector<16xi32>
        %mul3A_1899 = arith.muli %add3A_1400, %mul3A_1898 : vector<16xi32>
        %add3A_1900 = arith.constant 2 : i32
        %add3A_1901 = vector.broadcast %add3A_1900 : i32 to vector<16xi32>
        %add3A_1902 = arith.addi %mul3A_1899, %add3A_1901 : vector<16xi32>
        %add3A_1903 = arith.addi %mul3A_1681, %and3A_1848 : vector<16xi32>
        %gather3A_1904 = tpu.vector_load_idx %arg17[%add3A_1902, %add3A_1903] : memref<320x128xf32, #tpu.memory_space<vmem>>[vector<16xi32>, vector<16xi32>], vector<16xf32>,
        %add3A_1905 = arith.addf %add3A_1896, %gather3A_1904 : vector<16xf32>
        %mul3A_1906 = arith.constant 5 : i32
        %mul3A_1907 = vector.broadcast %mul3A_1906 : i32 to vector<16xi32>
        %mul3A_1908 = arith.muli %add3A_1400, %mul3A_1907 : vector<16xi32>
        %add3A_1909 = arith.constant 3 : i32
        %add3A_1910 = vector.broadcast %add3A_1909 : i32 to vector<16xi32>
        %add3A_1911 = arith.addi %mul3A_1908, %add3A_1910 : vector<16xi32>
        %add3A_1912 = arith.addi %mul3A_1717, %and3A_1848 : vector<16xi32>
        %gather3A_1913 = tpu.vector_load_idx %arg17[%add3A_1911, %add3A_1912] : memref<320x128xf32, #tpu.memory_space<vmem>>[vector<16xi32>, vector<16xi32>], vector<16xf32>,
        %add3A_1914 = arith.addf %add3A_1905, %gather3A_1913 : vector<16xf32>
        %mul3A_1915 = arith.constant 5 : i32
        %mul3A_1916 = vector.broadcast %mul3A_1915 : i32 to vector<16xi32>
        %mul3A_1917 = arith.muli %add3A_1400, %mul3A_1916 : vector<16xi32>
        %add3A_1918 = arith.constant 4 : i32
        %add3A_1919 = vector.broadcast %add3A_1918 : i32 to vector<16xi32>
        %add3A_1920 = arith.addi %mul3A_1917, %add3A_1919 : vector<16xi32>
        %add3A_1921 = arith.addi %mul3A_1753, %and3A_1848 : vector<16xi32>
        %gather3A_1922 = tpu.vector_load_idx %arg17[%add3A_1920, %add3A_1921] : memref<320x128xf32, #tpu.memory_space<vmem>>[vector<16xi32>, vector<16xi32>], vector<16xf32>,
        %add3A_1923 = arith.addf %add3A_1914, %gather3A_1922 : vector<16xf32>
        %mul3A_1924 = arith.mulf %gather3A_1850, %add3A_1882 : vector<16xf32>
        %add3A_1925 = arith.addf %add3A_1840, %mul3A_1924 : vector<16xf32>
        %mul3A_1926 = arith.mulf %gather3A_1850, %add3A_1923 : vector<16xf32>
        %add3A_1927 = arith.addf %add3A_1842, %mul3A_1926 : vector<16xf32>
        %add3A_1928 = arith.constant 2 : i32
        %add3A_1929 = vector.broadcast %add3A_1928 : i32 to vector<16xi32>
        %add3A_1930 = arith.addi %add3A_1929, %iota3A_1758 : vector<16xi32>
        %and3A_1931 = arith.constant 31 : i32
        %and3A_1932 = vector.broadcast %and3A_1931 : i32 to vector<16xi32>
        %and3A_1933 = arith.andi %add3A_1930, %and3A_1932 : vector<16xi32>
        %add3A_1934 = arith.addi %mul3A_1429, %and3A_1933 : vector<16xi32>
        %gather3A_1935 = tpu.vector_load_idx %arg15[%add3A_1400, %add3A_1934] : memref<64x128xf32, #tpu.memory_space<vmem>>[vector<16xi32>, vector<16xi32>], vector<16xf32>,
        %mul3A_1936 = arith.constant 4 : i32
        %mul3A_1937 = vector.broadcast %mul3A_1936 : i32 to vector<16xi32>
        %mul3A_1938 = arith.muli %add3A_1400, %mul3A_1937 : vector<16xi32>
        %add3A_1939 = arith.addi %mul3A_1465, %and3A_1933 : vector<16xi32>
        %gather3A_1940 = tpu.vector_load_idx %arg16[%mul3A_1938, %add3A_1939] : memref<256x128xf32, #tpu.memory_space<vmem>>[vector<16xi32>, vector<16xi32>], vector<16xf32>,
        %mul3A_1941 = arith.constant 4 : i32
        %mul3A_1942 = vector.broadcast %mul3A_1941 : i32 to vector<16xi32>
        %mul3A_1943 = arith.muli %add3A_1400, %mul3A_1942 : vector<16xi32>
        %add3A_1944 = arith.constant 1 : i32
        %add3A_1945 = vector.broadcast %add3A_1944 : i32 to vector<16xi32>
        %add3A_1946 = arith.addi %mul3A_1943, %add3A_1945 : vector<16xi32>
        %add3A_1947 = arith.addi %mul3A_1501, %and3A_1933 : vector<16xi32>
        %gather3A_1948 = tpu.vector_load_idx %arg16[%add3A_1946, %add3A_1947] : memref<256x128xf32, #tpu.memory_space<vmem>>[vector<16xi32>, vector<16xi32>], vector<16xf32>,
        %add3A_1949 = arith.addf %gather3A_1940, %gather3A_1948 : vector<16xf32>
        %mul3A_1950 = arith.constant 4 : i32
        %mul3A_1951 = vector.broadcast %mul3A_1950 : i32 to vector<16xi32>
        %mul3A_1952 = arith.muli %add3A_1400, %mul3A_1951 : vector<16xi32>
        %add3A_1953 = arith.constant 2 : i32
        %add3A_1954 = vector.broadcast %add3A_1953 : i32 to vector<16xi32>
        %add3A_1955 = arith.addi %mul3A_1952, %add3A_1954 : vector<16xi32>
        %add3A_1956 = arith.addi %mul3A_1537, %and3A_1933 : vector<16xi32>
        %gather3A_1957 = tpu.vector_load_idx %arg16[%add3A_1955, %add3A_1956] : memref<256x128xf32, #tpu.memory_space<vmem>>[vector<16xi32>, vector<16xi32>], vector<16xf32>,
        %add3A_1958 = arith.addf %add3A_1949, %gather3A_1957 : vector<16xf32>
        %mul3A_1959 = arith.constant 4 : i32
        %mul3A_1960 = vector.broadcast %mul3A_1959 : i32 to vector<16xi32>
        %mul3A_1961 = arith.muli %add3A_1400, %mul3A_1960 : vector<16xi32>
        %add3A_1962 = arith.constant 3 : i32
        %add3A_1963 = vector.broadcast %add3A_1962 : i32 to vector<16xi32>
        %add3A_1964 = arith.addi %mul3A_1961, %add3A_1963 : vector<16xi32>
        %add3A_1965 = arith.addi %mul3A_1573, %and3A_1933 : vector<16xi32>
        %gather3A_1966 = tpu.vector_load_idx %arg16[%add3A_1964, %add3A_1965] : memref<256x128xf32, #tpu.memory_space<vmem>>[vector<16xi32>, vector<16xi32>], vector<16xf32>,
        %add3A_1967 = arith.addf %add3A_1958, %gather3A_1966 : vector<16xf32>
        %mul3A_1968 = arith.constant 5 : i32
        %mul3A_1969 = vector.broadcast %mul3A_1968 : i32 to vector<16xi32>
        %mul3A_1970 = arith.muli %add3A_1400, %mul3A_1969 : vector<16xi32>
        %add3A_1971 = arith.addi %mul3A_1609, %and3A_1933 : vector<16xi32>
        %gather3A_1972 = tpu.vector_load_idx %arg17[%mul3A_1970, %add3A_1971] : memref<320x128xf32, #tpu.memory_space<vmem>>[vector<16xi32>, vector<16xi32>], vector<16xf32>,
        %mul3A_1973 = arith.constant 5 : i32
        %mul3A_1974 = vector.broadcast %mul3A_1973 : i32 to vector<16xi32>
        %mul3A_1975 = arith.muli %add3A_1400, %mul3A_1974 : vector<16xi32>
        %add3A_1976 = arith.constant 1 : i32
        %add3A_1977 = vector.broadcast %add3A_1976 : i32 to vector<16xi32>
        %add3A_1978 = arith.addi %mul3A_1975, %add3A_1977 : vector<16xi32>
        %add3A_1979 = arith.addi %mul3A_1645, %and3A_1933 : vector<16xi32>
        %gather3A_1980 = tpu.vector_load_idx %arg17[%add3A_1978, %add3A_1979] : memref<320x128xf32, #tpu.memory_space<vmem>>[vector<16xi32>, vector<16xi32>], vector<16xf32>,
        %add3A_1981 = arith.addf %gather3A_1972, %gather3A_1980 : vector<16xf32>
        %mul3A_1982 = arith.constant 5 : i32
        %mul3A_1983 = vector.broadcast %mul3A_1982 : i32 to vector<16xi32>
        %mul3A_1984 = arith.muli %add3A_1400, %mul3A_1983 : vector<16xi32>
        %add3A_1985 = arith.constant 2 : i32
        %add3A_1986 = vector.broadcast %add3A_1985 : i32 to vector<16xi32>
        %add3A_1987 = arith.addi %mul3A_1984, %add3A_1986 : vector<16xi32>
        %add3A_1988 = arith.addi %mul3A_1681, %and3A_1933 : vector<16xi32>
        %gather3A_1989 = tpu.vector_load_idx %arg17[%add3A_1987, %add3A_1988] : memref<320x128xf32, #tpu.memory_space<vmem>>[vector<16xi32>, vector<16xi32>], vector<16xf32>,
        %add3A_1990 = arith.addf %add3A_1981, %gather3A_1989 : vector<16xf32>
        %mul3A_1991 = arith.constant 5 : i32
        %mul3A_1992 = vector.broadcast %mul3A_1991 : i32 to vector<16xi32>
        %mul3A_1993 = arith.muli %add3A_1400, %mul3A_1992 : vector<16xi32>
        %add3A_1994 = arith.constant 3 : i32
        %add3A_1995 = vector.broadcast %add3A_1994 : i32 to vector<16xi32>
        %add3A_1996 = arith.addi %mul3A_1993, %add3A_1995 : vector<16xi32>
        %add3A_1997 = arith.addi %mul3A_1717, %and3A_1933 : vector<16xi32>
        %gather3A_1998 = tpu.vector_load_idx %arg17[%add3A_1996, %add3A_1997] : memref<320x128xf32, #tpu.memory_space<vmem>>[vector<16xi32>, vector<16xi32>], vector<16xf32>,
        %add3A_1999 = arith.addf %add3A_1990, %gather3A_1998 : vector<16xf32>
        %mul3A_2000 = arith.constant 5 : i32
        %mul3A_2001 = vector.broadcast %mul3A_2000 : i32 to vector<16xi32>
        %mul3A_2002 = arith.muli %add3A_1400, %mul3A_2001 : vector<16xi32>
        %add3A_2003 = arith.constant 4 : i32
        %add3A_2004 = vector.broadcast %add3A_2003 : i32 to vector<16xi32>
        %add3A_2005 = arith.addi %mul3A_2002, %add3A_2004 : vector<16xi32>
        %add3A_2006 = arith.addi %mul3A_1753, %and3A_1933 : vector<16xi32>
        %gather3A_2007 = tpu.vector_load_idx %arg17[%add3A_2005, %add3A_2006] : memref<320x128xf32, #tpu.memory_space<vmem>>[vector<16xi32>, vector<16xi32>], vector<16xf32>,
        %add3A_2008 = arith.addf %add3A_1999, %gather3A_2007 : vector<16xf32>
        %mul3A_2009 = arith.mulf %gather3A_1935, %add3A_1967 : vector<16xf32>
        %add3A_2010 = arith.addf %add3A_1925, %mul3A_2009 : vector<16xf32>
        %mul3A_2011 = arith.mulf %gather3A_1935, %add3A_2008 : vector<16xf32>
        %add3A_2012 = arith.addf %add3A_1927, %mul3A_2011 : vector<16xf32>
        %add3A_2013 = arith.constant 3 : i32
        %add3A_2014 = vector.broadcast %add3A_2013 : i32 to vector<16xi32>
        %add3A_2015 = arith.addi %add3A_2014, %iota3A_1758 : vector<16xi32>
        %and3A_2016 = arith.constant 31 : i32
        %and3A_2017 = vector.broadcast %and3A_2016 : i32 to vector<16xi32>
        %and3A_2018 = arith.andi %add3A_2015, %and3A_2017 : vector<16xi32>
        %add3A_2019 = arith.addi %mul3A_1429, %and3A_2018 : vector<16xi32>
        %gather3A_2020 = tpu.vector_load_idx %arg15[%add3A_1400, %add3A_2019] : memref<64x128xf32, #tpu.memory_space<vmem>>[vector<16xi32>, vector<16xi32>], vector<16xf32>,
        %mul3A_2021 = arith.constant 4 : i32
        %mul3A_2022 = vector.broadcast %mul3A_2021 : i32 to vector<16xi32>
        %mul3A_2023 = arith.muli %add3A_1400, %mul3A_2022 : vector<16xi32>
        %add3A_2024 = arith.addi %mul3A_1465, %and3A_2018 : vector<16xi32>
        %gather3A_2025 = tpu.vector_load_idx %arg16[%mul3A_2023, %add3A_2024] : memref<256x128xf32, #tpu.memory_space<vmem>>[vector<16xi32>, vector<16xi32>], vector<16xf32>,
        %mul3A_2026 = arith.constant 4 : i32
        %mul3A_2027 = vector.broadcast %mul3A_2026 : i32 to vector<16xi32>
        %mul3A_2028 = arith.muli %add3A_1400, %mul3A_2027 : vector<16xi32>
        %add3A_2029 = arith.constant 1 : i32
        %add3A_2030 = vector.broadcast %add3A_2029 : i32 to vector<16xi32>
        %add3A_2031 = arith.addi %mul3A_2028, %add3A_2030 : vector<16xi32>
        %add3A_2032 = arith.addi %mul3A_1501, %and3A_2018 : vector<16xi32>
        %gather3A_2033 = tpu.vector_load_idx %arg16[%add3A_2031, %add3A_2032] : memref<256x128xf32, #tpu.memory_space<vmem>>[vector<16xi32>, vector<16xi32>], vector<16xf32>,
        %add3A_2034 = arith.addf %gather3A_2025, %gather3A_2033 : vector<16xf32>
        %mul3A_2035 = arith.constant 4 : i32
        %mul3A_2036 = vector.broadcast %mul3A_2035 : i32 to vector<16xi32>
        %mul3A_2037 = arith.muli %add3A_1400, %mul3A_2036 : vector<16xi32>
        %add3A_2038 = arith.constant 2 : i32
        %add3A_2039 = vector.broadcast %add3A_2038 : i32 to vector<16xi32>
        %add3A_2040 = arith.addi %mul3A_2037, %add3A_2039 : vector<16xi32>
        %add3A_2041 = arith.addi %mul3A_1537, %and3A_2018 : vector<16xi32>
        %gather3A_2042 = tpu.vector_load_idx %arg16[%add3A_2040, %add3A_2041] : memref<256x128xf32, #tpu.memory_space<vmem>>[vector<16xi32>, vector<16xi32>], vector<16xf32>,
        %add3A_2043 = arith.addf %add3A_2034, %gather3A_2042 : vector<16xf32>
        %mul3A_2044 = arith.constant 4 : i32
        %mul3A_2045 = vector.broadcast %mul3A_2044 : i32 to vector<16xi32>
        %mul3A_2046 = arith.muli %add3A_1400, %mul3A_2045 : vector<16xi32>
        %add3A_2047 = arith.constant 3 : i32
        %add3A_2048 = vector.broadcast %add3A_2047 : i32 to vector<16xi32>
        %add3A_2049 = arith.addi %mul3A_2046, %add3A_2048 : vector<16xi32>
        %add3A_2050 = arith.addi %mul3A_1573, %and3A_2018 : vector<16xi32>
        %gather3A_2051 = tpu.vector_load_idx %arg16[%add3A_2049, %add3A_2050] : memref<256x128xf32, #tpu.memory_space<vmem>>[vector<16xi32>, vector<16xi32>], vector<16xf32>,
        %add3A_2052 = arith.addf %add3A_2043, %gather3A_2051 : vector<16xf32>
        %mul3A_2053 = arith.constant 5 : i32
        %mul3A_2054 = vector.broadcast %mul3A_2053 : i32 to vector<16xi32>
        %mul3A_2055 = arith.muli %add3A_1400, %mul3A_2054 : vector<16xi32>
        %add3A_2056 = arith.addi %mul3A_1609, %and3A_2018 : vector<16xi32>
        %gather3A_2057 = tpu.vector_load_idx %arg17[%mul3A_2055, %add3A_2056] : memref<320x128xf32, #tpu.memory_space<vmem>>[vector<16xi32>, vector<16xi32>], vector<16xf32>,
        %mul3A_2058 = arith.constant 5 : i32
        %mul3A_2059 = vector.broadcast %mul3A_2058 : i32 to vector<16xi32>
        %mul3A_2060 = arith.muli %add3A_1400, %mul3A_2059 : vector<16xi32>
        %add3A_2061 = arith.constant 1 : i32
        %add3A_2062 = vector.broadcast %add3A_2061 : i32 to vector<16xi32>
        %add3A_2063 = arith.addi %mul3A_2060, %add3A_2062 : vector<16xi32>
        %add3A_2064 = arith.addi %mul3A_1645, %and3A_2018 : vector<16xi32>
        %gather3A_2065 = tpu.vector_load_idx %arg17[%add3A_2063, %add3A_2064] : memref<320x128xf32, #tpu.memory_space<vmem>>[vector<16xi32>, vector<16xi32>], vector<16xf32>,
        %add3A_2066 = arith.addf %gather3A_2057, %gather3A_2065 : vector<16xf32>
        %mul3A_2067 = arith.constant 5 : i32
        %mul3A_2068 = vector.broadcast %mul3A_2067 : i32 to vector<16xi32>
        %mul3A_2069 = arith.muli %add3A_1400, %mul3A_2068 : vector<16xi32>
        %add3A_2070 = arith.constant 2 : i32
        %add3A_2071 = vector.broadcast %add3A_2070 : i32 to vector<16xi32>
        %add3A_2072 = arith.addi %mul3A_2069, %add3A_2071 : vector<16xi32>
        %add3A_2073 = arith.addi %mul3A_1681, %and3A_2018 : vector<16xi32>
        %gather3A_2074 = tpu.vector_load_idx %arg17[%add3A_2072, %add3A_2073] : memref<320x128xf32, #tpu.memory_space<vmem>>[vector<16xi32>, vector<16xi32>], vector<16xf32>,
        %add3A_2075 = arith.addf %add3A_2066, %gather3A_2074 : vector<16xf32>
        %mul3A_2076 = arith.constant 5 : i32
        %mul3A_2077 = vector.broadcast %mul3A_2076 : i32 to vector<16xi32>
        %mul3A_2078 = arith.muli %add3A_1400, %mul3A_2077 : vector<16xi32>
        %add3A_2079 = arith.constant 3 : i32
        %add3A_2080 = vector.broadcast %add3A_2079 : i32 to vector<16xi32>
        %add3A_2081 = arith.addi %mul3A_2078, %add3A_2080 : vector<16xi32>
        %add3A_2082 = arith.addi %mul3A_1717, %and3A_2018 : vector<16xi32>
        %gather3A_2083 = tpu.vector_load_idx %arg17[%add3A_2081, %add3A_2082] : memref<320x128xf32, #tpu.memory_space<vmem>>[vector<16xi32>, vector<16xi32>], vector<16xf32>,
        %add3A_2084 = arith.addf %add3A_2075, %gather3A_2083 : vector<16xf32>
        %mul3A_2085 = arith.constant 5 : i32
        %mul3A_2086 = vector.broadcast %mul3A_2085 : i32 to vector<16xi32>
        %mul3A_2087 = arith.muli %add3A_1400, %mul3A_2086 : vector<16xi32>
        %add3A_2088 = arith.constant 4 : i32
        %add3A_2089 = vector.broadcast %add3A_2088 : i32 to vector<16xi32>
        %add3A_2090 = arith.addi %mul3A_2087, %add3A_2089 : vector<16xi32>
        %add3A_2091 = arith.addi %mul3A_1753, %and3A_2018 : vector<16xi32>
        %gather3A_2092 = tpu.vector_load_idx %arg17[%add3A_2090, %add3A_2091] : memref<320x128xf32, #tpu.memory_space<vmem>>[vector<16xi32>, vector<16xi32>], vector<16xf32>,
        %add3A_2093 = arith.addf %add3A_2084, %gather3A_2092 : vector<16xf32>
        %mul3A_2094 = arith.mulf %gather3A_2020, %add3A_2052 : vector<16xf32>
        %add3A_2095 = arith.addf %add3A_2010, %mul3A_2094 : vector<16xf32>
        %mul3A_2096 = arith.mulf %gather3A_2020, %add3A_2093 : vector<16xf32>
        %add3A_2097 = arith.addf %add3A_2012, %mul3A_2096 : vector<16xf32>
        %add3A_2098 = arith.constant 4 : i32
        %add3A_2099 = vector.broadcast %add3A_2098 : i32 to vector<16xi32>
        %add3A_2100 = arith.addi %add3A_2099, %iota3A_1758 : vector<16xi32>
        %and3A_2101 = arith.constant 31 : i32
        %and3A_2102 = vector.broadcast %and3A_2101 : i32 to vector<16xi32>
        %and3A_2103 = arith.andi %add3A_2100, %and3A_2102 : vector<16xi32>
        %add3A_2104 = arith.addi %mul3A_1429, %and3A_2103 : vector<16xi32>
        %gather3A_2105 = tpu.vector_load_idx %arg15[%add3A_1400, %add3A_2104] : memref<64x128xf32, #tpu.memory_space<vmem>>[vector<16xi32>, vector<16xi32>], vector<16xf32>,
        %mul3A_2106 = arith.constant 4 : i32
        %mul3A_2107 = vector.broadcast %mul3A_2106 : i32 to vector<16xi32>
        %mul3A_2108 = arith.muli %add3A_1400, %mul3A_2107 : vector<16xi32>
        %add3A_2109 = arith.addi %mul3A_1465, %and3A_2103 : vector<16xi32>
        %gather3A_2110 = tpu.vector_load_idx %arg16[%mul3A_2108, %add3A_2109] : memref<256x128xf32, #tpu.memory_space<vmem>>[vector<16xi32>, vector<16xi32>], vector<16xf32>,
        %mul3A_2111 = arith.constant 4 : i32
        %mul3A_2112 = vector.broadcast %mul3A_2111 : i32 to vector<16xi32>
        %mul3A_2113 = arith.muli %add3A_1400, %mul3A_2112 : vector<16xi32>
        %add3A_2114 = arith.constant 1 : i32
        %add3A_2115 = vector.broadcast %add3A_2114 : i32 to vector<16xi32>
        %add3A_2116 = arith.addi %mul3A_2113, %add3A_2115 : vector<16xi32>
        %add3A_2117 = arith.addi %mul3A_1501, %and3A_2103 : vector<16xi32>
        %gather3A_2118 = tpu.vector_load_idx %arg16[%add3A_2116, %add3A_2117] : memref<256x128xf32, #tpu.memory_space<vmem>>[vector<16xi32>, vector<16xi32>], vector<16xf32>,
        %add3A_2119 = arith.addf %gather3A_2110, %gather3A_2118 : vector<16xf32>
        %mul3A_2120 = arith.constant 4 : i32
        %mul3A_2121 = vector.broadcast %mul3A_2120 : i32 to vector<16xi32>
        %mul3A_2122 = arith.muli %add3A_1400, %mul3A_2121 : vector<16xi32>
        %add3A_2123 = arith.constant 2 : i32
        %add3A_2124 = vector.broadcast %add3A_2123 : i32 to vector<16xi32>
        %add3A_2125 = arith.addi %mul3A_2122, %add3A_2124 : vector<16xi32>
        %add3A_2126 = arith.addi %mul3A_1537, %and3A_2103 : vector<16xi32>
        %gather3A_2127 = tpu.vector_load_idx %arg16[%add3A_2125, %add3A_2126] : memref<256x128xf32, #tpu.memory_space<vmem>>[vector<16xi32>, vector<16xi32>], vector<16xf32>,
        %add3A_2128 = arith.addf %add3A_2119, %gather3A_2127 : vector<16xf32>
        %mul3A_2129 = arith.constant 4 : i32
        %mul3A_2130 = vector.broadcast %mul3A_2129 : i32 to vector<16xi32>
        %mul3A_2131 = arith.muli %add3A_1400, %mul3A_2130 : vector<16xi32>
        %add3A_2132 = arith.constant 3 : i32
        %add3A_2133 = vector.broadcast %add3A_2132 : i32 to vector<16xi32>
        %add3A_2134 = arith.addi %mul3A_2131, %add3A_2133 : vector<16xi32>
        %add3A_2135 = arith.addi %mul3A_1573, %and3A_2103 : vector<16xi32>
        %gather3A_2136 = tpu.vector_load_idx %arg16[%add3A_2134, %add3A_2135] : memref<256x128xf32, #tpu.memory_space<vmem>>[vector<16xi32>, vector<16xi32>], vector<16xf32>,
        %add3A_2137 = arith.addf %add3A_2128, %gather3A_2136 : vector<16xf32>
        %mul3A_2138 = arith.constant 5 : i32
        %mul3A_2139 = vector.broadcast %mul3A_2138 : i32 to vector<16xi32>
        %mul3A_2140 = arith.muli %add3A_1400, %mul3A_2139 : vector<16xi32>
        %add3A_2141 = arith.addi %mul3A_1609, %and3A_2103 : vector<16xi32>
        %gather3A_2142 = tpu.vector_load_idx %arg17[%mul3A_2140, %add3A_2141] : memref<320x128xf32, #tpu.memory_space<vmem>>[vector<16xi32>, vector<16xi32>], vector<16xf32>,
        %mul3A_2143 = arith.constant 5 : i32
        %mul3A_2144 = vector.broadcast %mul3A_2143 : i32 to vector<16xi32>
        %mul3A_2145 = arith.muli %add3A_1400, %mul3A_2144 : vector<16xi32>
        %add3A_2146 = arith.constant 1 : i32
        %add3A_2147 = vector.broadcast %add3A_2146 : i32 to vector<16xi32>
        %add3A_2148 = arith.addi %mul3A_2145, %add3A_2147 : vector<16xi32>
        %add3A_2149 = arith.addi %mul3A_1645, %and3A_2103 : vector<16xi32>
        %gather3A_2150 = tpu.vector_load_idx %arg17[%add3A_2148, %add3A_2149] : memref<320x128xf32, #tpu.memory_space<vmem>>[vector<16xi32>, vector<16xi32>], vector<16xf32>,
        %add3A_2151 = arith.addf %gather3A_2142, %gather3A_2150 : vector<16xf32>
        %mul3A_2152 = arith.constant 5 : i32
        %mul3A_2153 = vector.broadcast %mul3A_2152 : i32 to vector<16xi32>
        %mul3A_2154 = arith.muli %add3A_1400, %mul3A_2153 : vector<16xi32>
        %add3A_2155 = arith.constant 2 : i32
        %add3A_2156 = vector.broadcast %add3A_2155 : i32 to vector<16xi32>
        %add3A_2157 = arith.addi %mul3A_2154, %add3A_2156 : vector<16xi32>
        %add3A_2158 = arith.addi %mul3A_1681, %and3A_2103 : vector<16xi32>
        %gather3A_2159 = tpu.vector_load_idx %arg17[%add3A_2157, %add3A_2158] : memref<320x128xf32, #tpu.memory_space<vmem>>[vector<16xi32>, vector<16xi32>], vector<16xf32>,
        %add3A_2160 = arith.addf %add3A_2151, %gather3A_2159 : vector<16xf32>
        %mul3A_2161 = arith.constant 5 : i32
        %mul3A_2162 = vector.broadcast %mul3A_2161 : i32 to vector<16xi32>
        %mul3A_2163 = arith.muli %add3A_1400, %mul3A_2162 : vector<16xi32>
        %add3A_2164 = arith.constant 3 : i32
        %add3A_2165 = vector.broadcast %add3A_2164 : i32 to vector<16xi32>
        %add3A_2166 = arith.addi %mul3A_2163, %add3A_2165 : vector<16xi32>
        %add3A_2167 = arith.addi %mul3A_1717, %and3A_2103 : vector<16xi32>
        %gather3A_2168 = tpu.vector_load_idx %arg17[%add3A_2166, %add3A_2167] : memref<320x128xf32, #tpu.memory_space<vmem>>[vector<16xi32>, vector<16xi32>], vector<16xf32>,
        %add3A_2169 = arith.addf %add3A_2160, %gather3A_2168 : vector<16xf32>
        %mul3A_2170 = arith.constant 5 : i32
        %mul3A_2171 = vector.broadcast %mul3A_2170 : i32 to vector<16xi32>
        %mul3A_2172 = arith.muli %add3A_1400, %mul3A_2171 : vector<16xi32>
        %add3A_2173 = arith.constant 4 : i32
        %add3A_2174 = vector.broadcast %add3A_2173 : i32 to vector<16xi32>
        %add3A_2175 = arith.addi %mul3A_2172, %add3A_2174 : vector<16xi32>
        %add3A_2176 = arith.addi %mul3A_1753, %and3A_2103 : vector<16xi32>
        %gather3A_2177 = tpu.vector_load_idx %arg17[%add3A_2175, %add3A_2176] : memref<320x128xf32, #tpu.memory_space<vmem>>[vector<16xi32>, vector<16xi32>], vector<16xf32>,
        %add3A_2178 = arith.addf %add3A_2169, %gather3A_2177 : vector<16xf32>
        %mul3A_2179 = arith.mulf %gather3A_2105, %add3A_2137 : vector<16xf32>
        %add3A_2180 = arith.addf %add3A_2095, %mul3A_2179 : vector<16xf32>
        %mul3A_2181 = arith.mulf %gather3A_2105, %add3A_2178 : vector<16xf32>
        %add3A_2182 = arith.addf %add3A_2097, %mul3A_2181 : vector<16xf32>
        %add3A_2183 = arith.constant 5 : i32
        %add3A_2184 = vector.broadcast %add3A_2183 : i32 to vector<16xi32>
        %add3A_2185 = arith.addi %add3A_2184, %iota3A_1758 : vector<16xi32>
        %and3A_2186 = arith.constant 31 : i32
        %and3A_2187 = vector.broadcast %and3A_2186 : i32 to vector<16xi32>
        %and3A_2188 = arith.andi %add3A_2185, %and3A_2187 : vector<16xi32>
        %add3A_2189 = arith.addi %mul3A_1429, %and3A_2188 : vector<16xi32>
        %gather3A_2190 = tpu.vector_load_idx %arg15[%add3A_1400, %add3A_2189] : memref<64x128xf32, #tpu.memory_space<vmem>>[vector<16xi32>, vector<16xi32>], vector<16xf32>,
        %mul3A_2191 = arith.constant 4 : i32
        %mul3A_2192 = vector.broadcast %mul3A_2191 : i32 to vector<16xi32>
        %mul3A_2193 = arith.muli %add3A_1400, %mul3A_2192 : vector<16xi32>
        %add3A_2194 = arith.addi %mul3A_1465, %and3A_2188 : vector<16xi32>
        %gather3A_2195 = tpu.vector_load_idx %arg16[%mul3A_2193, %add3A_2194] : memref<256x128xf32, #tpu.memory_space<vmem>>[vector<16xi32>, vector<16xi32>], vector<16xf32>,
        %mul3A_2196 = arith.constant 4 : i32
        %mul3A_2197 = vector.broadcast %mul3A_2196 : i32 to vector<16xi32>
        %mul3A_2198 = arith.muli %add3A_1400, %mul3A_2197 : vector<16xi32>
        %add3A_2199 = arith.constant 1 : i32
        %add3A_2200 = vector.broadcast %add3A_2199 : i32 to vector<16xi32>
        %add3A_2201 = arith.addi %mul3A_2198, %add3A_2200 : vector<16xi32>
        %add3A_2202 = arith.addi %mul3A_1501, %and3A_2188 : vector<16xi32>
        %gather3A_2203 = tpu.vector_load_idx %arg16[%add3A_2201, %add3A_2202] : memref<256x128xf32, #tpu.memory_space<vmem>>[vector<16xi32>, vector<16xi32>], vector<16xf32>,
        %add3A_2204 = arith.addf %gather3A_2195, %gather3A_2203 : vector<16xf32>
        %mul3A_2205 = arith.constant 4 : i32
        %mul3A_2206 = vector.broadcast %mul3A_2205 : i32 to vector<16xi32>
        %mul3A_2207 = arith.muli %add3A_1400, %mul3A_2206 : vector<16xi32>
        %add3A_2208 = arith.constant 2 : i32
        %add3A_2209 = vector.broadcast %add3A_2208 : i32 to vector<16xi32>
        %add3A_2210 = arith.addi %mul3A_2207, %add3A_2209 : vector<16xi32>
        %add3A_2211 = arith.addi %mul3A_1537, %and3A_2188 : vector<16xi32>
        %gather3A_2212 = tpu.vector_load_idx %arg16[%add3A_2210, %add3A_2211] : memref<256x128xf32, #tpu.memory_space<vmem>>[vector<16xi32>, vector<16xi32>], vector<16xf32>,
        %add3A_2213 = arith.addf %add3A_2204, %gather3A_2212 : vector<16xf32>
        %mul3A_2214 = arith.constant 4 : i32
        %mul3A_2215 = vector.broadcast %mul3A_2214 : i32 to vector<16xi32>
        %mul3A_2216 = arith.muli %add3A_1400, %mul3A_2215 : vector<16xi32>
        %add3A_2217 = arith.constant 3 : i32
        %add3A_2218 = vector.broadcast %add3A_2217 : i32 to vector<16xi32>
        %add3A_2219 = arith.addi %mul3A_2216, %add3A_2218 : vector<16xi32>
        %add3A_2220 = arith.addi %mul3A_1573, %and3A_2188 : vector<16xi32>
        %gather3A_2221 = tpu.vector_load_idx %arg16[%add3A_2219, %add3A_2220] : memref<256x128xf32, #tpu.memory_space<vmem>>[vector<16xi32>, vector<16xi32>], vector<16xf32>,
        %add3A_2222 = arith.addf %add3A_2213, %gather3A_2221 : vector<16xf32>
        %mul3A_2223 = arith.constant 5 : i32
        %mul3A_2224 = vector.broadcast %mul3A_2223 : i32 to vector<16xi32>
        %mul3A_2225 = arith.muli %add3A_1400, %mul3A_2224 : vector<16xi32>
        %add3A_2226 = arith.addi %mul3A_1609, %and3A_2188 : vector<16xi32>
        %gather3A_2227 = tpu.vector_load_idx %arg17[%mul3A_2225, %add3A_2226] : memref<320x128xf32, #tpu.memory_space<vmem>>[vector<16xi32>, vector<16xi32>], vector<16xf32>,
        %mul3A_2228 = arith.constant 5 : i32
        %mul3A_2229 = vector.broadcast %mul3A_2228 : i32 to vector<16xi32>
        %mul3A_2230 = arith.muli %add3A_1400, %mul3A_2229 : vector<16xi32>
        %add3A_2231 = arith.constant 1 : i32
        %add3A_2232 = vector.broadcast %add3A_2231 : i32 to vector<16xi32>
        %add3A_2233 = arith.addi %mul3A_2230, %add3A_2232 : vector<16xi32>
        %add3A_2234 = arith.addi %mul3A_1645, %and3A_2188 : vector<16xi32>
        %gather3A_2235 = tpu.vector_load_idx %arg17[%add3A_2233, %add3A_2234] : memref<320x128xf32, #tpu.memory_space<vmem>>[vector<16xi32>, vector<16xi32>], vector<16xf32>,
        %add3A_2236 = arith.addf %gather3A_2227, %gather3A_2235 : vector<16xf32>
        %mul3A_2237 = arith.constant 5 : i32
        %mul3A_2238 = vector.broadcast %mul3A_2237 : i32 to vector<16xi32>
        %mul3A_2239 = arith.muli %add3A_1400, %mul3A_2238 : vector<16xi32>
        %add3A_2240 = arith.constant 2 : i32
        %add3A_2241 = vector.broadcast %add3A_2240 : i32 to vector<16xi32>
        %add3A_2242 = arith.addi %mul3A_2239, %add3A_2241 : vector<16xi32>
        %add3A_2243 = arith.addi %mul3A_1681, %and3A_2188 : vector<16xi32>
        %gather3A_2244 = tpu.vector_load_idx %arg17[%add3A_2242, %add3A_2243] : memref<320x128xf32, #tpu.memory_space<vmem>>[vector<16xi32>, vector<16xi32>], vector<16xf32>,
        %add3A_2245 = arith.addf %add3A_2236, %gather3A_2244 : vector<16xf32>
        %mul3A_2246 = arith.constant 5 : i32
        %mul3A_2247 = vector.broadcast %mul3A_2246 : i32 to vector<16xi32>
        %mul3A_2248 = arith.muli %add3A_1400, %mul3A_2247 : vector<16xi32>
        %add3A_2249 = arith.constant 3 : i32
        %add3A_2250 = vector.broadcast %add3A_2249 : i32 to vector<16xi32>
        %add3A_2251 = arith.addi %mul3A_2248, %add3A_2250 : vector<16xi32>
        %add3A_2252 = arith.addi %mul3A_1717, %and3A_2188 : vector<16xi32>
        %gather3A_2253 = tpu.vector_load_idx %arg17[%add3A_2251, %add3A_2252] : memref<320x128xf32, #tpu.memory_space<vmem>>[vector<16xi32>, vector<16xi32>], vector<16xf32>,
        %add3A_2254 = arith.addf %add3A_2245, %gather3A_2253 : vector<16xf32>
        %mul3A_2255 = arith.constant 5 : i32
        %mul3A_2256 = vector.broadcast %mul3A_2255 : i32 to vector<16xi32>
        %mul3A_2257 = arith.muli %add3A_1400, %mul3A_2256 : vector<16xi32>
        %add3A_2258 = arith.constant 4 : i32
        %add3A_2259 = vector.broadcast %add3A_2258 : i32 to vector<16xi32>
        %add3A_2260 = arith.addi %mul3A_2257, %add3A_2259 : vector<16xi32>
        %add3A_2261 = arith.addi %mul3A_1753, %and3A_2188 : vector<16xi32>
        %gather3A_2262 = tpu.vector_load_idx %arg17[%add3A_2260, %add3A_2261] : memref<320x128xf32, #tpu.memory_space<vmem>>[vector<16xi32>, vector<16xi32>], vector<16xf32>,
        %add3A_2263 = arith.addf %add3A_2254, %gather3A_2262 : vector<16xf32>
        %mul3A_2264 = arith.mulf %gather3A_2190, %add3A_2222 : vector<16xf32>
        %add3A_2265 = arith.addf %add3A_2180, %mul3A_2264 : vector<16xf32>
        %mul3A_2266 = arith.mulf %gather3A_2190, %add3A_2263 : vector<16xf32>
        %add3A_2267 = arith.addf %add3A_2182, %mul3A_2266 : vector<16xf32>
        %add3A_2268 = arith.constant 6 : i32
        %add3A_2269 = vector.broadcast %add3A_2268 : i32 to vector<16xi32>
        %add3A_2270 = arith.addi %add3A_2269, %iota3A_1758 : vector<16xi32>
        %and3A_2271 = arith.constant 31 : i32
        %and3A_2272 = vector.broadcast %and3A_2271 : i32 to vector<16xi32>
        %and3A_2273 = arith.andi %add3A_2270, %and3A_2272 : vector<16xi32>
        %add3A_2274 = arith.addi %mul3A_1429, %and3A_2273 : vector<16xi32>
        %gather3A_2275 = tpu.vector_load_idx %arg15[%add3A_1400, %add3A_2274] : memref<64x128xf32, #tpu.memory_space<vmem>>[vector<16xi32>, vector<16xi32>], vector<16xf32>,
        %mul3A_2276 = arith.constant 4 : i32
        %mul3A_2277 = vector.broadcast %mul3A_2276 : i32 to vector<16xi32>
        %mul3A_2278 = arith.muli %add3A_1400, %mul3A_2277 : vector<16xi32>
        %add3A_2279 = arith.addi %mul3A_1465, %and3A_2273 : vector<16xi32>
        %gather3A_2280 = tpu.vector_load_idx %arg16[%mul3A_2278, %add3A_2279] : memref<256x128xf32, #tpu.memory_space<vmem>>[vector<16xi32>, vector<16xi32>], vector<16xf32>,
        %mul3A_2281 = arith.constant 4 : i32
        %mul3A_2282 = vector.broadcast %mul3A_2281 : i32 to vector<16xi32>
        %mul3A_2283 = arith.muli %add3A_1400, %mul3A_2282 : vector<16xi32>
        %add3A_2284 = arith.constant 1 : i32
        %add3A_2285 = vector.broadcast %add3A_2284 : i32 to vector<16xi32>
        %add3A_2286 = arith.addi %mul3A_2283, %add3A_2285 : vector<16xi32>
        %add3A_2287 = arith.addi %mul3A_1501, %and3A_2273 : vector<16xi32>
        %gather3A_2288 = tpu.vector_load_idx %arg16[%add3A_2286, %add3A_2287] : memref<256x128xf32, #tpu.memory_space<vmem>>[vector<16xi32>, vector<16xi32>], vector<16xf32>,
        %add3A_2289 = arith.addf %gather3A_2280, %gather3A_2288 : vector<16xf32>
        %mul3A_2290 = arith.constant 4 : i32
        %mul3A_2291 = vector.broadcast %mul3A_2290 : i32 to vector<16xi32>
        %mul3A_2292 = arith.muli %add3A_1400, %mul3A_2291 : vector<16xi32>
        %add3A_2293 = arith.constant 2 : i32
        %add3A_2294 = vector.broadcast %add3A_2293 : i32 to vector<16xi32>
        %add3A_2295 = arith.addi %mul3A_2292, %add3A_2294 : vector<16xi32>
        %add3A_2296 = arith.addi %mul3A_1537, %and3A_2273 : vector<16xi32>
        %gather3A_2297 = tpu.vector_load_idx %arg16[%add3A_2295, %add3A_2296] : memref<256x128xf32, #tpu.memory_space<vmem>>[vector<16xi32>, vector<16xi32>], vector<16xf32>,
        %add3A_2298 = arith.addf %add3A_2289, %gather3A_2297 : vector<16xf32>
        %mul3A_2299 = arith.constant 4 : i32
        %mul3A_2300 = vector.broadcast %mul3A_2299 : i32 to vector<16xi32>
        %mul3A_2301 = arith.muli %add3A_1400, %mul3A_2300 : vector<16xi32>
        %add3A_2302 = arith.constant 3 : i32
        %add3A_2303 = vector.broadcast %add3A_2302 : i32 to vector<16xi32>
        %add3A_2304 = arith.addi %mul3A_2301, %add3A_2303 : vector<16xi32>
        %add3A_2305 = arith.addi %mul3A_1573, %and3A_2273 : vector<16xi32>
        %gather3A_2306 = tpu.vector_load_idx %arg16[%add3A_2304, %add3A_2305] : memref<256x128xf32, #tpu.memory_space<vmem>>[vector<16xi32>, vector<16xi32>], vector<16xf32>,
        %add3A_2307 = arith.addf %add3A_2298, %gather3A_2306 : vector<16xf32>
        %mul3A_2308 = arith.constant 5 : i32
        %mul3A_2309 = vector.broadcast %mul3A_2308 : i32 to vector<16xi32>
        %mul3A_2310 = arith.muli %add3A_1400, %mul3A_2309 : vector<16xi32>
        %add3A_2311 = arith.addi %mul3A_1609, %and3A_2273 : vector<16xi32>
        %gather3A_2312 = tpu.vector_load_idx %arg17[%mul3A_2310, %add3A_2311] : memref<320x128xf32, #tpu.memory_space<vmem>>[vector<16xi32>, vector<16xi32>], vector<16xf32>,
        %mul3A_2313 = arith.constant 5 : i32
        %mul3A_2314 = vector.broadcast %mul3A_2313 : i32 to vector<16xi32>
        %mul3A_2315 = arith.muli %add3A_1400, %mul3A_2314 : vector<16xi32>
        %add3A_2316 = arith.constant 1 : i32
        %add3A_2317 = vector.broadcast %add3A_2316 : i32 to vector<16xi32>
        %add3A_2318 = arith.addi %mul3A_2315, %add3A_2317 : vector<16xi32>
        %add3A_2319 = arith.addi %mul3A_1645, %and3A_2273 : vector<16xi32>
        %gather3A_2320 = tpu.vector_load_idx %arg17[%add3A_2318, %add3A_2319] : memref<320x128xf32, #tpu.memory_space<vmem>>[vector<16xi32>, vector<16xi32>], vector<16xf32>,
        %add3A_2321 = arith.addf %gather3A_2312, %gather3A_2320 : vector<16xf32>
        %mul3A_2322 = arith.constant 5 : i32
        %mul3A_2323 = vector.broadcast %mul3A_2322 : i32 to vector<16xi32>
        %mul3A_2324 = arith.muli %add3A_1400, %mul3A_2323 : vector<16xi32>
        %add3A_2325 = arith.constant 2 : i32
        %add3A_2326 = vector.broadcast %add3A_2325 : i32 to vector<16xi32>
        %add3A_2327 = arith.addi %mul3A_2324, %add3A_2326 : vector<16xi32>
        %add3A_2328 = arith.addi %mul3A_1681, %and3A_2273 : vector<16xi32>
        %gather3A_2329 = tpu.vector_load_idx %arg17[%add3A_2327, %add3A_2328] : memref<320x128xf32, #tpu.memory_space<vmem>>[vector<16xi32>, vector<16xi32>], vector<16xf32>,
        %add3A_2330 = arith.addf %add3A_2321, %gather3A_2329 : vector<16xf32>
        %mul3A_2331 = arith.constant 5 : i32
        %mul3A_2332 = vector.broadcast %mul3A_2331 : i32 to vector<16xi32>
        %mul3A_2333 = arith.muli %add3A_1400, %mul3A_2332 : vector<16xi32>
        %add3A_2334 = arith.constant 3 : i32
        %add3A_2335 = vector.broadcast %add3A_2334 : i32 to vector<16xi32>
        %add3A_2336 = arith.addi %mul3A_2333, %add3A_2335 : vector<16xi32>
        %add3A_2337 = arith.addi %mul3A_1717, %and3A_2273 : vector<16xi32>
        %gather3A_2338 = tpu.vector_load_idx %arg17[%add3A_2336, %add3A_2337] : memref<320x128xf32, #tpu.memory_space<vmem>>[vector<16xi32>, vector<16xi32>], vector<16xf32>,
        %add3A_2339 = arith.addf %add3A_2330, %gather3A_2338 : vector<16xf32>
        %mul3A_2340 = arith.constant 5 : i32
        %mul3A_2341 = vector.broadcast %mul3A_2340 : i32 to vector<16xi32>
        %mul3A_2342 = arith.muli %add3A_1400, %mul3A_2341 : vector<16xi32>
        %add3A_2343 = arith.constant 4 : i32
        %add3A_2344 = vector.broadcast %add3A_2343 : i32 to vector<16xi32>
        %add3A_2345 = arith.addi %mul3A_2342, %add3A_2344 : vector<16xi32>
        %add3A_2346 = arith.addi %mul3A_1753, %and3A_2273 : vector<16xi32>
        %gather3A_2347 = tpu.vector_load_idx %arg17[%add3A_2345, %add3A_2346] : memref<320x128xf32, #tpu.memory_space<vmem>>[vector<16xi32>, vector<16xi32>], vector<16xf32>,
        %add3A_2348 = arith.addf %add3A_2339, %gather3A_2347 : vector<16xf32>
        %mul3A_2349 = arith.mulf %gather3A_2275, %add3A_2307 : vector<16xf32>
        %add3A_2350 = arith.addf %add3A_2265, %mul3A_2349 : vector<16xf32>
        %mul3A_2351 = arith.mulf %gather3A_2275, %add3A_2348 : vector<16xf32>
        %add3A_2352 = arith.addf %add3A_2267, %mul3A_2351 : vector<16xf32>
        %add3A_2353 = arith.constant 7 : i32
        %add3A_2354 = vector.broadcast %add3A_2353 : i32 to vector<16xi32>
        %add3A_2355 = arith.addi %add3A_2354, %iota3A_1758 : vector<16xi32>
        %and3A_2356 = arith.constant 31 : i32
        %and3A_2357 = vector.broadcast %and3A_2356 : i32 to vector<16xi32>
        %and3A_2358 = arith.andi %add3A_2355, %and3A_2357 : vector<16xi32>
        %add3A_2359 = arith.addi %mul3A_1429, %and3A_2358 : vector<16xi32>
        %gather3A_2360 = tpu.vector_load_idx %arg15[%add3A_1400, %add3A_2359] : memref<64x128xf32, #tpu.memory_space<vmem>>[vector<16xi32>, vector<16xi32>], vector<16xf32>,
        %mul3A_2361 = arith.constant 4 : i32
        %mul3A_2362 = vector.broadcast %mul3A_2361 : i32 to vector<16xi32>
        %mul3A_2363 = arith.muli %add3A_1400, %mul3A_2362 : vector<16xi32>
        %add3A_2364 = arith.addi %mul3A_1465, %and3A_2358 : vector<16xi32>
        %gather3A_2365 = tpu.vector_load_idx %arg16[%mul3A_2363, %add3A_2364] : memref<256x128xf32, #tpu.memory_space<vmem>>[vector<16xi32>, vector<16xi32>], vector<16xf32>,
        %mul3A_2366 = arith.constant 4 : i32
        %mul3A_2367 = vector.broadcast %mul3A_2366 : i32 to vector<16xi32>
        %mul3A_2368 = arith.muli %add3A_1400, %mul3A_2367 : vector<16xi32>
        %add3A_2369 = arith.constant 1 : i32
        %add3A_2370 = vector.broadcast %add3A_2369 : i32 to vector<16xi32>
        %add3A_2371 = arith.addi %mul3A_2368, %add3A_2370 : vector<16xi32>
        %add3A_2372 = arith.addi %mul3A_1501, %and3A_2358 : vector<16xi32>
        %gather3A_2373 = tpu.vector_load_idx %arg16[%add3A_2371, %add3A_2372] : memref<256x128xf32, #tpu.memory_space<vmem>>[vector<16xi32>, vector<16xi32>], vector<16xf32>,
        %add3A_2374 = arith.addf %gather3A_2365, %gather3A_2373 : vector<16xf32>
        %mul3A_2375 = arith.constant 4 : i32
        %mul3A_2376 = vector.broadcast %mul3A_2375 : i32 to vector<16xi32>
        %mul3A_2377 = arith.muli %add3A_1400, %mul3A_2376 : vector<16xi32>
        %add3A_2378 = arith.constant 2 : i32
        %add3A_2379 = vector.broadcast %add3A_2378 : i32 to vector<16xi32>
        %add3A_2380 = arith.addi %mul3A_2377, %add3A_2379 : vector<16xi32>
        %add3A_2381 = arith.addi %mul3A_1537, %and3A_2358 : vector<16xi32>
        %gather3A_2382 = tpu.vector_load_idx %arg16[%add3A_2380, %add3A_2381] : memref<256x128xf32, #tpu.memory_space<vmem>>[vector<16xi32>, vector<16xi32>], vector<16xf32>,
        %add3A_2383 = arith.addf %add3A_2374, %gather3A_2382 : vector<16xf32>
        %mul3A_2384 = arith.constant 4 : i32
        %mul3A_2385 = vector.broadcast %mul3A_2384 : i32 to vector<16xi32>
        %mul3A_2386 = arith.muli %add3A_1400, %mul3A_2385 : vector<16xi32>
        %add3A_2387 = arith.constant 3 : i32
        %add3A_2388 = vector.broadcast %add3A_2387 : i32 to vector<16xi32>
        %add3A_2389 = arith.addi %mul3A_2386, %add3A_2388 : vector<16xi32>
        %add3A_2390 = arith.addi %mul3A_1573, %and3A_2358 : vector<16xi32>
        %gather3A_2391 = tpu.vector_load_idx %arg16[%add3A_2389, %add3A_2390] : memref<256x128xf32, #tpu.memory_space<vmem>>[vector<16xi32>, vector<16xi32>], vector<16xf32>,
        %add3A_2392 = arith.addf %add3A_2383, %gather3A_2391 : vector<16xf32>
        %mul3A_2393 = arith.constant 5 : i32
        %mul3A_2394 = vector.broadcast %mul3A_2393 : i32 to vector<16xi32>
        %mul3A_2395 = arith.muli %add3A_1400, %mul3A_2394 : vector<16xi32>
        %add3A_2396 = arith.addi %mul3A_1609, %and3A_2358 : vector<16xi32>
        %gather3A_2397 = tpu.vector_load_idx %arg17[%mul3A_2395, %add3A_2396] : memref<320x128xf32, #tpu.memory_space<vmem>>[vector<16xi32>, vector<16xi32>], vector<16xf32>,
        %mul3A_2398 = arith.constant 5 : i32
        %mul3A_2399 = vector.broadcast %mul3A_2398 : i32 to vector<16xi32>
        %mul3A_2400 = arith.muli %add3A_1400, %mul3A_2399 : vector<16xi32>
        %add3A_2401 = arith.constant 1 : i32
        %add3A_2402 = vector.broadcast %add3A_2401 : i32 to vector<16xi32>
        %add3A_2403 = arith.addi %mul3A_2400, %add3A_2402 : vector<16xi32>
        %add3A_2404 = arith.addi %mul3A_1645, %and3A_2358 : vector<16xi32>
        %gather3A_2405 = tpu.vector_load_idx %arg17[%add3A_2403, %add3A_2404] : memref<320x128xf32, #tpu.memory_space<vmem>>[vector<16xi32>, vector<16xi32>], vector<16xf32>,
        %add3A_2406 = arith.addf %gather3A_2397, %gather3A_2405 : vector<16xf32>
        %mul3A_2407 = arith.constant 5 : i32
        %mul3A_2408 = vector.broadcast %mul3A_2407 : i32 to vector<16xi32>
        %mul3A_2409 = arith.muli %add3A_1400, %mul3A_2408 : vector<16xi32>
        %add3A_2410 = arith.constant 2 : i32
        %add3A_2411 = vector.broadcast %add3A_2410 : i32 to vector<16xi32>
        %add3A_2412 = arith.addi %mul3A_2409, %add3A_2411 : vector<16xi32>
        %add3A_2413 = arith.addi %mul3A_1681, %and3A_2358 : vector<16xi32>
        %gather3A_2414 = tpu.vector_load_idx %arg17[%add3A_2412, %add3A_2413] : memref<320x128xf32, #tpu.memory_space<vmem>>[vector<16xi32>, vector<16xi32>], vector<16xf32>,
        %add3A_2415 = arith.addf %add3A_2406, %gather3A_2414 : vector<16xf32>
        %mul3A_2416 = arith.constant 5 : i32
        %mul3A_2417 = vector.broadcast %mul3A_2416 : i32 to vector<16xi32>
        %mul3A_2418 = arith.muli %add3A_1400, %mul3A_2417 : vector<16xi32>
        %add3A_2419 = arith.constant 3 : i32
        %add3A_2420 = vector.broadcast %add3A_2419 : i32 to vector<16xi32>
        %add3A_2421 = arith.addi %mul3A_2418, %add3A_2420 : vector<16xi32>
        %add3A_2422 = arith.addi %mul3A_1717, %and3A_2358 : vector<16xi32>
        %gather3A_2423 = tpu.vector_load_idx %arg17[%add3A_2421, %add3A_2422] : memref<320x128xf32, #tpu.memory_space<vmem>>[vector<16xi32>, vector<16xi32>], vector<16xf32>,
        %add3A_2424 = arith.addf %add3A_2415, %gather3A_2423 : vector<16xf32>
        %mul3A_2425 = arith.constant 5 : i32
        %mul3A_2426 = vector.broadcast %mul3A_2425 : i32 to vector<16xi32>
        %mul3A_2427 = arith.muli %add3A_1400, %mul3A_2426 : vector<16xi32>
        %add3A_2428 = arith.constant 4 : i32
        %add3A_2429 = vector.broadcast %add3A_2428 : i32 to vector<16xi32>
        %add3A_2430 = arith.addi %mul3A_2427, %add3A_2429 : vector<16xi32>
        %add3A_2431 = arith.addi %mul3A_1753, %and3A_2358 : vector<16xi32>
        %gather3A_2432 = tpu.vector_load_idx %arg17[%add3A_2430, %add3A_2431] : memref<320x128xf32, #tpu.memory_space<vmem>>[vector<16xi32>, vector<16xi32>], vector<16xf32>,
        %add3A_2433 = arith.addf %add3A_2424, %gather3A_2432 : vector<16xf32>
        %mul3A_2434 = arith.mulf %gather3A_2360, %add3A_2392 : vector<16xf32>
        %add3A_2435 = arith.addf %add3A_2350, %mul3A_2434 : vector<16xf32>
        %mul3A_2436 = arith.mulf %gather3A_2360, %add3A_2433 : vector<16xf32>
        %add3A_2437 = arith.addf %add3A_2352, %mul3A_2436 : vector<16xf32>
        %add3A_2438 = arith.constant 8 : i32
        %add3A_2439 = vector.broadcast %add3A_2438 : i32 to vector<16xi32>
        %add3A_2440 = arith.addi %add3A_2439, %iota3A_1758 : vector<16xi32>
        %and3A_2441 = arith.constant 31 : i32
        %and3A_2442 = vector.broadcast %and3A_2441 : i32 to vector<16xi32>
        %and3A_2443 = arith.andi %add3A_2440, %and3A_2442 : vector<16xi32>
        %add3A_2444 = arith.addi %mul3A_1429, %and3A_2443 : vector<16xi32>
        %gather3A_2445 = tpu.vector_load_idx %arg15[%add3A_1400, %add3A_2444] : memref<64x128xf32, #tpu.memory_space<vmem>>[vector<16xi32>, vector<16xi32>], vector<16xf32>,
        %mul3A_2446 = arith.constant 4 : i32
        %mul3A_2447 = vector.broadcast %mul3A_2446 : i32 to vector<16xi32>
        %mul3A_2448 = arith.muli %add3A_1400, %mul3A_2447 : vector<16xi32>
        %add3A_2449 = arith.addi %mul3A_1465, %and3A_2443 : vector<16xi32>
        %gather3A_2450 = tpu.vector_load_idx %arg16[%mul3A_2448, %add3A_2449] : memref<256x128xf32, #tpu.memory_space<vmem>>[vector<16xi32>, vector<16xi32>], vector<16xf32>,
        %mul3A_2451 = arith.constant 4 : i32
        %mul3A_2452 = vector.broadcast %mul3A_2451 : i32 to vector<16xi32>
        %mul3A_2453 = arith.muli %add3A_1400, %mul3A_2452 : vector<16xi32>
        %add3A_2454 = arith.constant 1 : i32
        %add3A_2455 = vector.broadcast %add3A_2454 : i32 to vector<16xi32>
        %add3A_2456 = arith.addi %mul3A_2453, %add3A_2455 : vector<16xi32>
        %add3A_2457 = arith.addi %mul3A_1501, %and3A_2443 : vector<16xi32>
        %gather3A_2458 = tpu.vector_load_idx %arg16[%add3A_2456, %add3A_2457] : memref<256x128xf32, #tpu.memory_space<vmem>>[vector<16xi32>, vector<16xi32>], vector<16xf32>,
        %add3A_2459 = arith.addf %gather3A_2450, %gather3A_2458 : vector<16xf32>
        %mul3A_2460 = arith.constant 4 : i32
        %mul3A_2461 = vector.broadcast %mul3A_2460 : i32 to vector<16xi32>
        %mul3A_2462 = arith.muli %add3A_1400, %mul3A_2461 : vector<16xi32>
        %add3A_2463 = arith.constant 2 : i32
        %add3A_2464 = vector.broadcast %add3A_2463 : i32 to vector<16xi32>
        %add3A_2465 = arith.addi %mul3A_2462, %add3A_2464 : vector<16xi32>
        %add3A_2466 = arith.addi %mul3A_1537, %and3A_2443 : vector<16xi32>
        %gather3A_2467 = tpu.vector_load_idx %arg16[%add3A_2465, %add3A_2466] : memref<256x128xf32, #tpu.memory_space<vmem>>[vector<16xi32>, vector<16xi32>], vector<16xf32>,
        %add3A_2468 = arith.addf %add3A_2459, %gather3A_2467 : vector<16xf32>
        %mul3A_2469 = arith.constant 4 : i32
        %mul3A_2470 = vector.broadcast %mul3A_2469 : i32 to vector<16xi32>
        %mul3A_2471 = arith.muli %add3A_1400, %mul3A_2470 : vector<16xi32>
        %add3A_2472 = arith.constant 3 : i32
        %add3A_2473 = vector.broadcast %add3A_2472 : i32 to vector<16xi32>
        %add3A_2474 = arith.addi %mul3A_2471, %add3A_2473 : vector<16xi32>
        %add3A_2475 = arith.addi %mul3A_1573, %and3A_2443 : vector<16xi32>
        %gather3A_2476 = tpu.vector_load_idx %arg16[%add3A_2474, %add3A_2475] : memref<256x128xf32, #tpu.memory_space<vmem>>[vector<16xi32>, vector<16xi32>], vector<16xf32>,
        %add3A_2477 = arith.addf %add3A_2468, %gather3A_2476 : vector<16xf32>
        %mul3A_2478 = arith.constant 5 : i32
        %mul3A_2479 = vector.broadcast %mul3A_2478 : i32 to vector<16xi32>
        %mul3A_2480 = arith.muli %add3A_1400, %mul3A_2479 : vector<16xi32>
        %add3A_2481 = arith.addi %mul3A_1609, %and3A_2443 : vector<16xi32>
        %gather3A_2482 = tpu.vector_load_idx %arg17[%mul3A_2480, %add3A_2481] : memref<320x128xf32, #tpu.memory_space<vmem>>[vector<16xi32>, vector<16xi32>], vector<16xf32>,
        %mul3A_2483 = arith.constant 5 : i32
        %mul3A_2484 = vector.broadcast %mul3A_2483 : i32 to vector<16xi32>
        %mul3A_2485 = arith.muli %add3A_1400, %mul3A_2484 : vector<16xi32>
        %add3A_2486 = arith.constant 1 : i32
        %add3A_2487 = vector.broadcast %add3A_2486 : i32 to vector<16xi32>
        %add3A_2488 = arith.addi %mul3A_2485, %add3A_2487 : vector<16xi32>
        %add3A_2489 = arith.addi %mul3A_1645, %and3A_2443 : vector<16xi32>
        %gather3A_2490 = tpu.vector_load_idx %arg17[%add3A_2488, %add3A_2489] : memref<320x128xf32, #tpu.memory_space<vmem>>[vector<16xi32>, vector<16xi32>], vector<16xf32>,
        %add3A_2491 = arith.addf %gather3A_2482, %gather3A_2490 : vector<16xf32>
        %mul3A_2492 = arith.constant 5 : i32
        %mul3A_2493 = vector.broadcast %mul3A_2492 : i32 to vector<16xi32>
        %mul3A_2494 = arith.muli %add3A_1400, %mul3A_2493 : vector<16xi32>
        %add3A_2495 = arith.constant 2 : i32
        %add3A_2496 = vector.broadcast %add3A_2495 : i32 to vector<16xi32>
        %add3A_2497 = arith.addi %mul3A_2494, %add3A_2496 : vector<16xi32>
        %add3A_2498 = arith.addi %mul3A_1681, %and3A_2443 : vector<16xi32>
        %gather3A_2499 = tpu.vector_load_idx %arg17[%add3A_2497, %add3A_2498] : memref<320x128xf32, #tpu.memory_space<vmem>>[vector<16xi32>, vector<16xi32>], vector<16xf32>,
        %add3A_2500 = arith.addf %add3A_2491, %gather3A_2499 : vector<16xf32>
        %mul3A_2501 = arith.constant 5 : i32
        %mul3A_2502 = vector.broadcast %mul3A_2501 : i32 to vector<16xi32>
        %mul3A_2503 = arith.muli %add3A_1400, %mul3A_2502 : vector<16xi32>
        %add3A_2504 = arith.constant 3 : i32
        %add3A_2505 = vector.broadcast %add3A_2504 : i32 to vector<16xi32>
        %add3A_2506 = arith.addi %mul3A_2503, %add3A_2505 : vector<16xi32>
        %add3A_2507 = arith.addi %mul3A_1717, %and3A_2443 : vector<16xi32>
        %gather3A_2508 = tpu.vector_load_idx %arg17[%add3A_2506, %add3A_2507] : memref<320x128xf32, #tpu.memory_space<vmem>>[vector<16xi32>, vector<16xi32>], vector<16xf32>,
        %add3A_2509 = arith.addf %add3A_2500, %gather3A_2508 : vector<16xf32>
        %mul3A_2510 = arith.constant 5 : i32
        %mul3A_2511 = vector.broadcast %mul3A_2510 : i32 to vector<16xi32>
        %mul3A_2512 = arith.muli %add3A_1400, %mul3A_2511 : vector<16xi32>
        %add3A_2513 = arith.constant 4 : i32
        %add3A_2514 = vector.broadcast %add3A_2513 : i32 to vector<16xi32>
        %add3A_2515 = arith.addi %mul3A_2512, %add3A_2514 : vector<16xi32>
        %add3A_2516 = arith.addi %mul3A_1753, %and3A_2443 : vector<16xi32>
        %gather3A_2517 = tpu.vector_load_idx %arg17[%add3A_2515, %add3A_2516] : memref<320x128xf32, #tpu.memory_space<vmem>>[vector<16xi32>, vector<16xi32>], vector<16xf32>,
        %add3A_2518 = arith.addf %add3A_2509, %gather3A_2517 : vector<16xf32>
        %mul3A_2519 = arith.mulf %gather3A_2445, %add3A_2477 : vector<16xf32>
        %add3A_2520 = arith.addf %add3A_2435, %mul3A_2519 : vector<16xf32>
        %mul3A_2521 = arith.mulf %gather3A_2445, %add3A_2518 : vector<16xf32>
        %add3A_2522 = arith.addf %add3A_2437, %mul3A_2521 : vector<16xf32>
        %add3A_2523 = arith.constant 9 : i32
        %add3A_2524 = vector.broadcast %add3A_2523 : i32 to vector<16xi32>
        %add3A_2525 = arith.addi %add3A_2524, %iota3A_1758 : vector<16xi32>
        %and3A_2526 = arith.constant 31 : i32
        %and3A_2527 = vector.broadcast %and3A_2526 : i32 to vector<16xi32>
        %and3A_2528 = arith.andi %add3A_2525, %and3A_2527 : vector<16xi32>
        %add3A_2529 = arith.addi %mul3A_1429, %and3A_2528 : vector<16xi32>
        %gather3A_2530 = tpu.vector_load_idx %arg15[%add3A_1400, %add3A_2529] : memref<64x128xf32, #tpu.memory_space<vmem>>[vector<16xi32>, vector<16xi32>], vector<16xf32>,
        %mul3A_2531 = arith.constant 4 : i32
        %mul3A_2532 = vector.broadcast %mul3A_2531 : i32 to vector<16xi32>
        %mul3A_2533 = arith.muli %add3A_1400, %mul3A_2532 : vector<16xi32>
        %add3A_2534 = arith.addi %mul3A_1465, %and3A_2528 : vector<16xi32>
        %gather3A_2535 = tpu.vector_load_idx %arg16[%mul3A_2533, %add3A_2534] : memref<256x128xf32, #tpu.memory_space<vmem>>[vector<16xi32>, vector<16xi32>], vector<16xf32>,
        %mul3A_2536 = arith.constant 4 : i32
        %mul3A_2537 = vector.broadcast %mul3A_2536 : i32 to vector<16xi32>
        %mul3A_2538 = arith.muli %add3A_1400, %mul3A_2537 : vector<16xi32>
        %add3A_2539 = arith.constant 1 : i32
        %add3A_2540 = vector.broadcast %add3A_2539 : i32 to vector<16xi32>
        %add3A_2541 = arith.addi %mul3A_2538, %add3A_2540 : vector<16xi32>
        %add3A_2542 = arith.addi %mul3A_1501, %and3A_2528 : vector<16xi32>
        %gather3A_2543 = tpu.vector_load_idx %arg16[%add3A_2541, %add3A_2542] : memref<256x128xf32, #tpu.memory_space<vmem>>[vector<16xi32>, vector<16xi32>], vector<16xf32>,
        %add3A_2544 = arith.addf %gather3A_2535, %gather3A_2543 : vector<16xf32>
        %mul3A_2545 = arith.constant 4 : i32
        %mul3A_2546 = vector.broadcast %mul3A_2545 : i32 to vector<16xi32>
        %mul3A_2547 = arith.muli %add3A_1400, %mul3A_2546 : vector<16xi32>
        %add3A_2548 = arith.constant 2 : i32
        %add3A_2549 = vector.broadcast %add3A_2548 : i32 to vector<16xi32>
        %add3A_2550 = arith.addi %mul3A_2547, %add3A_2549 : vector<16xi32>
        %add3A_2551 = arith.addi %mul3A_1537, %and3A_2528 : vector<16xi32>
        %gather3A_2552 = tpu.vector_load_idx %arg16[%add3A_2550, %add3A_2551] : memref<256x128xf32, #tpu.memory_space<vmem>>[vector<16xi32>, vector<16xi32>], vector<16xf32>,
        %add3A_2553 = arith.addf %add3A_2544, %gather3A_2552 : vector<16xf32>
        %mul3A_2554 = arith.constant 4 : i32
        %mul3A_2555 = vector.broadcast %mul3A_2554 : i32 to vector<16xi32>
        %mul3A_2556 = arith.muli %add3A_1400, %mul3A_2555 : vector<16xi32>
        %add3A_2557 = arith.constant 3 : i32
        %add3A_2558 = vector.broadcast %add3A_2557 : i32 to vector<16xi32>
        %add3A_2559 = arith.addi %mul3A_2556, %add3A_2558 : vector<16xi32>
        %add3A_2560 = arith.addi %mul3A_1573, %and3A_2528 : vector<16xi32>
        %gather3A_2561 = tpu.vector_load_idx %arg16[%add3A_2559, %add3A_2560] : memref<256x128xf32, #tpu.memory_space<vmem>>[vector<16xi32>, vector<16xi32>], vector<16xf32>,
        %add3A_2562 = arith.addf %add3A_2553, %gather3A_2561 : vector<16xf32>
        %mul3A_2563 = arith.constant 5 : i32
        %mul3A_2564 = vector.broadcast %mul3A_2563 : i32 to vector<16xi32>
        %mul3A_2565 = arith.muli %add3A_1400, %mul3A_2564 : vector<16xi32>
        %add3A_2566 = arith.addi %mul3A_1609, %and3A_2528 : vector<16xi32>
        %gather3A_2567 = tpu.vector_load_idx %arg17[%mul3A_2565, %add3A_2566] : memref<320x128xf32, #tpu.memory_space<vmem>>[vector<16xi32>, vector<16xi32>], vector<16xf32>,
        %mul3A_2568 = arith.constant 5 : i32
        %mul3A_2569 = vector.broadcast %mul3A_2568 : i32 to vector<16xi32>
        %mul3A_2570 = arith.muli %add3A_1400, %mul3A_2569 : vector<16xi32>
        %add3A_2571 = arith.constant 1 : i32
        %add3A_2572 = vector.broadcast %add3A_2571 : i32 to vector<16xi32>
        %add3A_2573 = arith.addi %mul3A_2570, %add3A_2572 : vector<16xi32>
        %add3A_2574 = arith.addi %mul3A_1645, %and3A_2528 : vector<16xi32>
        %gather3A_2575 = tpu.vector_load_idx %arg17[%add3A_2573, %add3A_2574] : memref<320x128xf32, #tpu.memory_space<vmem>>[vector<16xi32>, vector<16xi32>], vector<16xf32>,
        %add3A_2576 = arith.addf %gather3A_2567, %gather3A_2575 : vector<16xf32>
        %mul3A_2577 = arith.constant 5 : i32
        %mul3A_2578 = vector.broadcast %mul3A_2577 : i32 to vector<16xi32>
        %mul3A_2579 = arith.muli %add3A_1400, %mul3A_2578 : vector<16xi32>
        %add3A_2580 = arith.constant 2 : i32
        %add3A_2581 = vector.broadcast %add3A_2580 : i32 to vector<16xi32>
        %add3A_2582 = arith.addi %mul3A_2579, %add3A_2581 : vector<16xi32>
        %add3A_2583 = arith.addi %mul3A_1681, %and3A_2528 : vector<16xi32>
        %gather3A_2584 = tpu.vector_load_idx %arg17[%add3A_2582, %add3A_2583] : memref<320x128xf32, #tpu.memory_space<vmem>>[vector<16xi32>, vector<16xi32>], vector<16xf32>,
        %add3A_2585 = arith.addf %add3A_2576, %gather3A_2584 : vector<16xf32>
        %mul3A_2586 = arith.constant 5 : i32
        %mul3A_2587 = vector.broadcast %mul3A_2586 : i32 to vector<16xi32>
        %mul3A_2588 = arith.muli %add3A_1400, %mul3A_2587 : vector<16xi32>
        %add3A_2589 = arith.constant 3 : i32
        %add3A_2590 = vector.broadcast %add3A_2589 : i32 to vector<16xi32>
        %add3A_2591 = arith.addi %mul3A_2588, %add3A_2590 : vector<16xi32>
        %add3A_2592 = arith.addi %mul3A_1717, %and3A_2528 : vector<16xi32>
        %gather3A_2593 = tpu.vector_load_idx %arg17[%add3A_2591, %add3A_2592] : memref<320x128xf32, #tpu.memory_space<vmem>>[vector<16xi32>, vector<16xi32>], vector<16xf32>,
        %add3A_2594 = arith.addf %add3A_2585, %gather3A_2593 : vector<16xf32>
        %mul3A_2595 = arith.constant 5 : i32
        %mul3A_2596 = vector.broadcast %mul3A_2595 : i32 to vector<16xi32>
        %mul3A_2597 = arith.muli %add3A_1400, %mul3A_2596 : vector<16xi32>
        %add3A_2598 = arith.constant 4 : i32
        %add3A_2599 = vector.broadcast %add3A_2598 : i32 to vector<16xi32>
        %add3A_2600 = arith.addi %mul3A_2597, %add3A_2599 : vector<16xi32>
        %add3A_2601 = arith.addi %mul3A_1753, %and3A_2528 : vector<16xi32>
        %gather3A_2602 = tpu.vector_load_idx %arg17[%add3A_2600, %add3A_2601] : memref<320x128xf32, #tpu.memory_space<vmem>>[vector<16xi32>, vector<16xi32>], vector<16xf32>,
        %add3A_2603 = arith.addf %add3A_2594, %gather3A_2602 : vector<16xf32>
        %mul3A_2604 = arith.mulf %gather3A_2530, %add3A_2562 : vector<16xf32>
        %add3A_2605 = arith.addf %add3A_2520, %mul3A_2604 : vector<16xf32>
        %mul3A_2606 = arith.mulf %gather3A_2530, %add3A_2603 : vector<16xf32>
        %add3A_2607 = arith.addf %add3A_2522, %mul3A_2606 : vector<16xf32>
        %add3A_2608 = arith.constant 10 : i32
        %add3A_2609 = vector.broadcast %add3A_2608 : i32 to vector<16xi32>
        %add3A_2610 = arith.addi %add3A_2609, %iota3A_1758 : vector<16xi32>
        %and3A_2611 = arith.constant 31 : i32
        %and3A_2612 = vector.broadcast %and3A_2611 : i32 to vector<16xi32>
        %and3A_2613 = arith.andi %add3A_2610, %and3A_2612 : vector<16xi32>
        %add3A_2614 = arith.addi %mul3A_1429, %and3A_2613 : vector<16xi32>
        %gather3A_2615 = tpu.vector_load_idx %arg15[%add3A_1400, %add3A_2614] : memref<64x128xf32, #tpu.memory_space<vmem>>[vector<16xi32>, vector<16xi32>], vector<16xf32>,
        %mul3A_2616 = arith.constant 4 : i32
        %mul3A_2617 = vector.broadcast %mul3A_2616 : i32 to vector<16xi32>
        %mul3A_2618 = arith.muli %add3A_1400, %mul3A_2617 : vector<16xi32>
        %add3A_2619 = arith.addi %mul3A_1465, %and3A_2613 : vector<16xi32>
        %gather3A_2620 = tpu.vector_load_idx %arg16[%mul3A_2618, %add3A_2619] : memref<256x128xf32, #tpu.memory_space<vmem>>[vector<16xi32>, vector<16xi32>], vector<16xf32>,
        %mul3A_2621 = arith.constant 4 : i32
        %mul3A_2622 = vector.broadcast %mul3A_2621 : i32 to vector<16xi32>
        %mul3A_2623 = arith.muli %add3A_1400, %mul3A_2622 : vector<16xi32>
        %add3A_2624 = arith.constant 1 : i32
        %add3A_2625 = vector.broadcast %add3A_2624 : i32 to vector<16xi32>
        %add3A_2626 = arith.addi %mul3A_2623, %add3A_2625 : vector<16xi32>
        %add3A_2627 = arith.addi %mul3A_1501, %and3A_2613 : vector<16xi32>
        %gather3A_2628 = tpu.vector_load_idx %arg16[%add3A_2626, %add3A_2627] : memref<256x128xf32, #tpu.memory_space<vmem>>[vector<16xi32>, vector<16xi32>], vector<16xf32>,
        %add3A_2629 = arith.addf %gather3A_2620, %gather3A_2628 : vector<16xf32>
        %mul3A_2630 = arith.constant 4 : i32
        %mul3A_2631 = vector.broadcast %mul3A_2630 : i32 to vector<16xi32>
        %mul3A_2632 = arith.muli %add3A_1400, %mul3A_2631 : vector<16xi32>
        %add3A_2633 = arith.constant 2 : i32
        %add3A_2634 = vector.broadcast %add3A_2633 : i32 to vector<16xi32>
        %add3A_2635 = arith.addi %mul3A_2632, %add3A_2634 : vector<16xi32>
        %add3A_2636 = arith.addi %mul3A_1537, %and3A_2613 : vector<16xi32>
        %gather3A_2637 = tpu.vector_load_idx %arg16[%add3A_2635, %add3A_2636] : memref<256x128xf32, #tpu.memory_space<vmem>>[vector<16xi32>, vector<16xi32>], vector<16xf32>,
        %add3A_2638 = arith.addf %add3A_2629, %gather3A_2637 : vector<16xf32>
        %mul3A_2639 = arith.constant 4 : i32
        %mul3A_2640 = vector.broadcast %mul3A_2639 : i32 to vector<16xi32>
        %mul3A_2641 = arith.muli %add3A_1400, %mul3A_2640 : vector<16xi32>
        %add3A_2642 = arith.constant 3 : i32
        %add3A_2643 = vector.broadcast %add3A_2642 : i32 to vector<16xi32>
        %add3A_2644 = arith.addi %mul3A_2641, %add3A_2643 : vector<16xi32>
        %add3A_2645 = arith.addi %mul3A_1573, %and3A_2613 : vector<16xi32>
        %gather3A_2646 = tpu.vector_load_idx %arg16[%add3A_2644, %add3A_2645] : memref<256x128xf32, #tpu.memory_space<vmem>>[vector<16xi32>, vector<16xi32>], vector<16xf32>,
        %add3A_2647 = arith.addf %add3A_2638, %gather3A_2646 : vector<16xf32>
        %mul3A_2648 = arith.constant 5 : i32
        %mul3A_2649 = vector.broadcast %mul3A_2648 : i32 to vector<16xi32>
        %mul3A_2650 = arith.muli %add3A_1400, %mul3A_2649 : vector<16xi32>
        %add3A_2651 = arith.addi %mul3A_1609, %and3A_2613 : vector<16xi32>
        %gather3A_2652 = tpu.vector_load_idx %arg17[%mul3A_2650, %add3A_2651] : memref<320x128xf32, #tpu.memory_space<vmem>>[vector<16xi32>, vector<16xi32>], vector<16xf32>,
        %mul3A_2653 = arith.constant 5 : i32
        %mul3A_2654 = vector.broadcast %mul3A_2653 : i32 to vector<16xi32>
        %mul3A_2655 = arith.muli %add3A_1400, %mul3A_2654 : vector<16xi32>
        %add3A_2656 = arith.constant 1 : i32
        %add3A_2657 = vector.broadcast %add3A_2656 : i32 to vector<16xi32>
        %add3A_2658 = arith.addi %mul3A_2655, %add3A_2657 : vector<16xi32>
        %add3A_2659 = arith.addi %mul3A_1645, %and3A_2613 : vector<16xi32>
        %gather3A_2660 = tpu.vector_load_idx %arg17[%add3A_2658, %add3A_2659] : memref<320x128xf32, #tpu.memory_space<vmem>>[vector<16xi32>, vector<16xi32>], vector<16xf32>,
        %add3A_2661 = arith.addf %gather3A_2652, %gather3A_2660 : vector<16xf32>
        %mul3A_2662 = arith.constant 5 : i32
        %mul3A_2663 = vector.broadcast %mul3A_2662 : i32 to vector<16xi32>
        %mul3A_2664 = arith.muli %add3A_1400, %mul3A_2663 : vector<16xi32>
        %add3A_2665 = arith.constant 2 : i32
        %add3A_2666 = vector.broadcast %add3A_2665 : i32 to vector<16xi32>
        %add3A_2667 = arith.addi %mul3A_2664, %add3A_2666 : vector<16xi32>
        %add3A_2668 = arith.addi %mul3A_1681, %and3A_2613 : vector<16xi32>
        %gather3A_2669 = tpu.vector_load_idx %arg17[%add3A_2667, %add3A_2668] : memref<320x128xf32, #tpu.memory_space<vmem>>[vector<16xi32>, vector<16xi32>], vector<16xf32>,
        %add3A_2670 = arith.addf %add3A_2661, %gather3A_2669 : vector<16xf32>
        %mul3A_2671 = arith.constant 5 : i32
        %mul3A_2672 = vector.broadcast %mul3A_2671 : i32 to vector<16xi32>
        %mul3A_2673 = arith.muli %add3A_1400, %mul3A_2672 : vector<16xi32>
        %add3A_2674 = arith.constant 3 : i32
        %add3A_2675 = vector.broadcast %add3A_2674 : i32 to vector<16xi32>
        %add3A_2676 = arith.addi %mul3A_2673, %add3A_2675 : vector<16xi32>
        %add3A_2677 = arith.addi %mul3A_1717, %and3A_2613 : vector<16xi32>
        %gather3A_2678 = tpu.vector_load_idx %arg17[%add3A_2676, %add3A_2677] : memref<320x128xf32, #tpu.memory_space<vmem>>[vector<16xi32>, vector<16xi32>], vector<16xf32>,
        %add3A_2679 = arith.addf %add3A_2670, %gather3A_2678 : vector<16xf32>
        %mul3A_2680 = arith.constant 5 : i32
        %mul3A_2681 = vector.broadcast %mul3A_2680 : i32 to vector<16xi32>
        %mul3A_2682 = arith.muli %add3A_1400, %mul3A_2681 : vector<16xi32>
        %add3A_2683 = arith.constant 4 : i32
        %add3A_2684 = vector.broadcast %add3A_2683 : i32 to vector<16xi32>
        %add3A_2685 = arith.addi %mul3A_2682, %add3A_2684 : vector<16xi32>
        %add3A_2686 = arith.addi %mul3A_1753, %and3A_2613 : vector<16xi32>
        %gather3A_2687 = tpu.vector_load_idx %arg17[%add3A_2685, %add3A_2686] : memref<320x128xf32, #tpu.memory_space<vmem>>[vector<16xi32>, vector<16xi32>], vector<16xf32>,
        %add3A_2688 = arith.addf %add3A_2679, %gather3A_2687 : vector<16xf32>
        %mul3A_2689 = arith.mulf %gather3A_2615, %add3A_2647 : vector<16xf32>
        %add3A_2690 = arith.addf %add3A_2605, %mul3A_2689 : vector<16xf32>
        %mul3A_2691 = arith.mulf %gather3A_2615, %add3A_2688 : vector<16xf32>
        %add3A_2692 = arith.addf %add3A_2607, %mul3A_2691 : vector<16xf32>
        %add3A_2693 = arith.constant 11 : i32
        %add3A_2694 = vector.broadcast %add3A_2693 : i32 to vector<16xi32>
        %add3A_2695 = arith.addi %add3A_2694, %iota3A_1758 : vector<16xi32>
        %and3A_2696 = arith.constant 31 : i32
        %and3A_2697 = vector.broadcast %and3A_2696 : i32 to vector<16xi32>
        %and3A_2698 = arith.andi %add3A_2695, %and3A_2697 : vector<16xi32>
        %add3A_2699 = arith.addi %mul3A_1429, %and3A_2698 : vector<16xi32>
        %gather3A_2700 = tpu.vector_load_idx %arg15[%add3A_1400, %add3A_2699] : memref<64x128xf32, #tpu.memory_space<vmem>>[vector<16xi32>, vector<16xi32>], vector<16xf32>,
        %mul3A_2701 = arith.constant 4 : i32
        %mul3A_2702 = vector.broadcast %mul3A_2701 : i32 to vector<16xi32>
        %mul3A_2703 = arith.muli %add3A_1400, %mul3A_2702 : vector<16xi32>
        %add3A_2704 = arith.addi %mul3A_1465, %and3A_2698 : vector<16xi32>
        %gather3A_2705 = tpu.vector_load_idx %arg16[%mul3A_2703, %add3A_2704] : memref<256x128xf32, #tpu.memory_space<vmem>>[vector<16xi32>, vector<16xi32>], vector<16xf32>,
        %mul3A_2706 = arith.constant 4 : i32
        %mul3A_2707 = vector.broadcast %mul3A_2706 : i32 to vector<16xi32>
        %mul3A_2708 = arith.muli %add3A_1400, %mul3A_2707 : vector<16xi32>
        %add3A_2709 = arith.constant 1 : i32
        %add3A_2710 = vector.broadcast %add3A_2709 : i32 to vector<16xi32>
        %add3A_2711 = arith.addi %mul3A_2708, %add3A_2710 : vector<16xi32>
        %add3A_2712 = arith.addi %mul3A_1501, %and3A_2698 : vector<16xi32>
        %gather3A_2713 = tpu.vector_load_idx %arg16[%add3A_2711, %add3A_2712] : memref<256x128xf32, #tpu.memory_space<vmem>>[vector<16xi32>, vector<16xi32>], vector<16xf32>,
        %add3A_2714 = arith.addf %gather3A_2705, %gather3A_2713 : vector<16xf32>
        %mul3A_2715 = arith.constant 4 : i32
        %mul3A_2716 = vector.broadcast %mul3A_2715 : i32 to vector<16xi32>
        %mul3A_2717 = arith.muli %add3A_1400, %mul3A_2716 : vector<16xi32>
        %add3A_2718 = arith.constant 2 : i32
        %add3A_2719 = vector.broadcast %add3A_2718 : i32 to vector<16xi32>
        %add3A_2720 = arith.addi %mul3A_2717, %add3A_2719 : vector<16xi32>
        %add3A_2721 = arith.addi %mul3A_1537, %and3A_2698 : vector<16xi32>
        %gather3A_2722 = tpu.vector_load_idx %arg16[%add3A_2720, %add3A_2721] : memref<256x128xf32, #tpu.memory_space<vmem>>[vector<16xi32>, vector<16xi32>], vector<16xf32>,
        %add3A_2723 = arith.addf %add3A_2714, %gather3A_2722 : vector<16xf32>
        %mul3A_2724 = arith.constant 4 : i32
        %mul3A_2725 = vector.broadcast %mul3A_2724 : i32 to vector<16xi32>
        %mul3A_2726 = arith.muli %add3A_1400, %mul3A_2725 : vector<16xi32>
        %add3A_2727 = arith.constant 3 : i32
        %add3A_2728 = vector.broadcast %add3A_2727 : i32 to vector<16xi32>
        %add3A_2729 = arith.addi %mul3A_2726, %add3A_2728 : vector<16xi32>
        %add3A_2730 = arith.addi %mul3A_1573, %and3A_2698 : vector<16xi32>
        %gather3A_2731 = tpu.vector_load_idx %arg16[%add3A_2729, %add3A_2730] : memref<256x128xf32, #tpu.memory_space<vmem>>[vector<16xi32>, vector<16xi32>], vector<16xf32>,
        %add3A_2732 = arith.addf %add3A_2723, %gather3A_2731 : vector<16xf32>
        %mul3A_2733 = arith.constant 5 : i32
        %mul3A_2734 = vector.broadcast %mul3A_2733 : i32 to vector<16xi32>
        %mul3A_2735 = arith.muli %add3A_1400, %mul3A_2734 : vector<16xi32>
        %add3A_2736 = arith.addi %mul3A_1609, %and3A_2698 : vector<16xi32>
        %gather3A_2737 = tpu.vector_load_idx %arg17[%mul3A_2735, %add3A_2736] : memref<320x128xf32, #tpu.memory_space<vmem>>[vector<16xi32>, vector<16xi32>], vector<16xf32>,
        %mul3A_2738 = arith.constant 5 : i32
        %mul3A_2739 = vector.broadcast %mul3A_2738 : i32 to vector<16xi32>
        %mul3A_2740 = arith.muli %add3A_1400, %mul3A_2739 : vector<16xi32>
        %add3A_2741 = arith.constant 1 : i32
        %add3A_2742 = vector.broadcast %add3A_2741 : i32 to vector<16xi32>
        %add3A_2743 = arith.addi %mul3A_2740, %add3A_2742 : vector<16xi32>
        %add3A_2744 = arith.addi %mul3A_1645, %and3A_2698 : vector<16xi32>
        %gather3A_2745 = tpu.vector_load_idx %arg17[%add3A_2743, %add3A_2744] : memref<320x128xf32, #tpu.memory_space<vmem>>[vector<16xi32>, vector<16xi32>], vector<16xf32>,
        %add3A_2746 = arith.addf %gather3A_2737, %gather3A_2745 : vector<16xf32>
        %mul3A_2747 = arith.constant 5 : i32
        %mul3A_2748 = vector.broadcast %mul3A_2747 : i32 to vector<16xi32>
        %mul3A_2749 = arith.muli %add3A_1400, %mul3A_2748 : vector<16xi32>
        %add3A_2750 = arith.constant 2 : i32
        %add3A_2751 = vector.broadcast %add3A_2750 : i32 to vector<16xi32>
        %add3A_2752 = arith.addi %mul3A_2749, %add3A_2751 : vector<16xi32>
        %add3A_2753 = arith.addi %mul3A_1681, %and3A_2698 : vector<16xi32>
        %gather3A_2754 = tpu.vector_load_idx %arg17[%add3A_2752, %add3A_2753] : memref<320x128xf32, #tpu.memory_space<vmem>>[vector<16xi32>, vector<16xi32>], vector<16xf32>,
        %add3A_2755 = arith.addf %add3A_2746, %gather3A_2754 : vector<16xf32>
        %mul3A_2756 = arith.constant 5 : i32
        %mul3A_2757 = vector.broadcast %mul3A_2756 : i32 to vector<16xi32>
        %mul3A_2758 = arith.muli %add3A_1400, %mul3A_2757 : vector<16xi32>
        %add3A_2759 = arith.constant 3 : i32
        %add3A_2760 = vector.broadcast %add3A_2759 : i32 to vector<16xi32>
        %add3A_2761 = arith.addi %mul3A_2758, %add3A_2760 : vector<16xi32>
        %add3A_2762 = arith.addi %mul3A_1717, %and3A_2698 : vector<16xi32>
        %gather3A_2763 = tpu.vector_load_idx %arg17[%add3A_2761, %add3A_2762] : memref<320x128xf32, #tpu.memory_space<vmem>>[vector<16xi32>, vector<16xi32>], vector<16xf32>,
        %add3A_2764 = arith.addf %add3A_2755, %gather3A_2763 : vector<16xf32>
        %mul3A_2765 = arith.constant 5 : i32
        %mul3A_2766 = vector.broadcast %mul3A_2765 : i32 to vector<16xi32>
        %mul3A_2767 = arith.muli %add3A_1400, %mul3A_2766 : vector<16xi32>
        %add3A_2768 = arith.constant 4 : i32
        %add3A_2769 = vector.broadcast %add3A_2768 : i32 to vector<16xi32>
        %add3A_2770 = arith.addi %mul3A_2767, %add3A_2769 : vector<16xi32>
        %add3A_2771 = arith.addi %mul3A_1753, %and3A_2698 : vector<16xi32>
        %gather3A_2772 = tpu.vector_load_idx %arg17[%add3A_2770, %add3A_2771] : memref<320x128xf32, #tpu.memory_space<vmem>>[vector<16xi32>, vector<16xi32>], vector<16xf32>,
        %add3A_2773 = arith.addf %add3A_2764, %gather3A_2772 : vector<16xf32>
        %mul3A_2774 = arith.mulf %gather3A_2700, %add3A_2732 : vector<16xf32>
        %add3A_2775 = arith.addf %add3A_2690, %mul3A_2774 : vector<16xf32>
        %mul3A_2776 = arith.mulf %gather3A_2700, %add3A_2773 : vector<16xf32>
        %add3A_2777 = arith.addf %add3A_2692, %mul3A_2776 : vector<16xf32>
        %add3A_2778 = arith.constant 12 : i32
        %add3A_2779 = vector.broadcast %add3A_2778 : i32 to vector<16xi32>
        %add3A_2780 = arith.addi %add3A_2779, %iota3A_1758 : vector<16xi32>
        %and3A_2781 = arith.constant 31 : i32
        %and3A_2782 = vector.broadcast %and3A_2781 : i32 to vector<16xi32>
        %and3A_2783 = arith.andi %add3A_2780, %and3A_2782 : vector<16xi32>
        %add3A_2784 = arith.addi %mul3A_1429, %and3A_2783 : vector<16xi32>
        %gather3A_2785 = tpu.vector_load_idx %arg15[%add3A_1400, %add3A_2784] : memref<64x128xf32, #tpu.memory_space<vmem>>[vector<16xi32>, vector<16xi32>], vector<16xf32>,
        %mul3A_2786 = arith.constant 4 : i32
        %mul3A_2787 = vector.broadcast %mul3A_2786 : i32 to vector<16xi32>
        %mul3A_2788 = arith.muli %add3A_1400, %mul3A_2787 : vector<16xi32>
        %add3A_2789 = arith.addi %mul3A_1465, %and3A_2783 : vector<16xi32>
        %gather3A_2790 = tpu.vector_load_idx %arg16[%mul3A_2788, %add3A_2789] : memref<256x128xf32, #tpu.memory_space<vmem>>[vector<16xi32>, vector<16xi32>], vector<16xf32>,
        %mul3A_2791 = arith.constant 4 : i32
        %mul3A_2792 = vector.broadcast %mul3A_2791 : i32 to vector<16xi32>
        %mul3A_2793 = arith.muli %add3A_1400, %mul3A_2792 : vector<16xi32>
        %add3A_2794 = arith.constant 1 : i32
        %add3A_2795 = vector.broadcast %add3A_2794 : i32 to vector<16xi32>
        %add3A_2796 = arith.addi %mul3A_2793, %add3A_2795 : vector<16xi32>
        %add3A_2797 = arith.addi %mul3A_1501, %and3A_2783 : vector<16xi32>
        %gather3A_2798 = tpu.vector_load_idx %arg16[%add3A_2796, %add3A_2797] : memref<256x128xf32, #tpu.memory_space<vmem>>[vector<16xi32>, vector<16xi32>], vector<16xf32>,
        %add3A_2799 = arith.addf %gather3A_2790, %gather3A_2798 : vector<16xf32>
        %mul3A_2800 = arith.constant 4 : i32
        %mul3A_2801 = vector.broadcast %mul3A_2800 : i32 to vector<16xi32>
        %mul3A_2802 = arith.muli %add3A_1400, %mul3A_2801 : vector<16xi32>
        %add3A_2803 = arith.constant 2 : i32
        %add3A_2804 = vector.broadcast %add3A_2803 : i32 to vector<16xi32>
        %add3A_2805 = arith.addi %mul3A_2802, %add3A_2804 : vector<16xi32>
        %add3A_2806 = arith.addi %mul3A_1537, %and3A_2783 : vector<16xi32>
        %gather3A_2807 = tpu.vector_load_idx %arg16[%add3A_2805, %add3A_2806] : memref<256x128xf32, #tpu.memory_space<vmem>>[vector<16xi32>, vector<16xi32>], vector<16xf32>,
        %add3A_2808 = arith.addf %add3A_2799, %gather3A_2807 : vector<16xf32>
        %mul3A_2809 = arith.constant 4 : i32
        %mul3A_2810 = vector.broadcast %mul3A_2809 : i32 to vector<16xi32>
        %mul3A_2811 = arith.muli %add3A_1400, %mul3A_2810 : vector<16xi32>
        %add3A_2812 = arith.constant 3 : i32
        %add3A_2813 = vector.broadcast %add3A_2812 : i32 to vector<16xi32>
        %add3A_2814 = arith.addi %mul3A_2811, %add3A_2813 : vector<16xi32>
        %add3A_2815 = arith.addi %mul3A_1573, %and3A_2783 : vector<16xi32>
        %gather3A_2816 = tpu.vector_load_idx %arg16[%add3A_2814, %add3A_2815] : memref<256x128xf32, #tpu.memory_space<vmem>>[vector<16xi32>, vector<16xi32>], vector<16xf32>,
        %add3A_2817 = arith.addf %add3A_2808, %gather3A_2816 : vector<16xf32>
        %mul3A_2818 = arith.constant 5 : i32
        %mul3A_2819 = vector.broadcast %mul3A_2818 : i32 to vector<16xi32>
        %mul3A_2820 = arith.muli %add3A_1400, %mul3A_2819 : vector<16xi32>
        %add3A_2821 = arith.addi %mul3A_1609, %and3A_2783 : vector<16xi32>
        %gather3A_2822 = tpu.vector_load_idx %arg17[%mul3A_2820, %add3A_2821] : memref<320x128xf32, #tpu.memory_space<vmem>>[vector<16xi32>, vector<16xi32>], vector<16xf32>,
        %mul3A_2823 = arith.constant 5 : i32
        %mul3A_2824 = vector.broadcast %mul3A_2823 : i32 to vector<16xi32>
        %mul3A_2825 = arith.muli %add3A_1400, %mul3A_2824 : vector<16xi32>
        %add3A_2826 = arith.constant 1 : i32
        %add3A_2827 = vector.broadcast %add3A_2826 : i32 to vector<16xi32>
        %add3A_2828 = arith.addi %mul3A_2825, %add3A_2827 : vector<16xi32>
        %add3A_2829 = arith.addi %mul3A_1645, %and3A_2783 : vector<16xi32>
        %gather3A_2830 = tpu.vector_load_idx %arg17[%add3A_2828, %add3A_2829] : memref<320x128xf32, #tpu.memory_space<vmem>>[vector<16xi32>, vector<16xi32>], vector<16xf32>,
        %add3A_2831 = arith.addf %gather3A_2822, %gather3A_2830 : vector<16xf32>
        %mul3A_2832 = arith.constant 5 : i32
        %mul3A_2833 = vector.broadcast %mul3A_2832 : i32 to vector<16xi32>
        %mul3A_2834 = arith.muli %add3A_1400, %mul3A_2833 : vector<16xi32>
        %add3A_2835 = arith.constant 2 : i32
        %add3A_2836 = vector.broadcast %add3A_2835 : i32 to vector<16xi32>
        %add3A_2837 = arith.addi %mul3A_2834, %add3A_2836 : vector<16xi32>
        %add3A_2838 = arith.addi %mul3A_1681, %and3A_2783 : vector<16xi32>
        %gather3A_2839 = tpu.vector_load_idx %arg17[%add3A_2837, %add3A_2838] : memref<320x128xf32, #tpu.memory_space<vmem>>[vector<16xi32>, vector<16xi32>], vector<16xf32>,
        %add3A_2840 = arith.addf %add3A_2831, %gather3A_2839 : vector<16xf32>
        %mul3A_2841 = arith.constant 5 : i32
        %mul3A_2842 = vector.broadcast %mul3A_2841 : i32 to vector<16xi32>
        %mul3A_2843 = arith.muli %add3A_1400, %mul3A_2842 : vector<16xi32>
        %add3A_2844 = arith.constant 3 : i32
        %add3A_2845 = vector.broadcast %add3A_2844 : i32 to vector<16xi32>
        %add3A_2846 = arith.addi %mul3A_2843, %add3A_2845 : vector<16xi32>
        %add3A_2847 = arith.addi %mul3A_1717, %and3A_2783 : vector<16xi32>
        %gather3A_2848 = tpu.vector_load_idx %arg17[%add3A_2846, %add3A_2847] : memref<320x128xf32, #tpu.memory_space<vmem>>[vector<16xi32>, vector<16xi32>], vector<16xf32>,
        %add3A_2849 = arith.addf %add3A_2840, %gather3A_2848 : vector<16xf32>
        %mul3A_2850 = arith.constant 5 : i32
        %mul3A_2851 = vector.broadcast %mul3A_2850 : i32 to vector<16xi32>
        %mul3A_2852 = arith.muli %add3A_1400, %mul3A_2851 : vector<16xi32>
        %add3A_2853 = arith.constant 4 : i32
        %add3A_2854 = vector.broadcast %add3A_2853 : i32 to vector<16xi32>
        %add3A_2855 = arith.addi %mul3A_2852, %add3A_2854 : vector<16xi32>
        %add3A_2856 = arith.addi %mul3A_1753, %and3A_2783 : vector<16xi32>
        %gather3A_2857 = tpu.vector_load_idx %arg17[%add3A_2855, %add3A_2856] : memref<320x128xf32, #tpu.memory_space<vmem>>[vector<16xi32>, vector<16xi32>], vector<16xf32>,
        %add3A_2858 = arith.addf %add3A_2849, %gather3A_2857 : vector<16xf32>
        %mul3A_2859 = arith.mulf %gather3A_2785, %add3A_2817 : vector<16xf32>
        %add3A_2860 = arith.addf %add3A_2775, %mul3A_2859 : vector<16xf32>
        %mul3A_2861 = arith.mulf %gather3A_2785, %add3A_2858 : vector<16xf32>
        %add3A_2862 = arith.addf %add3A_2777, %mul3A_2861 : vector<16xf32>
        %add3A_2863 = arith.constant 13 : i32
        %add3A_2864 = vector.broadcast %add3A_2863 : i32 to vector<16xi32>
        %add3A_2865 = arith.addi %add3A_2864, %iota3A_1758 : vector<16xi32>
        %and3A_2866 = arith.constant 31 : i32
        %and3A_2867 = vector.broadcast %and3A_2866 : i32 to vector<16xi32>
        %and3A_2868 = arith.andi %add3A_2865, %and3A_2867 : vector<16xi32>
        %add3A_2869 = arith.addi %mul3A_1429, %and3A_2868 : vector<16xi32>
        %gather3A_2870 = tpu.vector_load_idx %arg15[%add3A_1400, %add3A_2869] : memref<64x128xf32, #tpu.memory_space<vmem>>[vector<16xi32>, vector<16xi32>], vector<16xf32>,
        %mul3A_2871 = arith.constant 4 : i32
        %mul3A_2872 = vector.broadcast %mul3A_2871 : i32 to vector<16xi32>
        %mul3A_2873 = arith.muli %add3A_1400, %mul3A_2872 : vector<16xi32>
        %add3A_2874 = arith.addi %mul3A_1465, %and3A_2868 : vector<16xi32>
        %gather3A_2875 = tpu.vector_load_idx %arg16[%mul3A_2873, %add3A_2874] : memref<256x128xf32, #tpu.memory_space<vmem>>[vector<16xi32>, vector<16xi32>], vector<16xf32>,
        %mul3A_2876 = arith.constant 4 : i32
        %mul3A_2877 = vector.broadcast %mul3A_2876 : i32 to vector<16xi32>
        %mul3A_2878 = arith.muli %add3A_1400, %mul3A_2877 : vector<16xi32>
        %add3A_2879 = arith.constant 1 : i32
        %add3A_2880 = vector.broadcast %add3A_2879 : i32 to vector<16xi32>
        %add3A_2881 = arith.addi %mul3A_2878, %add3A_2880 : vector<16xi32>
        %add3A_2882 = arith.addi %mul3A_1501, %and3A_2868 : vector<16xi32>
        %gather3A_2883 = tpu.vector_load_idx %arg16[%add3A_2881, %add3A_2882] : memref<256x128xf32, #tpu.memory_space<vmem>>[vector<16xi32>, vector<16xi32>], vector<16xf32>,
        %add3A_2884 = arith.addf %gather3A_2875, %gather3A_2883 : vector<16xf32>
        %mul3A_2885 = arith.constant 4 : i32
        %mul3A_2886 = vector.broadcast %mul3A_2885 : i32 to vector<16xi32>
        %mul3A_2887 = arith.muli %add3A_1400, %mul3A_2886 : vector<16xi32>
        %add3A_2888 = arith.constant 2 : i32
        %add3A_2889 = vector.broadcast %add3A_2888 : i32 to vector<16xi32>
        %add3A_2890 = arith.addi %mul3A_2887, %add3A_2889 : vector<16xi32>
        %add3A_2891 = arith.addi %mul3A_1537, %and3A_2868 : vector<16xi32>
        %gather3A_2892 = tpu.vector_load_idx %arg16[%add3A_2890, %add3A_2891] : memref<256x128xf32, #tpu.memory_space<vmem>>[vector<16xi32>, vector<16xi32>], vector<16xf32>,
        %add3A_2893 = arith.addf %add3A_2884, %gather3A_2892 : vector<16xf32>
        %mul3A_2894 = arith.constant 4 : i32
        %mul3A_2895 = vector.broadcast %mul3A_2894 : i32 to vector<16xi32>
        %mul3A_2896 = arith.muli %add3A_1400, %mul3A_2895 : vector<16xi32>
        %add3A_2897 = arith.constant 3 : i32
        %add3A_2898 = vector.broadcast %add3A_2897 : i32 to vector<16xi32>
        %add3A_2899 = arith.addi %mul3A_2896, %add3A_2898 : vector<16xi32>
        %add3A_2900 = arith.addi %mul3A_1573, %and3A_2868 : vector<16xi32>
        %gather3A_2901 = tpu.vector_load_idx %arg16[%add3A_2899, %add3A_2900] : memref<256x128xf32, #tpu.memory_space<vmem>>[vector<16xi32>, vector<16xi32>], vector<16xf32>,
        %add3A_2902 = arith.addf %add3A_2893, %gather3A_2901 : vector<16xf32>
        %mul3A_2903 = arith.constant 5 : i32
        %mul3A_2904 = vector.broadcast %mul3A_2903 : i32 to vector<16xi32>
        %mul3A_2905 = arith.muli %add3A_1400, %mul3A_2904 : vector<16xi32>
        %add3A_2906 = arith.addi %mul3A_1609, %and3A_2868 : vector<16xi32>
        %gather3A_2907 = tpu.vector_load_idx %arg17[%mul3A_2905, %add3A_2906] : memref<320x128xf32, #tpu.memory_space<vmem>>[vector<16xi32>, vector<16xi32>], vector<16xf32>,
        %mul3A_2908 = arith.constant 5 : i32
        %mul3A_2909 = vector.broadcast %mul3A_2908 : i32 to vector<16xi32>
        %mul3A_2910 = arith.muli %add3A_1400, %mul3A_2909 : vector<16xi32>
        %add3A_2911 = arith.constant 1 : i32
        %add3A_2912 = vector.broadcast %add3A_2911 : i32 to vector<16xi32>
        %add3A_2913 = arith.addi %mul3A_2910, %add3A_2912 : vector<16xi32>
        %add3A_2914 = arith.addi %mul3A_1645, %and3A_2868 : vector<16xi32>
        %gather3A_2915 = tpu.vector_load_idx %arg17[%add3A_2913, %add3A_2914] : memref<320x128xf32, #tpu.memory_space<vmem>>[vector<16xi32>, vector<16xi32>], vector<16xf32>,
        %add3A_2916 = arith.addf %gather3A_2907, %gather3A_2915 : vector<16xf32>
        %mul3A_2917 = arith.constant 5 : i32
        %mul3A_2918 = vector.broadcast %mul3A_2917 : i32 to vector<16xi32>
        %mul3A_2919 = arith.muli %add3A_1400, %mul3A_2918 : vector<16xi32>
        %add3A_2920 = arith.constant 2 : i32
        %add3A_2921 = vector.broadcast %add3A_2920 : i32 to vector<16xi32>
        %add3A_2922 = arith.addi %mul3A_2919, %add3A_2921 : vector<16xi32>
        %add3A_2923 = arith.addi %mul3A_1681, %and3A_2868 : vector<16xi32>
        %gather3A_2924 = tpu.vector_load_idx %arg17[%add3A_2922, %add3A_2923] : memref<320x128xf32, #tpu.memory_space<vmem>>[vector<16xi32>, vector<16xi32>], vector<16xf32>,
        %add3A_2925 = arith.addf %add3A_2916, %gather3A_2924 : vector<16xf32>
        %mul3A_2926 = arith.constant 5 : i32
        %mul3A_2927 = vector.broadcast %mul3A_2926 : i32 to vector<16xi32>
        %mul3A_2928 = arith.muli %add3A_1400, %mul3A_2927 : vector<16xi32>
        %add3A_2929 = arith.constant 3 : i32
        %add3A_2930 = vector.broadcast %add3A_2929 : i32 to vector<16xi32>
        %add3A_2931 = arith.addi %mul3A_2928, %add3A_2930 : vector<16xi32>
        %add3A_2932 = arith.addi %mul3A_1717, %and3A_2868 : vector<16xi32>
        %gather3A_2933 = tpu.vector_load_idx %arg17[%add3A_2931, %add3A_2932] : memref<320x128xf32, #tpu.memory_space<vmem>>[vector<16xi32>, vector<16xi32>], vector<16xf32>,
        %add3A_2934 = arith.addf %add3A_2925, %gather3A_2933 : vector<16xf32>
        %mul3A_2935 = arith.constant 5 : i32
        %mul3A_2936 = vector.broadcast %mul3A_2935 : i32 to vector<16xi32>
        %mul3A_2937 = arith.muli %add3A_1400, %mul3A_2936 : vector<16xi32>
        %add3A_2938 = arith.constant 4 : i32
        %add3A_2939 = vector.broadcast %add3A_2938 : i32 to vector<16xi32>
        %add3A_2940 = arith.addi %mul3A_2937, %add3A_2939 : vector<16xi32>
        %add3A_2941 = arith.addi %mul3A_1753, %and3A_2868 : vector<16xi32>
        %gather3A_2942 = tpu.vector_load_idx %arg17[%add3A_2940, %add3A_2941] : memref<320x128xf32, #tpu.memory_space<vmem>>[vector<16xi32>, vector<16xi32>], vector<16xf32>,
        %add3A_2943 = arith.addf %add3A_2934, %gather3A_2942 : vector<16xf32>
        %mul3A_2944 = arith.mulf %gather3A_2870, %add3A_2902 : vector<16xf32>
        %add3A_2945 = arith.addf %add3A_2860, %mul3A_2944 : vector<16xf32>
        %mul3A_2946 = arith.mulf %gather3A_2870, %add3A_2943 : vector<16xf32>
        %add3A_2947 = arith.addf %add3A_2862, %mul3A_2946 : vector<16xf32>
        %add3A_2948 = arith.constant 14 : i32
        %add3A_2949 = vector.broadcast %add3A_2948 : i32 to vector<16xi32>
        %add3A_2950 = arith.addi %add3A_2949, %iota3A_1758 : vector<16xi32>
        %and3A_2951 = arith.constant 31 : i32
        %and3A_2952 = vector.broadcast %and3A_2951 : i32 to vector<16xi32>
        %and3A_2953 = arith.andi %add3A_2950, %and3A_2952 : vector<16xi32>
        %add3A_2954 = arith.addi %mul3A_1429, %and3A_2953 : vector<16xi32>
        %gather3A_2955 = tpu.vector_load_idx %arg15[%add3A_1400, %add3A_2954] : memref<64x128xf32, #tpu.memory_space<vmem>>[vector<16xi32>, vector<16xi32>], vector<16xf32>,
        %mul3A_2956 = arith.constant 4 : i32
        %mul3A_2957 = vector.broadcast %mul3A_2956 : i32 to vector<16xi32>
        %mul3A_2958 = arith.muli %add3A_1400, %mul3A_2957 : vector<16xi32>
        %add3A_2959 = arith.addi %mul3A_1465, %and3A_2953 : vector<16xi32>
        %gather3A_2960 = tpu.vector_load_idx %arg16[%mul3A_2958, %add3A_2959] : memref<256x128xf32, #tpu.memory_space<vmem>>[vector<16xi32>, vector<16xi32>], vector<16xf32>,
        %mul3A_2961 = arith.constant 4 : i32
        %mul3A_2962 = vector.broadcast %mul3A_2961 : i32 to vector<16xi32>
        %mul3A_2963 = arith.muli %add3A_1400, %mul3A_2962 : vector<16xi32>
        %add3A_2964 = arith.constant 1 : i32
        %add3A_2965 = vector.broadcast %add3A_2964 : i32 to vector<16xi32>
        %add3A_2966 = arith.addi %mul3A_2963, %add3A_2965 : vector<16xi32>
        %add3A_2967 = arith.addi %mul3A_1501, %and3A_2953 : vector<16xi32>
        %gather3A_2968 = tpu.vector_load_idx %arg16[%add3A_2966, %add3A_2967] : memref<256x128xf32, #tpu.memory_space<vmem>>[vector<16xi32>, vector<16xi32>], vector<16xf32>,
        %add3A_2969 = arith.addf %gather3A_2960, %gather3A_2968 : vector<16xf32>
        %mul3A_2970 = arith.constant 4 : i32
        %mul3A_2971 = vector.broadcast %mul3A_2970 : i32 to vector<16xi32>
        %mul3A_2972 = arith.muli %add3A_1400, %mul3A_2971 : vector<16xi32>
        %add3A_2973 = arith.constant 2 : i32
        %add3A_2974 = vector.broadcast %add3A_2973 : i32 to vector<16xi32>
        %add3A_2975 = arith.addi %mul3A_2972, %add3A_2974 : vector<16xi32>
        %add3A_2976 = arith.addi %mul3A_1537, %and3A_2953 : vector<16xi32>
        %gather3A_2977 = tpu.vector_load_idx %arg16[%add3A_2975, %add3A_2976] : memref<256x128xf32, #tpu.memory_space<vmem>>[vector<16xi32>, vector<16xi32>], vector<16xf32>,
        %add3A_2978 = arith.addf %add3A_2969, %gather3A_2977 : vector<16xf32>
        %mul3A_2979 = arith.constant 4 : i32
        %mul3A_2980 = vector.broadcast %mul3A_2979 : i32 to vector<16xi32>
        %mul3A_2981 = arith.muli %add3A_1400, %mul3A_2980 : vector<16xi32>
        %add3A_2982 = arith.constant 3 : i32
        %add3A_2983 = vector.broadcast %add3A_2982 : i32 to vector<16xi32>
        %add3A_2984 = arith.addi %mul3A_2981, %add3A_2983 : vector<16xi32>
        %add3A_2985 = arith.addi %mul3A_1573, %and3A_2953 : vector<16xi32>
        %gather3A_2986 = tpu.vector_load_idx %arg16[%add3A_2984, %add3A_2985] : memref<256x128xf32, #tpu.memory_space<vmem>>[vector<16xi32>, vector<16xi32>], vector<16xf32>,
        %add3A_2987 = arith.addf %add3A_2978, %gather3A_2986 : vector<16xf32>
        %mul3A_2988 = arith.constant 5 : i32
        %mul3A_2989 = vector.broadcast %mul3A_2988 : i32 to vector<16xi32>
        %mul3A_2990 = arith.muli %add3A_1400, %mul3A_2989 : vector<16xi32>
        %add3A_2991 = arith.addi %mul3A_1609, %and3A_2953 : vector<16xi32>
        %gather3A_2992 = tpu.vector_load_idx %arg17[%mul3A_2990, %add3A_2991] : memref<320x128xf32, #tpu.memory_space<vmem>>[vector<16xi32>, vector<16xi32>], vector<16xf32>,
        %mul3A_2993 = arith.constant 5 : i32
        %mul3A_2994 = vector.broadcast %mul3A_2993 : i32 to vector<16xi32>
        %mul3A_2995 = arith.muli %add3A_1400, %mul3A_2994 : vector<16xi32>
        %add3A_2996 = arith.constant 1 : i32
        %add3A_2997 = vector.broadcast %add3A_2996 : i32 to vector<16xi32>
        %add3A_2998 = arith.addi %mul3A_2995, %add3A_2997 : vector<16xi32>
        %add3A_2999 = arith.addi %mul3A_1645, %and3A_2953 : vector<16xi32>
        %gather3A_3000 = tpu.vector_load_idx %arg17[%add3A_2998, %add3A_2999] : memref<320x128xf32, #tpu.memory_space<vmem>>[vector<16xi32>, vector<16xi32>], vector<16xf32>,
        %add3A_3001 = arith.addf %gather3A_2992, %gather3A_3000 : vector<16xf32>
        %mul3A_3002 = arith.constant 5 : i32
        %mul3A_3003 = vector.broadcast %mul3A_3002 : i32 to vector<16xi32>
        %mul3A_3004 = arith.muli %add3A_1400, %mul3A_3003 : vector<16xi32>
        %add3A_3005 = arith.constant 2 : i32
        %add3A_3006 = vector.broadcast %add3A_3005 : i32 to vector<16xi32>
        %add3A_3007 = arith.addi %mul3A_3004, %add3A_3006 : vector<16xi32>
        %add3A_3008 = arith.addi %mul3A_1681, %and3A_2953 : vector<16xi32>
        %gather3A_3009 = tpu.vector_load_idx %arg17[%add3A_3007, %add3A_3008] : memref<320x128xf32, #tpu.memory_space<vmem>>[vector<16xi32>, vector<16xi32>], vector<16xf32>,
        %add3A_3010 = arith.addf %add3A_3001, %gather3A_3009 : vector<16xf32>
        %mul3A_3011 = arith.constant 5 : i32
        %mul3A_3012 = vector.broadcast %mul3A_3011 : i32 to vector<16xi32>
        %mul3A_3013 = arith.muli %add3A_1400, %mul3A_3012 : vector<16xi32>
        %add3A_3014 = arith.constant 3 : i32
        %add3A_3015 = vector.broadcast %add3A_3014 : i32 to vector<16xi32>
        %add3A_3016 = arith.addi %mul3A_3013, %add3A_3015 : vector<16xi32>
        %add3A_3017 = arith.addi %mul3A_1717, %and3A_2953 : vector<16xi32>
        %gather3A_3018 = tpu.vector_load_idx %arg17[%add3A_3016, %add3A_3017] : memref<320x128xf32, #tpu.memory_space<vmem>>[vector<16xi32>, vector<16xi32>], vector<16xf32>,
        %add3A_3019 = arith.addf %add3A_3010, %gather3A_3018 : vector<16xf32>
        %mul3A_3020 = arith.constant 5 : i32
        %mul3A_3021 = vector.broadcast %mul3A_3020 : i32 to vector<16xi32>
        %mul3A_3022 = arith.muli %add3A_1400, %mul3A_3021 : vector<16xi32>
        %add3A_3023 = arith.constant 4 : i32
        %add3A_3024 = vector.broadcast %add3A_3023 : i32 to vector<16xi32>
        %add3A_3025 = arith.addi %mul3A_3022, %add3A_3024 : vector<16xi32>
        %add3A_3026 = arith.addi %mul3A_1753, %and3A_2953 : vector<16xi32>
        %gather3A_3027 = tpu.vector_load_idx %arg17[%add3A_3025, %add3A_3026] : memref<320x128xf32, #tpu.memory_space<vmem>>[vector<16xi32>, vector<16xi32>], vector<16xf32>,
        %add3A_3028 = arith.addf %add3A_3019, %gather3A_3027 : vector<16xf32>
        %mul3A_3029 = arith.mulf %gather3A_2955, %add3A_2987 : vector<16xf32>
        %add3A_3030 = arith.addf %add3A_2945, %mul3A_3029 : vector<16xf32>
        %mul3A_3031 = arith.mulf %gather3A_2955, %add3A_3028 : vector<16xf32>
        %add3A_3032 = arith.addf %add3A_2947, %mul3A_3031 : vector<16xf32>
        %add3A_3033 = arith.constant 15 : i32
        %add3A_3034 = vector.broadcast %add3A_3033 : i32 to vector<16xi32>
        %add3A_3035 = arith.addi %add3A_3034, %iota3A_1758 : vector<16xi32>
        %and3A_3036 = arith.constant 31 : i32
        %and3A_3037 = vector.broadcast %and3A_3036 : i32 to vector<16xi32>
        %and3A_3038 = arith.andi %add3A_3035, %and3A_3037 : vector<16xi32>
        %add3A_3039 = arith.addi %mul3A_1429, %and3A_3038 : vector<16xi32>
        %gather3A_3040 = tpu.vector_load_idx %arg15[%add3A_1400, %add3A_3039] : memref<64x128xf32, #tpu.memory_space<vmem>>[vector<16xi32>, vector<16xi32>], vector<16xf32>,
        %mul3A_3041 = arith.constant 4 : i32
        %mul3A_3042 = vector.broadcast %mul3A_3041 : i32 to vector<16xi32>
        %mul3A_3043 = arith.muli %add3A_1400, %mul3A_3042 : vector<16xi32>
        %add3A_3044 = arith.addi %mul3A_1465, %and3A_3038 : vector<16xi32>
        %gather3A_3045 = tpu.vector_load_idx %arg16[%mul3A_3043, %add3A_3044] : memref<256x128xf32, #tpu.memory_space<vmem>>[vector<16xi32>, vector<16xi32>], vector<16xf32>,
        %mul3A_3046 = arith.constant 4 : i32
        %mul3A_3047 = vector.broadcast %mul3A_3046 : i32 to vector<16xi32>
        %mul3A_3048 = arith.muli %add3A_1400, %mul3A_3047 : vector<16xi32>
        %add3A_3049 = arith.constant 1 : i32
        %add3A_3050 = vector.broadcast %add3A_3049 : i32 to vector<16xi32>
        %add3A_3051 = arith.addi %mul3A_3048, %add3A_3050 : vector<16xi32>
        %add3A_3052 = arith.addi %mul3A_1501, %and3A_3038 : vector<16xi32>
        %gather3A_3053 = tpu.vector_load_idx %arg16[%add3A_3051, %add3A_3052] : memref<256x128xf32, #tpu.memory_space<vmem>>[vector<16xi32>, vector<16xi32>], vector<16xf32>,
        %add3A_3054 = arith.addf %gather3A_3045, %gather3A_3053 : vector<16xf32>
        %mul3A_3055 = arith.constant 4 : i32
        %mul3A_3056 = vector.broadcast %mul3A_3055 : i32 to vector<16xi32>
        %mul3A_3057 = arith.muli %add3A_1400, %mul3A_3056 : vector<16xi32>
        %add3A_3058 = arith.constant 2 : i32
        %add3A_3059 = vector.broadcast %add3A_3058 : i32 to vector<16xi32>
        %add3A_3060 = arith.addi %mul3A_3057, %add3A_3059 : vector<16xi32>
        %add3A_3061 = arith.addi %mul3A_1537, %and3A_3038 : vector<16xi32>
        %gather3A_3062 = tpu.vector_load_idx %arg16[%add3A_3060, %add3A_3061] : memref<256x128xf32, #tpu.memory_space<vmem>>[vector<16xi32>, vector<16xi32>], vector<16xf32>,
        %add3A_3063 = arith.addf %add3A_3054, %gather3A_3062 : vector<16xf32>
        %mul3A_3064 = arith.constant 4 : i32
        %mul3A_3065 = vector.broadcast %mul3A_3064 : i32 to vector<16xi32>
        %mul3A_3066 = arith.muli %add3A_1400, %mul3A_3065 : vector<16xi32>
        %add3A_3067 = arith.constant 3 : i32
        %add3A_3068 = vector.broadcast %add3A_3067 : i32 to vector<16xi32>
        %add3A_3069 = arith.addi %mul3A_3066, %add3A_3068 : vector<16xi32>
        %add3A_3070 = arith.addi %mul3A_1573, %and3A_3038 : vector<16xi32>
        %gather3A_3071 = tpu.vector_load_idx %arg16[%add3A_3069, %add3A_3070] : memref<256x128xf32, #tpu.memory_space<vmem>>[vector<16xi32>, vector<16xi32>], vector<16xf32>,
        %add3A_3072 = arith.addf %add3A_3063, %gather3A_3071 : vector<16xf32>
        %mul3A_3073 = arith.constant 5 : i32
        %mul3A_3074 = vector.broadcast %mul3A_3073 : i32 to vector<16xi32>
        %mul3A_3075 = arith.muli %add3A_1400, %mul3A_3074 : vector<16xi32>
        %add3A_3076 = arith.addi %mul3A_1609, %and3A_3038 : vector<16xi32>
        %gather3A_3077 = tpu.vector_load_idx %arg17[%mul3A_3075, %add3A_3076] : memref<320x128xf32, #tpu.memory_space<vmem>>[vector<16xi32>, vector<16xi32>], vector<16xf32>,
        %mul3A_3078 = arith.constant 5 : i32
        %mul3A_3079 = vector.broadcast %mul3A_3078 : i32 to vector<16xi32>
        %mul3A_3080 = arith.muli %add3A_1400, %mul3A_3079 : vector<16xi32>
        %add3A_3081 = arith.constant 1 : i32
        %add3A_3082 = vector.broadcast %add3A_3081 : i32 to vector<16xi32>
        %add3A_3083 = arith.addi %mul3A_3080, %add3A_3082 : vector<16xi32>
        %add3A_3084 = arith.addi %mul3A_1645, %and3A_3038 : vector<16xi32>
        %gather3A_3085 = tpu.vector_load_idx %arg17[%add3A_3083, %add3A_3084] : memref<320x128xf32, #tpu.memory_space<vmem>>[vector<16xi32>, vector<16xi32>], vector<16xf32>,
        %add3A_3086 = arith.addf %gather3A_3077, %gather3A_3085 : vector<16xf32>
        %mul3A_3087 = arith.constant 5 : i32
        %mul3A_3088 = vector.broadcast %mul3A_3087 : i32 to vector<16xi32>
        %mul3A_3089 = arith.muli %add3A_1400, %mul3A_3088 : vector<16xi32>
        %add3A_3090 = arith.constant 2 : i32
        %add3A_3091 = vector.broadcast %add3A_3090 : i32 to vector<16xi32>
        %add3A_3092 = arith.addi %mul3A_3089, %add3A_3091 : vector<16xi32>
        %add3A_3093 = arith.addi %mul3A_1681, %and3A_3038 : vector<16xi32>
        %gather3A_3094 = tpu.vector_load_idx %arg17[%add3A_3092, %add3A_3093] : memref<320x128xf32, #tpu.memory_space<vmem>>[vector<16xi32>, vector<16xi32>], vector<16xf32>,
        %add3A_3095 = arith.addf %add3A_3086, %gather3A_3094 : vector<16xf32>
        %mul3A_3096 = arith.constant 5 : i32
        %mul3A_3097 = vector.broadcast %mul3A_3096 : i32 to vector<16xi32>
        %mul3A_3098 = arith.muli %add3A_1400, %mul3A_3097 : vector<16xi32>
        %add3A_3099 = arith.constant 3 : i32
        %add3A_3100 = vector.broadcast %add3A_3099 : i32 to vector<16xi32>
        %add3A_3101 = arith.addi %mul3A_3098, %add3A_3100 : vector<16xi32>
        %add3A_3102 = arith.addi %mul3A_1717, %and3A_3038 : vector<16xi32>
        %gather3A_3103 = tpu.vector_load_idx %arg17[%add3A_3101, %add3A_3102] : memref<320x128xf32, #tpu.memory_space<vmem>>[vector<16xi32>, vector<16xi32>], vector<16xf32>,
        %add3A_3104 = arith.addf %add3A_3095, %gather3A_3103 : vector<16xf32>
        %mul3A_3105 = arith.constant 5 : i32
        %mul3A_3106 = vector.broadcast %mul3A_3105 : i32 to vector<16xi32>
        %mul3A_3107 = arith.muli %add3A_1400, %mul3A_3106 : vector<16xi32>
        %add3A_3108 = arith.constant 4 : i32
        %add3A_3109 = vector.broadcast %add3A_3108 : i32 to vector<16xi32>
        %add3A_3110 = arith.addi %mul3A_3107, %add3A_3109 : vector<16xi32>
        %add3A_3111 = arith.addi %mul3A_1753, %and3A_3038 : vector<16xi32>
        %gather3A_3112 = tpu.vector_load_idx %arg17[%add3A_3110, %add3A_3111] : memref<320x128xf32, #tpu.memory_space<vmem>>[vector<16xi32>, vector<16xi32>], vector<16xf32>,
        %add3A_3113 = arith.addf %add3A_3104, %gather3A_3112 : vector<16xf32>
        %mul3A_3114 = arith.mulf %gather3A_3040, %add3A_3072 : vector<16xf32>
        %add3A_3115 = arith.addf %add3A_3030, %mul3A_3114 : vector<16xf32>
        %mul3A_3116 = arith.mulf %gather3A_3040, %add3A_3113 : vector<16xf32>
        %add3A_3117 = arith.addf %add3A_3032, %mul3A_3116 : vector<16xf32>
        %add3A_3118 = arith.constant 16 : i32
        %add3A_3119 = vector.broadcast %add3A_3118 : i32 to vector<16xi32>
        %add3A_3120 = arith.addi %add3A_3119, %iota3A_1758 : vector<16xi32>
        %and3A_3121 = arith.constant 31 : i32
        %and3A_3122 = vector.broadcast %and3A_3121 : i32 to vector<16xi32>
        %and3A_3123 = arith.andi %add3A_3120, %and3A_3122 : vector<16xi32>
        %add3A_3124 = arith.addi %mul3A_1429, %and3A_3123 : vector<16xi32>
        %gather3A_3125 = tpu.vector_load_idx %arg15[%add3A_1400, %add3A_3124] : memref<64x128xf32, #tpu.memory_space<vmem>>[vector<16xi32>, vector<16xi32>], vector<16xf32>,
        %mul3A_3126 = arith.constant 4 : i32
        %mul3A_3127 = vector.broadcast %mul3A_3126 : i32 to vector<16xi32>
        %mul3A_3128 = arith.muli %add3A_1400, %mul3A_3127 : vector<16xi32>
        %add3A_3129 = arith.addi %mul3A_1465, %and3A_3123 : vector<16xi32>
        %gather3A_3130 = tpu.vector_load_idx %arg16[%mul3A_3128, %add3A_3129] : memref<256x128xf32, #tpu.memory_space<vmem>>[vector<16xi32>, vector<16xi32>], vector<16xf32>,
        %mul3A_3131 = arith.constant 4 : i32
        %mul3A_3132 = vector.broadcast %mul3A_3131 : i32 to vector<16xi32>
        %mul3A_3133 = arith.muli %add3A_1400, %mul3A_3132 : vector<16xi32>
        %add3A_3134 = arith.constant 1 : i32
        %add3A_3135 = vector.broadcast %add3A_3134 : i32 to vector<16xi32>
        %add3A_3136 = arith.addi %mul3A_3133, %add3A_3135 : vector<16xi32>
        %add3A_3137 = arith.addi %mul3A_1501, %and3A_3123 : vector<16xi32>
        %gather3A_3138 = tpu.vector_load_idx %arg16[%add3A_3136, %add3A_3137] : memref<256x128xf32, #tpu.memory_space<vmem>>[vector<16xi32>, vector<16xi32>], vector<16xf32>,
        %add3A_3139 = arith.addf %gather3A_3130, %gather3A_3138 : vector<16xf32>
        %mul3A_3140 = arith.constant 4 : i32
        %mul3A_3141 = vector.broadcast %mul3A_3140 : i32 to vector<16xi32>
        %mul3A_3142 = arith.muli %add3A_1400, %mul3A_3141 : vector<16xi32>
        %add3A_3143 = arith.constant 2 : i32
        %add3A_3144 = vector.broadcast %add3A_3143 : i32 to vector<16xi32>
        %add3A_3145 = arith.addi %mul3A_3142, %add3A_3144 : vector<16xi32>
        %add3A_3146 = arith.addi %mul3A_1537, %and3A_3123 : vector<16xi32>
        %gather3A_3147 = tpu.vector_load_idx %arg16[%add3A_3145, %add3A_3146] : memref<256x128xf32, #tpu.memory_space<vmem>>[vector<16xi32>, vector<16xi32>], vector<16xf32>,
        %add3A_3148 = arith.addf %add3A_3139, %gather3A_3147 : vector<16xf32>
        %mul3A_3149 = arith.constant 4 : i32
        %mul3A_3150 = vector.broadcast %mul3A_3149 : i32 to vector<16xi32>
        %mul3A_3151 = arith.muli %add3A_1400, %mul3A_3150 : vector<16xi32>
        %add3A_3152 = arith.constant 3 : i32
        %add3A_3153 = vector.broadcast %add3A_3152 : i32 to vector<16xi32>
        %add3A_3154 = arith.addi %mul3A_3151, %add3A_3153 : vector<16xi32>
        %add3A_3155 = arith.addi %mul3A_1573, %and3A_3123 : vector<16xi32>
        %gather3A_3156 = tpu.vector_load_idx %arg16[%add3A_3154, %add3A_3155] : memref<256x128xf32, #tpu.memory_space<vmem>>[vector<16xi32>, vector<16xi32>], vector<16xf32>,
        %add3A_3157 = arith.addf %add3A_3148, %gather3A_3156 : vector<16xf32>
        %mul3A_3158 = arith.constant 5 : i32
        %mul3A_3159 = vector.broadcast %mul3A_3158 : i32 to vector<16xi32>
        %mul3A_3160 = arith.muli %add3A_1400, %mul3A_3159 : vector<16xi32>
        %add3A_3161 = arith.addi %mul3A_1609, %and3A_3123 : vector<16xi32>
        %gather3A_3162 = tpu.vector_load_idx %arg17[%mul3A_3160, %add3A_3161] : memref<320x128xf32, #tpu.memory_space<vmem>>[vector<16xi32>, vector<16xi32>], vector<16xf32>,
        %mul3A_3163 = arith.constant 5 : i32
        %mul3A_3164 = vector.broadcast %mul3A_3163 : i32 to vector<16xi32>
        %mul3A_3165 = arith.muli %add3A_1400, %mul3A_3164 : vector<16xi32>
        %add3A_3166 = arith.constant 1 : i32
        %add3A_3167 = vector.broadcast %add3A_3166 : i32 to vector<16xi32>
        %add3A_3168 = arith.addi %mul3A_3165, %add3A_3167 : vector<16xi32>
        %add3A_3169 = arith.addi %mul3A_1645, %and3A_3123 : vector<16xi32>
        %gather3A_3170 = tpu.vector_load_idx %arg17[%add3A_3168, %add3A_3169] : memref<320x128xf32, #tpu.memory_space<vmem>>[vector<16xi32>, vector<16xi32>], vector<16xf32>,
        %add3A_3171 = arith.addf %gather3A_3162, %gather3A_3170 : vector<16xf32>
        %mul3A_3172 = arith.constant 5 : i32
        %mul3A_3173 = vector.broadcast %mul3A_3172 : i32 to vector<16xi32>
        %mul3A_3174 = arith.muli %add3A_1400, %mul3A_3173 : vector<16xi32>
        %add3A_3175 = arith.constant 2 : i32
        %add3A_3176 = vector.broadcast %add3A_3175 : i32 to vector<16xi32>
        %add3A_3177 = arith.addi %mul3A_3174, %add3A_3176 : vector<16xi32>
        %add3A_3178 = arith.addi %mul3A_1681, %and3A_3123 : vector<16xi32>
        %gather3A_3179 = tpu.vector_load_idx %arg17[%add3A_3177, %add3A_3178] : memref<320x128xf32, #tpu.memory_space<vmem>>[vector<16xi32>, vector<16xi32>], vector<16xf32>,
        %add3A_3180 = arith.addf %add3A_3171, %gather3A_3179 : vector<16xf32>
        %mul3A_3181 = arith.constant 5 : i32
        %mul3A_3182 = vector.broadcast %mul3A_3181 : i32 to vector<16xi32>
        %mul3A_3183 = arith.muli %add3A_1400, %mul3A_3182 : vector<16xi32>
        %add3A_3184 = arith.constant 3 : i32
        %add3A_3185 = vector.broadcast %add3A_3184 : i32 to vector<16xi32>
        %add3A_3186 = arith.addi %mul3A_3183, %add3A_3185 : vector<16xi32>
        %add3A_3187 = arith.addi %mul3A_1717, %and3A_3123 : vector<16xi32>
        %gather3A_3188 = tpu.vector_load_idx %arg17[%add3A_3186, %add3A_3187] : memref<320x128xf32, #tpu.memory_space<vmem>>[vector<16xi32>, vector<16xi32>], vector<16xf32>,
        %add3A_3189 = arith.addf %add3A_3180, %gather3A_3188 : vector<16xf32>
        %mul3A_3190 = arith.constant 5 : i32
        %mul3A_3191 = vector.broadcast %mul3A_3190 : i32 to vector<16xi32>
        %mul3A_3192 = arith.muli %add3A_1400, %mul3A_3191 : vector<16xi32>
        %add3A_3193 = arith.constant 4 : i32
        %add3A_3194 = vector.broadcast %add3A_3193 : i32 to vector<16xi32>
        %add3A_3195 = arith.addi %mul3A_3192, %add3A_3194 : vector<16xi32>
        %add3A_3196 = arith.addi %mul3A_1753, %and3A_3123 : vector<16xi32>
        %gather3A_3197 = tpu.vector_load_idx %arg17[%add3A_3195, %add3A_3196] : memref<320x128xf32, #tpu.memory_space<vmem>>[vector<16xi32>, vector<16xi32>], vector<16xf32>,
        %add3A_3198 = arith.addf %add3A_3189, %gather3A_3197 : vector<16xf32>
        %mul3A_3199 = arith.mulf %gather3A_3125, %add3A_3157 : vector<16xf32>
        %add3A_3200 = arith.addf %add3A_3115, %mul3A_3199 : vector<16xf32>
        %mul3A_3201 = arith.mulf %gather3A_3125, %add3A_3198 : vector<16xf32>
        %add3A_3202 = arith.addf %add3A_3117, %mul3A_3201 : vector<16xf32>
        %add3A_3203 = arith.constant 17 : i32
        %add3A_3204 = vector.broadcast %add3A_3203 : i32 to vector<16xi32>
        %add3A_3205 = arith.addi %add3A_3204, %iota3A_1758 : vector<16xi32>
        %and3A_3206 = arith.constant 31 : i32
        %and3A_3207 = vector.broadcast %and3A_3206 : i32 to vector<16xi32>
        %and3A_3208 = arith.andi %add3A_3205, %and3A_3207 : vector<16xi32>
        %add3A_3209 = arith.addi %mul3A_1429, %and3A_3208 : vector<16xi32>
        %gather3A_3210 = tpu.vector_load_idx %arg15[%add3A_1400, %add3A_3209] : memref<64x128xf32, #tpu.memory_space<vmem>>[vector<16xi32>, vector<16xi32>], vector<16xf32>,
        %mul3A_3211 = arith.constant 4 : i32
        %mul3A_3212 = vector.broadcast %mul3A_3211 : i32 to vector<16xi32>
        %mul3A_3213 = arith.muli %add3A_1400, %mul3A_3212 : vector<16xi32>
        %add3A_3214 = arith.addi %mul3A_1465, %and3A_3208 : vector<16xi32>
        %gather3A_3215 = tpu.vector_load_idx %arg16[%mul3A_3213, %add3A_3214] : memref<256x128xf32, #tpu.memory_space<vmem>>[vector<16xi32>, vector<16xi32>], vector<16xf32>,
        %mul3A_3216 = arith.constant 4 : i32
        %mul3A_3217 = vector.broadcast %mul3A_3216 : i32 to vector<16xi32>
        %mul3A_3218 = arith.muli %add3A_1400, %mul3A_3217 : vector<16xi32>
        %add3A_3219 = arith.constant 1 : i32
        %add3A_3220 = vector.broadcast %add3A_3219 : i32 to vector<16xi32>
        %add3A_3221 = arith.addi %mul3A_3218, %add3A_3220 : vector<16xi32>
        %add3A_3222 = arith.addi %mul3A_1501, %and3A_3208 : vector<16xi32>
        %gather3A_3223 = tpu.vector_load_idx %arg16[%add3A_3221, %add3A_3222] : memref<256x128xf32, #tpu.memory_space<vmem>>[vector<16xi32>, vector<16xi32>], vector<16xf32>,
        %add3A_3224 = arith.addf %gather3A_3215, %gather3A_3223 : vector<16xf32>
        %mul3A_3225 = arith.constant 4 : i32
        %mul3A_3226 = vector.broadcast %mul3A_3225 : i32 to vector<16xi32>
        %mul3A_3227 = arith.muli %add3A_1400, %mul3A_3226 : vector<16xi32>
        %add3A_3228 = arith.constant 2 : i32
        %add3A_3229 = vector.broadcast %add3A_3228 : i32 to vector<16xi32>
        %add3A_3230 = arith.addi %mul3A_3227, %add3A_3229 : vector<16xi32>
        %add3A_3231 = arith.addi %mul3A_1537, %and3A_3208 : vector<16xi32>
        %gather3A_3232 = tpu.vector_load_idx %arg16[%add3A_3230, %add3A_3231] : memref<256x128xf32, #tpu.memory_space<vmem>>[vector<16xi32>, vector<16xi32>], vector<16xf32>,
        %add3A_3233 = arith.addf %add3A_3224, %gather3A_3232 : vector<16xf32>
        %mul3A_3234 = arith.constant 4 : i32
        %mul3A_3235 = vector.broadcast %mul3A_3234 : i32 to vector<16xi32>
        %mul3A_3236 = arith.muli %add3A_1400, %mul3A_3235 : vector<16xi32>
        %add3A_3237 = arith.constant 3 : i32
        %add3A_3238 = vector.broadcast %add3A_3237 : i32 to vector<16xi32>
        %add3A_3239 = arith.addi %mul3A_3236, %add3A_3238 : vector<16xi32>
        %add3A_3240 = arith.addi %mul3A_1573, %and3A_3208 : vector<16xi32>
        %gather3A_3241 = tpu.vector_load_idx %arg16[%add3A_3239, %add3A_3240] : memref<256x128xf32, #tpu.memory_space<vmem>>[vector<16xi32>, vector<16xi32>], vector<16xf32>,
        %add3A_3242 = arith.addf %add3A_3233, %gather3A_3241 : vector<16xf32>
        %mul3A_3243 = arith.constant 5 : i32
        %mul3A_3244 = vector.broadcast %mul3A_3243 : i32 to vector<16xi32>
        %mul3A_3245 = arith.muli %add3A_1400, %mul3A_3244 : vector<16xi32>
        %add3A_3246 = arith.addi %mul3A_1609, %and3A_3208 : vector<16xi32>
        %gather3A_3247 = tpu.vector_load_idx %arg17[%mul3A_3245, %add3A_3246] : memref<320x128xf32, #tpu.memory_space<vmem>>[vector<16xi32>, vector<16xi32>], vector<16xf32>,
        %mul3A_3248 = arith.constant 5 : i32
        %mul3A_3249 = vector.broadcast %mul3A_3248 : i32 to vector<16xi32>
        %mul3A_3250 = arith.muli %add3A_1400, %mul3A_3249 : vector<16xi32>
        %add3A_3251 = arith.constant 1 : i32
        %add3A_3252 = vector.broadcast %add3A_3251 : i32 to vector<16xi32>
        %add3A_3253 = arith.addi %mul3A_3250, %add3A_3252 : vector<16xi32>
        %add3A_3254 = arith.addi %mul3A_1645, %and3A_3208 : vector<16xi32>
        %gather3A_3255 = tpu.vector_load_idx %arg17[%add3A_3253, %add3A_3254] : memref<320x128xf32, #tpu.memory_space<vmem>>[vector<16xi32>, vector<16xi32>], vector<16xf32>,
        %add3A_3256 = arith.addf %gather3A_3247, %gather3A_3255 : vector<16xf32>
        %mul3A_3257 = arith.constant 5 : i32
        %mul3A_3258 = vector.broadcast %mul3A_3257 : i32 to vector<16xi32>
        %mul3A_3259 = arith.muli %add3A_1400, %mul3A_3258 : vector<16xi32>
        %add3A_3260 = arith.constant 2 : i32
        %add3A_3261 = vector.broadcast %add3A_3260 : i32 to vector<16xi32>
        %add3A_3262 = arith.addi %mul3A_3259, %add3A_3261 : vector<16xi32>
        %add3A_3263 = arith.addi %mul3A_1681, %and3A_3208 : vector<16xi32>
        %gather3A_3264 = tpu.vector_load_idx %arg17[%add3A_3262, %add3A_3263] : memref<320x128xf32, #tpu.memory_space<vmem>>[vector<16xi32>, vector<16xi32>], vector<16xf32>,
        %add3A_3265 = arith.addf %add3A_3256, %gather3A_3264 : vector<16xf32>
        %mul3A_3266 = arith.constant 5 : i32
        %mul3A_3267 = vector.broadcast %mul3A_3266 : i32 to vector<16xi32>
        %mul3A_3268 = arith.muli %add3A_1400, %mul3A_3267 : vector<16xi32>
        %add3A_3269 = arith.constant 3 : i32
        %add3A_3270 = vector.broadcast %add3A_3269 : i32 to vector<16xi32>
        %add3A_3271 = arith.addi %mul3A_3268, %add3A_3270 : vector<16xi32>
        %add3A_3272 = arith.addi %mul3A_1717, %and3A_3208 : vector<16xi32>
        %gather3A_3273 = tpu.vector_load_idx %arg17[%add3A_3271, %add3A_3272] : memref<320x128xf32, #tpu.memory_space<vmem>>[vector<16xi32>, vector<16xi32>], vector<16xf32>,
        %add3A_3274 = arith.addf %add3A_3265, %gather3A_3273 : vector<16xf32>
        %mul3A_3275 = arith.constant 5 : i32
        %mul3A_3276 = vector.broadcast %mul3A_3275 : i32 to vector<16xi32>
        %mul3A_3277 = arith.muli %add3A_1400, %mul3A_3276 : vector<16xi32>
        %add3A_3278 = arith.constant 4 : i32
        %add3A_3279 = vector.broadcast %add3A_3278 : i32 to vector<16xi32>
        %add3A_3280 = arith.addi %mul3A_3277, %add3A_3279 : vector<16xi32>
        %add3A_3281 = arith.addi %mul3A_1753, %and3A_3208 : vector<16xi32>
        %gather3A_3282 = tpu.vector_load_idx %arg17[%add3A_3280, %add3A_3281] : memref<320x128xf32, #tpu.memory_space<vmem>>[vector<16xi32>, vector<16xi32>], vector<16xf32>,
        %add3A_3283 = arith.addf %add3A_3274, %gather3A_3282 : vector<16xf32>
        %mul3A_3284 = arith.mulf %gather3A_3210, %add3A_3242 : vector<16xf32>
        %add3A_3285 = arith.addf %add3A_3200, %mul3A_3284 : vector<16xf32>
        %mul3A_3286 = arith.mulf %gather3A_3210, %add3A_3283 : vector<16xf32>
        %add3A_3287 = arith.addf %add3A_3202, %mul3A_3286 : vector<16xf32>
        %add3A_3288 = arith.constant 18 : i32
        %add3A_3289 = vector.broadcast %add3A_3288 : i32 to vector<16xi32>
        %add3A_3290 = arith.addi %add3A_3289, %iota3A_1758 : vector<16xi32>
        %and3A_3291 = arith.constant 31 : i32
        %and3A_3292 = vector.broadcast %and3A_3291 : i32 to vector<16xi32>
        %and3A_3293 = arith.andi %add3A_3290, %and3A_3292 : vector<16xi32>
        %add3A_3294 = arith.addi %mul3A_1429, %and3A_3293 : vector<16xi32>
        %gather3A_3295 = tpu.vector_load_idx %arg15[%add3A_1400, %add3A_3294] : memref<64x128xf32, #tpu.memory_space<vmem>>[vector<16xi32>, vector<16xi32>], vector<16xf32>,
        %mul3A_3296 = arith.constant 4 : i32
        %mul3A_3297 = vector.broadcast %mul3A_3296 : i32 to vector<16xi32>
        %mul3A_3298 = arith.muli %add3A_1400, %mul3A_3297 : vector<16xi32>
        %add3A_3299 = arith.addi %mul3A_1465, %and3A_3293 : vector<16xi32>
        %gather3A_3300 = tpu.vector_load_idx %arg16[%mul3A_3298, %add3A_3299] : memref<256x128xf32, #tpu.memory_space<vmem>>[vector<16xi32>, vector<16xi32>], vector<16xf32>,
        %mul3A_3301 = arith.constant 4 : i32
        %mul3A_3302 = vector.broadcast %mul3A_3301 : i32 to vector<16xi32>
        %mul3A_3303 = arith.muli %add3A_1400, %mul3A_3302 : vector<16xi32>
        %add3A_3304 = arith.constant 1 : i32
        %add3A_3305 = vector.broadcast %add3A_3304 : i32 to vector<16xi32>
        %add3A_3306 = arith.addi %mul3A_3303, %add3A_3305 : vector<16xi32>
        %add3A_3307 = arith.addi %mul3A_1501, %and3A_3293 : vector<16xi32>
        %gather3A_3308 = tpu.vector_load_idx %arg16[%add3A_3306, %add3A_3307] : memref<256x128xf32, #tpu.memory_space<vmem>>[vector<16xi32>, vector<16xi32>], vector<16xf32>,
        %add3A_3309 = arith.addf %gather3A_3300, %gather3A_3308 : vector<16xf32>
        %mul3A_3310 = arith.constant 4 : i32
        %mul3A_3311 = vector.broadcast %mul3A_3310 : i32 to vector<16xi32>
        %mul3A_3312 = arith.muli %add3A_1400, %mul3A_3311 : vector<16xi32>
        %add3A_3313 = arith.constant 2 : i32
        %add3A_3314 = vector.broadcast %add3A_3313 : i32 to vector<16xi32>
        %add3A_3315 = arith.addi %mul3A_3312, %add3A_3314 : vector<16xi32>
        %add3A_3316 = arith.addi %mul3A_1537, %and3A_3293 : vector<16xi32>
        %gather3A_3317 = tpu.vector_load_idx %arg16[%add3A_3315, %add3A_3316] : memref<256x128xf32, #tpu.memory_space<vmem>>[vector<16xi32>, vector<16xi32>], vector<16xf32>,
        %add3A_3318 = arith.addf %add3A_3309, %gather3A_3317 : vector<16xf32>
        %mul3A_3319 = arith.constant 4 : i32
        %mul3A_3320 = vector.broadcast %mul3A_3319 : i32 to vector<16xi32>
        %mul3A_3321 = arith.muli %add3A_1400, %mul3A_3320 : vector<16xi32>
        %add3A_3322 = arith.constant 3 : i32
        %add3A_3323 = vector.broadcast %add3A_3322 : i32 to vector<16xi32>
        %add3A_3324 = arith.addi %mul3A_3321, %add3A_3323 : vector<16xi32>
        %add3A_3325 = arith.addi %mul3A_1573, %and3A_3293 : vector<16xi32>
        %gather3A_3326 = tpu.vector_load_idx %arg16[%add3A_3324, %add3A_3325] : memref<256x128xf32, #tpu.memory_space<vmem>>[vector<16xi32>, vector<16xi32>], vector<16xf32>,
        %add3A_3327 = arith.addf %add3A_3318, %gather3A_3326 : vector<16xf32>
        %mul3A_3328 = arith.constant 5 : i32
        %mul3A_3329 = vector.broadcast %mul3A_3328 : i32 to vector<16xi32>
        %mul3A_3330 = arith.muli %add3A_1400, %mul3A_3329 : vector<16xi32>
        %add3A_3331 = arith.addi %mul3A_1609, %and3A_3293 : vector<16xi32>
        %gather3A_3332 = tpu.vector_load_idx %arg17[%mul3A_3330, %add3A_3331] : memref<320x128xf32, #tpu.memory_space<vmem>>[vector<16xi32>, vector<16xi32>], vector<16xf32>,
        %mul3A_3333 = arith.constant 5 : i32
        %mul3A_3334 = vector.broadcast %mul3A_3333 : i32 to vector<16xi32>
        %mul3A_3335 = arith.muli %add3A_1400, %mul3A_3334 : vector<16xi32>
        %add3A_3336 = arith.constant 1 : i32
        %add3A_3337 = vector.broadcast %add3A_3336 : i32 to vector<16xi32>
        %add3A_3338 = arith.addi %mul3A_3335, %add3A_3337 : vector<16xi32>
        %add3A_3339 = arith.addi %mul3A_1645, %and3A_3293 : vector<16xi32>
        %gather3A_3340 = tpu.vector_load_idx %arg17[%add3A_3338, %add3A_3339] : memref<320x128xf32, #tpu.memory_space<vmem>>[vector<16xi32>, vector<16xi32>], vector<16xf32>,
        %add3A_3341 = arith.addf %gather3A_3332, %gather3A_3340 : vector<16xf32>
        %mul3A_3342 = arith.constant 5 : i32
        %mul3A_3343 = vector.broadcast %mul3A_3342 : i32 to vector<16xi32>
        %mul3A_3344 = arith.muli %add3A_1400, %mul3A_3343 : vector<16xi32>
        %add3A_3345 = arith.constant 2 : i32
        %add3A_3346 = vector.broadcast %add3A_3345 : i32 to vector<16xi32>
        %add3A_3347 = arith.addi %mul3A_3344, %add3A_3346 : vector<16xi32>
        %add3A_3348 = arith.addi %mul3A_1681, %and3A_3293 : vector<16xi32>
        %gather3A_3349 = tpu.vector_load_idx %arg17[%add3A_3347, %add3A_3348] : memref<320x128xf32, #tpu.memory_space<vmem>>[vector<16xi32>, vector<16xi32>], vector<16xf32>,
        %add3A_3350 = arith.addf %add3A_3341, %gather3A_3349 : vector<16xf32>
        %mul3A_3351 = arith.constant 5 : i32
        %mul3A_3352 = vector.broadcast %mul3A_3351 : i32 to vector<16xi32>
        %mul3A_3353 = arith.muli %add3A_1400, %mul3A_3352 : vector<16xi32>
        %add3A_3354 = arith.constant 3 : i32
        %add3A_3355 = vector.broadcast %add3A_3354 : i32 to vector<16xi32>
        %add3A_3356 = arith.addi %mul3A_3353, %add3A_3355 : vector<16xi32>
        %add3A_3357 = arith.addi %mul3A_1717, %and3A_3293 : vector<16xi32>
        %gather3A_3358 = tpu.vector_load_idx %arg17[%add3A_3356, %add3A_3357] : memref<320x128xf32, #tpu.memory_space<vmem>>[vector<16xi32>, vector<16xi32>], vector<16xf32>,
        %add3A_3359 = arith.addf %add3A_3350, %gather3A_3358 : vector<16xf32>
        %mul3A_3360 = arith.constant 5 : i32
        %mul3A_3361 = vector.broadcast %mul3A_3360 : i32 to vector<16xi32>
        %mul3A_3362 = arith.muli %add3A_1400, %mul3A_3361 : vector<16xi32>
        %add3A_3363 = arith.constant 4 : i32
        %add3A_3364 = vector.broadcast %add3A_3363 : i32 to vector<16xi32>
        %add3A_3365 = arith.addi %mul3A_3362, %add3A_3364 : vector<16xi32>
        %add3A_3366 = arith.addi %mul3A_1753, %and3A_3293 : vector<16xi32>
        %gather3A_3367 = tpu.vector_load_idx %arg17[%add3A_3365, %add3A_3366] : memref<320x128xf32, #tpu.memory_space<vmem>>[vector<16xi32>, vector<16xi32>], vector<16xf32>,
        %add3A_3368 = arith.addf %add3A_3359, %gather3A_3367 : vector<16xf32>
        %mul3A_3369 = arith.mulf %gather3A_3295, %add3A_3327 : vector<16xf32>
        %add3A_3370 = arith.addf %add3A_3285, %mul3A_3369 : vector<16xf32>
        %mul3A_3371 = arith.mulf %gather3A_3295, %add3A_3368 : vector<16xf32>
        %add3A_3372 = arith.addf %add3A_3287, %mul3A_3371 : vector<16xf32>
        %add3A_3373 = arith.constant 19 : i32
        %add3A_3374 = vector.broadcast %add3A_3373 : i32 to vector<16xi32>
        %add3A_3375 = arith.addi %add3A_3374, %iota3A_1758 : vector<16xi32>
        %and3A_3376 = arith.constant 31 : i32
        %and3A_3377 = vector.broadcast %and3A_3376 : i32 to vector<16xi32>
        %and3A_3378 = arith.andi %add3A_3375, %and3A_3377 : vector<16xi32>
        %add3A_3379 = arith.addi %mul3A_1429, %and3A_3378 : vector<16xi32>
        %gather3A_3380 = tpu.vector_load_idx %arg15[%add3A_1400, %add3A_3379] : memref<64x128xf32, #tpu.memory_space<vmem>>[vector<16xi32>, vector<16xi32>], vector<16xf32>,
        %mul3A_3381 = arith.constant 4 : i32
        %mul3A_3382 = vector.broadcast %mul3A_3381 : i32 to vector<16xi32>
        %mul3A_3383 = arith.muli %add3A_1400, %mul3A_3382 : vector<16xi32>
        %add3A_3384 = arith.addi %mul3A_1465, %and3A_3378 : vector<16xi32>
        %gather3A_3385 = tpu.vector_load_idx %arg16[%mul3A_3383, %add3A_3384] : memref<256x128xf32, #tpu.memory_space<vmem>>[vector<16xi32>, vector<16xi32>], vector<16xf32>,
        %mul3A_3386 = arith.constant 4 : i32
        %mul3A_3387 = vector.broadcast %mul3A_3386 : i32 to vector<16xi32>
        %mul3A_3388 = arith.muli %add3A_1400, %mul3A_3387 : vector<16xi32>
        %add3A_3389 = arith.constant 1 : i32
        %add3A_3390 = vector.broadcast %add3A_3389 : i32 to vector<16xi32>
        %add3A_3391 = arith.addi %mul3A_3388, %add3A_3390 : vector<16xi32>
        %add3A_3392 = arith.addi %mul3A_1501, %and3A_3378 : vector<16xi32>
        %gather3A_3393 = tpu.vector_load_idx %arg16[%add3A_3391, %add3A_3392] : memref<256x128xf32, #tpu.memory_space<vmem>>[vector<16xi32>, vector<16xi32>], vector<16xf32>,
        %add3A_3394 = arith.addf %gather3A_3385, %gather3A_3393 : vector<16xf32>
        %mul3A_3395 = arith.constant 4 : i32
        %mul3A_3396 = vector.broadcast %mul3A_3395 : i32 to vector<16xi32>
        %mul3A_3397 = arith.muli %add3A_1400, %mul3A_3396 : vector<16xi32>
        %add3A_3398 = arith.constant 2 : i32
        %add3A_3399 = vector.broadcast %add3A_3398 : i32 to vector<16xi32>
        %add3A_3400 = arith.addi %mul3A_3397, %add3A_3399 : vector<16xi32>
        %add3A_3401 = arith.addi %mul3A_1537, %and3A_3378 : vector<16xi32>
        %gather3A_3402 = tpu.vector_load_idx %arg16[%add3A_3400, %add3A_3401] : memref<256x128xf32, #tpu.memory_space<vmem>>[vector<16xi32>, vector<16xi32>], vector<16xf32>,
        %add3A_3403 = arith.addf %add3A_3394, %gather3A_3402 : vector<16xf32>
        %mul3A_3404 = arith.constant 4 : i32
        %mul3A_3405 = vector.broadcast %mul3A_3404 : i32 to vector<16xi32>
        %mul3A_3406 = arith.muli %add3A_1400, %mul3A_3405 : vector<16xi32>
        %add3A_3407 = arith.constant 3 : i32
        %add3A_3408 = vector.broadcast %add3A_3407 : i32 to vector<16xi32>
        %add3A_3409 = arith.addi %mul3A_3406, %add3A_3408 : vector<16xi32>
        %add3A_3410 = arith.addi %mul3A_1573, %and3A_3378 : vector<16xi32>
        %gather3A_3411 = tpu.vector_load_idx %arg16[%add3A_3409, %add3A_3410] : memref<256x128xf32, #tpu.memory_space<vmem>>[vector<16xi32>, vector<16xi32>], vector<16xf32>,
        %add3A_3412 = arith.addf %add3A_3403, %gather3A_3411 : vector<16xf32>
        %mul3A_3413 = arith.constant 5 : i32
        %mul3A_3414 = vector.broadcast %mul3A_3413 : i32 to vector<16xi32>
        %mul3A_3415 = arith.muli %add3A_1400, %mul3A_3414 : vector<16xi32>
        %add3A_3416 = arith.addi %mul3A_1609, %and3A_3378 : vector<16xi32>
        %gather3A_3417 = tpu.vector_load_idx %arg17[%mul3A_3415, %add3A_3416] : memref<320x128xf32, #tpu.memory_space<vmem>>[vector<16xi32>, vector<16xi32>], vector<16xf32>,
        %mul3A_3418 = arith.constant 5 : i32
        %mul3A_3419 = vector.broadcast %mul3A_3418 : i32 to vector<16xi32>
        %mul3A_3420 = arith.muli %add3A_1400, %mul3A_3419 : vector<16xi32>
        %add3A_3421 = arith.constant 1 : i32
        %add3A_3422 = vector.broadcast %add3A_3421 : i32 to vector<16xi32>
        %add3A_3423 = arith.addi %mul3A_3420, %add3A_3422 : vector<16xi32>
        %add3A_3424 = arith.addi %mul3A_1645, %and3A_3378 : vector<16xi32>
        %gather3A_3425 = tpu.vector_load_idx %arg17[%add3A_3423, %add3A_3424] : memref<320x128xf32, #tpu.memory_space<vmem>>[vector<16xi32>, vector<16xi32>], vector<16xf32>,
        %add3A_3426 = arith.addf %gather3A_3417, %gather3A_3425 : vector<16xf32>
        %mul3A_3427 = arith.constant 5 : i32
        %mul3A_3428 = vector.broadcast %mul3A_3427 : i32 to vector<16xi32>
        %mul3A_3429 = arith.muli %add3A_1400, %mul3A_3428 : vector<16xi32>
        %add3A_3430 = arith.constant 2 : i32
        %add3A_3431 = vector.broadcast %add3A_3430 : i32 to vector<16xi32>
        %add3A_3432 = arith.addi %mul3A_3429, %add3A_3431 : vector<16xi32>
        %add3A_3433 = arith.addi %mul3A_1681, %and3A_3378 : vector<16xi32>
        %gather3A_3434 = tpu.vector_load_idx %arg17[%add3A_3432, %add3A_3433] : memref<320x128xf32, #tpu.memory_space<vmem>>[vector<16xi32>, vector<16xi32>], vector<16xf32>,
        %add3A_3435 = arith.addf %add3A_3426, %gather3A_3434 : vector<16xf32>
        %mul3A_3436 = arith.constant 5 : i32
        %mul3A_3437 = vector.broadcast %mul3A_3436 : i32 to vector<16xi32>
        %mul3A_3438 = arith.muli %add3A_1400, %mul3A_3437 : vector<16xi32>
        %add3A_3439 = arith.constant 3 : i32
        %add3A_3440 = vector.broadcast %add3A_3439 : i32 to vector<16xi32>
        %add3A_3441 = arith.addi %mul3A_3438, %add3A_3440 : vector<16xi32>
        %add3A_3442 = arith.addi %mul3A_1717, %and3A_3378 : vector<16xi32>
        %gather3A_3443 = tpu.vector_load_idx %arg17[%add3A_3441, %add3A_3442] : memref<320x128xf32, #tpu.memory_space<vmem>>[vector<16xi32>, vector<16xi32>], vector<16xf32>,
        %add3A_3444 = arith.addf %add3A_3435, %gather3A_3443 : vector<16xf32>
        %mul3A_3445 = arith.constant 5 : i32
        %mul3A_3446 = vector.broadcast %mul3A_3445 : i32 to vector<16xi32>
        %mul3A_3447 = arith.muli %add3A_1400, %mul3A_3446 : vector<16xi32>
        %add3A_3448 = arith.constant 4 : i32
        %add3A_3449 = vector.broadcast %add3A_3448 : i32 to vector<16xi32>
        %add3A_3450 = arith.addi %mul3A_3447, %add3A_3449 : vector<16xi32>
        %add3A_3451 = arith.addi %mul3A_1753, %and3A_3378 : vector<16xi32>
        %gather3A_3452 = tpu.vector_load_idx %arg17[%add3A_3450, %add3A_3451] : memref<320x128xf32, #tpu.memory_space<vmem>>[vector<16xi32>, vector<16xi32>], vector<16xf32>,
        %add3A_3453 = arith.addf %add3A_3444, %gather3A_3452 : vector<16xf32>
        %mul3A_3454 = arith.mulf %gather3A_3380, %add3A_3412 : vector<16xf32>
        %add3A_3455 = arith.addf %add3A_3370, %mul3A_3454 : vector<16xf32>
        %mul3A_3456 = arith.mulf %gather3A_3380, %add3A_3453 : vector<16xf32>
        %add3A_3457 = arith.addf %add3A_3372, %mul3A_3456 : vector<16xf32>
        %add3A_3458 = arith.constant 20 : i32
        %add3A_3459 = vector.broadcast %add3A_3458 : i32 to vector<16xi32>
        %add3A_3460 = arith.addi %add3A_3459, %iota3A_1758 : vector<16xi32>
        %and3A_3461 = arith.constant 31 : i32
        %and3A_3462 = vector.broadcast %and3A_3461 : i32 to vector<16xi32>
        %and3A_3463 = arith.andi %add3A_3460, %and3A_3462 : vector<16xi32>
        %add3A_3464 = arith.addi %mul3A_1429, %and3A_3463 : vector<16xi32>
        %gather3A_3465 = tpu.vector_load_idx %arg15[%add3A_1400, %add3A_3464] : memref<64x128xf32, #tpu.memory_space<vmem>>[vector<16xi32>, vector<16xi32>], vector<16xf32>,
        %mul3A_3466 = arith.constant 4 : i32
        %mul3A_3467 = vector.broadcast %mul3A_3466 : i32 to vector<16xi32>
        %mul3A_3468 = arith.muli %add3A_1400, %mul3A_3467 : vector<16xi32>
        %add3A_3469 = arith.addi %mul3A_1465, %and3A_3463 : vector<16xi32>
        %gather3A_3470 = tpu.vector_load_idx %arg16[%mul3A_3468, %add3A_3469] : memref<256x128xf32, #tpu.memory_space<vmem>>[vector<16xi32>, vector<16xi32>], vector<16xf32>,
        %mul3A_3471 = arith.constant 4 : i32
        %mul3A_3472 = vector.broadcast %mul3A_3471 : i32 to vector<16xi32>
        %mul3A_3473 = arith.muli %add3A_1400, %mul3A_3472 : vector<16xi32>
        %add3A_3474 = arith.constant 1 : i32
        %add3A_3475 = vector.broadcast %add3A_3474 : i32 to vector<16xi32>
        %add3A_3476 = arith.addi %mul3A_3473, %add3A_3475 : vector<16xi32>
        %add3A_3477 = arith.addi %mul3A_1501, %and3A_3463 : vector<16xi32>
        %gather3A_3478 = tpu.vector_load_idx %arg16[%add3A_3476, %add3A_3477] : memref<256x128xf32, #tpu.memory_space<vmem>>[vector<16xi32>, vector<16xi32>], vector<16xf32>,
        %add3A_3479 = arith.addf %gather3A_3470, %gather3A_3478 : vector<16xf32>
        %mul3A_3480 = arith.constant 4 : i32
        %mul3A_3481 = vector.broadcast %mul3A_3480 : i32 to vector<16xi32>
        %mul3A_3482 = arith.muli %add3A_1400, %mul3A_3481 : vector<16xi32>
        %add3A_3483 = arith.constant 2 : i32
        %add3A_3484 = vector.broadcast %add3A_3483 : i32 to vector<16xi32>
        %add3A_3485 = arith.addi %mul3A_3482, %add3A_3484 : vector<16xi32>
        %add3A_3486 = arith.addi %mul3A_1537, %and3A_3463 : vector<16xi32>
        %gather3A_3487 = tpu.vector_load_idx %arg16[%add3A_3485, %add3A_3486] : memref<256x128xf32, #tpu.memory_space<vmem>>[vector<16xi32>, vector<16xi32>], vector<16xf32>,
        %add3A_3488 = arith.addf %add3A_3479, %gather3A_3487 : vector<16xf32>
        %mul3A_3489 = arith.constant 4 : i32
        %mul3A_3490 = vector.broadcast %mul3A_3489 : i32 to vector<16xi32>
        %mul3A_3491 = arith.muli %add3A_1400, %mul3A_3490 : vector<16xi32>
        %add3A_3492 = arith.constant 3 : i32
        %add3A_3493 = vector.broadcast %add3A_3492 : i32 to vector<16xi32>
        %add3A_3494 = arith.addi %mul3A_3491, %add3A_3493 : vector<16xi32>
        %add3A_3495 = arith.addi %mul3A_1573, %and3A_3463 : vector<16xi32>
        %gather3A_3496 = tpu.vector_load_idx %arg16[%add3A_3494, %add3A_3495] : memref<256x128xf32, #tpu.memory_space<vmem>>[vector<16xi32>, vector<16xi32>], vector<16xf32>,
        %add3A_3497 = arith.addf %add3A_3488, %gather3A_3496 : vector<16xf32>
        %mul3A_3498 = arith.constant 5 : i32
        %mul3A_3499 = vector.broadcast %mul3A_3498 : i32 to vector<16xi32>
        %mul3A_3500 = arith.muli %add3A_1400, %mul3A_3499 : vector<16xi32>
        %add3A_3501 = arith.addi %mul3A_1609, %and3A_3463 : vector<16xi32>
        %gather3A_3502 = tpu.vector_load_idx %arg17[%mul3A_3500, %add3A_3501] : memref<320x128xf32, #tpu.memory_space<vmem>>[vector<16xi32>, vector<16xi32>], vector<16xf32>,
        %mul3A_3503 = arith.constant 5 : i32
        %mul3A_3504 = vector.broadcast %mul3A_3503 : i32 to vector<16xi32>
        %mul3A_3505 = arith.muli %add3A_1400, %mul3A_3504 : vector<16xi32>
        %add3A_3506 = arith.constant 1 : i32
        %add3A_3507 = vector.broadcast %add3A_3506 : i32 to vector<16xi32>
        %add3A_3508 = arith.addi %mul3A_3505, %add3A_3507 : vector<16xi32>
        %add3A_3509 = arith.addi %mul3A_1645, %and3A_3463 : vector<16xi32>
        %gather3A_3510 = tpu.vector_load_idx %arg17[%add3A_3508, %add3A_3509] : memref<320x128xf32, #tpu.memory_space<vmem>>[vector<16xi32>, vector<16xi32>], vector<16xf32>,
        %add3A_3511 = arith.addf %gather3A_3502, %gather3A_3510 : vector<16xf32>
        %mul3A_3512 = arith.constant 5 : i32
        %mul3A_3513 = vector.broadcast %mul3A_3512 : i32 to vector<16xi32>
        %mul3A_3514 = arith.muli %add3A_1400, %mul3A_3513 : vector<16xi32>
        %add3A_3515 = arith.constant 2 : i32
        %add3A_3516 = vector.broadcast %add3A_3515 : i32 to vector<16xi32>
        %add3A_3517 = arith.addi %mul3A_3514, %add3A_3516 : vector<16xi32>
        %add3A_3518 = arith.addi %mul3A_1681, %and3A_3463 : vector<16xi32>
        %gather3A_3519 = tpu.vector_load_idx %arg17[%add3A_3517, %add3A_3518] : memref<320x128xf32, #tpu.memory_space<vmem>>[vector<16xi32>, vector<16xi32>], vector<16xf32>,
        %add3A_3520 = arith.addf %add3A_3511, %gather3A_3519 : vector<16xf32>
        %mul3A_3521 = arith.constant 5 : i32
        %mul3A_3522 = vector.broadcast %mul3A_3521 : i32 to vector<16xi32>
        %mul3A_3523 = arith.muli %add3A_1400, %mul3A_3522 : vector<16xi32>
        %add3A_3524 = arith.constant 3 : i32
        %add3A_3525 = vector.broadcast %add3A_3524 : i32 to vector<16xi32>
        %add3A_3526 = arith.addi %mul3A_3523, %add3A_3525 : vector<16xi32>
        %add3A_3527 = arith.addi %mul3A_1717, %and3A_3463 : vector<16xi32>
        %gather3A_3528 = tpu.vector_load_idx %arg17[%add3A_3526, %add3A_3527] : memref<320x128xf32, #tpu.memory_space<vmem>>[vector<16xi32>, vector<16xi32>], vector<16xf32>,
        %add3A_3529 = arith.addf %add3A_3520, %gather3A_3528 : vector<16xf32>
        %mul3A_3530 = arith.constant 5 : i32
        %mul3A_3531 = vector.broadcast %mul3A_3530 : i32 to vector<16xi32>
        %mul3A_3532 = arith.muli %add3A_1400, %mul3A_3531 : vector<16xi32>
        %add3A_3533 = arith.constant 4 : i32
        %add3A_3534 = vector.broadcast %add3A_3533 : i32 to vector<16xi32>
        %add3A_3535 = arith.addi %mul3A_3532, %add3A_3534 : vector<16xi32>
        %add3A_3536 = arith.addi %mul3A_1753, %and3A_3463 : vector<16xi32>
        %gather3A_3537 = tpu.vector_load_idx %arg17[%add3A_3535, %add3A_3536] : memref<320x128xf32, #tpu.memory_space<vmem>>[vector<16xi32>, vector<16xi32>], vector<16xf32>,
        %add3A_3538 = arith.addf %add3A_3529, %gather3A_3537 : vector<16xf32>
        %mul3A_3539 = arith.mulf %gather3A_3465, %add3A_3497 : vector<16xf32>
        %add3A_3540 = arith.addf %add3A_3455, %mul3A_3539 : vector<16xf32>
        %mul3A_3541 = arith.mulf %gather3A_3465, %add3A_3538 : vector<16xf32>
        %add3A_3542 = arith.addf %add3A_3457, %mul3A_3541 : vector<16xf32>
        %add3A_3543 = arith.constant 21 : i32
        %add3A_3544 = vector.broadcast %add3A_3543 : i32 to vector<16xi32>
        %add3A_3545 = arith.addi %add3A_3544, %iota3A_1758 : vector<16xi32>
        %and3A_3546 = arith.constant 31 : i32
        %and3A_3547 = vector.broadcast %and3A_3546 : i32 to vector<16xi32>
        %and3A_3548 = arith.andi %add3A_3545, %and3A_3547 : vector<16xi32>
        %add3A_3549 = arith.addi %mul3A_1429, %and3A_3548 : vector<16xi32>
        %gather3A_3550 = tpu.vector_load_idx %arg15[%add3A_1400, %add3A_3549] : memref<64x128xf32, #tpu.memory_space<vmem>>[vector<16xi32>, vector<16xi32>], vector<16xf32>,
        %mul3A_3551 = arith.constant 4 : i32
        %mul3A_3552 = vector.broadcast %mul3A_3551 : i32 to vector<16xi32>
        %mul3A_3553 = arith.muli %add3A_1400, %mul3A_3552 : vector<16xi32>
        %add3A_3554 = arith.addi %mul3A_1465, %and3A_3548 : vector<16xi32>
        %gather3A_3555 = tpu.vector_load_idx %arg16[%mul3A_3553, %add3A_3554] : memref<256x128xf32, #tpu.memory_space<vmem>>[vector<16xi32>, vector<16xi32>], vector<16xf32>,
        %mul3A_3556 = arith.constant 4 : i32
        %mul3A_3557 = vector.broadcast %mul3A_3556 : i32 to vector<16xi32>
        %mul3A_3558 = arith.muli %add3A_1400, %mul3A_3557 : vector<16xi32>
        %add3A_3559 = arith.constant 1 : i32
        %add3A_3560 = vector.broadcast %add3A_3559 : i32 to vector<16xi32>
        %add3A_3561 = arith.addi %mul3A_3558, %add3A_3560 : vector<16xi32>
        %add3A_3562 = arith.addi %mul3A_1501, %and3A_3548 : vector<16xi32>
        %gather3A_3563 = tpu.vector_load_idx %arg16[%add3A_3561, %add3A_3562] : memref<256x128xf32, #tpu.memory_space<vmem>>[vector<16xi32>, vector<16xi32>], vector<16xf32>,
        %add3A_3564 = arith.addf %gather3A_3555, %gather3A_3563 : vector<16xf32>
        %mul3A_3565 = arith.constant 4 : i32
        %mul3A_3566 = vector.broadcast %mul3A_3565 : i32 to vector<16xi32>
        %mul3A_3567 = arith.muli %add3A_1400, %mul3A_3566 : vector<16xi32>
        %add3A_3568 = arith.constant 2 : i32
        %add3A_3569 = vector.broadcast %add3A_3568 : i32 to vector<16xi32>
        %add3A_3570 = arith.addi %mul3A_3567, %add3A_3569 : vector<16xi32>
        %add3A_3571 = arith.addi %mul3A_1537, %and3A_3548 : vector<16xi32>
        %gather3A_3572 = tpu.vector_load_idx %arg16[%add3A_3570, %add3A_3571] : memref<256x128xf32, #tpu.memory_space<vmem>>[vector<16xi32>, vector<16xi32>], vector<16xf32>,
        %add3A_3573 = arith.addf %add3A_3564, %gather3A_3572 : vector<16xf32>
        %mul3A_3574 = arith.constant 4 : i32
        %mul3A_3575 = vector.broadcast %mul3A_3574 : i32 to vector<16xi32>
        %mul3A_3576 = arith.muli %add3A_1400, %mul3A_3575 : vector<16xi32>
        %add3A_3577 = arith.constant 3 : i32
        %add3A_3578 = vector.broadcast %add3A_3577 : i32 to vector<16xi32>
        %add3A_3579 = arith.addi %mul3A_3576, %add3A_3578 : vector<16xi32>
        %add3A_3580 = arith.addi %mul3A_1573, %and3A_3548 : vector<16xi32>
        %gather3A_3581 = tpu.vector_load_idx %arg16[%add3A_3579, %add3A_3580] : memref<256x128xf32, #tpu.memory_space<vmem>>[vector<16xi32>, vector<16xi32>], vector<16xf32>,
        %add3A_3582 = arith.addf %add3A_3573, %gather3A_3581 : vector<16xf32>
        %mul3A_3583 = arith.constant 5 : i32
        %mul3A_3584 = vector.broadcast %mul3A_3583 : i32 to vector<16xi32>
        %mul3A_3585 = arith.muli %add3A_1400, %mul3A_3584 : vector<16xi32>
        %add3A_3586 = arith.addi %mul3A_1609, %and3A_3548 : vector<16xi32>
        %gather3A_3587 = tpu.vector_load_idx %arg17[%mul3A_3585, %add3A_3586] : memref<320x128xf32, #tpu.memory_space<vmem>>[vector<16xi32>, vector<16xi32>], vector<16xf32>,
        %mul3A_3588 = arith.constant 5 : i32
        %mul3A_3589 = vector.broadcast %mul3A_3588 : i32 to vector<16xi32>
        %mul3A_3590 = arith.muli %add3A_1400, %mul3A_3589 : vector<16xi32>
        %add3A_3591 = arith.constant 1 : i32
        %add3A_3592 = vector.broadcast %add3A_3591 : i32 to vector<16xi32>
        %add3A_3593 = arith.addi %mul3A_3590, %add3A_3592 : vector<16xi32>
        %add3A_3594 = arith.addi %mul3A_1645, %and3A_3548 : vector<16xi32>
        %gather3A_3595 = tpu.vector_load_idx %arg17[%add3A_3593, %add3A_3594] : memref<320x128xf32, #tpu.memory_space<vmem>>[vector<16xi32>, vector<16xi32>], vector<16xf32>,
        %add3A_3596 = arith.addf %gather3A_3587, %gather3A_3595 : vector<16xf32>
        %mul3A_3597 = arith.constant 5 : i32
        %mul3A_3598 = vector.broadcast %mul3A_3597 : i32 to vector<16xi32>
        %mul3A_3599 = arith.muli %add3A_1400, %mul3A_3598 : vector<16xi32>
        %add3A_3600 = arith.constant 2 : i32
        %add3A_3601 = vector.broadcast %add3A_3600 : i32 to vector<16xi32>
        %add3A_3602 = arith.addi %mul3A_3599, %add3A_3601 : vector<16xi32>
        %add3A_3603 = arith.addi %mul3A_1681, %and3A_3548 : vector<16xi32>
        %gather3A_3604 = tpu.vector_load_idx %arg17[%add3A_3602, %add3A_3603] : memref<320x128xf32, #tpu.memory_space<vmem>>[vector<16xi32>, vector<16xi32>], vector<16xf32>,
        %add3A_3605 = arith.addf %add3A_3596, %gather3A_3604 : vector<16xf32>
        %mul3A_3606 = arith.constant 5 : i32
        %mul3A_3607 = vector.broadcast %mul3A_3606 : i32 to vector<16xi32>
        %mul3A_3608 = arith.muli %add3A_1400, %mul3A_3607 : vector<16xi32>
        %add3A_3609 = arith.constant 3 : i32
        %add3A_3610 = vector.broadcast %add3A_3609 : i32 to vector<16xi32>
        %add3A_3611 = arith.addi %mul3A_3608, %add3A_3610 : vector<16xi32>
        %add3A_3612 = arith.addi %mul3A_1717, %and3A_3548 : vector<16xi32>
        %gather3A_3613 = tpu.vector_load_idx %arg17[%add3A_3611, %add3A_3612] : memref<320x128xf32, #tpu.memory_space<vmem>>[vector<16xi32>, vector<16xi32>], vector<16xf32>,
        %add3A_3614 = arith.addf %add3A_3605, %gather3A_3613 : vector<16xf32>
        %mul3A_3615 = arith.constant 5 : i32
        %mul3A_3616 = vector.broadcast %mul3A_3615 : i32 to vector<16xi32>
        %mul3A_3617 = arith.muli %add3A_1400, %mul3A_3616 : vector<16xi32>
        %add3A_3618 = arith.constant 4 : i32
        %add3A_3619 = vector.broadcast %add3A_3618 : i32 to vector<16xi32>
        %add3A_3620 = arith.addi %mul3A_3617, %add3A_3619 : vector<16xi32>
        %add3A_3621 = arith.addi %mul3A_1753, %and3A_3548 : vector<16xi32>
        %gather3A_3622 = tpu.vector_load_idx %arg17[%add3A_3620, %add3A_3621] : memref<320x128xf32, #tpu.memory_space<vmem>>[vector<16xi32>, vector<16xi32>], vector<16xf32>,
        %add3A_3623 = arith.addf %add3A_3614, %gather3A_3622 : vector<16xf32>
        %mul3A_3624 = arith.mulf %gather3A_3550, %add3A_3582 : vector<16xf32>
        %add3A_3625 = arith.addf %add3A_3540, %mul3A_3624 : vector<16xf32>
        %mul3A_3626 = arith.mulf %gather3A_3550, %add3A_3623 : vector<16xf32>
        %add3A_3627 = arith.addf %add3A_3542, %mul3A_3626 : vector<16xf32>
        %add3A_3628 = arith.constant 22 : i32
        %add3A_3629 = vector.broadcast %add3A_3628 : i32 to vector<16xi32>
        %add3A_3630 = arith.addi %add3A_3629, %iota3A_1758 : vector<16xi32>
        %and3A_3631 = arith.constant 31 : i32
        %and3A_3632 = vector.broadcast %and3A_3631 : i32 to vector<16xi32>
        %and3A_3633 = arith.andi %add3A_3630, %and3A_3632 : vector<16xi32>
        %add3A_3634 = arith.addi %mul3A_1429, %and3A_3633 : vector<16xi32>
        %gather3A_3635 = tpu.vector_load_idx %arg15[%add3A_1400, %add3A_3634] : memref<64x128xf32, #tpu.memory_space<vmem>>[vector<16xi32>, vector<16xi32>], vector<16xf32>,
        %mul3A_3636 = arith.constant 4 : i32
        %mul3A_3637 = vector.broadcast %mul3A_3636 : i32 to vector<16xi32>
        %mul3A_3638 = arith.muli %add3A_1400, %mul3A_3637 : vector<16xi32>
        %add3A_3639 = arith.addi %mul3A_1465, %and3A_3633 : vector<16xi32>
        %gather3A_3640 = tpu.vector_load_idx %arg16[%mul3A_3638, %add3A_3639] : memref<256x128xf32, #tpu.memory_space<vmem>>[vector<16xi32>, vector<16xi32>], vector<16xf32>,
        %mul3A_3641 = arith.constant 4 : i32
        %mul3A_3642 = vector.broadcast %mul3A_3641 : i32 to vector<16xi32>
        %mul3A_3643 = arith.muli %add3A_1400, %mul3A_3642 : vector<16xi32>
        %add3A_3644 = arith.constant 1 : i32
        %add3A_3645 = vector.broadcast %add3A_3644 : i32 to vector<16xi32>
        %add3A_3646 = arith.addi %mul3A_3643, %add3A_3645 : vector<16xi32>
        %add3A_3647 = arith.addi %mul3A_1501, %and3A_3633 : vector<16xi32>
        %gather3A_3648 = tpu.vector_load_idx %arg16[%add3A_3646, %add3A_3647] : memref<256x128xf32, #tpu.memory_space<vmem>>[vector<16xi32>, vector<16xi32>], vector<16xf32>,
        %add3A_3649 = arith.addf %gather3A_3640, %gather3A_3648 : vector<16xf32>
        %mul3A_3650 = arith.constant 4 : i32
        %mul3A_3651 = vector.broadcast %mul3A_3650 : i32 to vector<16xi32>
        %mul3A_3652 = arith.muli %add3A_1400, %mul3A_3651 : vector<16xi32>
        %add3A_3653 = arith.constant 2 : i32
        %add3A_3654 = vector.broadcast %add3A_3653 : i32 to vector<16xi32>
        %add3A_3655 = arith.addi %mul3A_3652, %add3A_3654 : vector<16xi32>
        %add3A_3656 = arith.addi %mul3A_1537, %and3A_3633 : vector<16xi32>
        %gather3A_3657 = tpu.vector_load_idx %arg16[%add3A_3655, %add3A_3656] : memref<256x128xf32, #tpu.memory_space<vmem>>[vector<16xi32>, vector<16xi32>], vector<16xf32>,
        %add3A_3658 = arith.addf %add3A_3649, %gather3A_3657 : vector<16xf32>
        %mul3A_3659 = arith.constant 4 : i32
        %mul3A_3660 = vector.broadcast %mul3A_3659 : i32 to vector<16xi32>
        %mul3A_3661 = arith.muli %add3A_1400, %mul3A_3660 : vector<16xi32>
        %add3A_3662 = arith.constant 3 : i32
        %add3A_3663 = vector.broadcast %add3A_3662 : i32 to vector<16xi32>
        %add3A_3664 = arith.addi %mul3A_3661, %add3A_3663 : vector<16xi32>
        %add3A_3665 = arith.addi %mul3A_1573, %and3A_3633 : vector<16xi32>
        %gather3A_3666 = tpu.vector_load_idx %arg16[%add3A_3664, %add3A_3665] : memref<256x128xf32, #tpu.memory_space<vmem>>[vector<16xi32>, vector<16xi32>], vector<16xf32>,
        %add3A_3667 = arith.addf %add3A_3658, %gather3A_3666 : vector<16xf32>
        %mul3A_3668 = arith.constant 5 : i32
        %mul3A_3669 = vector.broadcast %mul3A_3668 : i32 to vector<16xi32>
        %mul3A_3670 = arith.muli %add3A_1400, %mul3A_3669 : vector<16xi32>
        %add3A_3671 = arith.addi %mul3A_1609, %and3A_3633 : vector<16xi32>
        %gather3A_3672 = tpu.vector_load_idx %arg17[%mul3A_3670, %add3A_3671] : memref<320x128xf32, #tpu.memory_space<vmem>>[vector<16xi32>, vector<16xi32>], vector<16xf32>,
        %mul3A_3673 = arith.constant 5 : i32
        %mul3A_3674 = vector.broadcast %mul3A_3673 : i32 to vector<16xi32>
        %mul3A_3675 = arith.muli %add3A_1400, %mul3A_3674 : vector<16xi32>
        %add3A_3676 = arith.constant 1 : i32
        %add3A_3677 = vector.broadcast %add3A_3676 : i32 to vector<16xi32>
        %add3A_3678 = arith.addi %mul3A_3675, %add3A_3677 : vector<16xi32>
        %add3A_3679 = arith.addi %mul3A_1645, %and3A_3633 : vector<16xi32>
        %gather3A_3680 = tpu.vector_load_idx %arg17[%add3A_3678, %add3A_3679] : memref<320x128xf32, #tpu.memory_space<vmem>>[vector<16xi32>, vector<16xi32>], vector<16xf32>,
        %add3A_3681 = arith.addf %gather3A_3672, %gather3A_3680 : vector<16xf32>
        %mul3A_3682 = arith.constant 5 : i32
        %mul3A_3683 = vector.broadcast %mul3A_3682 : i32 to vector<16xi32>
        %mul3A_3684 = arith.muli %add3A_1400, %mul3A_3683 : vector<16xi32>
        %add3A_3685 = arith.constant 2 : i32
        %add3A_3686 = vector.broadcast %add3A_3685 : i32 to vector<16xi32>
        %add3A_3687 = arith.addi %mul3A_3684, %add3A_3686 : vector<16xi32>
        %add3A_3688 = arith.addi %mul3A_1681, %and3A_3633 : vector<16xi32>
        %gather3A_3689 = tpu.vector_load_idx %arg17[%add3A_3687, %add3A_3688] : memref<320x128xf32, #tpu.memory_space<vmem>>[vector<16xi32>, vector<16xi32>], vector<16xf32>,
        %add3A_3690 = arith.addf %add3A_3681, %gather3A_3689 : vector<16xf32>
        %mul3A_3691 = arith.constant 5 : i32
        %mul3A_3692 = vector.broadcast %mul3A_3691 : i32 to vector<16xi32>
        %mul3A_3693 = arith.muli %add3A_1400, %mul3A_3692 : vector<16xi32>
        %add3A_3694 = arith.constant 3 : i32
        %add3A_3695 = vector.broadcast %add3A_3694 : i32 to vector<16xi32>
        %add3A_3696 = arith.addi %mul3A_3693, %add3A_3695 : vector<16xi32>
        %add3A_3697 = arith.addi %mul3A_1717, %and3A_3633 : vector<16xi32>
        %gather3A_3698 = tpu.vector_load_idx %arg17[%add3A_3696, %add3A_3697] : memref<320x128xf32, #tpu.memory_space<vmem>>[vector<16xi32>, vector<16xi32>], vector<16xf32>,
        %add3A_3699 = arith.addf %add3A_3690, %gather3A_3698 : vector<16xf32>
        %mul3A_3700 = arith.constant 5 : i32
        %mul3A_3701 = vector.broadcast %mul3A_3700 : i32 to vector<16xi32>
        %mul3A_3702 = arith.muli %add3A_1400, %mul3A_3701 : vector<16xi32>
        %add3A_3703 = arith.constant 4 : i32
        %add3A_3704 = vector.broadcast %add3A_3703 : i32 to vector<16xi32>
        %add3A_3705 = arith.addi %mul3A_3702, %add3A_3704 : vector<16xi32>
        %add3A_3706 = arith.addi %mul3A_1753, %and3A_3633 : vector<16xi32>
        %gather3A_3707 = tpu.vector_load_idx %arg17[%add3A_3705, %add3A_3706] : memref<320x128xf32, #tpu.memory_space<vmem>>[vector<16xi32>, vector<16xi32>], vector<16xf32>,
        %add3A_3708 = arith.addf %add3A_3699, %gather3A_3707 : vector<16xf32>
        %mul3A_3709 = arith.mulf %gather3A_3635, %add3A_3667 : vector<16xf32>
        %add3A_3710 = arith.addf %add3A_3625, %mul3A_3709 : vector<16xf32>
        %mul3A_3711 = arith.mulf %gather3A_3635, %add3A_3708 : vector<16xf32>
        %add3A_3712 = arith.addf %add3A_3627, %mul3A_3711 : vector<16xf32>
        %add3A_3713 = arith.constant 23 : i32
        %add3A_3714 = vector.broadcast %add3A_3713 : i32 to vector<16xi32>
        %add3A_3715 = arith.addi %add3A_3714, %iota3A_1758 : vector<16xi32>
        %and3A_3716 = arith.constant 31 : i32
        %and3A_3717 = vector.broadcast %and3A_3716 : i32 to vector<16xi32>
        %and3A_3718 = arith.andi %add3A_3715, %and3A_3717 : vector<16xi32>
        %add3A_3719 = arith.addi %mul3A_1429, %and3A_3718 : vector<16xi32>
        %gather3A_3720 = tpu.vector_load_idx %arg15[%add3A_1400, %add3A_3719] : memref<64x128xf32, #tpu.memory_space<vmem>>[vector<16xi32>, vector<16xi32>], vector<16xf32>,
        %mul3A_3721 = arith.constant 4 : i32
        %mul3A_3722 = vector.broadcast %mul3A_3721 : i32 to vector<16xi32>
        %mul3A_3723 = arith.muli %add3A_1400, %mul3A_3722 : vector<16xi32>
        %add3A_3724 = arith.addi %mul3A_1465, %and3A_3718 : vector<16xi32>
        %gather3A_3725 = tpu.vector_load_idx %arg16[%mul3A_3723, %add3A_3724] : memref<256x128xf32, #tpu.memory_space<vmem>>[vector<16xi32>, vector<16xi32>], vector<16xf32>,
        %mul3A_3726 = arith.constant 4 : i32
        %mul3A_3727 = vector.broadcast %mul3A_3726 : i32 to vector<16xi32>
        %mul3A_3728 = arith.muli %add3A_1400, %mul3A_3727 : vector<16xi32>
        %add3A_3729 = arith.constant 1 : i32
        %add3A_3730 = vector.broadcast %add3A_3729 : i32 to vector<16xi32>
        %add3A_3731 = arith.addi %mul3A_3728, %add3A_3730 : vector<16xi32>
        %add3A_3732 = arith.addi %mul3A_1501, %and3A_3718 : vector<16xi32>
        %gather3A_3733 = tpu.vector_load_idx %arg16[%add3A_3731, %add3A_3732] : memref<256x128xf32, #tpu.memory_space<vmem>>[vector<16xi32>, vector<16xi32>], vector<16xf32>,
        %add3A_3734 = arith.addf %gather3A_3725, %gather3A_3733 : vector<16xf32>
        %mul3A_3735 = arith.constant 4 : i32
        %mul3A_3736 = vector.broadcast %mul3A_3735 : i32 to vector<16xi32>
        %mul3A_3737 = arith.muli %add3A_1400, %mul3A_3736 : vector<16xi32>
        %add3A_3738 = arith.constant 2 : i32
        %add3A_3739 = vector.broadcast %add3A_3738 : i32 to vector<16xi32>
        %add3A_3740 = arith.addi %mul3A_3737, %add3A_3739 : vector<16xi32>
        %add3A_3741 = arith.addi %mul3A_1537, %and3A_3718 : vector<16xi32>
        %gather3A_3742 = tpu.vector_load_idx %arg16[%add3A_3740, %add3A_3741] : memref<256x128xf32, #tpu.memory_space<vmem>>[vector<16xi32>, vector<16xi32>], vector<16xf32>,
        %add3A_3743 = arith.addf %add3A_3734, %gather3A_3742 : vector<16xf32>
        %mul3A_3744 = arith.constant 4 : i32
        %mul3A_3745 = vector.broadcast %mul3A_3744 : i32 to vector<16xi32>
        %mul3A_3746 = arith.muli %add3A_1400, %mul3A_3745 : vector<16xi32>
        %add3A_3747 = arith.constant 3 : i32
        %add3A_3748 = vector.broadcast %add3A_3747 : i32 to vector<16xi32>
        %add3A_3749 = arith.addi %mul3A_3746, %add3A_3748 : vector<16xi32>
        %add3A_3750 = arith.addi %mul3A_1573, %and3A_3718 : vector<16xi32>
        %gather3A_3751 = tpu.vector_load_idx %arg16[%add3A_3749, %add3A_3750] : memref<256x128xf32, #tpu.memory_space<vmem>>[vector<16xi32>, vector<16xi32>], vector<16xf32>,
        %add3A_3752 = arith.addf %add3A_3743, %gather3A_3751 : vector<16xf32>
        %mul3A_3753 = arith.constant 5 : i32
        %mul3A_3754 = vector.broadcast %mul3A_3753 : i32 to vector<16xi32>
        %mul3A_3755 = arith.muli %add3A_1400, %mul3A_3754 : vector<16xi32>
        %add3A_3756 = arith.addi %mul3A_1609, %and3A_3718 : vector<16xi32>
        %gather3A_3757 = tpu.vector_load_idx %arg17[%mul3A_3755, %add3A_3756] : memref<320x128xf32, #tpu.memory_space<vmem>>[vector<16xi32>, vector<16xi32>], vector<16xf32>,
        %mul3A_3758 = arith.constant 5 : i32
        %mul3A_3759 = vector.broadcast %mul3A_3758 : i32 to vector<16xi32>
        %mul3A_3760 = arith.muli %add3A_1400, %mul3A_3759 : vector<16xi32>
        %add3A_3761 = arith.constant 1 : i32
        %add3A_3762 = vector.broadcast %add3A_3761 : i32 to vector<16xi32>
        %add3A_3763 = arith.addi %mul3A_3760, %add3A_3762 : vector<16xi32>
        %add3A_3764 = arith.addi %mul3A_1645, %and3A_3718 : vector<16xi32>
        %gather3A_3765 = tpu.vector_load_idx %arg17[%add3A_3763, %add3A_3764] : memref<320x128xf32, #tpu.memory_space<vmem>>[vector<16xi32>, vector<16xi32>], vector<16xf32>,
        %add3A_3766 = arith.addf %gather3A_3757, %gather3A_3765 : vector<16xf32>
        %mul3A_3767 = arith.constant 5 : i32
        %mul3A_3768 = vector.broadcast %mul3A_3767 : i32 to vector<16xi32>
        %mul3A_3769 = arith.muli %add3A_1400, %mul3A_3768 : vector<16xi32>
        %add3A_3770 = arith.constant 2 : i32
        %add3A_3771 = vector.broadcast %add3A_3770 : i32 to vector<16xi32>
        %add3A_3772 = arith.addi %mul3A_3769, %add3A_3771 : vector<16xi32>
        %add3A_3773 = arith.addi %mul3A_1681, %and3A_3718 : vector<16xi32>
        %gather3A_3774 = tpu.vector_load_idx %arg17[%add3A_3772, %add3A_3773] : memref<320x128xf32, #tpu.memory_space<vmem>>[vector<16xi32>, vector<16xi32>], vector<16xf32>,
        %add3A_3775 = arith.addf %add3A_3766, %gather3A_3774 : vector<16xf32>
        %mul3A_3776 = arith.constant 5 : i32
        %mul3A_3777 = vector.broadcast %mul3A_3776 : i32 to vector<16xi32>
        %mul3A_3778 = arith.muli %add3A_1400, %mul3A_3777 : vector<16xi32>
        %add3A_3779 = arith.constant 3 : i32
        %add3A_3780 = vector.broadcast %add3A_3779 : i32 to vector<16xi32>
        %add3A_3781 = arith.addi %mul3A_3778, %add3A_3780 : vector<16xi32>
        %add3A_3782 = arith.addi %mul3A_1717, %and3A_3718 : vector<16xi32>
        %gather3A_3783 = tpu.vector_load_idx %arg17[%add3A_3781, %add3A_3782] : memref<320x128xf32, #tpu.memory_space<vmem>>[vector<16xi32>, vector<16xi32>], vector<16xf32>,
        %add3A_3784 = arith.addf %add3A_3775, %gather3A_3783 : vector<16xf32>
        %mul3A_3785 = arith.constant 5 : i32
        %mul3A_3786 = vector.broadcast %mul3A_3785 : i32 to vector<16xi32>
        %mul3A_3787 = arith.muli %add3A_1400, %mul3A_3786 : vector<16xi32>
        %add3A_3788 = arith.constant 4 : i32
        %add3A_3789 = vector.broadcast %add3A_3788 : i32 to vector<16xi32>
        %add3A_3790 = arith.addi %mul3A_3787, %add3A_3789 : vector<16xi32>
        %add3A_3791 = arith.addi %mul3A_1753, %and3A_3718 : vector<16xi32>
        %gather3A_3792 = tpu.vector_load_idx %arg17[%add3A_3790, %add3A_3791] : memref<320x128xf32, #tpu.memory_space<vmem>>[vector<16xi32>, vector<16xi32>], vector<16xf32>,
        %add3A_3793 = arith.addf %add3A_3784, %gather3A_3792 : vector<16xf32>
        %mul3A_3794 = arith.mulf %gather3A_3720, %add3A_3752 : vector<16xf32>
        %add3A_3795 = arith.addf %add3A_3710, %mul3A_3794 : vector<16xf32>
        %mul3A_3796 = arith.mulf %gather3A_3720, %add3A_3793 : vector<16xf32>
        %add3A_3797 = arith.addf %add3A_3712, %mul3A_3796 : vector<16xf32>
        %add3A_3798 = arith.constant 24 : i32
        %add3A_3799 = vector.broadcast %add3A_3798 : i32 to vector<16xi32>
        %add3A_3800 = arith.addi %add3A_3799, %iota3A_1758 : vector<16xi32>
        %and3A_3801 = arith.constant 31 : i32
        %and3A_3802 = vector.broadcast %and3A_3801 : i32 to vector<16xi32>
        %and3A_3803 = arith.andi %add3A_3800, %and3A_3802 : vector<16xi32>
        %add3A_3804 = arith.addi %mul3A_1429, %and3A_3803 : vector<16xi32>
        %gather3A_3805 = tpu.vector_load_idx %arg15[%add3A_1400, %add3A_3804] : memref<64x128xf32, #tpu.memory_space<vmem>>[vector<16xi32>, vector<16xi32>], vector<16xf32>,
        %mul3A_3806 = arith.constant 4 : i32
        %mul3A_3807 = vector.broadcast %mul3A_3806 : i32 to vector<16xi32>
        %mul3A_3808 = arith.muli %add3A_1400, %mul3A_3807 : vector<16xi32>
        %add3A_3809 = arith.addi %mul3A_1465, %and3A_3803 : vector<16xi32>
        %gather3A_3810 = tpu.vector_load_idx %arg16[%mul3A_3808, %add3A_3809] : memref<256x128xf32, #tpu.memory_space<vmem>>[vector<16xi32>, vector<16xi32>], vector<16xf32>,
        %mul3A_3811 = arith.constant 4 : i32
        %mul3A_3812 = vector.broadcast %mul3A_3811 : i32 to vector<16xi32>
        %mul3A_3813 = arith.muli %add3A_1400, %mul3A_3812 : vector<16xi32>
        %add3A_3814 = arith.constant 1 : i32
        %add3A_3815 = vector.broadcast %add3A_3814 : i32 to vector<16xi32>
        %add3A_3816 = arith.addi %mul3A_3813, %add3A_3815 : vector<16xi32>
        %add3A_3817 = arith.addi %mul3A_1501, %and3A_3803 : vector<16xi32>
        %gather3A_3818 = tpu.vector_load_idx %arg16[%add3A_3816, %add3A_3817] : memref<256x128xf32, #tpu.memory_space<vmem>>[vector<16xi32>, vector<16xi32>], vector<16xf32>,
        %add3A_3819 = arith.addf %gather3A_3810, %gather3A_3818 : vector<16xf32>
        %mul3A_3820 = arith.constant 4 : i32
        %mul3A_3821 = vector.broadcast %mul3A_3820 : i32 to vector<16xi32>
        %mul3A_3822 = arith.muli %add3A_1400, %mul3A_3821 : vector<16xi32>
        %add3A_3823 = arith.constant 2 : i32
        %add3A_3824 = vector.broadcast %add3A_3823 : i32 to vector<16xi32>
        %add3A_3825 = arith.addi %mul3A_3822, %add3A_3824 : vector<16xi32>
        %add3A_3826 = arith.addi %mul3A_1537, %and3A_3803 : vector<16xi32>
        %gather3A_3827 = tpu.vector_load_idx %arg16[%add3A_3825, %add3A_3826] : memref<256x128xf32, #tpu.memory_space<vmem>>[vector<16xi32>, vector<16xi32>], vector<16xf32>,
        %add3A_3828 = arith.addf %add3A_3819, %gather3A_3827 : vector<16xf32>
        %mul3A_3829 = arith.constant 4 : i32
        %mul3A_3830 = vector.broadcast %mul3A_3829 : i32 to vector<16xi32>
        %mul3A_3831 = arith.muli %add3A_1400, %mul3A_3830 : vector<16xi32>
        %add3A_3832 = arith.constant 3 : i32
        %add3A_3833 = vector.broadcast %add3A_3832 : i32 to vector<16xi32>
        %add3A_3834 = arith.addi %mul3A_3831, %add3A_3833 : vector<16xi32>
        %add3A_3835 = arith.addi %mul3A_1573, %and3A_3803 : vector<16xi32>
        %gather3A_3836 = tpu.vector_load_idx %arg16[%add3A_3834, %add3A_3835] : memref<256x128xf32, #tpu.memory_space<vmem>>[vector<16xi32>, vector<16xi32>], vector<16xf32>,
        %add3A_3837 = arith.addf %add3A_3828, %gather3A_3836 : vector<16xf32>
        %mul3A_3838 = arith.constant 5 : i32
        %mul3A_3839 = vector.broadcast %mul3A_3838 : i32 to vector<16xi32>
        %mul3A_3840 = arith.muli %add3A_1400, %mul3A_3839 : vector<16xi32>
        %add3A_3841 = arith.addi %mul3A_1609, %and3A_3803 : vector<16xi32>
        %gather3A_3842 = tpu.vector_load_idx %arg17[%mul3A_3840, %add3A_3841] : memref<320x128xf32, #tpu.memory_space<vmem>>[vector<16xi32>, vector<16xi32>], vector<16xf32>,
        %mul3A_3843 = arith.constant 5 : i32
        %mul3A_3844 = vector.broadcast %mul3A_3843 : i32 to vector<16xi32>
        %mul3A_3845 = arith.muli %add3A_1400, %mul3A_3844 : vector<16xi32>
        %add3A_3846 = arith.constant 1 : i32
        %add3A_3847 = vector.broadcast %add3A_3846 : i32 to vector<16xi32>
        %add3A_3848 = arith.addi %mul3A_3845, %add3A_3847 : vector<16xi32>
        %add3A_3849 = arith.addi %mul3A_1645, %and3A_3803 : vector<16xi32>
        %gather3A_3850 = tpu.vector_load_idx %arg17[%add3A_3848, %add3A_3849] : memref<320x128xf32, #tpu.memory_space<vmem>>[vector<16xi32>, vector<16xi32>], vector<16xf32>,
        %add3A_3851 = arith.addf %gather3A_3842, %gather3A_3850 : vector<16xf32>
        %mul3A_3852 = arith.constant 5 : i32
        %mul3A_3853 = vector.broadcast %mul3A_3852 : i32 to vector<16xi32>
        %mul3A_3854 = arith.muli %add3A_1400, %mul3A_3853 : vector<16xi32>
        %add3A_3855 = arith.constant 2 : i32
        %add3A_3856 = vector.broadcast %add3A_3855 : i32 to vector<16xi32>
        %add3A_3857 = arith.addi %mul3A_3854, %add3A_3856 : vector<16xi32>
        %add3A_3858 = arith.addi %mul3A_1681, %and3A_3803 : vector<16xi32>
        %gather3A_3859 = tpu.vector_load_idx %arg17[%add3A_3857, %add3A_3858] : memref<320x128xf32, #tpu.memory_space<vmem>>[vector<16xi32>, vector<16xi32>], vector<16xf32>,
        %add3A_3860 = arith.addf %add3A_3851, %gather3A_3859 : vector<16xf32>
        %mul3A_3861 = arith.constant 5 : i32
        %mul3A_3862 = vector.broadcast %mul3A_3861 : i32 to vector<16xi32>
        %mul3A_3863 = arith.muli %add3A_1400, %mul3A_3862 : vector<16xi32>
        %add3A_3864 = arith.constant 3 : i32
        %add3A_3865 = vector.broadcast %add3A_3864 : i32 to vector<16xi32>
        %add3A_3866 = arith.addi %mul3A_3863, %add3A_3865 : vector<16xi32>
        %add3A_3867 = arith.addi %mul3A_1717, %and3A_3803 : vector<16xi32>
        %gather3A_3868 = tpu.vector_load_idx %arg17[%add3A_3866, %add3A_3867] : memref<320x128xf32, #tpu.memory_space<vmem>>[vector<16xi32>, vector<16xi32>], vector<16xf32>,
        %add3A_3869 = arith.addf %add3A_3860, %gather3A_3868 : vector<16xf32>
        %mul3A_3870 = arith.constant 5 : i32
        %mul3A_3871 = vector.broadcast %mul3A_3870 : i32 to vector<16xi32>
        %mul3A_3872 = arith.muli %add3A_1400, %mul3A_3871 : vector<16xi32>
        %add3A_3873 = arith.constant 4 : i32
        %add3A_3874 = vector.broadcast %add3A_3873 : i32 to vector<16xi32>
        %add3A_3875 = arith.addi %mul3A_3872, %add3A_3874 : vector<16xi32>
        %add3A_3876 = arith.addi %mul3A_1753, %and3A_3803 : vector<16xi32>
        %gather3A_3877 = tpu.vector_load_idx %arg17[%add3A_3875, %add3A_3876] : memref<320x128xf32, #tpu.memory_space<vmem>>[vector<16xi32>, vector<16xi32>], vector<16xf32>,
        %add3A_3878 = arith.addf %add3A_3869, %gather3A_3877 : vector<16xf32>
        %mul3A_3879 = arith.mulf %gather3A_3805, %add3A_3837 : vector<16xf32>
        %add3A_3880 = arith.addf %add3A_3795, %mul3A_3879 : vector<16xf32>
        %mul3A_3881 = arith.mulf %gather3A_3805, %add3A_3878 : vector<16xf32>
        %add3A_3882 = arith.addf %add3A_3797, %mul3A_3881 : vector<16xf32>
        %add3A_3883 = arith.constant 25 : i32
        %add3A_3884 = vector.broadcast %add3A_3883 : i32 to vector<16xi32>
        %add3A_3885 = arith.addi %add3A_3884, %iota3A_1758 : vector<16xi32>
        %and3A_3886 = arith.constant 31 : i32
        %and3A_3887 = vector.broadcast %and3A_3886 : i32 to vector<16xi32>
        %and3A_3888 = arith.andi %add3A_3885, %and3A_3887 : vector<16xi32>
        %add3A_3889 = arith.addi %mul3A_1429, %and3A_3888 : vector<16xi32>
        %gather3A_3890 = tpu.vector_load_idx %arg15[%add3A_1400, %add3A_3889] : memref<64x128xf32, #tpu.memory_space<vmem>>[vector<16xi32>, vector<16xi32>], vector<16xf32>,
        %mul3A_3891 = arith.constant 4 : i32
        %mul3A_3892 = vector.broadcast %mul3A_3891 : i32 to vector<16xi32>
        %mul3A_3893 = arith.muli %add3A_1400, %mul3A_3892 : vector<16xi32>
        %add3A_3894 = arith.addi %mul3A_1465, %and3A_3888 : vector<16xi32>
        %gather3A_3895 = tpu.vector_load_idx %arg16[%mul3A_3893, %add3A_3894] : memref<256x128xf32, #tpu.memory_space<vmem>>[vector<16xi32>, vector<16xi32>], vector<16xf32>,
        %mul3A_3896 = arith.constant 4 : i32
        %mul3A_3897 = vector.broadcast %mul3A_3896 : i32 to vector<16xi32>
        %mul3A_3898 = arith.muli %add3A_1400, %mul3A_3897 : vector<16xi32>
        %add3A_3899 = arith.constant 1 : i32
        %add3A_3900 = vector.broadcast %add3A_3899 : i32 to vector<16xi32>
        %add3A_3901 = arith.addi %mul3A_3898, %add3A_3900 : vector<16xi32>
        %add3A_3902 = arith.addi %mul3A_1501, %and3A_3888 : vector<16xi32>
        %gather3A_3903 = tpu.vector_load_idx %arg16[%add3A_3901, %add3A_3902] : memref<256x128xf32, #tpu.memory_space<vmem>>[vector<16xi32>, vector<16xi32>], vector<16xf32>,
        %add3A_3904 = arith.addf %gather3A_3895, %gather3A_3903 : vector<16xf32>
        %mul3A_3905 = arith.constant 4 : i32
        %mul3A_3906 = vector.broadcast %mul3A_3905 : i32 to vector<16xi32>
        %mul3A_3907 = arith.muli %add3A_1400, %mul3A_3906 : vector<16xi32>
        %add3A_3908 = arith.constant 2 : i32
        %add3A_3909 = vector.broadcast %add3A_3908 : i32 to vector<16xi32>
        %add3A_3910 = arith.addi %mul3A_3907, %add3A_3909 : vector<16xi32>
        %add3A_3911 = arith.addi %mul3A_1537, %and3A_3888 : vector<16xi32>
        %gather3A_3912 = tpu.vector_load_idx %arg16[%add3A_3910, %add3A_3911] : memref<256x128xf32, #tpu.memory_space<vmem>>[vector<16xi32>, vector<16xi32>], vector<16xf32>,
        %add3A_3913 = arith.addf %add3A_3904, %gather3A_3912 : vector<16xf32>
        %mul3A_3914 = arith.constant 4 : i32
        %mul3A_3915 = vector.broadcast %mul3A_3914 : i32 to vector<16xi32>
        %mul3A_3916 = arith.muli %add3A_1400, %mul3A_3915 : vector<16xi32>
        %add3A_3917 = arith.constant 3 : i32
        %add3A_3918 = vector.broadcast %add3A_3917 : i32 to vector<16xi32>
        %add3A_3919 = arith.addi %mul3A_3916, %add3A_3918 : vector<16xi32>
        %add3A_3920 = arith.addi %mul3A_1573, %and3A_3888 : vector<16xi32>
        %gather3A_3921 = tpu.vector_load_idx %arg16[%add3A_3919, %add3A_3920] : memref<256x128xf32, #tpu.memory_space<vmem>>[vector<16xi32>, vector<16xi32>], vector<16xf32>,
        %add3A_3922 = arith.addf %add3A_3913, %gather3A_3921 : vector<16xf32>
        %mul3A_3923 = arith.constant 5 : i32
        %mul3A_3924 = vector.broadcast %mul3A_3923 : i32 to vector<16xi32>
        %mul3A_3925 = arith.muli %add3A_1400, %mul3A_3924 : vector<16xi32>
        %add3A_3926 = arith.addi %mul3A_1609, %and3A_3888 : vector<16xi32>
        %gather3A_3927 = tpu.vector_load_idx %arg17[%mul3A_3925, %add3A_3926] : memref<320x128xf32, #tpu.memory_space<vmem>>[vector<16xi32>, vector<16xi32>], vector<16xf32>,
        %mul3A_3928 = arith.constant 5 : i32
        %mul3A_3929 = vector.broadcast %mul3A_3928 : i32 to vector<16xi32>
        %mul3A_3930 = arith.muli %add3A_1400, %mul3A_3929 : vector<16xi32>
        %add3A_3931 = arith.constant 1 : i32
        %add3A_3932 = vector.broadcast %add3A_3931 : i32 to vector<16xi32>
        %add3A_3933 = arith.addi %mul3A_3930, %add3A_3932 : vector<16xi32>
        %add3A_3934 = arith.addi %mul3A_1645, %and3A_3888 : vector<16xi32>
        %gather3A_3935 = tpu.vector_load_idx %arg17[%add3A_3933, %add3A_3934] : memref<320x128xf32, #tpu.memory_space<vmem>>[vector<16xi32>, vector<16xi32>], vector<16xf32>,
        %add3A_3936 = arith.addf %gather3A_3927, %gather3A_3935 : vector<16xf32>
        %mul3A_3937 = arith.constant 5 : i32
        %mul3A_3938 = vector.broadcast %mul3A_3937 : i32 to vector<16xi32>
        %mul3A_3939 = arith.muli %add3A_1400, %mul3A_3938 : vector<16xi32>
        %add3A_3940 = arith.constant 2 : i32
        %add3A_3941 = vector.broadcast %add3A_3940 : i32 to vector<16xi32>
        %add3A_3942 = arith.addi %mul3A_3939, %add3A_3941 : vector<16xi32>
        %add3A_3943 = arith.addi %mul3A_1681, %and3A_3888 : vector<16xi32>
        %gather3A_3944 = tpu.vector_load_idx %arg17[%add3A_3942, %add3A_3943] : memref<320x128xf32, #tpu.memory_space<vmem>>[vector<16xi32>, vector<16xi32>], vector<16xf32>,
        %add3A_3945 = arith.addf %add3A_3936, %gather3A_3944 : vector<16xf32>
        %mul3A_3946 = arith.constant 5 : i32
        %mul3A_3947 = vector.broadcast %mul3A_3946 : i32 to vector<16xi32>
        %mul3A_3948 = arith.muli %add3A_1400, %mul3A_3947 : vector<16xi32>
        %add3A_3949 = arith.constant 3 : i32
        %add3A_3950 = vector.broadcast %add3A_3949 : i32 to vector<16xi32>
        %add3A_3951 = arith.addi %mul3A_3948, %add3A_3950 : vector<16xi32>
        %add3A_3952 = arith.addi %mul3A_1717, %and3A_3888 : vector<16xi32>
        %gather3A_3953 = tpu.vector_load_idx %arg17[%add3A_3951, %add3A_3952] : memref<320x128xf32, #tpu.memory_space<vmem>>[vector<16xi32>, vector<16xi32>], vector<16xf32>,
        %add3A_3954 = arith.addf %add3A_3945, %gather3A_3953 : vector<16xf32>
        %mul3A_3955 = arith.constant 5 : i32
        %mul3A_3956 = vector.broadcast %mul3A_3955 : i32 to vector<16xi32>
        %mul3A_3957 = arith.muli %add3A_1400, %mul3A_3956 : vector<16xi32>
        %add3A_3958 = arith.constant 4 : i32
        %add3A_3959 = vector.broadcast %add3A_3958 : i32 to vector<16xi32>
        %add3A_3960 = arith.addi %mul3A_3957, %add3A_3959 : vector<16xi32>
        %add3A_3961 = arith.addi %mul3A_1753, %and3A_3888 : vector<16xi32>
        %gather3A_3962 = tpu.vector_load_idx %arg17[%add3A_3960, %add3A_3961] : memref<320x128xf32, #tpu.memory_space<vmem>>[vector<16xi32>, vector<16xi32>], vector<16xf32>,
        %add3A_3963 = arith.addf %add3A_3954, %gather3A_3962 : vector<16xf32>
        %mul3A_3964 = arith.mulf %gather3A_3890, %add3A_3922 : vector<16xf32>
        %add3A_3965 = arith.addf %add3A_3880, %mul3A_3964 : vector<16xf32>
        %mul3A_3966 = arith.mulf %gather3A_3890, %add3A_3963 : vector<16xf32>
        %add3A_3967 = arith.addf %add3A_3882, %mul3A_3966 : vector<16xf32>
        %add3A_3968 = arith.constant 26 : i32
        %add3A_3969 = vector.broadcast %add3A_3968 : i32 to vector<16xi32>
        %add3A_3970 = arith.addi %add3A_3969, %iota3A_1758 : vector<16xi32>
        %and3A_3971 = arith.constant 31 : i32
        %and3A_3972 = vector.broadcast %and3A_3971 : i32 to vector<16xi32>
        %and3A_3973 = arith.andi %add3A_3970, %and3A_3972 : vector<16xi32>
        %add3A_3974 = arith.addi %mul3A_1429, %and3A_3973 : vector<16xi32>
        %gather3A_3975 = tpu.vector_load_idx %arg15[%add3A_1400, %add3A_3974] : memref<64x128xf32, #tpu.memory_space<vmem>>[vector<16xi32>, vector<16xi32>], vector<16xf32>,
        %mul3A_3976 = arith.constant 4 : i32
        %mul3A_3977 = vector.broadcast %mul3A_3976 : i32 to vector<16xi32>
        %mul3A_3978 = arith.muli %add3A_1400, %mul3A_3977 : vector<16xi32>
        %add3A_3979 = arith.addi %mul3A_1465, %and3A_3973 : vector<16xi32>
        %gather3A_3980 = tpu.vector_load_idx %arg16[%mul3A_3978, %add3A_3979] : memref<256x128xf32, #tpu.memory_space<vmem>>[vector<16xi32>, vector<16xi32>], vector<16xf32>,
        %mul3A_3981 = arith.constant 4 : i32
        %mul3A_3982 = vector.broadcast %mul3A_3981 : i32 to vector<16xi32>
        %mul3A_3983 = arith.muli %add3A_1400, %mul3A_3982 : vector<16xi32>
        %add3A_3984 = arith.constant 1 : i32
        %add3A_3985 = vector.broadcast %add3A_3984 : i32 to vector<16xi32>
        %add3A_3986 = arith.addi %mul3A_3983, %add3A_3985 : vector<16xi32>
        %add3A_3987 = arith.addi %mul3A_1501, %and3A_3973 : vector<16xi32>
        %gather3A_3988 = tpu.vector_load_idx %arg16[%add3A_3986, %add3A_3987] : memref<256x128xf32, #tpu.memory_space<vmem>>[vector<16xi32>, vector<16xi32>], vector<16xf32>,
        %add3A_3989 = arith.addf %gather3A_3980, %gather3A_3988 : vector<16xf32>
        %mul3A_3990 = arith.constant 4 : i32
        %mul3A_3991 = vector.broadcast %mul3A_3990 : i32 to vector<16xi32>
        %mul3A_3992 = arith.muli %add3A_1400, %mul3A_3991 : vector<16xi32>
        %add3A_3993 = arith.constant 2 : i32
        %add3A_3994 = vector.broadcast %add3A_3993 : i32 to vector<16xi32>
        %add3A_3995 = arith.addi %mul3A_3992, %add3A_3994 : vector<16xi32>
        %add3A_3996 = arith.addi %mul3A_1537, %and3A_3973 : vector<16xi32>
        %gather3A_3997 = tpu.vector_load_idx %arg16[%add3A_3995, %add3A_3996] : memref<256x128xf32, #tpu.memory_space<vmem>>[vector<16xi32>, vector<16xi32>], vector<16xf32>,
        %add3A_3998 = arith.addf %add3A_3989, %gather3A_3997 : vector<16xf32>
        %mul3A_3999 = arith.constant 4 : i32
        %mul3A_4000 = vector.broadcast %mul3A_3999 : i32 to vector<16xi32>
        %mul3A_4001 = arith.muli %add3A_1400, %mul3A_4000 : vector<16xi32>
        %add3A_4002 = arith.constant 3 : i32
        %add3A_4003 = vector.broadcast %add3A_4002 : i32 to vector<16xi32>
        %add3A_4004 = arith.addi %mul3A_4001, %add3A_4003 : vector<16xi32>
        %add3A_4005 = arith.addi %mul3A_1573, %and3A_3973 : vector<16xi32>
        %gather3A_4006 = tpu.vector_load_idx %arg16[%add3A_4004, %add3A_4005] : memref<256x128xf32, #tpu.memory_space<vmem>>[vector<16xi32>, vector<16xi32>], vector<16xf32>,
        %add3A_4007 = arith.addf %add3A_3998, %gather3A_4006 : vector<16xf32>
        %mul3A_4008 = arith.constant 5 : i32
        %mul3A_4009 = vector.broadcast %mul3A_4008 : i32 to vector<16xi32>
        %mul3A_4010 = arith.muli %add3A_1400, %mul3A_4009 : vector<16xi32>
        %add3A_4011 = arith.addi %mul3A_1609, %and3A_3973 : vector<16xi32>
        %gather3A_4012 = tpu.vector_load_idx %arg17[%mul3A_4010, %add3A_4011] : memref<320x128xf32, #tpu.memory_space<vmem>>[vector<16xi32>, vector<16xi32>], vector<16xf32>,
        %mul3A_4013 = arith.constant 5 : i32
        %mul3A_4014 = vector.broadcast %mul3A_4013 : i32 to vector<16xi32>
        %mul3A_4015 = arith.muli %add3A_1400, %mul3A_4014 : vector<16xi32>
        %add3A_4016 = arith.constant 1 : i32
        %add3A_4017 = vector.broadcast %add3A_4016 : i32 to vector<16xi32>
        %add3A_4018 = arith.addi %mul3A_4015, %add3A_4017 : vector<16xi32>
        %add3A_4019 = arith.addi %mul3A_1645, %and3A_3973 : vector<16xi32>
        %gather3A_4020 = tpu.vector_load_idx %arg17[%add3A_4018, %add3A_4019] : memref<320x128xf32, #tpu.memory_space<vmem>>[vector<16xi32>, vector<16xi32>], vector<16xf32>,
        %add3A_4021 = arith.addf %gather3A_4012, %gather3A_4020 : vector<16xf32>
        %mul3A_4022 = arith.constant 5 : i32
        %mul3A_4023 = vector.broadcast %mul3A_4022 : i32 to vector<16xi32>
        %mul3A_4024 = arith.muli %add3A_1400, %mul3A_4023 : vector<16xi32>
        %add3A_4025 = arith.constant 2 : i32
        %add3A_4026 = vector.broadcast %add3A_4025 : i32 to vector<16xi32>
        %add3A_4027 = arith.addi %mul3A_4024, %add3A_4026 : vector<16xi32>
        %add3A_4028 = arith.addi %mul3A_1681, %and3A_3973 : vector<16xi32>
        %gather3A_4029 = tpu.vector_load_idx %arg17[%add3A_4027, %add3A_4028] : memref<320x128xf32, #tpu.memory_space<vmem>>[vector<16xi32>, vector<16xi32>], vector<16xf32>,
        %add3A_4030 = arith.addf %add3A_4021, %gather3A_4029 : vector<16xf32>
        %mul3A_4031 = arith.constant 5 : i32
        %mul3A_4032 = vector.broadcast %mul3A_4031 : i32 to vector<16xi32>
        %mul3A_4033 = arith.muli %add3A_1400, %mul3A_4032 : vector<16xi32>
        %add3A_4034 = arith.constant 3 : i32
        %add3A_4035 = vector.broadcast %add3A_4034 : i32 to vector<16xi32>
        %add3A_4036 = arith.addi %mul3A_4033, %add3A_4035 : vector<16xi32>
        %add3A_4037 = arith.addi %mul3A_1717, %and3A_3973 : vector<16xi32>
        %gather3A_4038 = tpu.vector_load_idx %arg17[%add3A_4036, %add3A_4037] : memref<320x128xf32, #tpu.memory_space<vmem>>[vector<16xi32>, vector<16xi32>], vector<16xf32>,
        %add3A_4039 = arith.addf %add3A_4030, %gather3A_4038 : vector<16xf32>
        %mul3A_4040 = arith.constant 5 : i32
        %mul3A_4041 = vector.broadcast %mul3A_4040 : i32 to vector<16xi32>
        %mul3A_4042 = arith.muli %add3A_1400, %mul3A_4041 : vector<16xi32>
        %add3A_4043 = arith.constant 4 : i32
        %add3A_4044 = vector.broadcast %add3A_4043 : i32 to vector<16xi32>
        %add3A_4045 = arith.addi %mul3A_4042, %add3A_4044 : vector<16xi32>
        %add3A_4046 = arith.addi %mul3A_1753, %and3A_3973 : vector<16xi32>
        %gather3A_4047 = tpu.vector_load_idx %arg17[%add3A_4045, %add3A_4046] : memref<320x128xf32, #tpu.memory_space<vmem>>[vector<16xi32>, vector<16xi32>], vector<16xf32>,
        %add3A_4048 = arith.addf %add3A_4039, %gather3A_4047 : vector<16xf32>
        %mul3A_4049 = arith.mulf %gather3A_3975, %add3A_4007 : vector<16xf32>
        %add3A_4050 = arith.addf %add3A_3965, %mul3A_4049 : vector<16xf32>
        %mul3A_4051 = arith.mulf %gather3A_3975, %add3A_4048 : vector<16xf32>
        %add3A_4052 = arith.addf %add3A_3967, %mul3A_4051 : vector<16xf32>
        %add3A_4053 = arith.constant 27 : i32
        %add3A_4054 = vector.broadcast %add3A_4053 : i32 to vector<16xi32>
        %add3A_4055 = arith.addi %add3A_4054, %iota3A_1758 : vector<16xi32>
        %and3A_4056 = arith.constant 31 : i32
        %and3A_4057 = vector.broadcast %and3A_4056 : i32 to vector<16xi32>
        %and3A_4058 = arith.andi %add3A_4055, %and3A_4057 : vector<16xi32>
        %add3A_4059 = arith.addi %mul3A_1429, %and3A_4058 : vector<16xi32>
        %gather3A_4060 = tpu.vector_load_idx %arg15[%add3A_1400, %add3A_4059] : memref<64x128xf32, #tpu.memory_space<vmem>>[vector<16xi32>, vector<16xi32>], vector<16xf32>,
        %mul3A_4061 = arith.constant 4 : i32
        %mul3A_4062 = vector.broadcast %mul3A_4061 : i32 to vector<16xi32>
        %mul3A_4063 = arith.muli %add3A_1400, %mul3A_4062 : vector<16xi32>
        %add3A_4064 = arith.addi %mul3A_1465, %and3A_4058 : vector<16xi32>
        %gather3A_4065 = tpu.vector_load_idx %arg16[%mul3A_4063, %add3A_4064] : memref<256x128xf32, #tpu.memory_space<vmem>>[vector<16xi32>, vector<16xi32>], vector<16xf32>,
        %mul3A_4066 = arith.constant 4 : i32
        %mul3A_4067 = vector.broadcast %mul3A_4066 : i32 to vector<16xi32>
        %mul3A_4068 = arith.muli %add3A_1400, %mul3A_4067 : vector<16xi32>
        %add3A_4069 = arith.constant 1 : i32
        %add3A_4070 = vector.broadcast %add3A_4069 : i32 to vector<16xi32>
        %add3A_4071 = arith.addi %mul3A_4068, %add3A_4070 : vector<16xi32>
        %add3A_4072 = arith.addi %mul3A_1501, %and3A_4058 : vector<16xi32>
        %gather3A_4073 = tpu.vector_load_idx %arg16[%add3A_4071, %add3A_4072] : memref<256x128xf32, #tpu.memory_space<vmem>>[vector<16xi32>, vector<16xi32>], vector<16xf32>,
        %add3A_4074 = arith.addf %gather3A_4065, %gather3A_4073 : vector<16xf32>
        %mul3A_4075 = arith.constant 4 : i32
        %mul3A_4076 = vector.broadcast %mul3A_4075 : i32 to vector<16xi32>
        %mul3A_4077 = arith.muli %add3A_1400, %mul3A_4076 : vector<16xi32>
        %add3A_4078 = arith.constant 2 : i32
        %add3A_4079 = vector.broadcast %add3A_4078 : i32 to vector<16xi32>
        %add3A_4080 = arith.addi %mul3A_4077, %add3A_4079 : vector<16xi32>
        %add3A_4081 = arith.addi %mul3A_1537, %and3A_4058 : vector<16xi32>
        %gather3A_4082 = tpu.vector_load_idx %arg16[%add3A_4080, %add3A_4081] : memref<256x128xf32, #tpu.memory_space<vmem>>[vector<16xi32>, vector<16xi32>], vector<16xf32>,
        %add3A_4083 = arith.addf %add3A_4074, %gather3A_4082 : vector<16xf32>
        %mul3A_4084 = arith.constant 4 : i32
        %mul3A_4085 = vector.broadcast %mul3A_4084 : i32 to vector<16xi32>
        %mul3A_4086 = arith.muli %add3A_1400, %mul3A_4085 : vector<16xi32>
        %add3A_4087 = arith.constant 3 : i32
        %add3A_4088 = vector.broadcast %add3A_4087 : i32 to vector<16xi32>
        %add3A_4089 = arith.addi %mul3A_4086, %add3A_4088 : vector<16xi32>
        %add3A_4090 = arith.addi %mul3A_1573, %and3A_4058 : vector<16xi32>
        %gather3A_4091 = tpu.vector_load_idx %arg16[%add3A_4089, %add3A_4090] : memref<256x128xf32, #tpu.memory_space<vmem>>[vector<16xi32>, vector<16xi32>], vector<16xf32>,
        %add3A_4092 = arith.addf %add3A_4083, %gather3A_4091 : vector<16xf32>
        %mul3A_4093 = arith.constant 5 : i32
        %mul3A_4094 = vector.broadcast %mul3A_4093 : i32 to vector<16xi32>
        %mul3A_4095 = arith.muli %add3A_1400, %mul3A_4094 : vector<16xi32>
        %add3A_4096 = arith.addi %mul3A_1609, %and3A_4058 : vector<16xi32>
        %gather3A_4097 = tpu.vector_load_idx %arg17[%mul3A_4095, %add3A_4096] : memref<320x128xf32, #tpu.memory_space<vmem>>[vector<16xi32>, vector<16xi32>], vector<16xf32>,
        %mul3A_4098 = arith.constant 5 : i32
        %mul3A_4099 = vector.broadcast %mul3A_4098 : i32 to vector<16xi32>
        %mul3A_4100 = arith.muli %add3A_1400, %mul3A_4099 : vector<16xi32>
        %add3A_4101 = arith.constant 1 : i32
        %add3A_4102 = vector.broadcast %add3A_4101 : i32 to vector<16xi32>
        %add3A_4103 = arith.addi %mul3A_4100, %add3A_4102 : vector<16xi32>
        %add3A_4104 = arith.addi %mul3A_1645, %and3A_4058 : vector<16xi32>
        %gather3A_4105 = tpu.vector_load_idx %arg17[%add3A_4103, %add3A_4104] : memref<320x128xf32, #tpu.memory_space<vmem>>[vector<16xi32>, vector<16xi32>], vector<16xf32>,
        %add3A_4106 = arith.addf %gather3A_4097, %gather3A_4105 : vector<16xf32>
        %mul3A_4107 = arith.constant 5 : i32
        %mul3A_4108 = vector.broadcast %mul3A_4107 : i32 to vector<16xi32>
        %mul3A_4109 = arith.muli %add3A_1400, %mul3A_4108 : vector<16xi32>
        %add3A_4110 = arith.constant 2 : i32
        %add3A_4111 = vector.broadcast %add3A_4110 : i32 to vector<16xi32>
        %add3A_4112 = arith.addi %mul3A_4109, %add3A_4111 : vector<16xi32>
        %add3A_4113 = arith.addi %mul3A_1681, %and3A_4058 : vector<16xi32>
        %gather3A_4114 = tpu.vector_load_idx %arg17[%add3A_4112, %add3A_4113] : memref<320x128xf32, #tpu.memory_space<vmem>>[vector<16xi32>, vector<16xi32>], vector<16xf32>,
        %add3A_4115 = arith.addf %add3A_4106, %gather3A_4114 : vector<16xf32>
        %mul3A_4116 = arith.constant 5 : i32
        %mul3A_4117 = vector.broadcast %mul3A_4116 : i32 to vector<16xi32>
        %mul3A_4118 = arith.muli %add3A_1400, %mul3A_4117 : vector<16xi32>
        %add3A_4119 = arith.constant 3 : i32
        %add3A_4120 = vector.broadcast %add3A_4119 : i32 to vector<16xi32>
        %add3A_4121 = arith.addi %mul3A_4118, %add3A_4120 : vector<16xi32>
        %add3A_4122 = arith.addi %mul3A_1717, %and3A_4058 : vector<16xi32>
        %gather3A_4123 = tpu.vector_load_idx %arg17[%add3A_4121, %add3A_4122] : memref<320x128xf32, #tpu.memory_space<vmem>>[vector<16xi32>, vector<16xi32>], vector<16xf32>,
        %add3A_4124 = arith.addf %add3A_4115, %gather3A_4123 : vector<16xf32>
        %mul3A_4125 = arith.constant 5 : i32
        %mul3A_4126 = vector.broadcast %mul3A_4125 : i32 to vector<16xi32>
        %mul3A_4127 = arith.muli %add3A_1400, %mul3A_4126 : vector<16xi32>
        %add3A_4128 = arith.constant 4 : i32
        %add3A_4129 = vector.broadcast %add3A_4128 : i32 to vector<16xi32>
        %add3A_4130 = arith.addi %mul3A_4127, %add3A_4129 : vector<16xi32>
        %add3A_4131 = arith.addi %mul3A_1753, %and3A_4058 : vector<16xi32>
        %gather3A_4132 = tpu.vector_load_idx %arg17[%add3A_4130, %add3A_4131] : memref<320x128xf32, #tpu.memory_space<vmem>>[vector<16xi32>, vector<16xi32>], vector<16xf32>,
        %add3A_4133 = arith.addf %add3A_4124, %gather3A_4132 : vector<16xf32>
        %mul3A_4134 = arith.mulf %gather3A_4060, %add3A_4092 : vector<16xf32>
        %add3A_4135 = arith.addf %add3A_4050, %mul3A_4134 : vector<16xf32>
        %mul3A_4136 = arith.mulf %gather3A_4060, %add3A_4133 : vector<16xf32>
        %add3A_4137 = arith.addf %add3A_4052, %mul3A_4136 : vector<16xf32>
        %add3A_4138 = arith.constant 28 : i32
        %add3A_4139 = vector.broadcast %add3A_4138 : i32 to vector<16xi32>
        %add3A_4140 = arith.addi %add3A_4139, %iota3A_1758 : vector<16xi32>
        %and3A_4141 = arith.constant 31 : i32
        %and3A_4142 = vector.broadcast %and3A_4141 : i32 to vector<16xi32>
        %and3A_4143 = arith.andi %add3A_4140, %and3A_4142 : vector<16xi32>
        %add3A_4144 = arith.addi %mul3A_1429, %and3A_4143 : vector<16xi32>
        %gather3A_4145 = tpu.vector_load_idx %arg15[%add3A_1400, %add3A_4144] : memref<64x128xf32, #tpu.memory_space<vmem>>[vector<16xi32>, vector<16xi32>], vector<16xf32>,
        %mul3A_4146 = arith.constant 4 : i32
        %mul3A_4147 = vector.broadcast %mul3A_4146 : i32 to vector<16xi32>
        %mul3A_4148 = arith.muli %add3A_1400, %mul3A_4147 : vector<16xi32>
        %add3A_4149 = arith.addi %mul3A_1465, %and3A_4143 : vector<16xi32>
        %gather3A_4150 = tpu.vector_load_idx %arg16[%mul3A_4148, %add3A_4149] : memref<256x128xf32, #tpu.memory_space<vmem>>[vector<16xi32>, vector<16xi32>], vector<16xf32>,
        %mul3A_4151 = arith.constant 4 : i32
        %mul3A_4152 = vector.broadcast %mul3A_4151 : i32 to vector<16xi32>
        %mul3A_4153 = arith.muli %add3A_1400, %mul3A_4152 : vector<16xi32>
        %add3A_4154 = arith.constant 1 : i32
        %add3A_4155 = vector.broadcast %add3A_4154 : i32 to vector<16xi32>
        %add3A_4156 = arith.addi %mul3A_4153, %add3A_4155 : vector<16xi32>
        %add3A_4157 = arith.addi %mul3A_1501, %and3A_4143 : vector<16xi32>
        %gather3A_4158 = tpu.vector_load_idx %arg16[%add3A_4156, %add3A_4157] : memref<256x128xf32, #tpu.memory_space<vmem>>[vector<16xi32>, vector<16xi32>], vector<16xf32>,
        %add3A_4159 = arith.addf %gather3A_4150, %gather3A_4158 : vector<16xf32>
        %mul3A_4160 = arith.constant 4 : i32
        %mul3A_4161 = vector.broadcast %mul3A_4160 : i32 to vector<16xi32>
        %mul3A_4162 = arith.muli %add3A_1400, %mul3A_4161 : vector<16xi32>
        %add3A_4163 = arith.constant 2 : i32
        %add3A_4164 = vector.broadcast %add3A_4163 : i32 to vector<16xi32>
        %add3A_4165 = arith.addi %mul3A_4162, %add3A_4164 : vector<16xi32>
        %add3A_4166 = arith.addi %mul3A_1537, %and3A_4143 : vector<16xi32>
        %gather3A_4167 = tpu.vector_load_idx %arg16[%add3A_4165, %add3A_4166] : memref<256x128xf32, #tpu.memory_space<vmem>>[vector<16xi32>, vector<16xi32>], vector<16xf32>,
        %add3A_4168 = arith.addf %add3A_4159, %gather3A_4167 : vector<16xf32>
        %mul3A_4169 = arith.constant 4 : i32
        %mul3A_4170 = vector.broadcast %mul3A_4169 : i32 to vector<16xi32>
        %mul3A_4171 = arith.muli %add3A_1400, %mul3A_4170 : vector<16xi32>
        %add3A_4172 = arith.constant 3 : i32
        %add3A_4173 = vector.broadcast %add3A_4172 : i32 to vector<16xi32>
        %add3A_4174 = arith.addi %mul3A_4171, %add3A_4173 : vector<16xi32>
        %add3A_4175 = arith.addi %mul3A_1573, %and3A_4143 : vector<16xi32>
        %gather3A_4176 = tpu.vector_load_idx %arg16[%add3A_4174, %add3A_4175] : memref<256x128xf32, #tpu.memory_space<vmem>>[vector<16xi32>, vector<16xi32>], vector<16xf32>,
        %add3A_4177 = arith.addf %add3A_4168, %gather3A_4176 : vector<16xf32>
        %mul3A_4178 = arith.constant 5 : i32
        %mul3A_4179 = vector.broadcast %mul3A_4178 : i32 to vector<16xi32>
        %mul3A_4180 = arith.muli %add3A_1400, %mul3A_4179 : vector<16xi32>
        %add3A_4181 = arith.addi %mul3A_1609, %and3A_4143 : vector<16xi32>
        %gather3A_4182 = tpu.vector_load_idx %arg17[%mul3A_4180, %add3A_4181] : memref<320x128xf32, #tpu.memory_space<vmem>>[vector<16xi32>, vector<16xi32>], vector<16xf32>,
        %mul3A_4183 = arith.constant 5 : i32
        %mul3A_4184 = vector.broadcast %mul3A_4183 : i32 to vector<16xi32>
        %mul3A_4185 = arith.muli %add3A_1400, %mul3A_4184 : vector<16xi32>
        %add3A_4186 = arith.constant 1 : i32
        %add3A_4187 = vector.broadcast %add3A_4186 : i32 to vector<16xi32>
        %add3A_4188 = arith.addi %mul3A_4185, %add3A_4187 : vector<16xi32>
        %add3A_4189 = arith.addi %mul3A_1645, %and3A_4143 : vector<16xi32>
        %gather3A_4190 = tpu.vector_load_idx %arg17[%add3A_4188, %add3A_4189] : memref<320x128xf32, #tpu.memory_space<vmem>>[vector<16xi32>, vector<16xi32>], vector<16xf32>,
        %add3A_4191 = arith.addf %gather3A_4182, %gather3A_4190 : vector<16xf32>
        %mul3A_4192 = arith.constant 5 : i32
        %mul3A_4193 = vector.broadcast %mul3A_4192 : i32 to vector<16xi32>
        %mul3A_4194 = arith.muli %add3A_1400, %mul3A_4193 : vector<16xi32>
        %add3A_4195 = arith.constant 2 : i32
        %add3A_4196 = vector.broadcast %add3A_4195 : i32 to vector<16xi32>
        %add3A_4197 = arith.addi %mul3A_4194, %add3A_4196 : vector<16xi32>
        %add3A_4198 = arith.addi %mul3A_1681, %and3A_4143 : vector<16xi32>
        %gather3A_4199 = tpu.vector_load_idx %arg17[%add3A_4197, %add3A_4198] : memref<320x128xf32, #tpu.memory_space<vmem>>[vector<16xi32>, vector<16xi32>], vector<16xf32>,
        %add3A_4200 = arith.addf %add3A_4191, %gather3A_4199 : vector<16xf32>
        %mul3A_4201 = arith.constant 5 : i32
        %mul3A_4202 = vector.broadcast %mul3A_4201 : i32 to vector<16xi32>
        %mul3A_4203 = arith.muli %add3A_1400, %mul3A_4202 : vector<16xi32>
        %add3A_4204 = arith.constant 3 : i32
        %add3A_4205 = vector.broadcast %add3A_4204 : i32 to vector<16xi32>
        %add3A_4206 = arith.addi %mul3A_4203, %add3A_4205 : vector<16xi32>
        %add3A_4207 = arith.addi %mul3A_1717, %and3A_4143 : vector<16xi32>
        %gather3A_4208 = tpu.vector_load_idx %arg17[%add3A_4206, %add3A_4207] : memref<320x128xf32, #tpu.memory_space<vmem>>[vector<16xi32>, vector<16xi32>], vector<16xf32>,
        %add3A_4209 = arith.addf %add3A_4200, %gather3A_4208 : vector<16xf32>
        %mul3A_4210 = arith.constant 5 : i32
        %mul3A_4211 = vector.broadcast %mul3A_4210 : i32 to vector<16xi32>
        %mul3A_4212 = arith.muli %add3A_1400, %mul3A_4211 : vector<16xi32>
        %add3A_4213 = arith.constant 4 : i32
        %add3A_4214 = vector.broadcast %add3A_4213 : i32 to vector<16xi32>
        %add3A_4215 = arith.addi %mul3A_4212, %add3A_4214 : vector<16xi32>
        %add3A_4216 = arith.addi %mul3A_1753, %and3A_4143 : vector<16xi32>
        %gather3A_4217 = tpu.vector_load_idx %arg17[%add3A_4215, %add3A_4216] : memref<320x128xf32, #tpu.memory_space<vmem>>[vector<16xi32>, vector<16xi32>], vector<16xf32>,
        %add3A_4218 = arith.addf %add3A_4209, %gather3A_4217 : vector<16xf32>
        %mul3A_4219 = arith.mulf %gather3A_4145, %add3A_4177 : vector<16xf32>
        %add3A_4220 = arith.addf %add3A_4135, %mul3A_4219 : vector<16xf32>
        %mul3A_4221 = arith.mulf %gather3A_4145, %add3A_4218 : vector<16xf32>
        %add3A_4222 = arith.addf %add3A_4137, %mul3A_4221 : vector<16xf32>
        %add3A_4223 = arith.constant 29 : i32
        %add3A_4224 = vector.broadcast %add3A_4223 : i32 to vector<16xi32>
        %add3A_4225 = arith.addi %add3A_4224, %iota3A_1758 : vector<16xi32>
        %and3A_4226 = arith.constant 31 : i32
        %and3A_4227 = vector.broadcast %and3A_4226 : i32 to vector<16xi32>
        %and3A_4228 = arith.andi %add3A_4225, %and3A_4227 : vector<16xi32>
        %add3A_4229 = arith.addi %mul3A_1429, %and3A_4228 : vector<16xi32>
        %gather3A_4230 = tpu.vector_load_idx %arg15[%add3A_1400, %add3A_4229] : memref<64x128xf32, #tpu.memory_space<vmem>>[vector<16xi32>, vector<16xi32>], vector<16xf32>,
        %mul3A_4231 = arith.constant 4 : i32
        %mul3A_4232 = vector.broadcast %mul3A_4231 : i32 to vector<16xi32>
        %mul3A_4233 = arith.muli %add3A_1400, %mul3A_4232 : vector<16xi32>
        %add3A_4234 = arith.addi %mul3A_1465, %and3A_4228 : vector<16xi32>
        %gather3A_4235 = tpu.vector_load_idx %arg16[%mul3A_4233, %add3A_4234] : memref<256x128xf32, #tpu.memory_space<vmem>>[vector<16xi32>, vector<16xi32>], vector<16xf32>,
        %mul3A_4236 = arith.constant 4 : i32
        %mul3A_4237 = vector.broadcast %mul3A_4236 : i32 to vector<16xi32>
        %mul3A_4238 = arith.muli %add3A_1400, %mul3A_4237 : vector<16xi32>
        %add3A_4239 = arith.constant 1 : i32
        %add3A_4240 = vector.broadcast %add3A_4239 : i32 to vector<16xi32>
        %add3A_4241 = arith.addi %mul3A_4238, %add3A_4240 : vector<16xi32>
        %add3A_4242 = arith.addi %mul3A_1501, %and3A_4228 : vector<16xi32>
        %gather3A_4243 = tpu.vector_load_idx %arg16[%add3A_4241, %add3A_4242] : memref<256x128xf32, #tpu.memory_space<vmem>>[vector<16xi32>, vector<16xi32>], vector<16xf32>,
        %add3A_4244 = arith.addf %gather3A_4235, %gather3A_4243 : vector<16xf32>
        %mul3A_4245 = arith.constant 4 : i32
        %mul3A_4246 = vector.broadcast %mul3A_4245 : i32 to vector<16xi32>
        %mul3A_4247 = arith.muli %add3A_1400, %mul3A_4246 : vector<16xi32>
        %add3A_4248 = arith.constant 2 : i32
        %add3A_4249 = vector.broadcast %add3A_4248 : i32 to vector<16xi32>
        %add3A_4250 = arith.addi %mul3A_4247, %add3A_4249 : vector<16xi32>
        %add3A_4251 = arith.addi %mul3A_1537, %and3A_4228 : vector<16xi32>
        %gather3A_4252 = tpu.vector_load_idx %arg16[%add3A_4250, %add3A_4251] : memref<256x128xf32, #tpu.memory_space<vmem>>[vector<16xi32>, vector<16xi32>], vector<16xf32>,
        %add3A_4253 = arith.addf %add3A_4244, %gather3A_4252 : vector<16xf32>
        %mul3A_4254 = arith.constant 4 : i32
        %mul3A_4255 = vector.broadcast %mul3A_4254 : i32 to vector<16xi32>
        %mul3A_4256 = arith.muli %add3A_1400, %mul3A_4255 : vector<16xi32>
        %add3A_4257 = arith.constant 3 : i32
        %add3A_4258 = vector.broadcast %add3A_4257 : i32 to vector<16xi32>
        %add3A_4259 = arith.addi %mul3A_4256, %add3A_4258 : vector<16xi32>
        %add3A_4260 = arith.addi %mul3A_1573, %and3A_4228 : vector<16xi32>
        %gather3A_4261 = tpu.vector_load_idx %arg16[%add3A_4259, %add3A_4260] : memref<256x128xf32, #tpu.memory_space<vmem>>[vector<16xi32>, vector<16xi32>], vector<16xf32>,
        %add3A_4262 = arith.addf %add3A_4253, %gather3A_4261 : vector<16xf32>
        %mul3A_4263 = arith.constant 5 : i32
        %mul3A_4264 = vector.broadcast %mul3A_4263 : i32 to vector<16xi32>
        %mul3A_4265 = arith.muli %add3A_1400, %mul3A_4264 : vector<16xi32>
        %add3A_4266 = arith.addi %mul3A_1609, %and3A_4228 : vector<16xi32>
        %gather3A_4267 = tpu.vector_load_idx %arg17[%mul3A_4265, %add3A_4266] : memref<320x128xf32, #tpu.memory_space<vmem>>[vector<16xi32>, vector<16xi32>], vector<16xf32>,
        %mul3A_4268 = arith.constant 5 : i32
        %mul3A_4269 = vector.broadcast %mul3A_4268 : i32 to vector<16xi32>
        %mul3A_4270 = arith.muli %add3A_1400, %mul3A_4269 : vector<16xi32>
        %add3A_4271 = arith.constant 1 : i32
        %add3A_4272 = vector.broadcast %add3A_4271 : i32 to vector<16xi32>
        %add3A_4273 = arith.addi %mul3A_4270, %add3A_4272 : vector<16xi32>
        %add3A_4274 = arith.addi %mul3A_1645, %and3A_4228 : vector<16xi32>
        %gather3A_4275 = tpu.vector_load_idx %arg17[%add3A_4273, %add3A_4274] : memref<320x128xf32, #tpu.memory_space<vmem>>[vector<16xi32>, vector<16xi32>], vector<16xf32>,
        %add3A_4276 = arith.addf %gather3A_4267, %gather3A_4275 : vector<16xf32>
        %mul3A_4277 = arith.constant 5 : i32
        %mul3A_4278 = vector.broadcast %mul3A_4277 : i32 to vector<16xi32>
        %mul3A_4279 = arith.muli %add3A_1400, %mul3A_4278 : vector<16xi32>
        %add3A_4280 = arith.constant 2 : i32
        %add3A_4281 = vector.broadcast %add3A_4280 : i32 to vector<16xi32>
        %add3A_4282 = arith.addi %mul3A_4279, %add3A_4281 : vector<16xi32>
        %add3A_4283 = arith.addi %mul3A_1681, %and3A_4228 : vector<16xi32>
        %gather3A_4284 = tpu.vector_load_idx %arg17[%add3A_4282, %add3A_4283] : memref<320x128xf32, #tpu.memory_space<vmem>>[vector<16xi32>, vector<16xi32>], vector<16xf32>,
        %add3A_4285 = arith.addf %add3A_4276, %gather3A_4284 : vector<16xf32>
        %mul3A_4286 = arith.constant 5 : i32
        %mul3A_4287 = vector.broadcast %mul3A_4286 : i32 to vector<16xi32>
        %mul3A_4288 = arith.muli %add3A_1400, %mul3A_4287 : vector<16xi32>
        %add3A_4289 = arith.constant 3 : i32
        %add3A_4290 = vector.broadcast %add3A_4289 : i32 to vector<16xi32>
        %add3A_4291 = arith.addi %mul3A_4288, %add3A_4290 : vector<16xi32>
        %add3A_4292 = arith.addi %mul3A_1717, %and3A_4228 : vector<16xi32>
        %gather3A_4293 = tpu.vector_load_idx %arg17[%add3A_4291, %add3A_4292] : memref<320x128xf32, #tpu.memory_space<vmem>>[vector<16xi32>, vector<16xi32>], vector<16xf32>,
        %add3A_4294 = arith.addf %add3A_4285, %gather3A_4293 : vector<16xf32>
        %mul3A_4295 = arith.constant 5 : i32
        %mul3A_4296 = vector.broadcast %mul3A_4295 : i32 to vector<16xi32>
        %mul3A_4297 = arith.muli %add3A_1400, %mul3A_4296 : vector<16xi32>
        %add3A_4298 = arith.constant 4 : i32
        %add3A_4299 = vector.broadcast %add3A_4298 : i32 to vector<16xi32>
        %add3A_4300 = arith.addi %mul3A_4297, %add3A_4299 : vector<16xi32>
        %add3A_4301 = arith.addi %mul3A_1753, %and3A_4228 : vector<16xi32>
        %gather3A_4302 = tpu.vector_load_idx %arg17[%add3A_4300, %add3A_4301] : memref<320x128xf32, #tpu.memory_space<vmem>>[vector<16xi32>, vector<16xi32>], vector<16xf32>,
        %add3A_4303 = arith.addf %add3A_4294, %gather3A_4302 : vector<16xf32>
        %mul3A_4304 = arith.mulf %gather3A_4230, %add3A_4262 : vector<16xf32>
        %add3A_4305 = arith.addf %add3A_4220, %mul3A_4304 : vector<16xf32>
        %mul3A_4306 = arith.mulf %gather3A_4230, %add3A_4303 : vector<16xf32>
        %add3A_4307 = arith.addf %add3A_4222, %mul3A_4306 : vector<16xf32>
        %add3A_4308 = arith.constant 30 : i32
        %add3A_4309 = vector.broadcast %add3A_4308 : i32 to vector<16xi32>
        %add3A_4310 = arith.addi %add3A_4309, %iota3A_1758 : vector<16xi32>
        %and3A_4311 = arith.constant 31 : i32
        %and3A_4312 = vector.broadcast %and3A_4311 : i32 to vector<16xi32>
        %and3A_4313 = arith.andi %add3A_4310, %and3A_4312 : vector<16xi32>
        %add3A_4314 = arith.addi %mul3A_1429, %and3A_4313 : vector<16xi32>
        %gather3A_4315 = tpu.vector_load_idx %arg15[%add3A_1400, %add3A_4314] : memref<64x128xf32, #tpu.memory_space<vmem>>[vector<16xi32>, vector<16xi32>], vector<16xf32>,
        %mul3A_4316 = arith.constant 4 : i32
        %mul3A_4317 = vector.broadcast %mul3A_4316 : i32 to vector<16xi32>
        %mul3A_4318 = arith.muli %add3A_1400, %mul3A_4317 : vector<16xi32>
        %add3A_4319 = arith.addi %mul3A_1465, %and3A_4313 : vector<16xi32>
        %gather3A_4320 = tpu.vector_load_idx %arg16[%mul3A_4318, %add3A_4319] : memref<256x128xf32, #tpu.memory_space<vmem>>[vector<16xi32>, vector<16xi32>], vector<16xf32>,
        %mul3A_4321 = arith.constant 4 : i32
        %mul3A_4322 = vector.broadcast %mul3A_4321 : i32 to vector<16xi32>
        %mul3A_4323 = arith.muli %add3A_1400, %mul3A_4322 : vector<16xi32>
        %add3A_4324 = arith.constant 1 : i32
        %add3A_4325 = vector.broadcast %add3A_4324 : i32 to vector<16xi32>
        %add3A_4326 = arith.addi %mul3A_4323, %add3A_4325 : vector<16xi32>
        %add3A_4327 = arith.addi %mul3A_1501, %and3A_4313 : vector<16xi32>
        %gather3A_4328 = tpu.vector_load_idx %arg16[%add3A_4326, %add3A_4327] : memref<256x128xf32, #tpu.memory_space<vmem>>[vector<16xi32>, vector<16xi32>], vector<16xf32>,
        %add3A_4329 = arith.addf %gather3A_4320, %gather3A_4328 : vector<16xf32>
        %mul3A_4330 = arith.constant 4 : i32
        %mul3A_4331 = vector.broadcast %mul3A_4330 : i32 to vector<16xi32>
        %mul3A_4332 = arith.muli %add3A_1400, %mul3A_4331 : vector<16xi32>
        %add3A_4333 = arith.constant 2 : i32
        %add3A_4334 = vector.broadcast %add3A_4333 : i32 to vector<16xi32>
        %add3A_4335 = arith.addi %mul3A_4332, %add3A_4334 : vector<16xi32>
        %add3A_4336 = arith.addi %mul3A_1537, %and3A_4313 : vector<16xi32>
        %gather3A_4337 = tpu.vector_load_idx %arg16[%add3A_4335, %add3A_4336] : memref<256x128xf32, #tpu.memory_space<vmem>>[vector<16xi32>, vector<16xi32>], vector<16xf32>,
        %add3A_4338 = arith.addf %add3A_4329, %gather3A_4337 : vector<16xf32>
        %mul3A_4339 = arith.constant 4 : i32
        %mul3A_4340 = vector.broadcast %mul3A_4339 : i32 to vector<16xi32>
        %mul3A_4341 = arith.muli %add3A_1400, %mul3A_4340 : vector<16xi32>
        %add3A_4342 = arith.constant 3 : i32
        %add3A_4343 = vector.broadcast %add3A_4342 : i32 to vector<16xi32>
        %add3A_4344 = arith.addi %mul3A_4341, %add3A_4343 : vector<16xi32>
        %add3A_4345 = arith.addi %mul3A_1573, %and3A_4313 : vector<16xi32>
        %gather3A_4346 = tpu.vector_load_idx %arg16[%add3A_4344, %add3A_4345] : memref<256x128xf32, #tpu.memory_space<vmem>>[vector<16xi32>, vector<16xi32>], vector<16xf32>,
        %add3A_4347 = arith.addf %add3A_4338, %gather3A_4346 : vector<16xf32>
        %mul3A_4348 = arith.constant 5 : i32
        %mul3A_4349 = vector.broadcast %mul3A_4348 : i32 to vector<16xi32>
        %mul3A_4350 = arith.muli %add3A_1400, %mul3A_4349 : vector<16xi32>
        %add3A_4351 = arith.addi %mul3A_1609, %and3A_4313 : vector<16xi32>
        %gather3A_4352 = tpu.vector_load_idx %arg17[%mul3A_4350, %add3A_4351] : memref<320x128xf32, #tpu.memory_space<vmem>>[vector<16xi32>, vector<16xi32>], vector<16xf32>,
        %mul3A_4353 = arith.constant 5 : i32
        %mul3A_4354 = vector.broadcast %mul3A_4353 : i32 to vector<16xi32>
        %mul3A_4355 = arith.muli %add3A_1400, %mul3A_4354 : vector<16xi32>
        %add3A_4356 = arith.constant 1 : i32
        %add3A_4357 = vector.broadcast %add3A_4356 : i32 to vector<16xi32>
        %add3A_4358 = arith.addi %mul3A_4355, %add3A_4357 : vector<16xi32>
        %add3A_4359 = arith.addi %mul3A_1645, %and3A_4313 : vector<16xi32>
        %gather3A_4360 = tpu.vector_load_idx %arg17[%add3A_4358, %add3A_4359] : memref<320x128xf32, #tpu.memory_space<vmem>>[vector<16xi32>, vector<16xi32>], vector<16xf32>,
        %add3A_4361 = arith.addf %gather3A_4352, %gather3A_4360 : vector<16xf32>
        %mul3A_4362 = arith.constant 5 : i32
        %mul3A_4363 = vector.broadcast %mul3A_4362 : i32 to vector<16xi32>
        %mul3A_4364 = arith.muli %add3A_1400, %mul3A_4363 : vector<16xi32>
        %add3A_4365 = arith.constant 2 : i32
        %add3A_4366 = vector.broadcast %add3A_4365 : i32 to vector<16xi32>
        %add3A_4367 = arith.addi %mul3A_4364, %add3A_4366 : vector<16xi32>
        %add3A_4368 = arith.addi %mul3A_1681, %and3A_4313 : vector<16xi32>
        %gather3A_4369 = tpu.vector_load_idx %arg17[%add3A_4367, %add3A_4368] : memref<320x128xf32, #tpu.memory_space<vmem>>[vector<16xi32>, vector<16xi32>], vector<16xf32>,
        %add3A_4370 = arith.addf %add3A_4361, %gather3A_4369 : vector<16xf32>
        %mul3A_4371 = arith.constant 5 : i32
        %mul3A_4372 = vector.broadcast %mul3A_4371 : i32 to vector<16xi32>
        %mul3A_4373 = arith.muli %add3A_1400, %mul3A_4372 : vector<16xi32>
        %add3A_4374 = arith.constant 3 : i32
        %add3A_4375 = vector.broadcast %add3A_4374 : i32 to vector<16xi32>
        %add3A_4376 = arith.addi %mul3A_4373, %add3A_4375 : vector<16xi32>
        %add3A_4377 = arith.addi %mul3A_1717, %and3A_4313 : vector<16xi32>
        %gather3A_4378 = tpu.vector_load_idx %arg17[%add3A_4376, %add3A_4377] : memref<320x128xf32, #tpu.memory_space<vmem>>[vector<16xi32>, vector<16xi32>], vector<16xf32>,
        %add3A_4379 = arith.addf %add3A_4370, %gather3A_4378 : vector<16xf32>
        %mul3A_4380 = arith.constant 5 : i32
        %mul3A_4381 = vector.broadcast %mul3A_4380 : i32 to vector<16xi32>
        %mul3A_4382 = arith.muli %add3A_1400, %mul3A_4381 : vector<16xi32>
        %add3A_4383 = arith.constant 4 : i32
        %add3A_4384 = vector.broadcast %add3A_4383 : i32 to vector<16xi32>
        %add3A_4385 = arith.addi %mul3A_4382, %add3A_4384 : vector<16xi32>
        %add3A_4386 = arith.addi %mul3A_1753, %and3A_4313 : vector<16xi32>
        %gather3A_4387 = tpu.vector_load_idx %arg17[%add3A_4385, %add3A_4386] : memref<320x128xf32, #tpu.memory_space<vmem>>[vector<16xi32>, vector<16xi32>], vector<16xf32>,
        %add3A_4388 = arith.addf %add3A_4379, %gather3A_4387 : vector<16xf32>
        %mul3A_4389 = arith.mulf %gather3A_4315, %add3A_4347 : vector<16xf32>
        %add3A_4390 = arith.addf %add3A_4305, %mul3A_4389 : vector<16xf32>
        %mul3A_4391 = arith.mulf %gather3A_4315, %add3A_4388 : vector<16xf32>
        %add3A_4392 = arith.addf %add3A_4307, %mul3A_4391 : vector<16xf32>
        %add3A_4393 = arith.constant 31 : i32
        %add3A_4394 = vector.broadcast %add3A_4393 : i32 to vector<16xi32>
        %add3A_4395 = arith.addi %add3A_4394, %iota3A_1758 : vector<16xi32>
        %and3A_4396 = arith.constant 31 : i32
        %and3A_4397 = vector.broadcast %and3A_4396 : i32 to vector<16xi32>
        %and3A_4398 = arith.andi %add3A_4395, %and3A_4397 : vector<16xi32>
        %add3A_4399 = arith.addi %mul3A_1429, %and3A_4398 : vector<16xi32>
        %gather3A_4400 = tpu.vector_load_idx %arg15[%add3A_1400, %add3A_4399] : memref<64x128xf32, #tpu.memory_space<vmem>>[vector<16xi32>, vector<16xi32>], vector<16xf32>,
        %mul3A_4401 = arith.constant 4 : i32
        %mul3A_4402 = vector.broadcast %mul3A_4401 : i32 to vector<16xi32>
        %mul3A_4403 = arith.muli %add3A_1400, %mul3A_4402 : vector<16xi32>
        %add3A_4404 = arith.addi %mul3A_1465, %and3A_4398 : vector<16xi32>
        %gather3A_4405 = tpu.vector_load_idx %arg16[%mul3A_4403, %add3A_4404] : memref<256x128xf32, #tpu.memory_space<vmem>>[vector<16xi32>, vector<16xi32>], vector<16xf32>,
        %mul3A_4406 = arith.constant 4 : i32
        %mul3A_4407 = vector.broadcast %mul3A_4406 : i32 to vector<16xi32>
        %mul3A_4408 = arith.muli %add3A_1400, %mul3A_4407 : vector<16xi32>
        %add3A_4409 = arith.constant 1 : i32
        %add3A_4410 = vector.broadcast %add3A_4409 : i32 to vector<16xi32>
        %add3A_4411 = arith.addi %mul3A_4408, %add3A_4410 : vector<16xi32>
        %add3A_4412 = arith.addi %mul3A_1501, %and3A_4398 : vector<16xi32>
        %gather3A_4413 = tpu.vector_load_idx %arg16[%add3A_4411, %add3A_4412] : memref<256x128xf32, #tpu.memory_space<vmem>>[vector<16xi32>, vector<16xi32>], vector<16xf32>,
        %add3A_4414 = arith.addf %gather3A_4405, %gather3A_4413 : vector<16xf32>
        %mul3A_4415 = arith.constant 4 : i32
        %mul3A_4416 = vector.broadcast %mul3A_4415 : i32 to vector<16xi32>
        %mul3A_4417 = arith.muli %add3A_1400, %mul3A_4416 : vector<16xi32>
        %add3A_4418 = arith.constant 2 : i32
        %add3A_4419 = vector.broadcast %add3A_4418 : i32 to vector<16xi32>
        %add3A_4420 = arith.addi %mul3A_4417, %add3A_4419 : vector<16xi32>
        %add3A_4421 = arith.addi %mul3A_1537, %and3A_4398 : vector<16xi32>
        %gather3A_4422 = tpu.vector_load_idx %arg16[%add3A_4420, %add3A_4421] : memref<256x128xf32, #tpu.memory_space<vmem>>[vector<16xi32>, vector<16xi32>], vector<16xf32>,
        %add3A_4423 = arith.addf %add3A_4414, %gather3A_4422 : vector<16xf32>
        %mul3A_4424 = arith.constant 4 : i32
        %mul3A_4425 = vector.broadcast %mul3A_4424 : i32 to vector<16xi32>
        %mul3A_4426 = arith.muli %add3A_1400, %mul3A_4425 : vector<16xi32>
        %add3A_4427 = arith.constant 3 : i32
        %add3A_4428 = vector.broadcast %add3A_4427 : i32 to vector<16xi32>
        %add3A_4429 = arith.addi %mul3A_4426, %add3A_4428 : vector<16xi32>
        %add3A_4430 = arith.addi %mul3A_1573, %and3A_4398 : vector<16xi32>
        %gather3A_4431 = tpu.vector_load_idx %arg16[%add3A_4429, %add3A_4430] : memref<256x128xf32, #tpu.memory_space<vmem>>[vector<16xi32>, vector<16xi32>], vector<16xf32>,
        %add3A_4432 = arith.addf %add3A_4423, %gather3A_4431 : vector<16xf32>
        %mul3A_4433 = arith.constant 5 : i32
        %mul3A_4434 = vector.broadcast %mul3A_4433 : i32 to vector<16xi32>
        %mul3A_4435 = arith.muli %add3A_1400, %mul3A_4434 : vector<16xi32>
        %add3A_4436 = arith.addi %mul3A_1609, %and3A_4398 : vector<16xi32>
        %gather3A_4437 = tpu.vector_load_idx %arg17[%mul3A_4435, %add3A_4436] : memref<320x128xf32, #tpu.memory_space<vmem>>[vector<16xi32>, vector<16xi32>], vector<16xf32>,
        %mul3A_4438 = arith.constant 5 : i32
        %mul3A_4439 = vector.broadcast %mul3A_4438 : i32 to vector<16xi32>
        %mul3A_4440 = arith.muli %add3A_1400, %mul3A_4439 : vector<16xi32>
        %add3A_4441 = arith.constant 1 : i32
        %add3A_4442 = vector.broadcast %add3A_4441 : i32 to vector<16xi32>
        %add3A_4443 = arith.addi %mul3A_4440, %add3A_4442 : vector<16xi32>
        %add3A_4444 = arith.addi %mul3A_1645, %and3A_4398 : vector<16xi32>
        %gather3A_4445 = tpu.vector_load_idx %arg17[%add3A_4443, %add3A_4444] : memref<320x128xf32, #tpu.memory_space<vmem>>[vector<16xi32>, vector<16xi32>], vector<16xf32>,
        %add3A_4446 = arith.addf %gather3A_4437, %gather3A_4445 : vector<16xf32>
        %mul3A_4447 = arith.constant 5 : i32
        %mul3A_4448 = vector.broadcast %mul3A_4447 : i32 to vector<16xi32>
        %mul3A_4449 = arith.muli %add3A_1400, %mul3A_4448 : vector<16xi32>
        %add3A_4450 = arith.constant 2 : i32
        %add3A_4451 = vector.broadcast %add3A_4450 : i32 to vector<16xi32>
        %add3A_4452 = arith.addi %mul3A_4449, %add3A_4451 : vector<16xi32>
        %add3A_4453 = arith.addi %mul3A_1681, %and3A_4398 : vector<16xi32>
        %gather3A_4454 = tpu.vector_load_idx %arg17[%add3A_4452, %add3A_4453] : memref<320x128xf32, #tpu.memory_space<vmem>>[vector<16xi32>, vector<16xi32>], vector<16xf32>,
        %add3A_4455 = arith.addf %add3A_4446, %gather3A_4454 : vector<16xf32>
        %mul3A_4456 = arith.constant 5 : i32
        %mul3A_4457 = vector.broadcast %mul3A_4456 : i32 to vector<16xi32>
        %mul3A_4458 = arith.muli %add3A_1400, %mul3A_4457 : vector<16xi32>
        %add3A_4459 = arith.constant 3 : i32
        %add3A_4460 = vector.broadcast %add3A_4459 : i32 to vector<16xi32>
        %add3A_4461 = arith.addi %mul3A_4458, %add3A_4460 : vector<16xi32>
        %add3A_4462 = arith.addi %mul3A_1717, %and3A_4398 : vector<16xi32>
        %gather3A_4463 = tpu.vector_load_idx %arg17[%add3A_4461, %add3A_4462] : memref<320x128xf32, #tpu.memory_space<vmem>>[vector<16xi32>, vector<16xi32>], vector<16xf32>,
        %add3A_4464 = arith.addf %add3A_4455, %gather3A_4463 : vector<16xf32>
        %mul3A_4465 = arith.constant 5 : i32
        %mul3A_4466 = vector.broadcast %mul3A_4465 : i32 to vector<16xi32>
        %mul3A_4467 = arith.muli %add3A_1400, %mul3A_4466 : vector<16xi32>
        %add3A_4468 = arith.constant 4 : i32
        %add3A_4469 = vector.broadcast %add3A_4468 : i32 to vector<16xi32>
        %add3A_4470 = arith.addi %mul3A_4467, %add3A_4469 : vector<16xi32>
        %add3A_4471 = arith.addi %mul3A_1753, %and3A_4398 : vector<16xi32>
        %gather3A_4472 = tpu.vector_load_idx %arg17[%add3A_4470, %add3A_4471] : memref<320x128xf32, #tpu.memory_space<vmem>>[vector<16xi32>, vector<16xi32>], vector<16xf32>,
        %add3A_4473 = arith.addf %add3A_4464, %gather3A_4472 : vector<16xf32>
        %mul3A_4474 = arith.mulf %gather3A_4400, %add3A_4432 : vector<16xf32>
        %add3A_4475 = arith.addf %add3A_4390, %mul3A_4474 : vector<16xf32>
        %mul3A_4476 = arith.mulf %gather3A_4400, %add3A_4473 : vector<16xf32>
        %add3A_4477 = arith.addf %add3A_4392, %mul3A_4476 : vector<16xf32>
        %mul3A_4478 = arith.constant 16 : i32
        %mul3A_4479 = arith.muli %scan3A_1395, %mul3A_4478 : i32
        %swap3A_4480 = arith.index_cast %mul3A_4479 : i32 to index
        %swap3A_4481 = tpu.vector_load %arg18[%swap3A_4480] {strides = array<i32>} : memref<64xf32, #tpu.memory_space<vmem>>, vector<16xf32>,
        tpu.vector_store %arg18[%swap3A_4480], %add3A_4475 {strides = array<i32>} : memref<64xf32, #tpu.memory_space<vmem>>, vector<16xf32>,
        %mul3A_4482 = arith.constant 16 : i32
        %mul3A_4483 = arith.muli %scan3A_1395, %mul3A_4482 : i32
        %swap3A_4484 = arith.index_cast %mul3A_4483 : i32 to index
        %swap3A_4485 = tpu.vector_load %arg19[%swap3A_4484] {strides = array<i32>} : memref<64xf32, #tpu.memory_space<vmem>>, vector<16xf32>,
        tpu.vector_store %arg19[%swap3A_4484], %add3A_4477 {strides = array<i32>} : memref<64xf32, #tpu.memory_space<vmem>>, vector<16xf32>,
        %scan3A_4486 = arith.constant 0 : i32
        scf.yield %scan3A_4486 : i32
      }
      %scan3A_1393 = arith.constant 4 : i32
      "tpu.region"() ({
        %run_scoped3A = tpu.sem_alloc : memref<!tpu.dma_semaphore, #tpu.memory_space<semaphore_mem>>
        %dma_start3A_1395 = tpu.memref_slice %arg7[%add3A_13] : memref<16384xf32, #tpu.memory_space<hbm>> -> memref<64xf32, #tpu.memory_space<hbm>>
        %dma_start3A_1396 = tpu.memref_slice %arg7[%add3A_13] : memref<16384xf32, #tpu.memory_space<hbm>> -> memref<64xf32, #tpu.memory_space<hbm>>
        tpu.enqueue_dma source(%arg18 : memref<64xf32, #tpu.memory_space<vmem>>) target(%dma_start3A_1396 : memref<64xf32, #tpu.memory_space<hbm>>) target_semaphore(%run_scoped3A : memref<!tpu.dma_semaphore, #tpu.memory_space<semaphore_mem>>)
        %dma_wait3A_1397 = tpu.memref_slice %arg7[%add3A_13] : memref<16384xf32, #tpu.memory_space<hbm>> -> memref<64xf32, #tpu.memory_space<hbm>>
        %dma_wait3A_1398 = tpu.memref_slice %arg7[%add3A_13] : memref<16384xf32, #tpu.memory_space<hbm>> -> memref<64xf32, #tpu.memory_space<hbm>>
        tpu.wait_dma2 semaphore(%run_scoped3A : memref<!tpu.dma_semaphore, #tpu.memory_space<semaphore_mem>>) src(%arg18 : memref<64xf32, #tpu.memory_space<vmem>>) dst(%dma_wait3A_1398 : memref<64xf32, #tpu.memory_space<hbm>>)
        tpu.yield
      }) : () -> ()
      "tpu.region"() ({
        %run_scoped3A = tpu.sem_alloc : memref<!tpu.dma_semaphore, #tpu.memory_space<semaphore_mem>>
        %dma_start3A_1395 = tpu.memref_slice %arg8[%add3A_13] : memref<16384xf32, #tpu.memory_space<hbm>> -> memref<64xf32, #tpu.memory_space<hbm>>
        %dma_start3A_1396 = tpu.memref_slice %arg8[%add3A_13] : memref<16384xf32, #tpu.memory_space<hbm>> -> memref<64xf32, #tpu.memory_space<hbm>>
        tpu.enqueue_dma source(%arg19 : memref<64xf32, #tpu.memory_space<vmem>>) target(%dma_start3A_1396 : memref<64xf32, #tpu.memory_space<hbm>>) target_semaphore(%run_scoped3A : memref<!tpu.dma_semaphore, #tpu.memory_space<semaphore_mem>>)
        %dma_wait3A_1397 = tpu.memref_slice %arg8[%add3A_13] : memref<16384xf32, #tpu.memory_space<hbm>> -> memref<64xf32, #tpu.memory_space<hbm>>
        %dma_wait3A_1398 = tpu.memref_slice %arg8[%add3A_13] : memref<16384xf32, #tpu.memory_space<hbm>> -> memref<64xf32, #tpu.memory_space<hbm>>
        tpu.wait_dma2 semaphore(%run_scoped3A : memref<!tpu.dma_semaphore, #tpu.memory_space<semaphore_mem>>) src(%arg19 : memref<64xf32, #tpu.memory_space<vmem>>) dst(%dma_wait3A_1398 : memref<64xf32, #tpu.memory_space<hbm>>)
        tpu.yield
      }) : () -> ()
      %scan3A_1394 = arith.constant 0 : i32
      scf.yield %scan3A_1394 : i32
    }
    %scan3A_6 = arith.constant 8 : i32
    return
  }
}

module attributes {stable_mosaic.version = 14 : i64} {
  func.func @body(%arg0: i32, %arg1: memref<32x4096xf32, #tpu.memory_space<vmem>>, %arg2: memref<32x4096xf32, #tpu.memory_space<vmem>>, %arg3: memref<32x4096xf32, #tpu.memory_space<vmem>>, %arg4: memref<32x4096xf32, #tpu.memory_space<vmem>>, %arg5: memref<4096x128xf32, #tpu.memory_space<vmem>>) attributes {dimension_semantics = [#tpu.dimension_semantics<arbitrary>], iteration_bounds = array<i64: 62>, scalar_prefetch = 0 : i64, scratch_operands = 0 : i64, tpu.core_type = #tpu.core_type<tc>, window_params = [{transform_indices = @transform_0, window_bounds = array<i64: 32, 4096>}, {transform_indices = @transform_1, window_bounds = array<i64: 32, 4096>}, {transform_indices = @transform_2, window_bounds = array<i64: 32, 4096>}, {transform_indices = @transform_3, window_bounds = array<i64: 32, 4096>}, {transform_indices = @transform_4, window_bounds = array<i64: 4096, 128>}]} {
    %get3A = arith.constant 0 : index
    %get3A_0 = arith.constant 0 : index
    %get3A_1 = vector.load %arg1[%get3A, %get3A_0] : memref<32x4096xf32, #tpu.memory_space<vmem>>, vector<32x4096xf32>
    %get3A_2 = arith.constant 0 : index
    %get3A_3 = arith.constant 0 : index
    %get3A_4 = vector.load %arg2[%get3A_2, %get3A_3] : memref<32x4096xf32, #tpu.memory_space<vmem>>, vector<32x4096xf32>
    %get3A_5 = arith.constant 0 : index
    %get3A_6 = arith.constant 0 : index
    %get3A_7 = vector.load %arg3[%get3A_5, %get3A_6] : memref<32x4096xf32, #tpu.memory_space<vmem>>, vector<32x4096xf32>
    %get3A_8 = arith.constant 0 : index
    %get3A_9 = arith.constant 0 : index
    %get3A_10 = vector.load %arg4[%get3A_8, %get3A_9] : memref<32x4096xf32, #tpu.memory_space<vmem>>, vector<32x4096xf32>
    %concatenate3A = tpu.concatenate %get3A_1, %get3A_4, %get3A_7, %get3A_10 in 0 : vector<32x4096xf32>, vector<32x4096xf32>, vector<32x4096xf32>, vector<32x4096xf32> -> vector<128x4096xf32>
    %iota3A = tpu.iota {dimensions = array<i32: 0>} : vector<128x128xi32>
    %iota3A_11 = tpu.iota {dimensions = array<i32: 1>} : vector<128x128xi32>
    %eq3A = arith.cmpi eq, %iota3A, %iota3A_11 : vector<128x128xi32>
    %convert_element_type3A = arith.extui %eq3A : vector<128x128xi1> to vector<128x128xi32>
    %convert_element_type3A_12 = arith.sitofp %convert_element_type3A : vector<128x128xi32> to vector<128x128xf32>
    %dot_general3A = arith.constant dense<0.000000e+00> : vector<4096x128xf32>
    %dot_general3A_13 = tpu.matmul %concatenate3A, %convert_element_type3A_12, %dot_general3A {dimension_numbers = #tpu.dot_dimension_numbers<[0], [0], [1], [1], [0, 1, 1, 1], [], []>, transpose_lhs_hint = false} : vector<128x4096xf32>, vector<128x128xf32>, vector<4096x128xf32> -> vector<4096x128xf32>
    %swap3A = arith.constant 0 : index
    %swap3A_14 = arith.constant 0 : index
    %swap3A_15 = vector.load %arg5[%swap3A, %swap3A_14] : memref<4096x128xf32, #tpu.memory_space<vmem>>, vector<4096x128xf32>
    tpu.vector_store %arg5[%swap3A, %swap3A_14], %dot_general3A_13 {strides = array<i32>} : memref<4096x128xf32, #tpu.memory_space<vmem>>, vector<4096x128xf32>,
    return
  }
  func.func @transform_0(%arg0: i32) -> (i32, i32) {
    %add3A = arith.constant 0 : i32
    %add3A_0 = arith.addi %add3A, %arg0 : i32
    %min3A = arith.constant 244 : i32
    %min3A_1 = arith.minsi %add3A_0, %min3A : i32
    %c0_i32 = arith.constant 0 : i32
    %c0_i32_2 = arith.constant 0 : i32
    return %c0_i32, %min3A_1 : i32, i32
  }
  func.func @transform_1(%arg0: i32) -> (i32, i32) {
    %add3A = arith.constant 62 : i32
    %add3A_0 = arith.addi %add3A, %arg0 : i32
    %min3A = arith.constant 244 : i32
    %min3A_1 = arith.minsi %add3A_0, %min3A : i32
    %c0_i32 = arith.constant 0 : i32
    %c0_i32_2 = arith.constant 0 : i32
    return %c0_i32, %min3A_1 : i32, i32
  }
  func.func @transform_2(%arg0: i32) -> (i32, i32) {
    %add3A = arith.constant 124 : i32
    %add3A_0 = arith.addi %add3A, %arg0 : i32
    %min3A = arith.constant 244 : i32
    %min3A_1 = arith.minsi %add3A_0, %min3A : i32
    %c0_i32 = arith.constant 0 : i32
    %c0_i32_2 = arith.constant 0 : i32
    return %c0_i32, %min3A_1 : i32, i32
  }
  func.func @transform_3(%arg0: i32) -> (i32, i32) {
    %add3A = arith.constant 186 : i32
    %add3A_0 = arith.addi %add3A, %arg0 : i32
    %min3A = arith.constant 244 : i32
    %min3A_1 = arith.minsi %add3A_0, %min3A : i32
    %c0_i32 = arith.constant 0 : i32
    %c0_i32_2 = arith.constant 0 : i32
    return %c0_i32, %min3A_1 : i32, i32
  }
  func.func @transform_4(%arg0: i32) -> (i32, i32) {
    %c0_i32 = arith.constant 0 : i32
    %c0_i32_0 = arith.constant 0 : i32
    return %arg0, %c0_i32 : i32, i32
  }
}

module attributes {stable_mosaic.version = 14 : i64} {
  func.func @body(%arg0: memref<128x128xf32, #tpu.memory_space<vmem>>, %arg1: memref<128x128xf32, #tpu.memory_space<vmem>>, %arg2: memref<1x1xf32, #tpu.memory_space<smem>>) attributes {dimension_semantics = [], scalar_prefetch = 0 : i64, scratch_operands = 0 : i64, tpu.core_type = #tpu.core_type<tc>} {
    %get3A = arith.constant 0 : index
    %get3A_0 = arith.constant 0 : index
    %get3A_1 = vector.load %arg1[%get3A, %get3A_0] : memref<128x128xf32, #tpu.memory_space<vmem>>, vector<128x128xf32>
    %min3A = arith.constant 0.000000e+00 : f32
    %min3A_2 = vector.broadcast %min3A : f32 to vector<128x128xf32>
    %min3A_3 = arith.minimumf %get3A_1, %min3A_2 : vector<128x128xf32>
    %abs3A = math.absf %get3A_1 : vector<128x128xf32>
    %neg3A = arith.constant 0.000000e+00 : f32
    %neg3A_4 = vector.broadcast %neg3A : f32 to vector<128x128xf32>
    %neg3A_5 = arith.subf %neg3A_4, %abs3A : vector<128x128xf32>
    %exp3A = math.exp %neg3A_5 : vector<128x128xf32>
    %log1p3A = math.log1p %exp3A : vector<128x128xf32>
    %sub3A = arith.subf %min3A_3, %log1p3A : vector<128x128xf32>
    %get3A_6 = arith.constant 0 : index
    %get3A_7 = arith.constant 0 : index
    %get3A_8 = vector.load %arg0[%get3A_6, %get3A_7] : memref<128x128xf32, #tpu.memory_space<vmem>>, vector<128x128xf32>
    %min3A_9 = arith.constant 0.000000e+00 : f32
    %min3A_10 = vector.broadcast %min3A_9 : f32 to vector<128x128xf32>
    %min3A_11 = arith.minimumf %get3A_8, %min3A_10 : vector<128x128xf32>
    %abs3A_12 = math.absf %get3A_8 : vector<128x128xf32>
    %neg3A_13 = arith.constant 0.000000e+00 : f32
    %neg3A_14 = vector.broadcast %neg3A_13 : f32 to vector<128x128xf32>
    %neg3A_15 = arith.subf %neg3A_14, %abs3A_12 : vector<128x128xf32>
    %exp3A_16 = math.exp %neg3A_15 : vector<128x128xf32>
    %log1p3A_17 = math.log1p %exp3A_16 : vector<128x128xf32>
    %sub3A_18 = arith.subf %min3A_11, %log1p3A_17 : vector<128x128xf32>
    %sub3A_19 = arith.subf %sub3A, %sub3A_18 : vector<128x128xf32>
    %reduce_sum3A = vector.shape_cast %sub3A_19 : vector<128x128xf32> to vector<1x128x128xf32>
    %reduce_sum3A_20 = arith.constant dense<0.000000e+00> : vector<1xf32>
    %reduce_sum3A_21 = vector.multi_reduction <add>, %reduce_sum3A, %reduce_sum3A_20 [1, 2] : vector<1x128x128xf32> to vector<1xf32>
    %reduce_sum3A_22 = vector.shape_cast %reduce_sum3A_21 : vector<1xf32> to vector<1x1x1xf32>
    %reduce_sum3A_23 = vector.extract %reduce_sum3A_22[0, 0, 0] : f32 from vector<1x1x1xf32>
    %mul3A = arith.constant 6.10351563E-5 : f32
    %mul3A_24 = arith.mulf %reduce_sum3A_23, %mul3A : f32
    %swap3A = arith.constant 0 : index
    %swap3A_25 = arith.constant 0 : index
    %swap3A_26 = memref.load %arg2[%swap3A, %swap3A_25] : memref<1x1xf32, #tpu.memory_space<smem>>
    memref.store %mul3A_24, %arg2[%swap3A, %swap3A_25] : memref<1x1xf32, #tpu.memory_space<smem>>
    return
  }
}

</mosaic_0001>

<sc_bundles>
// kernel: kernel.6.cloned.1.call-start
scs
__scs_entry_jumppad:
0x0: {  	(pc) =	sbr.rel $0x88, $3  }
0x1: {  	(tag) =	ssettag $0x0;
	lr =	simm.s32 $0x1  }
0x2: {  	[smem:$0x3F9C] =	sst lr;
	_ =	strace $0xD0000000  }
0x3: {  	_ = 	snop  }
0x4: {  	_ = 	snop  }
0x5: {  	_ = 	snop  }
0x6: {  	_ = 	snop  }
0x7: {  	_ = 	snop  }
__scs_overlays_trampoline_lowered:
0x8: {  	[smem:$0x3FAB] =	sst s0  }
0x9: {  	[smem:$0x3FAC] =	sst s1  }
0xa: {  	[smem:$0x3FAD] =	sst s2  }
0xb: {  	[smem:$0x3FAE] =	sst s3  }
0xc: {  	[smem:$0x3FAF] =	sst s4  }
0xd: {  	[smem:$0x3FB0] =	sst s5  }
0xe: {  	[smem:$0x3FB1] =	sst s6  }
0xf: {  	[smem:$0x3FB2] =	sst s7  }
0x10: {  	[smem:$0x3FB3] =	sst s8  }
0x11: {  	[smem:$0x3FB4] =	sst s9;
	s0 =	simm.s32 @!p0 $0x0  }
0x12: {  	s1 =	sld [smem:$0x3F9A];
	s0 =	simm.s32 @p0 $0x1  }
0x13: {  	[smem:$0x3FB5] =	sst s0;
	s0 =	simm.s32 @!p1 $0x0  }
0x14: {  	s2 =	sld [smem:$0x3F99];
	s0 =	simm.s32 @p1 $0x1  }
0x15: {  	[smem:$0x3FB6] =	sst s0;
	s0 =	simm.s32 @!p2 $0x0  }
0x16: {  	s3 =	sld [smem:$0x3FDB];
	s0 =	simm.s32 @p2 $0x1  }
0x17: {  	s4 =	simm.s32 $0x1BF5;
	[smem:$0x3FB8] =	sst s0  }
0x18: {  	s0 =	sld [smem:$0x3F9B];
	_ =	swait.ge [sflag:s4], $0x0  }
0x19: {  	s7 =	sld [smem:$0x3F9C]  }
0x1a: {  	s8 =	sadd.s32 $0xFFFFE003, lr  }
0x1b: {  	s9 =	sadd.s32 $0xFFFFFEF7, lr;
	s5 =	simm.s32 $0xFFFFFFFF;
	p2 =	slt.u32 s8, $0xFFFFF086  }
0x1c: {  	p1 =	slt.u32 s9, $0xF7A;
	s5 =	simm.s32 @!p2 $0x0  }
0x1d: {  	s5 =	simm.s32 @p1 $0x1;
	p0 =	seq.s32 s7, s2  }
0x1e: {  	s7 =	smul.u32 @!p0 $0xF7A, s2;
	p2 =	seq.s32 @!p0 s5, $0x0  }
0x1f: {  	s9 =	smul.u32 $0xF7A, s1;
	s8 =	simm.s32 @!p0 $0x1BF5;
	p2 =	por !p2, p0  }
0x20: {  	[sflag:s8] =	ssyncset.s32 @!p0 $0xFFFFF086;
	s6 =	sadd.s32 @!p0 s3, s7;
	s7 =	simm.s32 @!p0 $0x108  }
0x21: {  	s3 =	sadd.s32 s3, s9;
	s6 =	sadd.s32 @!p0 $0x88, s6;
	s7 =	simm.s32 @p2 $0x1082  }
0x22: {  	[simem:s7], [sflag:s8] =	dma.local @!p0 [hbm:s6], $0xF7A  }
0x23: {  	s9 =	sor.u32 $0xD0000000, s2;
	s6 =	simm.s32 $0x108;
	_ =	swait.ge @!p0 [sflag:s8], $0x0  }
0x24: {  	s3 =	sadd.s32 $0x88, s3;
	s6 =	simm.s32 @!p1 $0x1082;
	[sflag:s4] =	ssyncset.s32 $0xFFFFF086  }
0x25: {  	[simem:s6], [sflag:s4] =	dma.local [hbm:s3], $0xF7A  }
0x26: {  	[smem:$0x3F9C] =	sst s1;
	(tag) =	ssettag s2;
	_ =	strace s9  }
0x27: {  	s1 =	sld [smem:$0x3FAC]  }
0x28: {  	s2 =	sld [smem:$0x3FAD]  }
0x29: {  	s4 =	sld [smem:$0x3FAF]  }
0x2a: {  	p0 =	seq.s32 s5, $0x0;
	s5 =	sld [smem:$0x3FB0]  }
0x2b: {  	s6 =	sld [smem:$0x3FB1]  }
0x2c: {  	s7 =	sld [smem:$0x3FB2]  }
0x2d: {  	s3 =	simm.s32 $0x108;
	s8 =	sld [smem:$0x3FB3]  }
0x2e: {  	s3 =	simm.s32 @!p0 $0x1082;
	s9 =	sld [smem:$0x3FB4]  }
0x2f: {  	lr =	sadd.s32 s0, s3;
	s0 =	sld [smem:$0x3FAB]  }
0x30: {  	s3 =	sld [smem:$0x3FAE]  }
0x31: {  	[smem:$0x3FB7] =	sst s10  }
0x32: {  	s10 =	sld [smem:$0x3FB5];
	_ =	sdelay $0x3  }
0x33: {  	p0 =	seq.s32 s10, $0x1;
	s10 =	sld [smem:$0x3FB7];
	_ =	sdelay $0x3  }
0x34: {  	[smem:$0x3FB7] =	sst s10  }
0x35: {  	s10 =	sld [smem:$0x3FB6];
	_ =	sdelay $0x3  }
0x36: {  	p1 =	seq.s32 s10, $0x1;
	s10 =	sld [smem:$0x3FB7];
	_ =	sdelay $0x3  }
0x37: {  	[smem:$0x3FB7] =	sst s10  }
0x38: {  	s10 =	sld [smem:$0x3FB8]  }
0x39: {  	_ = 	snop;
	(pc) =	sbr.ind lr, $3  }
0x3a: {  	_ = 	snop  }
0x3b: {  	_ = 	snop  }
0x3c: {  	p2 =	seq.s32 s10, $0x1;
	s10 =	sld [smem:$0x3FB7]  }
0x3d: {  	_ =	shalt  }
0x3e: {  	_ =	shalt  }
0x3f: {  	_ =	shalt  }
0x40: {  	_ =	shalt  }
0x41: {  	_ =	shalt  }
0x42: {  	_ =	shalt  }
0x43: {  	_ =	shalt  }
0x44: {  	_ =	shalt  }
0x45: {  	_ =	shalt  }
0x46: {  	_ =	shalt  }
0x47: {  	_ =	shalt  }
0x48: {  	_ =	shalt  }
0x49: {  	_ =	shalt  }
0x4a: {  	_ =	shalt  }
0x4b: {  	_ =	shalt  }
0x4c: {  	_ =	shalt  }
0x4d: {  	_ =	shalt  }
0x4e: {  	_ =	shalt  }
0x4f: {  	_ =	shalt  }
0x50: {  	_ =	shalt  }
0x51: {  	_ =	shalt  }
0x52: {  	_ =	shalt  }
0x53: {  	_ =	shalt  }
0x54: {  	_ =	shalt  }
0x55: {  	_ =	shalt  }
0x56: {  	_ =	shalt  }
0x57: {  	_ =	shalt  }
0x58: {  	_ =	shalt  }
0x59: {  	_ =	shalt  }
0x5a: {  	_ =	shalt  }
0x5b: {  	_ =	shalt  }
0x5c: {  	_ =	shalt  }
0x5d: {  	_ =	shalt  }
0x5e: {  	_ =	shalt  }
0x5f: {  	_ =	shalt  }
0x60: {  	_ =	shalt  }
0x61: {  	_ =	shalt  }
0x62: {  	_ =	shalt  }
0x63: {  	_ =	shalt  }
0x64: {  	_ =	shalt  }
0x65: {  	_ =	shalt  }
0x66: {  	_ =	shalt  }
0x67: {  	_ =	shalt  }
0x68: {  	_ =	shalt  }
0x69: {  	_ =	shalt  }
0x6a: {  	_ =	shalt  }
0x6b: {  	_ =	shalt  }
0x6c: {  	_ =	shalt  }
0x6d: {  	_ =	shalt  }
0x6e: {  	_ =	shalt  }
0x6f: {  	_ =	shalt  }
0x70: {  	_ =	shalt  }
0x71: {  	_ =	shalt  }
0x72: {  	_ =	shalt  }
0x73: {  	_ =	shalt  }
0x74: {  	_ =	shalt  }
0x75: {  	_ =	shalt  }
0x76: {  	_ =	shalt  }
0x77: {  	_ =	shalt  }
0x78: {  	_ =	shalt  }
0x79: {  	_ =	shalt  }
0x7a: {  	_ =	shalt  }
0x7b: {  	_ =	shalt  }
0x7c: {  	_ =	shalt  }
0x7d: {  	_ =	shalt  }
0x7e: {  	_ =	shalt  }
0x7f: {  	_ =	shalt  }
0x80: {  	_ =	shalt  }
0x81: {  	_ =	shalt  }
0x82: {  	_ =	shalt  }
0x83: {  	_ =	shalt  }
0x84: {  	_ =	shalt  }
0x85: {  	_ =	shalt  }
0x86: {  	_ =	shalt  }
0x87: {  	_ =	shalt  }
.Lfunc_end0:
.L_simem_size_0:
called_computation_lowered:
.L_overlay_start_0:
0x88: {  	s2 =	sld [smem:$0x3FD9]  }
0x89: {  	s3 =	sld [smem:$0x3FFE];
	_ =	sdelay $0x1  }
0x8a: {  	s1 =	srdreg.scid  }
0x8b: {  	s0 =	sand.u32 $0x1, s1  }
0x8c: {  	s17 =	sshll.u32 s0, $0xA;
	s2 =	sadd.s32 s3, s2  }
0x8d: {  	s2 =	sadd.s32 s2, s17  }
0x8e: {  	[smem:$0x3FC3] =	sst s2  }
0x8f: {  	_ = 	snop  }
0x90: {  	s2 =	sld [smem:$0x3FC9];
	(tm) =	ssettm $0x1  }
0x91: {  	s18 =	sld [smem:$0x3FFB];
	_ =	sdelay $0x3  }
0x92: {  	_ =	strace s18  }
0x93: {  	s3 =	sld [smem:$0x3FFC];
	_ =	sdelay $0x3  }
0x94: {  	_ =	strace s3  }
0x95: {  	s3 =	sld [smem:$0x3FFD];
	_ =	sdelay $0x3  }
0x96: {  	_ =	strace s3  }
0x97: {  	_ =	strace $0x8FFFFFFF  }
0x98: {  	s19 =	sld [smem:$0x3FDB];
	_ =	sdelay $0x1  }
0x99: {  	s4 =	simm.s32 $_scs_section_size  }
0x9a: {  	s5 =	simm.s32 $_size__tile_overlayer_lowered;
	s6 =	simm.s32 $_tile_overlayer_lowered  }
0x9b: {  	s22 =	simm.s32 $0x1BFF;
	s21 =	sshll.u32 s6, $0x1;
	s3 =	sadd.s32 s4, s19  }
0x9c: {  	s7 =	simm.s32 $0x0;
	s20 =	sshll.u32 s5, $0x1;
	s5 =	sadd.s32 s21, s3  }
0x9d: {  	[timem:s7], [sflag:s22] =	dma.local [hbm:s5], s20  }
0x9e: {  	_ =	swait.ge [sflag:s22], s20  }
0x9f: {  	s4 =	ssub.s32 $0x0, s20;
	[sflag:s22] =	ssyncset.done $0x0  }
0xa0: {  	[sflag:s22] =	ssyncadd.s32 s4;
	_ =	sdelay $0x1  }
0xa1: {  	s23 =	simm.s32 $0x1B8B  }
0xa2: {  	_ =	swait.ge [sflag:s23], $0x1  }
0xa3: {  	[sflag:s23] =	ssyncset.done $0x0  }
0xa4: {  	s25 =	simm.s32 $0x1B8E;
	s24 =	sld [smem:$0x3FFE];
	[sflag:s23] =	ssyncadd.s32 $0xFFFFFFFF  }
0xa5: {  	s26 =	simm.s32 $execute0_lowered;
	[smem:$0x3FD2] =	sst s25  }
0xa6: {  	s5 =	sshll.u32 s26, $0x1;
	_ =	strace $0x80000046;
	[dreg:$0x1] =	wrdreg $0xFFFFFFFF  }
0xa7: {  	s28 =	simm.s32 $_size_execute0_lowered;
	s3 =	sadd.s32 s3, s5;
	[dreg:$0x0] =	wrdreg $0x0  }
0xa8: {  	s5 =	sshll.u32 s28, $0x1;
	[dreg:$0x2] =	wrdreg s3  }
0xa9: {  	[dreg:$0x3] =	wrdreg s5  }
0xaa: {  	[dreg:$0x4] =	wrdreg $0xC0  }
0xab: {  	_ =	task [dreg:s7], $0x5FFFF  }
0xac: {  	[dreg:$0x1] =	wrdreg $0xFFFFFFFF  }
0xad: {  	[dreg:$0x0] =	wrdreg $0x60  }
0xae: {  	[dreg:$0x2] =	wrdreg s24  }
0xaf: {  	[dreg:$0x3] =	wrdreg s2  }
0xb0: {  	[dreg:$0x4] =	wrdreg $0x9  }
0xb1: {  	_ =	task.clear_ibuf [dreg:s7], $0x5FFFF;
	_ =	strace $0x90000046  }
0xb2: {  	s29 =	simm.s32 $0x9;
	_ =	strace $0x80000048  }
0xb3: {  	_ =	swait.ge [sflag:s29], $0x1  }
0xb4: {  	[sflag:s29] =	ssyncadd.s32 $0xFFFFFFFF  }
0xb5: {  	_ =	strace $0x90000048  }
0xb6: {  	_ =	sfence  }
0xb7: {  	s30 =	sld [smem:$0x0];
	_ =	sdelay $0x2  }
0xb8: {  	s31 =	sshll.u32 s1, $0xD;
	s1 =	sshrl.u32 s1, $0x2  }
0xb9: {  	s3 =	sand.u32 $0x4000, s31;
	s1 =	sadd.s32 s1, s30  }
0xba: {  	s0 =	sor.u32 s3, s0;
	s1 =	sshll.u32 s1, $0x11  }
0xbb: {  	s0 =	sor.u32 s1, s0  }
0xbc: {  	s0 =	sadd.s32 $0x8F2B, s0  }
0xbd: {  	[sflag:s0] =	ssyncadd.remote.s32 $0x1  }
0xbe: {  	_ =	sfence.sel $0xFFFF  }
0xbf: {  	[dreg:$0x0] =	wrdreg $0xFFFFFFFF;
	(pc) =	sbr.abs _section_cstart, $3  }
0xc0: {  	[dreg:$0x1] =	wrdreg $0xFFFFFFFF  }
0xc1: {  	_ =	task.clear_ibuf [dreg:s7], $0x2FFFF;
	_ =	strace $0x9FFFFFFF  }
0xc2: {  	(tm) =	ssettm $0x7FFFFFFF  }
0xc3: {  	_ =	shalt  }
tec
execute0_lowered:
.L_overlay_start_1:
0x0: {  	(tag) =	ssettag $0x1  }
0x1: {  	v28 =	vlaneseq.u32  }
0x2: {  	v0 =	vadd.s32 $0x9, v28  }
0x3: {  	v48 =	vimm.s32 $0x14131211;
	v39 =	vadd.s32 $0xA, v28;
	[tilespmem:$0x1FD70] =	vst v0  }
0x4: {  	v1 =	vimm.s32 $0x18171615;
	v2 =	vimm.s32 $0x1C1B1A19;
	v42 =	vadd.s32 $0xB, v28;
	[tilespmem:$0x1FD80] =	vst v39  }
0x5: {  	v49 =	vimm.s32 $0x1F1E1D;
	v50 =	vimm.s32 $0x15141312;
	v43 =	vadd.s32 $0xC, v28;
	[tilespmem:$0x1FD90] =	vst v42  }
0x6: {  	v3 =	vimm.s32 $0x19181716;
	vm0 =	vcmask $0x1F10;
	v44 =	vadd.s32 $0xD, v28;
	[tilespmem:$0x1FDA0] =	vst v43  }
0x7: {  	v52 =	vimm.s32 $0x1D1C1B1A;
	v58 =	vimm.s32 $0x1001F1E;
	v45 =	vadd.s32 $0xE, v28;
	[tilespmem:$0x1FDB0] =	vst v44  }
0x8: {  	v59 =	vimm.s32 $0x16151413;
	v60 =	vimm.s32 $0x1A191817;
	v46 =	vadd.s32 $0xF, v28;
	[tilespmem:$0x1FDC0] =	vst v45  }
0x9: {  	v12 =	vimm.s32 $0x1E1D1C1B;
	v47 =	vor.u32 $0x10, v28;
	v4 =	vunpack.c.0.s8.s32 v1;
	[tilespmem:$0x1FDD0] =	vst v46  }
0xa: {  	v13 =	vimm.s32 $0x3020100;
	v14 =	vimm.s32 $0x1F1E1D1C;
	v5 =	vunpack.c.0.s8.s32 v2;
	[tilespmem:$0x1FDE0] =	vst v47  }
0xb: {  	v15 =	vimm.s32 $0x201001F;
	v18 =	vimm.s32 $0x17161514;
	v6 =	vunpack.c.0.s8.s32 v3;
	[tilespmem:$0x1FDF0] =	vst v4  }
0xc: {  	v19 =	vimm.s32 $0x1B1A1918;
	v21 =	vimm.s32 $0x4030201;
	v56 =	vunpack.c.0.s8.s32 v52;
	[tilespmem:$0x1FE00] =	vst v5  }
0xd: {  	v22 =	vimm.s32 $0x87654321;
	v23 =	vimm.s32 $0x32107654;
	v7 =	vunpack.c.0.s8.s32 v60;
	[tilespmem:$0x1FE20] =	vst v6  }
0xe: {  	v25 =	vimm.s32 $0x5040302;
	v1 =	vunpack.c.0.s8.s32 v49;
	v16 =	vunpack.c.0.s8.s32 v12;
	[tilespmem:$0x1FE40] =	vst v56  }
0xf: {  	v2 =	vunpack.c.0.s8.s32 v50;
	v20 =	vunpack.c.0.s8.s32 v19;
	v0 =	vunpack.c.0.s8.s32 v48;
	[tilespmem:$0x1FE50] =	vst v7  }
0x10: {  	v63 =	vunpack.c.0.s8.s32 v59;
	v8 =	vunpack.c.0.s8.s32 v14;
	v51 =	vsel vm0, v1, v5;
	[tilespmem:$0x1FE70] =	vst v16  }
0x11: {  	[tilespmem:$0x1FE80] =	vst v20;
	v5 =	vunpack.c.l.s4.s8 v22;
	v0 =	vsel vm0, v4, v0;
	v4 =	vunpack.c.0.s8.s32 v13  }
0x12: {  	v54 =	vsel vm0, v6, v2;
	v2 =	vunpack.c.0.s8.s32 v18;
	[tilespmem:$0x1FEB0] =	vst v8;
	v0 =	vcombine.low v0, v51  }
0x13: {  	[tilespmem:$0x1FE30] =	vst v54;
	v26 =	vunpack.c.0.s8.s32 v5;
	v17 =	vsel vm0, v4, v8;
	v4 =	vunpack.c.0.s8.s32 v21  }
0x14: {  	v33 =	vimm.s32 $0x43218765;
	v2 =	vsel vm0, v20, v2;
	[tilespmem:$0x1FE10] =	vst v0;
	v0 =	vsel vm0, v7, v63  }
0x15: {  	[tilespmem:$0x1FE60] =	vst v0;
	v0 =	vcombine.low v2, v17;
	v24 =	vsel vm0, v4, v1;
	v2 =	vand.u32 $0xF, v26  }
0x16: {  	v34 =	vimm.s32 $0x6050403;
	s0 =	rddreg [dreg:$0x0];
	s2 =	simm.s32 $0x0;
	v6 =	vunpack.c.l.s4.s8 v23;
	[tilespmem:$0x1FEA0] =	vst v24;
	v2 =	vcombine.low v51, v2  }
0x17: {  	v9 =	vunpack.c.0.s8.s32 v58;
	v10 =	vunpack.c.0.s8.s32 v15;
	[smem:$0x7FF] =	sst s2;
	v45 =	vimm.s32 $0x76543210;
	[tilespmem:$0x1FE90] =	vst v0  }
0x18: {  	s1 =	rddreg [dreg:$0x1];
	v50 =	vunpack.c.l.s4.s8 v45;
	v32 =	vunpack.c.0.s8.s32 v6;
	v6 =	vunpack.c.0.s8.s32 v34;
	_ =	strace $0x80000047;
	[tilespmem:$0x1FEC0] =	vst v2  }
0x19: {  	vm2 =	vcmask $0x2F10;
	v35 =	vimm.s32 $0xB0A0908;
	v37 =	vimm.s32 $0x54329876;
	[tilespmem:$0x1FED0] =	vst v9  }
0x1a: {  	vm1 =	vcmask $0x3F30;
	v59 =	vunpack.c.0.s8.s32 v50;
	v52 =	vsel vm0, v6, v10;
	[tilespmem:$0x1FEF0] =	vst v10  }
0x1b: {  	v38 =	vadd.s32 $0x1, v28;
	v40 =	vadd.s32 $0x2, v28;
	v41 =	vadd.s32 $0x3, v28;
	[tilespmem:$0x1FF00] =	vst v52  }
0x1c: {  	v61 =	vadd.s32 $0x4, v28;
	v53 =	vadd.s32 $0x5, v28;
	v55 =	vadd.s32 $0x6, v28;
	[tilespmem:$0x1FF10] =	vst v59  }
0x1d: {  	v57 =	vadd.s32 $0x7, v28;
	v49 =	vimm.s32 $0xA9876543;
	v5 =	vunpack.c.l.s4.s8 v33;
	[tilespmem:$0x1FF40] =	vst v38  }
0x1e: {  	v62 =	vadd.s32 $0x8, v28;
	v39 =	vimm.s32 $0xC0B0A09;
	v43 =	vimm.s32 $0x6543A987;
	[tilespmem:$0x1FF50] =	vst v40  }
0x1f: {  	v44 =	vimm.s32 $0xD0C0B0A;
	v5 =	vunpack.c.0.s8.s32 v5;
	v4 =	vand.u32 $0xF, v32;
	[tilespmem:$0x1FF60] =	vst v41  }
0x20: {  	v48 =	vimm.s32 $0x98765432;
	v7 =	vunpack.c.0.s8.s32 v35;
	v4 =	vsel vm2, v4, v8;
	[tilespmem:$0x1FF70] =	vst v61  }
0x21: {  	s6 =	srdreg.scid;
	s11 =	stileid.u32;
	v5 =	vand.u32 $0xF, v5;
	v8 =	vunpack.c.l.s4.s8 v37;
	v51 =	vimm.s32 $0xE0D0C0B;
	[tilespmem:$0x1FF80] =	vst v53  }
0x22: {  	s12 =	simm.s32 $0x2;
	s13 =	simm.s32 $0x80;
	s14 =	simm.s32 $0x180;
	v0 =	vunpack.c.0.s8.s32 v25;
	v56 =	vsel vm1, v7, v4;
	v2 =	vunpack.c.0.s8.s32 v39;
	[tilespmem:$0x1FF90] =	vst v55  }
0x23: {  	s15 =	simm.s32 $0x40;
	s16 =	simm.s32 $0x300;
	s17 =	simm.s32 $0x600;
	v1 =	vsel vm2, v5, v1;
	v4 =	vunpack.c.l.s4.s8 v43;
	v42 =	vunpack.c.0.s8.s32 v8;
	[tilespmem:$0x1FFA0] =	vst v57  }
0x24: {  	s18 =	simm.s32 $0x100;
	s19 =	simm.s32 $0x380;
	s20 =	simm.s32 $0x2600;
	v5 =	vunpack.c.0.s8.s32 v44;
	[tilespmem:$0x1FFB0] =	vst v62;
	v58 =	vsel vm1, v2, v1;
	v1 =	vunpack.c.l.s4.s8 v49  }
0x25: {  	s21 =	simm.s32 $0x140;
	s22 =	simm.s32 $0x480;
	s23 =	simm.s32 $0xA600;
	[tilespmem:$0x1FFC0] =	vst v56;
	v47 =	vunpack.c.0.s8.s32 v4;
	v0 =	vsel vm0, v0, v9;
	v3 =	vand.u32 $0xF, v42  }
0x26: {  	s24 =	simm.s32 $0x1;
	s25 =	simm.s32 $0x14600;
	s26 =	simm.s32 $0x14680;
	[tilespmem:$0x1FEE0] =	vst v0;
	v46 =	vsel vm2, v3, v9;
	v3 =	vunpack.c.l.s4.s8 v48;
	v1 =	vunpack.c.0.s8.s32 v1  }
0x27: {  	s3 =	sadd.s32 $0x3E5400, s0;
	s4 =	sadd.s32 $0x5400, s0;
	s8 =	sand.u32 $0x1, s6;
	v2 =	vand.u32 $0xF, v47;
	[tilespmem:$0x1FFD0] =	vst v58;
	v54 =	vsel vm1, v5, v46;
	v5 =	vunpack.c.0.s8.s32 v51  }
0x28: {  	s5 =	sadd.s32 $0xC00, s0;
	s6 =	sadd.s32 $0x2C00, s0;
	s10 =	ssub.s32 $0x2, s8;
	v2 =	vsel vm2, v2, v10;
	v3 =	vunpack.c.0.s8.s32 v3;
	[tilespmem:$0x1FFE0] =	vst v54;
	v63 =	vand.u32 $0xF, v1  }
0x29: {  	s7 =	sadd.s32 $0x7C5400, s0;
	s9 =	sadd.s32 $0x7C5C00, s0;
	s30 =	sshrl.u32 s10, $0x1;
	v39 =	vsel vm1, v5, v2;
	[tilespmem:$0x1FF30] =	vst v63  }
0x2a: {  	s31 =	sshll.u32 s11, $0xA;
	s8 =	sshll.u32 s8, $0x9;
	s0 =	ssub.s32 s10, s30;
	v60 =	vand.u32 $0xF, v3;
	[tilespmem:$0x1FFF0] =	vst v39  }
0x2b: {  	v36 =	vimm.s32 $0x0;
	s28 =	simm.s32 $0x0;
	s10 =	sor.u32 s8, s31;
	s11 =	smax.u32 s0, $0x1;
	[tilespmem:$0x1FF20] =	vst v60  }
.LBB2_1:
0x2c: {  	s29 =	simm.s32 $0x0  }
.LBB2_2:
0x2d: {  	s0 =	sshll.u32 s29, $0x6  }
0x2e: {  	s0 =	sadd.s32 s10, s0  }
0x2f: {  	s30 =	sshrl.u32 s0, $0x3  }
0x30: {  	s31 =	simm.s32 $0x0;
	s8 =	sadd.s32 s1, s30  }
0x31: {  	[tilespmem:s31], [sflag:$0x2] =	stream.linear.gather [hbm4b:s8+s31], $0x40, $0x38;
	[tilespmem:$0x14700] =	vst v63  }
0x32: {  	_ =	swait.ge [sflag:s12], $0x40  }
0x33: {  	s8 =	sshrl.u32 s0, $0x1;
	[sflag:s12] =	ssyncset.done $0x0  }
0x34: {  	s0 =	smul.u32 $0x5, s0;
	s8 =	sadd.s32 s5, s8;
	[sflag:s12] =	ssyncadd.s32 $0xFFFFFFC0  }
0x35: {  	[tilespmem:s13], [sflag:$0x2] =	stream.linear.gather [hbm4b:s8+s31], $0x100, $0x38;
	[tilespmem:$0x14700] =	vst v63  }
0x36: {  	_ =	swait.ge [sflag:s12], $0x100  }
0x37: {  	s0 =	sshrl.u32 s0, $0x3;
	[sflag:s12] =	ssyncset.done $0x0  }
0x38: {  	s0 =	sadd.s32 s6, s0;
	[sflag:s12] =	ssyncadd.s32 $0xFFFFFF00  }
0x39: {  	[tilespmem:s14], [sflag:$0x2] =	stream.linear.gather [hbm4b:s0+s31], $0x140, $0x38;
	[tilespmem:$0x14700] =	vst v63  }
0x3a: {  	_ =	swait.ge [sflag:s12], $0x140  }
0x3b: {  	[sflag:s12] =	ssyncset.done $0x0  }
0x3c: {  	[sflag:s12] =	ssyncadd.s32 $0xFFFFFEC0  }
0x3d: {  	v0 =	vld [tilespmem:$0x0]  }
0x3e: {  	v1 =	vld [tilespmem:$0x10];
	_ =	sdelay $0x3  }
0x3f: {  	v2 =	vld [tilespmem:$0x20];
	vm1 =	vgt.s32 v0, $0x3DFFF  }
0x40: {  	vm2 =	vgt.s32 v1, $0x3DFFF;
	v3 =	vsel vm1, $0x1, v36;
	vm1 =	vgt.s32 v0, $0x7BFFF  }
0x41: {  	v6 =	vsel vm2, $0x1, v36;
	v4 =	vsel vm1, $0x1, v36;
	vm1 =	vgt.s32 v0, $0xB9FFF  }
0x42: {  	v5 =	vsel vm1, $0x1, v36;
	vm1 =	vgt.s32 v1, $0x7BFFF;
	v3 =	vadd.s32 v4, v3  }
0x43: {  	v7 =	vld [tilespmem:$0x30];
	v60 =	vsel vm1, $0x1, v36;
	vm1 =	vgt.s32 v1, $0xB9FFF;
	v3 =	vadd.s32 v5, v3  }
0x44: {  	v63 =	vsel vm1, $0x1, v36;
	vm1 =	vgt.s32 v2, $0x3DFFF;
	v3 =	vmul.u32 $0xFFFC2000, v3  }
0x45: {  	v4 =	vadd.s32 v60, v6;
	v8 =	vsel vm1, $0x1, v36;
	vm1 =	vgt.s32 v2, $0x7BFFF  }
0x46: {  	v9 =	vld [tilespmem:$0x80];
	v4 =	vadd.s32 v63, v4;
	v12 =	vsel vm1, $0x1, v36  }
0x47: {  	vm1 =	vgt.s32 v2, $0xB9FFF;
	v10 =	vmul.u32 $0xFFFC2000, v4;
	v4 =	vadd.s32 v0, v3  }
0x48: {  	v13 =	vsel vm1, $0x1, v36;
	vm1 =	vgt.s32 v7, $0x3DFFF;
	v6 =	vadd.s32 v12, v8  }
0x49: {  	v14 =	vsel vm1, $0x1, v36;
	vm1 =	vgt.s32 v7, $0x7BFFF;
	v5 =	vadd.s32 v13, v6  }
0x4a: {  	v11 =	vld [tilespmem:$0x90];
	v15 =	vsel vm1, $0x1, v36;
	vm1 =	vgt.s32 v7, $0xB9FFF;
	v18 =	vmul.u32 $0xFFFC2000, v5  }
0x4b: {  	v16 =	vadd.s32 v15, v14;
	v17 =	vsel vm1, $0x1, v36;
	vm1 =	vgt.s32 v9, $0x3DFFF  }
0x4c: {  	v19 =	vadd.s32 v17, v16;
	v21 =	vsel vm1, $0x1, v36;
	vm1 =	vgt.s32 v9, $0x7BFFF  }
0x4d: {  	v22 =	vld [tilespmem:$0xA0];
	v3 =	vadd.s32 v1, v10;
	v20 =	vmul.u32 $0xFFFC2000, v19;
	v23 =	vsel vm1, $0x1, v36  }
0x4e: {  	v0 =	vadd.s32 v2, v18;
	vm1 =	vgt.s32 v9, $0xB9FFF;
	v1 =	vadd.s32 v23, v21  }
0x4f: {  	v24 =	vsel vm1, $0x1, v36;
	vm1 =	vgt.s32 v11, $0x3DFFF;
	v2 =	vadd.s32 v7, v20  }
0x50: {  	v26 =	vld [tilespmem:$0xB0];
	v1 =	vadd.s32 v24, v1;
	v25 =	vsel vm1, $0x1, v36;
	vm1 =	vgt.s32 v11, $0x7BFFF  }
0x51: {  	v1 =	vmul.u32 $0xFFFC2000, v1;
	v32 =	vsel vm1, $0x1, v36;
	vm1 =	vgt.s32 v11, $0xB9FFF  }
0x52: {  	v5 =	vadd.s32 v32, v25;
	v33 =	vsel vm1, $0x1, v36;
	vm1 =	vgt.s32 v22, $0x3DFFF  }
0x53: {  	v12 =	vld [tilespmem:$0xC0];
	v5 =	vadd.s32 v33, v5;
	v34 =	vsel vm1, $0x1, v36;
	vm1 =	vgt.s32 v22, $0x7BFFF  }
0x54: {  	v6 =	vadd.s32 v9, v1;
	v13 =	vsel vm1, $0x1, v36;
	vm1 =	vgt.s32 v22, $0xB9FFF  }
0x55: {  	v5 =	vmul.u32 $0xFFFC2000, v5;
	v35 =	vsel vm1, $0x1, v36;
	vm1 =	vgt.s32 v26, $0x3DFFF  }
0x56: {  	v10 =	vadd.s32 v13, v34;
	v37 =	vsel vm1, $0x1, v36;
	vm1 =	vgt.s32 v26, $0x7BFFF  }
0x57: {  	v39 =	vld [tilespmem:$0xD0];
	v1 =	vadd.s32 v35, v10;
	v42 =	vsel vm1, $0x1, v36;
	vm1 =	vgt.s32 v26, $0xB9FFF  }
0x58: {  	v1 =	vmul.u32 $0xFFFC2000, v1;
	v43 =	vsel vm1, $0x1, v36;
	vm1 =	vgt.s32 v12, $0x3DFFF  }
0x59: {  	v5 =	vadd.s32 v11, v5;
	v9 =	vadd.s32 v42, v37;
	v14 =	vsel vm1, $0x1, v36  }
0x5a: {  	v15 =	vld [tilespmem:$0xE0];
	vm1 =	vgt.s32 v12, $0x7BFFF;
	v9 =	vadd.s32 v43, v9;
	v10 =	vadd.s32 v22, v1  }
0x5b: {  	v44 =	vsel vm1, $0x1, v36;
	vm1 =	vgt.s32 v12, $0xB9FFF;
	v9 =	vmul.u32 $0xFFFC2000, v9  }
0x5c: {  	v45 =	vsel vm1, $0x1, v36;
	vm1 =	vgt.s32 v39, $0x3DFFF;
	v13 =	vadd.s32 v44, v14  }
0x5d: {  	v16 =	vsel vm1, $0x1, v36;
	vm1 =	vgt.s32 v39, $0x7BFFF;
	v13 =	vadd.s32 v45, v13  }
0x5e: {  	v17 =	vld [tilespmem:$0xF0];
	v46 =	vsel vm1, $0x1, v36;
	vm1 =	vgt.s32 v39, $0xB9FFF;
	v48 =	vmul.u32 $0xFFFC2000, v13  }
0x5f: {  	v14 =	vadd.s32 v46, v16;
	v47 =	vsel vm1, $0x1, v36;
	vm1 =	vgt.s32 v15, $0x3DFFF  }
0x60: {  	v49 =	vadd.s32 v47, v14;
	v50 =	vsel vm1, $0x1, v36;
	vm1 =	vgt.s32 v15, $0x7BFFF  }
0x61: {  	v51 =	vld [tilespmem:$0x100];
	v9 =	vadd.s32 v26, v9;
	v8 =	vmul.u32 $0xFFFC2000, v49;
	v52 =	vsel vm1, $0x1, v36  }
0x62: {  	v7 =	vadd.s32 v12, v48;
	vm1 =	vgt.s32 v15, $0xB9FFF;
	v1 =	vadd.s32 v52, v50  }
0x63: {  	v54 =	vsel vm1, $0x1, v36;
	vm1 =	vgt.s32 v17, $0x3DFFF;
	v8 =	vadd.s32 v39, v8  }
0x64: {  	v58 =	vld [tilespmem:$0x110];
	v1 =	vadd.s32 v54, v1;
	v56 =	vsel vm1, $0x1, v36;
	vm1 =	vgt.s32 v17, $0x7BFFF  }
0x65: {  	v1 =	vmul.u32 $0xFFFC2000, v1;
	v59 =	vsel vm1, $0x1, v36;
	vm1 =	vgt.s32 v17, $0xB9FFF  }
0x66: {  	v11 =	vadd.s32 v59, v56;
	v60 =	vsel vm1, $0x1, v36;
	vm1 =	vgt.s32 v51, $0x3DFFF  }
0x67: {  	v18 =	vld [tilespmem:$0x120];
	v11 =	vadd.s32 v60, v11;
	v63 =	vsel vm1, $0x1, v36;
	vm1 =	vgt.s32 v51, $0x7BFFF  }
0x68: {  	v12 =	vadd.s32 v15, v1;
	v19 =	vsel vm1, $0x1, v36;
	vm1 =	vgt.s32 v51, $0xB9FFF  }
0x69: {  	v11 =	vmul.u32 $0xFFFC2000, v11;
	v24 =	vsel vm1, $0x1, v36;
	vm1 =	vgt.s32 v58, $0x3DFFF  }
0x6a: {  	v20 =	vld [tilespmem:$0x130];
	v16 =	vadd.s32 v19, v63;
	v25 =	vsel vm1, $0x1, v36;
	vm1 =	vgt.s32 v58, $0x7BFFF  }
0x6b: {  	v11 =	vadd.s32 v17, v11;
	v26 =	vsel vm1, $0x1, v36;
	vm1 =	vgt.s32 v58, $0xB9FFF  }
0x6c: {  	v1 =	vadd.s32 v24, v16;
	v32 =	vsel vm1, $0x1, v36;
	vm1 =	vgt.s32 v18, $0x3DFFF  }
0x6d: {  	v1 =	vmul.u32 $0xFFFC2000, v1;
	v33 =	vsel vm1, $0x1, v36;
	vm1 =	vgt.s32 v18, $0x7BFFF  }
0x6e: {  	v21 =	vld [tilespmem:$0x140];
	v15 =	vadd.s32 v26, v25;
	v34 =	vsel vm1, $0x1, v36;
	vm1 =	vgt.s32 v18, $0xB9FFF  }
0x6f: {  	v15 =	vadd.s32 v32, v15;
	v35 =	vsel vm1, $0x1, v36;
	vm1 =	vgt.s32 v20, $0x3DFFF  }
0x70: {  	v15 =	vmul.u32 $0xFFFC2000, v15;
	v17 =	vadd.s32 v34, v33;
	v22 =	vsel vm1, $0x1, v36  }
0x71: {  	vm1 =	vgt.s32 v20, $0x7BFFF;
	v16 =	vadd.s32 v35, v17;
	v17 =	vadd.s32 v51, v1  }
0x72: {  	v23 =	vld [tilespmem:$0x150];
	v37 =	vsel vm1, $0x1, v36;
	vm1 =	vgt.s32 v20, $0xB9FFF;
	v42 =	vmul.u32 $0xFFFC2000, v16  }
0x73: {  	v19 =	vadd.s32 v37, v22;
	v39 =	vsel vm1, $0x1, v36;
	vm1 =	vgt.s32 v21, $0x3DFFF  }
0x74: {  	v43 =	vadd.s32 v39, v19;
	v45 =	vsel vm1, $0x1, v36;
	vm1 =	vgt.s32 v21, $0x7BFFF  }
0x75: {  	v46 =	vld [tilespmem:$0x160];
	v15 =	vadd.s32 v58, v15;
	v44 =	vmul.u32 $0xFFFC2000, v43;
	v47 =	vsel vm1, $0x1, v36  }
0x76: {  	v13 =	vadd.s32 v18, v42;
	vm1 =	vgt.s32 v21, $0xB9FFF;
	v1 =	vadd.s32 v47, v45  }
0x77: {  	v48 =	vsel vm1, $0x1, v36;
	vm1 =	vgt.s32 v23, $0x3DFFF;
	v16 =	vadd.s32 v20, v44  }
0x78: {  	v50 =	vld [tilespmem:$0x170];
	v1 =	vadd.s32 v48, v1;
	v49 =	vsel vm1, $0x1, v36;
	vm1 =	vgt.s32 v23, $0x7BFFF  }
0x79: {  	v1 =	vmul.u32 $0xFFFC2000, v1;
	v51 =	vsel vm1, $0x1, v36;
	vm1 =	vgt.s32 v23, $0xB9FFF  }
0x7a: {  	v14 =	vadd.s32 v51, v49;
	v52 =	vsel vm1, $0x1, v36;
	vm1 =	vgt.s32 v46, $0x3DFFF  }
0x7b: {  	v24 =	vld [tilespmem:$0x180];
	v14 =	vadd.s32 v52, v14;
	v54 =	vsel vm1, $0x1, v36;
	vm1 =	vgt.s32 v46, $0x7BFFF  }
0x7c: {  	v19 =	vadd.s32 v21, v1;
	v26 =	vsel vm1, $0x1, v36;
	vm1 =	vgt.s32 v46, $0xB9FFF  }
0x7d: {  	v14 =	vmul.u32 $0xFFFC2000, v14;
	v56 =	vsel vm1, $0x1, v36;
	vm1 =	vgt.s32 v50, $0x3DFFF  }
0x7e: {  	v59 =	vld [tilespmem:$0x190];
	v22 =	vadd.s32 v26, v54;
	v58 =	vsel vm1, $0x1, v36;
	vm1 =	vgt.s32 v50, $0x7BFFF  }
0x7f: {  	v1 =	vadd.s32 v23, v14;
	v60 =	vsel vm1, $0x1, v36;
	vm1 =	vgt.s32 v50, $0xB9FFF  }
0x80: {  	v21 =	vadd.s32 v56, v22;
	v63 =	vsel vm1, $0x1, v36;
	vm1 =	vgt.s32 v24, $0x3DFFF  }
0x81: {  	v21 =	vmul.u32 $0xFFFC2000, v21;
	v27 =	vsel vm1, $0x1, v36;
	vm1 =	vgt.s32 v24, $0x7BFFF  }
0x82: {  	v25 =	vld [tilespmem:$0x1A0];
	v14 =	vadd.s32 v60, v58;
	v32 =	vsel vm1, $0x1, v36;
	vm1 =	vgt.s32 v24, $0xB9FFF  }
0x83: {  	v14 =	vadd.s32 v63, v14;
	v33 =	vsel vm1, $0x1, v36;
	vm1 =	vgt.s32 v59, $0x3DFFF  }
0x84: {  	v21 =	vadd.s32 v46, v21;
	v29 =	vsel vm1, $0x1, v36;
	vm1 =	vgt.s32 v59, $0x7BFFF  }
0x85: {  	v14 =	vmul.u32 $0xFFFC2000, v14;
	v26 =	vadd.s32 v32, v27;
	v27 =	vsel vm1, $0x1, v36  }
0x86: {  	v22 =	vadd.s32 v33, v26;
	vm1 =	vgt.s32 v59, $0xB9FFF;
	v34 =	vadd.s32 v27, v29;
	v29 =	vld [tilespmem:$0x1B0]  }
0x87: {  	v35 =	vmul.u32 $0xFFFC2000, v22;
	v27 =	vsel vm1, $0x1, v36;
	vm1 =	vgt.s32 v25, $0x3DFFF  }
0x88: {  	v37 =	vadd.s32 v27, v34;
	v42 =	vsel vm1, $0x1, v36;
	vm1 =	vgt.s32 v25, $0x7BFFF  }
0x89: {  	v43 =	vld [tilespmem:$0x1C0];
	v20 =	vadd.s32 v50, v14;
	v39 =	vmul.u32 $0xFFFC2000, v37;
	v44 =	vsel vm1, $0x1, v36  }
0x8a: {  	v22 =	vadd.s32 v24, v35;
	vm1 =	vgt.s32 v25, $0xB9FFF;
	v14 =	vadd.s32 v44, v42  }
0x8b: {  	v45 =	vsel vm1, $0x1, v36;
	v18 =	vadd.s32 v59, v39;
	vm1 =	vgt.s32 v29, $0x3DFFF  }
0x8c: {  	v27 =	vld [tilespmem:$0x1D0];
	v14 =	vadd.s32 v45, v14;
	v46 =	vsel vm1, $0x1, v36;
	vm1 =	vgt.s32 v29, $0x7BFFF  }
0x8d: {  	v14 =	vmul.u32 $0xFFFC2000, v14;
	v47 =	vsel vm1, $0x1, v36;
	vm1 =	vgt.s32 v29, $0xB9FFF  }
0x8e: {  	v23 =	vadd.s32 v47, v46;
	v48 =	vsel vm1, $0x1, v36;
	vm1 =	vgt.s32 v43, $0x3DFFF  }
0x8f: {  	v31 =	vld [tilespmem:$0x1E0];
	v23 =	vadd.s32 v48, v23;
	v30 =	vsel vm1, $0x1, v36;
	vm1 =	vgt.s32 v43, $0x7BFFF  }
0x90: {  	v23 =	vmul.u32 $0xFFFC2000, v23;
	v32 =	vsel vm1, $0x1, v36;
	vm1 =	vgt.s32 v43, $0xB9FFF  }
0x91: {  	v24 =	vadd.s32 v25, v14;
	v49 =	vsel vm1, $0x1, v36;
	vm1 =	vgt.s32 v27, $0x3DFFF  }
0x92: {  	v23 =	vadd.s32 v29, v23;
	v50 =	vsel vm1, $0x1, v36;
	vm1 =	vgt.s32 v27, $0x7BFFF;
	v29 =	vld [tilespmem:$0x1F0]  }
0x93: {  	v30 =	vadd.s32 v32, v30;
	v51 =	vsel vm1, $0x1, v36;
	vm1 =	vgt.s32 v27, $0xB9FFF  }
0x94: {  	v14 =	vadd.s32 v49, v30;
	v30 =	vsel vm1, $0x1, v36;
	vm1 =	vgt.s32 v31, $0x3DFFF  }
0x95: {  	v14 =	vmul.u32 $0xFFFC2000, v14;
	v33 =	vsel vm1, $0x1, v36;
	vm1 =	vgt.s32 v31, $0x7BFFF  }
0x96: {  	v25 =	vadd.s32 v51, v50;
	v52 =	vsel vm1, $0x1, v36;
	vm1 =	vgt.s32 v31, $0xB9FFF  }
0x97: {  	v34 =	vld [tilespmem:$0x200];
	v25 =	vadd.s32 v30, v25;
	v30 =	vsel vm1, $0x1, v36;
	vm1 =	vgt.s32 v29, $0x3DFFF  }
0x98: {  	v25 =	vmul.u32 $0xFFFC2000, v25;
	v54 =	vsel vm1, $0x1, v36;
	vm1 =	vgt.s32 v29, $0x7BFFF  }
0x99: {  	v32 =	vadd.s32 v52, v33;
	v56 =	vsel vm1, $0x1, v36;
	vm1 =	vgt.s32 v29, $0xB9FFF  }
0x9a: {  	v35 =	vld [tilespmem:$0x210];
	v30 =	vadd.s32 v30, v32;
	v32 =	vadd.s32 v56, v54;
	v58 =	vsel vm1, $0x1, v36  }
0x9b: {  	v14 =	vadd.s32 v43, v14;
	v30 =	vmul.u32 $0xFFFC2000, v30;
	v59 =	vadd.s32 v58, v32  }
0x9c: {  	v27 =	vadd.s32 v27, v25;
	vm1 =	vgt.s32 v34, $0x3DFFF;
	v26 =	vmul.u32 $0xFFFC2000, v59  }
0x9d: {  	v25 =	vadd.s32 v31, v30;
	v30 =	vsel vm1, $0x1, v36;
	vm1 =	vgt.s32 v34, $0x7BFFF;
	v31 =	vld [tilespmem:$0x220]  }
0x9e: {  	v26 =	vadd.s32 v29, v26;
	v29 =	vsel vm1, $0x1, v36;
	vm1 =	vgt.s32 v34, $0xB9FFF  }
0x9f: {  	v29 =	vadd.s32 v29, v30;
	v30 =	vsel vm1, $0x1, v36;
	vm1 =	vgt.s32 v35, $0x3DFFF  }
0xa0: {  	[tilespmem:$0x300] =	vst v4;
	v60 =	vadd.s32 v30, v29;
	v29 =	vsel vm1, $0x1, v36;
	vm1 =	vgt.s32 v35, $0x7BFFF;
	v30 =	vld [tilespmem:$0x230]  }
0xa1: {  	[tilespmem:$0x310] =	vst v3;
	v63 =	vmul.u32 $0xFFFC2000, v60;
	v32 =	vsel vm1, $0x1, v36;
	vm1 =	vgt.s32 v35, $0xB9FFF  }
0xa2: {  	[tilespmem:$0x320] =	vst v0;
	v33 =	vadd.s32 v32, v29;
	v37 =	vsel vm1, $0x1, v36;
	vm1 =	vgt.s32 v31, $0x3DFFF  }
0xa3: {  	[tilespmem:$0x330] =	vst v2;
	v42 =	vld [tilespmem:$0x240];
	v0 =	vadd.s32 v37, v33;
	v39 =	vsel vm1, $0x1, v36;
	vm1 =	vgt.s32 v31, $0x7BFFF  }
0xa4: {  	[tilespmem:$0x380] =	vst v6;
	v3 =	vadd.s32 v34, v63;
	v43 =	vsel vm1, $0x1, v36;
	vm1 =	vgt.s32 v31, $0xB9FFF  }
0xa5: {  	[tilespmem:$0x390] =	vst v5;
	v0 =	vmul.u32 $0xFFFC2000, v0;
	v44 =	vsel vm1, $0x1, v36;
	vm1 =	vgt.s32 v30, $0x3DFFF  }
0xa6: {  	[tilespmem:$0x3A0] =	vst v10;
	v2 =	vadd.s32 v43, v39;
	v45 =	vsel vm1, $0x1, v36;
	vm1 =	vgt.s32 v30, $0x7BFFF  }
0xa7: {  	[tilespmem:$0x3B0] =	vst v9;
	v29 =	vld [tilespmem:$0x250];
	v2 =	vadd.s32 v44, v2;
	v46 =	vsel vm1, $0x1, v36;
	vm1 =	vgt.s32 v30, $0xB9FFF  }
0xa8: {  	[tilespmem:$0x3C0] =	vst v7;
	v2 =	vmul.u32 $0xFFFC2000, v2;
	v47 =	vsel vm1, $0x1, v36;
	vm1 =	vgt.s32 v42, $0x3DFFF  }
0xa9: {  	[tilespmem:$0x3D0] =	vst v8;
	v0 =	vadd.s32 v35, v0;
	v6 =	vadd.s32 v46, v45;
	v48 =	vsel vm1, $0x1, v36  }
0xaa: {  	[tilespmem:$0x3E0] =	vst v12;
	v51 =	vld [tilespmem:$0x260];
	vm1 =	vgt.s32 v42, $0x7BFFF;
	v5 =	vadd.s32 v47, v6;
	v2 =	vadd.s32 v31, v2  }
0xab: {  	[tilespmem:$0x3F0] =	vst v11;
	v49 =	vsel vm1, $0x1, v36;
	vm1 =	vgt.s32 v42, $0xB9FFF;
	v5 =	vmul.u32 $0xFFFC2000, v5  }
0xac: {  	[tilespmem:$0x400] =	vst v17;
	v50 =	vsel vm1, $0x1, v36;
	vm1 =	vgt.s32 v29, $0x3DFFF;
	v7 =	vadd.s32 v49, v48  }
0xad: {  	[tilespmem:$0x410] =	vst v15;
	v52 =	vsel vm1, $0x1, v36;
	vm1 =	vgt.s32 v29, $0x7BFFF;
	v6 =	vadd.s32 v50, v7  }
0xae: {  	[tilespmem:$0x420] =	vst v13;
	v58 =	vld [tilespmem:$0x270];
	v54 =	vsel vm1, $0x1, v36;
	vm1 =	vgt.s32 v29, $0xB9FFF;
	v6 =	vmul.u32 $0xFFFC2000, v6  }
0xaf: {  	[tilespmem:$0x430] =	vst v16;
	v7 =	vadd.s32 v54, v52;
	v56 =	vsel vm1, $0x1, v36;
	vm1 =	vgt.s32 v51, $0x3DFFF  }
0xb0: {  	[tilespmem:$0x440] =	vst v19;
	v7 =	vadd.s32 v56, v7;
	v60 =	vsel vm1, $0x1, v36;
	vm1 =	vgt.s32 v51, $0x7BFFF  }
0xb1: {  	[tilespmem:$0x450] =	vst v1;
	v63 =	vld [tilespmem:$0x280];
	v5 =	vadd.s32 v30, v5;
	v7 =	vmul.u32 $0xFFFC2000, v7;
	v17 =	vsel vm1, $0x1, v36  }
0xb2: {  	[tilespmem:$0x460] =	vst v21;
	v59 =	vadd.s32 v42, v6;
	vm1 =	vgt.s32 v51, $0xB9FFF;
	v4 =	vadd.s32 v17, v60  }
0xb3: {  	[tilespmem:$0x470] =	vst v20;
	v19 =	vsel vm1, $0x1, v36;
	vm1 =	vgt.s32 v58, $0x3DFFF;
	v7 =	vadd.s32 v29, v7  }
0xb4: {  	v21 =	vld [tilespmem:$0x290];
	[tilespmem:$0x480] =	vst v22;
	v4 =	vadd.s32 v19, v4;
	v20 =	vsel vm1, $0x1, v36;
	vm1 =	vgt.s32 v58, $0x7BFFF  }
0xb5: {  	[tilespmem:$0x490] =	vst v18;
	v4 =	vmul.u32 $0xFFFC2000, v4;
	v22 =	vsel vm1, $0x1, v36;
	vm1 =	vgt.s32 v58, $0xB9FFF  }
0xb6: {  	[tilespmem:$0x4A0] =	vst v24;
	v8 =	vadd.s32 v22, v20;
	v32 =	vsel vm1, $0x1, v36;
	vm1 =	vgt.s32 v63, $0x3DFFF  }
0xb7: {  	[tilespmem:$0x4B0] =	vst v23;
	v34 =	vld [tilespmem:$0x2A0];
	v8 =	vadd.s32 v32, v8;
	v33 =	vsel vm1, $0x1, v36;
	vm1 =	vgt.s32 v63, $0x7BFFF  }
0xb8: {  	[tilespmem:$0x4C0] =	vst v14;
	v4 =	vadd.s32 v51, v4;
	v35 =	vsel vm1, $0x1, v36;
	vm1 =	vgt.s32 v63, $0xB9FFF  }
0xb9: {  	[tilespmem:$0x4D0] =	vst v27;
	v8 =	vmul.u32 $0xFFFC2000, v8;
	v37 =	vsel vm1, $0x1, v36;
	vm1 =	vgt.s32 v21, $0x3DFFF  }
0xba: {  	[tilespmem:$0x4E0] =	vst v25;
	v42 =	vld [tilespmem:$0x2B0];
	v12 =	vadd.s32 v35, v33;
	v39 =	vsel vm1, $0x1, v36;
	vm1 =	vgt.s32 v21, $0x7BFFF  }
0xbb: {  	[tilespmem:$0x4F0] =	vst v26;
	v8 =	vadd.s32 v58, v8;
	v43 =	vsel vm1, $0x1, v36;
	vm1 =	vgt.s32 v21, $0xB9FFF  }
0xbc: {  	[tilespmem:$0x500] =	vst v3;
	v44 =	vadd.s32 v37, v12;
	v45 =	vsel vm1, $0x1, v36;
	vm1 =	vgt.s32 v34, $0x3DFFF  }
0xbd: {  	[tilespmem:$0x510] =	vst v0;
	v46 =	vmul.u32 $0xFFFC2000, v44;
	v47 =	vsel vm1, $0x1, v36;
	vm1 =	vgt.s32 v34, $0x7BFFF  }
0xbe: {  	[tilespmem:$0x520] =	vst v2;
	v48 =	vadd.s32 v43, v39;
	v49 =	vsel vm1, $0x1, v36;
	vm1 =	vgt.s32 v34, $0xB9FFF  }
0xbf: {  	[tilespmem:$0x530] =	vst v5;
	v2 =	vadd.s32 v45, v48;
	v50 =	vsel vm1, $0x1, v36;
	vm1 =	vgt.s32 v42, $0x3DFFF  }
0xc0: {  	[tilespmem:$0x540] =	vst v59;
	v2 =	vmul.u32 $0xFFFC2000, v2;
	v52 =	vsel vm1, $0x1, v36;
	vm1 =	vgt.s32 v42, $0x7BFFF  }
0xc1: {  	[tilespmem:$0x550] =	vst v7;
	v51 =	vadd.s32 v49, v47;
	v54 =	vsel vm1, $0x1, v36;
	vm1 =	vgt.s32 v42, $0xB9FFF  }
0xc2: {  	[tilespmem:$0x560] =	vst v4;
	v1 =	vadd.s32 v50, v51;
	v3 =	vadd.s32 v54, v52;
	v56 =	vsel vm1, $0x1, v36  }
0xc3: {  	[tilespmem:$0x570] =	vst v8;
	v0 =	vadd.s32 v63, v46;
	v1 =	vmul.u32 $0xFFFC2000, v1;
	v3 =	vadd.s32 v56, v3  }
0xc4: {  	[tilespmem:$0x580] =	vst v0;
	v58 =	vadd.s32 v21, v2;
	v59 =	vmul.u32 $0xFFFC2000, v3  }
0xc5: {  	[tilespmem:$0x590] =	vst v58;
	v60 =	vadd.s32 v34, v1  }
0xc6: {  	[tilespmem:$0x5A0] =	vst v60;
	v63 =	vadd.s32 v42, v59  }
0xc7: {  	[tilespmem:$0x5B0] =	vst v63  }
0xc8: {  	[tilespmem:s17], [sflag:$0x1] =	stream.indirect.gather [hbm4b:s4+s15], $0x80, s16, s15, $0xb8;
	[tilespmem:$0x14700] =	vst v63  }
0xc9: {  	_ = 	snop  }
0xca: {  	[tilespmem:s20], [sflag:$0x1] =	stream.indirect.gather [hbm4b:s3+s18], $0x80, s19, s18, $0xb8;
	[tilespmem:$0x14700] =	vst v63  }
0xcb: {  	_ = 	snop  }
0xcc: {  	[tilespmem:s23], [sflag:$0x1] =	stream.indirect.gather [hbm4b:s3+s21], $0x80, s22, s21, $0xb8;
	[tilespmem:$0x14700] =	vst v63  }
0xcd: {  	_ =	swait.ge [sflag:s24], $0x2000  }
0xce: {  	[sflag:s24] =	ssyncset.done $0x0  }
0xcf: {  	[sflag:s24] =	ssyncadd.s32 $0xFFFFE000  }
0xd0: {  	_ =	swait.ge [sflag:s24], $0x8000  }
0xd1: {  	[sflag:s24] =	ssyncset.done $0x0  }
0xd2: {  	[sflag:s24] =	ssyncadd.s32 $0xFFFF8000  }
0xd3: {  	_ =	swait.ge [sflag:s24], $0xA000  }
0xd4: {  	[sflag:s24] =	ssyncset.done $0x0  }
0xd5: {  	s8 =	simm.s32 $0x14680;
	s0 =	simm.s32 $0x14600;
	[sflag:s24] =	ssyncadd.s32 $0xFFFF6000  }
.LBB2_3:
0xd6: {  	v1 =	vor.u32 s31, v28;
	_ =	sdelay $0x1  }
0xd7: {  	v0 =	vshll.u32 v1, $0x2  }
0xd8: {  	v9 =	vmul.u32 $0x5, v1;
	v3 =	vor.u32 $0x1, v0;
	_ =	sdelay $0x1  }
0xd9: {  	v5 =	vor.u32 $0x2, v0;
	v2 =	vld.idx.msk [tilespmem:v1+s2+$0x0], $0xffff;
	_ =	sdelay $0x1  }
0xda: {  	v4 =	vld.idx.msk [tilespmem:v0+s13+$0x0], $0xffff  }
0xdb: {  	v8 =	vor.u32 $0x3, v0;
	v63 =	vadd.s32 $0x1, v9;
	v24 =	vadd.s32 $0x2, v9;
	v49 =	vld.idx.msk [tilespmem:v3+s13+$0x0], $0xffff  }
0xdc: {  	v26 =	vadd.s32 $0x3, v9;
	v12 =	vld.idx.msk [tilespmem:v9+s14+$0x0], $0xffff;
	v9 =	vadd.s32 $0x4, v9;
	v3 =	vshll.u32 v3, $0x7  }
0xdd: {  	v54 =	vld.idx.msk [tilespmem:v5+s13+$0x0], $0xffff;
	v5 =	vshll.u32 v5, $0x7;
	vm1 =	vgt.s32 v2, $0x3DFFF;
	vm2 =	vgt.s32 v2, $0x7BFFF  }
0xde: {  	v6 =	vsel vm1, $0x1, v36;
	v7 =	vsel vm2, $0x1, v36;
	vm1 =	vgt.s32 v2, $0xB9FFF  }
0xdf: {  	v2 =	vshll.u32 v63, $0x7;
	v6 =	vadd.s32 v7, v6;
	v50 =	vsel vm1, $0x1, v36  }
0xe0: {  	vm1 =	vgt.s32 v4, $0x3DFFF;
	v7 =	vshll.u32 v24, $0x7;
	v51 =	vadd.s32 v50, v6  }
0xe1: {  	v52 =	vsel vm1, $0x1, v36;
	vm1 =	vgt.s32 v4, $0x7BFFF;
	v0 =	vshll.u32 v51, $0x5  }
0xe2: {  	v10 =	vsel vm1, $0x1, v36;
	vm1 =	vgt.s32 v4, $0xB9FFF;
	v51 =	vshll.u32 v1, $0x9  }
0xe3: {  	v56 =	vadd.s32 v10, v52;
	v58 =	vsel vm1, $0x1, v36;
	vm1 =	vgt.s32 v49, $0x3DFFF  }
0xe4: {  	v48 =	vor.u32 v28, v0;
	v59 =	vsel vm1, $0x1, v36;
	vm1 =	vgt.s32 v49, $0x7BFFF  }
0xe5: {  	v8 =	vld.idx.msk [tilespmem:v8+s13+$0x0], $0xffff;
	v4 =	vadd.s32 v58, v56;
	v60 =	vsel vm1, $0x1, v36;
	vm1 =	vgt.s32 v49, $0xB9FFF  }
0xe6: {  	v4 =	vshll.u32 v4, $0x5;
	v49 =	vshll.u32 v1, $0x7;
	v1 =	vmul.u32 $0x280, v1  }
0xe7: {  	v11 =	vsel vm1, $0x1, v36;
	vm1 =	vgt.s32 v54, $0x3DFFF;
	v6 =	vadd.s32 v60, v59  }
0xe8: {  	v50 =	vor.u32 v28, v4;
	v23 =	vsel vm1, $0x1, v36;
	vm1 =	vgt.s32 v54, $0x7BFFF  }
0xe9: {  	v6 =	vadd.s32 v11, v6;
	v13 =	vsel vm1, $0x1, v36;
	vm1 =	vgt.s32 v54, $0xB9FFF  }
0xea: {  	v6 =	vshll.u32 v6, $0x5;
	v25 =	vsel vm1, $0x1, v36;
	vm1 =	vgt.s32 v8, $0x3DFFF  }
0xeb: {  	v10 =	vadd.s32 v13, v23;
	v14 =	vsel vm1, $0x1, v36;
	vm1 =	vgt.s32 v8, $0x7BFFF  }
0xec: {  	v15 =	vld.idx.msk [tilespmem:v63+s14+$0x0], $0xffff;
	v10 =	vadd.s32 v25, v10;
	v16 =	vsel vm1, $0x1, v36;
	vm1 =	vgt.s32 v8, $0xB9FFF  }
0xed: {  	v54 =	vor.u32 $0x180, v51;
	v10 =	vshll.u32 v10, $0x5;
	v32 =	vsel vm1, $0x1, v36  }
0xee: {  	vm1 =	vgt.s32 v12, $0x3DFFF;
	v14 =	vadd.s32 v16, v14;
	v21 =	vor.u32 v28, v10  }
0xef: {  	v17 =	vld.idx.msk [tilespmem:v24+s14+$0x0], $0xffff;
	v33 =	vsel vm1, $0x1, v36;
	vm1 =	vgt.s32 v12, $0x7BFFF;
	v13 =	vadd.s32 v32, v14  }
0xf0: {  	v52 =	vand.u32 $0x6F, v21;
	v18 =	vsel vm1, $0x1, v36;
	vm1 =	vgt.s32 v12, $0xB9FFF  }
0xf1: {  	v13 =	vshll.u32 v13, $0x5;
	v12 =	vsel vm1, $0x1, v36;
	vm1 =	vgt.s32 v15, $0x3DFFF  }
0xf2: {  	v11 =	vadd.s32 v18, v33;
	v34 =	vsel vm1, $0x1, v36;
	vm1 =	vgt.s32 v15, $0x7BFFF  }
0xf3: {  	v19 =	vld.idx.msk [tilespmem:v26+s14+$0x0], $0xffff;
	v11 =	vadd.s32 v12, v11;
	v35 =	vsel vm1, $0x1, v36;
	vm1 =	vgt.s32 v15, $0xB9FFF  }
0xf4: {  	v11 =	vshll.u32 v11, $0x5;
	v15 =	vsel vm1, $0x1, v36;
	vm1 =	vgt.s32 v17, $0x3DFFF  }
0xf5: {  	v14 =	vadd.s32 v35, v34;
	v37 =	vsel vm1, $0x1, v36;
	vm1 =	vgt.s32 v17, $0x7BFFF  }
0xf6: {  	v14 =	vadd.s32 v15, v14;
	v39 =	vsel vm1, $0x1, v36;
	vm1 =	vgt.s32 v17, $0xB9FFF  }
0xf7: {  	v20 =	vld.idx.msk [tilespmem:v9+s14+$0x0], $0xffff;
	v56 =	vor.u32 v28, v11;
	v14 =	vshll.u32 v14, $0x5;
	v17 =	vsel vm1, $0x1, v36  }
0xf8: {  	vm1 =	vgt.s32 v19, $0x3DFFF;
	v12 =	vadd.s32 v39, v37;
	v22 =	vor.u32 v28, v14  }
0xf9: {  	v42 =	vsel vm1, $0x1, v36;
	vm1 =	vgt.s32 v19, $0x7BFFF;
	v12 =	vadd.s32 v17, v12  }
0xfa: {  	v17 =	vand.u32 $0x6F, v48;
	v22 =	vand.u32 $0x6F, v22;
	v43 =	vsel vm1, $0x1, v36  }
0xfb: {  	vm1 =	vgt.s32 v19, $0xB9FFF;
	v12 =	vshll.u32 v12, $0x5;
	v17 =	vor.u32 v49, v17  }
0xfc: {  	v60 =	vor.u32 v2, v22;
	v19 =	vsel vm1, $0x1, v36;
	vm1 =	vgt.s32 v20, $0x3DFFF  }
0xfd: {  	v15 =	vadd.s32 v43, v42;
	v43 =	vor.u32 v54, v13;
	v13 =	vand.u32 $0x6F, v56  }
0xfe: {  	v44 =	vsel vm1, $0x1, v36;
	vm1 =	vgt.s32 v20, $0x7BFFF;
	v21 =	vor.u32 v28, v43  }
0xff: {  	v15 =	vadd.s32 v19, v15;
	v19 =	vand.u32 $0x6F, v50;
	v13 =	vor.u32 v1, v13  }
0x100: {  	v23 =	vor.u32 v28, v12;
	v45 =	vsel vm1, $0x1, v36;
	v19 =	vor.u32 v51, v19  }
0x101: {  	v46 =	vadd.s32 v45, v44;
	v44 =	vor.u32 v3, v6;
	v3 =	vor.u32 v5, v52;
	v59 =	vld.idx.msk [tilespmem:v17+s17+$0x0], $0xffff  }
0x102: {  	v8 =	vshll.u32 v26, $0x7;
	v58 =	vand.u32 $0x6F, v23;
	v6 =	vor.u32 v28, v44;
	v31 =	vld.idx.msk [tilespmem:v60+s23+$0x0], $0xffff  }
0x103: {  	v45 =	vor.u32 v49, v0;
	v49 =	vor.u32 v51, v4;
	v17 =	vor.u32 v7, v58;
	v21 =	vld.idx.msk [tilespmem:v21+s20+$0x0], $0xffff  }
0x104: {  	v50 =	vor.u32 v7, v12;
	vm1 =	vgt.s32 v20, $0xB9FFF;
	v4 =	vor.u32 v38, v49;
	v35 =	vld.idx.msk [tilespmem:v13+s23+$0x0], $0xffff  }
0x105: {  	v15 =	vshll.u32 v15, $0x5;
	v52 =	vor.u32 v1, v11;
	v34 =	vor.u32 v38, v44;
	v19 =	vld.idx.msk [tilespmem:v19+s20+$0x0], $0xffff  }
0x106: {  	v47 =	vsel vm1, $0x1, v36;
	v51 =	vor.u32 v2, v14;
	v56 =	vor.u32 v38, v52;
	v3 =	vld.idx.msk [tilespmem:v3+s20+$0x0], $0xffff  }
0x107: {  	v63 =	vor.u32 v28, v15;
	v16 =	vadd.s32 v47, v46;
	v58 =	vor.u32 v38, v51;
	v6 =	vld.idx.msk [tilespmem:v6+s20+$0x0], $0xffff  }
0x108: {  	v24 =	vand.u32 $0x6F, v63;
	v46 =	vor.u32 v5, v10;
	v60 =	vor.u32 v38, v50;
	v37 =	vld.idx.msk [tilespmem:v17+s23+$0x0], $0xffff  }
0x109: {  	v26 =	vor.u32 v8, v24;
	v36 =	vor.u32 v38, v46;
	v24 =	vld.idx.msk [tilespmem:v4+s20+$0x0], $0xffff  }
0x10a: {  	v14 =	vor.u32 v40, v49;
	v23 =	vld.idx.msk [tilespmem:v34+s20+$0x0], $0xffff  }
0x10b: {  	v9 =	vshll.u32 v9, $0x7;
	v18 =	vor.u32 v40, v46;
	v10 =	vld.idx.msk [tilespmem:v56+s23+$0x0], $0xffff  }
0x10c: {  	v48 =	vor.u32 v8, v15;
	v16 =	vshll.u32 v16, $0x5;
	v13 =	vor.u32 v40, v45;
	v8 =	vld.idx.msk [tilespmem:v58+s23+$0x0], $0xffff  }
0x10d: {  	v25 =	vor.u32 v28, v16;
	v47 =	vor.u32 v9, v16;
	v16 =	vor.u32 v41, v45;
	v11 =	vld.idx.msk [tilespmem:v60+s23+$0x0], $0xffff  }
0x10e: {  	v7 =	vor.u32 v61, v52;
	v30 =	vld.idx.msk [tilespmem:v36+s20+$0x0], $0xffff  }
0x10f: {  	v63 =	vor.u32 v38, v48;
	v36 =	vld.idx.msk [tilespmem:v14+s20+$0x0], $0xffff  }
0x110: {  	v12 =	vor.u32 v38, v47;
	v58 =	vld.idx.msk [tilespmem:v18+s20+$0x0], $0xffff  }
0x111: {  	v33 =	vand.u32 $0x6F, v25;
	v25 =	vor.u32 v40, v43;
	[tilespmem:$0x1F2E0] =	vst v21;
	v21 =	vld.idx.msk [tilespmem:v13+s17+$0x0], $0xffff  }
0x112: {  	v42 =	vor.u32 v38, v43;
	v0 =	vor.u32 v38, v45;
	v38 =	vor.u32 v41, v46;
	v5 =	vld.idx.msk [tilespmem:v16+s17+$0x0], $0xffff  }
0x113: {  	v16 =	vld.idx.msk [tilespmem:v7+s23+$0x0], $0xffff  }
0x114: {  	v15 =	vor.u32 v40, v44;
	[tilespmem:$0x1F2A0] =	vst v19;
	v19 =	vld.idx.msk [tilespmem:v63+s23+$0x0], $0xffff  }
0x115: {  	v60 =	vor.u32 v40, v48;
	v29 =	vld.idx.msk [tilespmem:v12+s23+$0x0], $0xffff  }
0x116: {  	v63 =	vld.idx.msk [tilespmem:v25+s20+$0x0], $0xffff;
	[tilespmem:$0x1F2B0] =	vst v6;
	v6 =	vor.u32 v9, v33  }
0x117: {  	v56 =	vor.u32 v40, v50;
	v20 =	vld.idx.msk [tilespmem:v38+s20+$0x0], $0xffff  }
0x118: {  	v54 =	vor.u32 v40, v51;
	[tilespmem:$0x1F2C0] =	vst v3;
	v3 =	vld.idx.msk [tilespmem:v26+s23+$0x0], $0xffff  }
0x119: {  	v18 =	vor.u32 v41, v49;
	v33 =	vld.idx.msk [tilespmem:v15+s20+$0x0], $0xffff  }
0x11a: {  	v32 =	vld.idx.msk [tilespmem:v60+s23+$0x0], $0xffff;
	v60 =	vor.u32 v41, v51  }
0x11b: {  	v39 =	vld.idx.msk [tilespmem:v6+s23+$0x0], $0xffff  }
0x11c: {  	v25 =	vor.u32 v41, v44;
	v22 =	vld.idx.msk [tilespmem:v56+s23+$0x0], $0xffff  }
0x11d: {  	v6 =	vld.idx.msk [tilespmem:v54+s23+$0x0], $0xffff;
	v54 =	vor.u32 v41, v43  }
0x11e: {  	v15 =	vor.u32 v41, v48;
	[tilespmem:$0x1F300] =	vst v58;
	v58 =	vld.idx.msk [tilespmem:v18+s20+$0x0], $0xffff  }
0x11f: {  	v34 =	vor.u32 v41, v47;
	[tilespmem:$0x1F310] =	vst v63;
	v9 =	vld.idx.msk [tilespmem:v60+s23+$0x0], $0xffff  }
0x120: {  	v56 =	vor.u32 v41, v52;
	v63 =	vor.u32 v41, v50;
	[tilespmem:$0x1F2F0] =	vst v39;
	v39 =	vld.idx.msk [tilespmem:v42+s20+$0x0], $0xffff  }
0x121: {  	[tilespmem:$0x1F2D0] =	vst v3;
	v3 =	vor.u32 v40, v47;
	v42 =	vor.u32 v40, v52;
	v40 =	vld.idx.msk [tilespmem:v25+s20+$0x0], $0xffff  }
0x122: {  	v25 =	vld.idx.msk [tilespmem:v54+s20+$0x0], $0xffff  }
0x123: {  	v54 =	vld.idx.msk [tilespmem:v15+s23+$0x0], $0xffff  }
0x124: {  	v60 =	vld.idx.msk [tilespmem:v34+s23+$0x0], $0xffff;
	v34 =	vor.u32 v61, v51  }
0x125: {  	[tilespmem:$0x1F330] =	vst v58;
	v58 =	vld.idx.msk [tilespmem:v63+s23+$0x0], $0xffff;
	v63 =	vor.u32 v61, v43  }
0x126: {  	v12 =	vld.idx.msk [tilespmem:v56+s23+$0x0], $0xffff;
	v41 =	vor.u32 v61, v49  }
0x127: {  	v56 =	vor.u32 v61, v46;
	v17 =	vld.idx.msk [tilespmem:v42+s23+$0x0], $0xffff  }
0x128: {  	v42 =	vld.idx.msk [tilespmem:v3+s23+$0x0], $0xffff;
	[tilespmem:$0x1F350] =	vst v54;
	v54 =	vor.u32 v61, v50  }
0x129: {  	v7 =	vld.idx.msk [tilespmem:v34+s23+$0x0], $0xffff;
	v34 =	vor.u32 v53, v44  }
0x12a: {  	v4 =	vor.u32 v53, v49;
	v63 =	vld.idx.msk [tilespmem:v63+s20+$0x0], $0xffff  }
0x12b: {  	v27 =	vor.u32 v53, v45;
	[tilespmem:$0x1F360] =	vst v25;
	v25 =	vld.idx.msk [tilespmem:v41+s20+$0x0], $0xffff  }
0x12c: {  	v56 =	vld.idx.msk [tilespmem:v56+s20+$0x0], $0xffff;
	v3 =	vor.u32 v61, v47  }
0x12d: {  	[tilespmem:$0x1F320] =	vst v42;
	v42 =	vor.u32 v61, v44;
	v15 =	vld.idx.msk [tilespmem:v54+s23+$0x0], $0xffff  }
0x12e: {  	[tilespmem:$0x1F370] =	vst v60;
	v54 =	vld.idx.msk [tilespmem:v34+s20+$0x0], $0xffff;
	v34 =	vor.u32 v53, v48  }
0x12f: {  	v60 =	vor.u32 v61, v48;
	[tilespmem:$0x1F3A0] =	vst v63;
	v63 =	vld.idx.msk [tilespmem:v4+s20+$0x0], $0xffff  }
0x130: {  	[tilespmem:$0x1F380] =	vst v25;
	v25 =	vld.idx.msk [tilespmem:v27+s17+$0x0], $0xffff;
	v27 =	vor.u32 v53, v52  }
0x131: {  	v14 =	vor.u32 v53, v50;
	[tilespmem:$0x1F390] =	vst v56;
	v56 =	vld.idx.msk [tilespmem:v3+s23+$0x0], $0xffff  }
0x132: {  	v41 =	vld.idx.msk [tilespmem:v42+s20+$0x0], $0xffff;
	v42 =	vor.u32 v53, v46  }
0x133: {  	[tilespmem:$0x1F3D0] =	vst v54;
	v54 =	vld.idx.msk [tilespmem:v34+s23+$0x0], $0xffff;
	v34 =	vor.u32 v55, v46  }
0x134: {  	v38 =	vor.u32 v61, v45;
	v4 =	vor.u32 v53, v51;
	v61 =	vld.idx.msk [tilespmem:v60+s23+$0x0], $0xffff  }
0x135: {  	[tilespmem:$0x1F340] =	vst v20;
	v60 =	vor.u32 v53, v43;
	v20 =	vld.idx.msk [tilespmem:v27+s23+$0x0], $0xffff  }
0x136: {  	v27 =	vld.idx.msk [tilespmem:v14+s23+$0x0], $0xffff;
	v14 =	vor.u32 v55, v44  }
0x137: {  	[tilespmem:$0x1F3B0] =	vst v56;
	v56 =	vld.idx.msk [tilespmem:v42+s20+$0x0], $0xffff;
	v42 =	vor.u32 v53, v47  }
0x138: {  	[tilespmem:$0x1F3F0] =	vst v54;
	v54 =	vld.idx.msk [tilespmem:v34+s20+$0x0], $0xffff  }
0x139: {  	v13 =	vld.idx.msk [tilespmem:v4+s23+$0x0], $0xffff  }
0x13a: {  	v60 =	vld.idx.msk [tilespmem:v60+s20+$0x0], $0xffff  }
0x13b: {  	v4 =	vor.u32 v55, v49;
	v14 =	vld.idx.msk [tilespmem:v14+s20+$0x0], $0xffff  }
0x13c: {  	[tilespmem:$0x1F3E0] =	vst v56;
	v56 =	vld.idx.msk [tilespmem:v42+s23+$0x0], $0xffff;
	v42 =	vor.u32 v55, v43  }
0x13d: {  	[tilespmem:$0x1F450] =	vst v54;
	v54 =	vor.u32 v55, v48;
	_ =	sdelay $0x1  }
0x13e: {  	[tilespmem:$0x1F3C0] =	vst v63  }
0x13f: {  	v63 =	vor.u32 v55, v45;
	[tilespmem:$0x1F400] =	vst v60;
	v53 =	vor.u32 v55, v52;
	v60 =	vld.idx.msk [tilespmem:v4+s20+$0x0], $0xffff  }
0x140: {  	v4 =	vor.u32 v55, v51;
	[tilespmem:$0x1F430] =	vst v14;
	v14 =	vor.u32 v55, v50;
	v55 =	vld.idx.msk [tilespmem:v42+s20+$0x0], $0xffff  }
0x141: {  	v54 =	vld.idx.msk [tilespmem:v54+s23+$0x0], $0xffff  }
0x142: {  	[tilespmem:$0x1F410] =	vst v56;
	v56 =	vld [tilespmem:$0x1FF90];
	_ =	sdelay $0x2  }
0x143: {  	v14 =	vld.idx.msk [tilespmem:v14+s23+$0x0], $0xffff  }
0x144: {  	[tilespmem:$0x1F460] =	vst v54;
	v54 =	vor.u32 v57, v46  }
0x145: {  	[tilespmem:$0x1F470] =	vst v55;
	v55 =	vor.u32 v56, v47;
	_ =	sdelay $0x2  }
0x146: {  	[tilespmem:$0x1F440] =	vst v14;
	v14 =	vor.u32 v57, v44  }
0x147: {  	v54 =	vld.idx.msk [tilespmem:v54+s20+$0x0], $0xffff  }
0x148: {  	v55 =	vld.idx.msk [tilespmem:v55+s23+$0x0], $0xffff;
	_ =	sdelay $0x1  }
0x149: {  	v34 =	vld.idx.msk [tilespmem:v4+s23+$0x0], $0xffff  }
0x14a: {  	v4 =	vor.u32 v57, v49;
	v14 =	vld.idx.msk [tilespmem:v14+s20+$0x0], $0xffff  }
0x14b: {  	[tilespmem:$0x1F4E0] =	vst v54;
	v54 =	vor.u32 v57, v48  }
0x14c: {  	[tilespmem:$0x1F480] =	vst v55;
	v55 =	vor.u32 v57, v43;
	_ =	sdelay $0x1  }
0x14d: {  	v42 =	vld.idx.msk [tilespmem:v53+s23+$0x0], $0xffff  }
0x14e: {  	v56 =	vld.idx.msk [tilespmem:v4+s20+$0x0], $0xffff;
	[tilespmem:$0x1F4C0] =	vst v14;
	v14 =	vor.u32 v57, v50  }
0x14f: {  	v54 =	vld.idx.msk [tilespmem:v54+s23+$0x0], $0xffff  }
0x150: {  	v53 =	vor.u32 v57, v52;
	v55 =	vld.idx.msk [tilespmem:v55+s20+$0x0], $0xffff;
	_ =	sdelay $0x2  }
0x151: {  	[tilespmem:$0x1F4B0] =	vst v56;
	v18 =	vld.idx.msk [tilespmem:v14+s23+$0x0], $0xffff;
	v14 =	vor.u32 v62, v44  }
0x152: {  	[tilespmem:$0x1F4F0] =	vst v54;
	v54 =	vor.u32 v62, v46  }
0x153: {  	v56 =	vld.idx.msk [tilespmem:v53+s23+$0x0], $0xffff;
	[tilespmem:$0x1F500] =	vst v55;
	v55 =	vor.u32 v57, v47;
	_ =	sdelay $0x2  }
0x154: {  	v14 =	vld.idx.msk [tilespmem:v14+s20+$0x0], $0xffff  }
0x155: {  	v53 =	vor.u32 v62, v45;
	v54 =	vld.idx.msk [tilespmem:v54+s20+$0x0], $0xffff  }
0x156: {  	[tilespmem:$0x1F490] =	vst v56;
	v56 =	vld.idx.msk [tilespmem:v55+s23+$0x0], $0xffff;
	v55 =	vor.u32 v62, v43;
	_ =	sdelay $0x1  }
0x157: {  	v4 =	vor.u32 v57, v51;
	[tilespmem:$0x1F4D0] =	vst v18  }
0x158: {  	v26 =	vld.idx.msk [tilespmem:v0+s17+$0x0], $0xffff;
	[tilespmem:$0x1F550] =	vst v14;
	v14 =	vor.u32 v62, v50  }
0x159: {  	v18 =	vld.idx.msk [tilespmem:v53+s17+$0x0], $0xffff;
	[tilespmem:$0x1F570] =	vst v54;
	v54 =	vor.u32 v62, v48  }
0x15a: {  	v53 =	vor.u32 v62, v52;
	v55 =	vld.idx.msk [tilespmem:v55+s20+$0x0], $0xffff  }
0x15b: {  	v0 =	vld [tilespmem:$0x1FD70]  }
0x15c: {  	[tilespmem:$0x1F420] =	vst v60;
	v60 =	vor.u32 v57, v45;
	v57 =	vld.idx.msk [tilespmem:v4+s23+$0x0], $0xffff;
	v4 =	vor.u32 v62, v49  }
0x15d: {  	v14 =	vld.idx.msk [tilespmem:v14+s23+$0x0], $0xffff  }
0x15e: {  	[tilespmem:$0x1F530] =	vst v56;
	v54 =	vld.idx.msk [tilespmem:v54+s23+$0x0], $0xffff  }
0x15f: {  	v56 =	vld.idx.msk [tilespmem:v53+s23+$0x0], $0xffff;
	[tilespmem:$0x1F590] =	vst v55;
	v55 =	vor.u32 v62, v47;
	_ =	sdelay $0x1  }
0x160: {  	[tilespmem:$0x1F4A0] =	vst v57;
	v57 =	vld.idx.msk [tilespmem:v4+s20+$0x0], $0xffff;
	v4 =	vor.u32 v62, v51  }
0x161: {  	[tilespmem:$0x1F560] =	vst v14;
	v14 =	vor.u32 v0, v44  }
0x162: {  	[tilespmem:$0x1F580] =	vst v54;
	v54 =	vor.u32 v0, v46  }
0x163: {  	[tilespmem:$0x1F510] =	vst v56;
	v56 =	vld.idx.msk [tilespmem:v55+s23+$0x0], $0xffff;
	v55 =	vor.u32 v0, v43  }
0x164: {  	v1 =	vld [tilespmem:$0x1FD80]  }
0x165: {  	v62 =	vld.idx.msk [tilespmem:v4+s23+$0x0], $0xffff  }
0x166: {  	v53 =	vor.u32 v0, v45;
	v14 =	vld.idx.msk [tilespmem:v14+s20+$0x0], $0xffff  }
0x167: {  	v4 =	vor.u32 v0, v49;
	v54 =	vld.idx.msk [tilespmem:v54+s20+$0x0], $0xffff  }
0x168: {  	v55 =	vld.idx.msk [tilespmem:v55+s20+$0x0], $0xffff  }
0x169: {  	[tilespmem:$0x1F540] =	vst v57  }
0x16a: {  	[tilespmem:$0x1F520] =	vst v62  }
0x16b: {  	v62 =	vld.idx.msk [tilespmem:v53+s17+$0x0], $0xffff;
	v53 =	vor.u32 v0, v52;
	[tilespmem:$0x1F5E0] =	vst v14  }
0x16c: {  	v57 =	vld.idx.msk [tilespmem:v4+s20+$0x0], $0xffff;
	v4 =	vor.u32 v0, v51;
	v14 =	vor.u32 v0, v50;
	[tilespmem:$0x1F600] =	vst v54  }
0x16d: {  	v54 =	vor.u32 v0, v48;
	[tilespmem:$0x1F620] =	vst v55;
	v55 =	vor.u32 v0, v47;
	v0 =	vor.u32 v1, v44;
	_ =	sdelay $0x4  }
0x16e: {  	v0 =	vld.idx.msk [tilespmem:v0+s20+$0x0], $0xffff;
	_ =	sdelay $0x1  }
0x16f: {  	v54 =	vld.idx.msk [tilespmem:v54+s23+$0x0], $0xffff;
	_ =	sdelay $0x2  }
0x170: {  	[tilespmem:$0x1F670] =	vst v0;
	v0 =	vor.u32 v1, v50  }
0x171: {  	[tilespmem:$0x1F5A0] =	vst v56;
	v56 =	vld.idx.msk [tilespmem:v53+s23+$0x0], $0xffff  }
0x172: {  	v2 =	vld [tilespmem:$0x1FD90];
	[tilespmem:$0x1F610] =	vst v54;
	v54 =	vor.u32 v1, v46  }
0x173: {  	[tilespmem:$0x1F5D0] =	vst v57;
	v57 =	vld.idx.msk [tilespmem:v4+s23+$0x0], $0xffff  }
0x174: {  	v4 =	vor.u32 v1, v49;
	v14 =	vld.idx.msk [tilespmem:v14+s23+$0x0], $0xffff  }
0x175: {  	v53 =	vor.u32 v1, v45;
	v0 =	vld.idx.msk [tilespmem:v0+s23+$0x0], $0xffff  }
0x176: {  	[tilespmem:$0x1F5B0] =	vst v56;
	v56 =	vld.idx.msk [tilespmem:v55+s23+$0x0], $0xffff;
	v55 =	vor.u32 v1, v43  }
0x177: {  	v54 =	vld.idx.msk [tilespmem:v54+s20+$0x0], $0xffff  }
0x178: {  	[tilespmem:$0x1F5C0] =	vst v57  }
0x179: {  	v57 =	vld.idx.msk [tilespmem:v4+s20+$0x0], $0xffff;
	v4 =	vor.u32 v1, v51;
	[tilespmem:$0x1F5F0] =	vst v14  }
0x17a: {  	v14 =	vld.idx.msk [tilespmem:v53+s17+$0x0], $0xffff;
	[tilespmem:$0x1F680] =	vst v0;
	v0 =	vor.u32 v2, v44  }
0x17b: {  	v53 =	vor.u32 v1, v52;
	v55 =	vld.idx.msk [tilespmem:v55+s20+$0x0], $0xffff  }
0x17c: {  	[tilespmem:$0x1F690] =	vst v54;
	v54 =	vor.u32 v1, v48;
	_ =	sdelay $0x1  }
0x17d: {  	[tilespmem:$0x1F660] =	vst v57;
	v57 =	vld.idx.msk [tilespmem:v4+s23+$0x0], $0xffff  }
0x17e: {  	v4 =	vor.u32 v2, v49;
	[tilespmem:$0x1F650] =	vst v56;
	v0 =	vld.idx.msk [tilespmem:v0+s20+$0x0], $0xffff  }
0x17f: {  	v56 =	vld.idx.msk [tilespmem:v53+s23+$0x0], $0xffff;
	[tilespmem:$0x1F6B0] =	vst v55;
	v55 =	vor.u32 v1, v47;
	v1 =	vor.u32 v2, v43  }
0x180: {  	v54 =	vld.idx.msk [tilespmem:v54+s23+$0x0], $0xffff;
	_ =	sdelay $0x1  }
0x181: {  	[tilespmem:$0x1F640] =	vst v57  }
0x182: {  	v57 =	vld.idx.msk [tilespmem:v4+s20+$0x0], $0xffff;
	[tilespmem:$0x1F700] =	vst v0;
	v0 =	vor.u32 v2, v50  }
0x183: {  	[tilespmem:$0x1F630] =	vst v56;
	v1 =	vld.idx.msk [tilespmem:v1+s20+$0x0], $0xffff  }
0x184: {  	v56 =	vld.idx.msk [tilespmem:v55+s23+$0x0], $0xffff;
	[tilespmem:$0x1F6A0] =	vst v54;
	v54 =	vor.u32 v2, v46;
	_ =	sdelay $0x1  }
0x185: {  	v3 =	vld [tilespmem:$0x1FDA0];
	v53 =	vor.u32 v2, v45  }
0x186: {  	[tilespmem:$0x1F6F0] =	vst v57;
	v0 =	vld.idx.msk [tilespmem:v0+s23+$0x0], $0xffff  }
0x187: {  	[tilespmem:$0x1F780] =	vst v1;
	v1 =	vor.u32 v2, v47  }
0x188: {  	v57 =	vor.u32 v2, v51;
	[tilespmem:$0x1F6C0] =	vst v56;
	v56 =	vld.idx.msk [tilespmem:v54+s20+$0x0], $0xffff  }
0x189: {  	v54 =	vor.u32 v2, v48  }
0x18a: {  	v55 =	vld.idx.msk [tilespmem:v53+s17+$0x0], $0xffff;
	v53 =	vor.u32 v2, v52;
	v2 =	vor.u32 v3, v49  }
0x18b: {  	[tilespmem:$0x1F710] =	vst v0;
	v0 =	vor.u32 v3, v44  }
0x18c: {  	v1 =	vld.idx.msk [tilespmem:v1+s23+$0x0], $0xffff  }
0x18d: {  	[tilespmem:$0x1F720] =	vst v56;
	v56 =	vld.idx.msk [tilespmem:v57+s23+$0x0], $0xffff  }
0x18e: {  	v57 =	vld.idx.msk [tilespmem:v54+s23+$0x0], $0xffff  }
0x18f: {  	v2 =	vld.idx.msk [tilespmem:v2+s20+$0x0], $0xffff  }
0x190: {  	v4 =	vor.u32 v3, v46;
	v0 =	vld.idx.msk [tilespmem:v0+s20+$0x0], $0xffff;
	_ =	sdelay $0x1  }
0x191: {  	[tilespmem:$0x1F7A0] =	vst v1;
	v1 =	vor.u32 v3, v43  }
0x192: {  	[tilespmem:$0x1F730] =	vst v57;
	v57 =	vor.u32 v3, v52  }
0x193: {  	v53 =	vld.idx.msk [tilespmem:v53+s23+$0x0], $0xffff;
	[tilespmem:$0x1F740] =	vst v2;
	v2 =	vor.u32 v3, v51  }
0x194: {  	v54 =	vld.idx.msk [tilespmem:v4+s20+$0x0], $0xffff;
	[tilespmem:$0x1F750] =	vst v0;
	v0 =	vor.u32 v3, v50  }
0x195: {  	v4 =	vld [tilespmem:$0x1FDB0]  }
0x196: {  	v1 =	vld.idx.msk [tilespmem:v1+s20+$0x0], $0xffff  }
0x197: {  	[tilespmem:$0x1F6E0] =	vst v56;
	v56 =	vld.idx.msk [tilespmem:v57+s23+$0x0], $0xffff  }
0x198: {  	v2 =	vld.idx.msk [tilespmem:v2+s23+$0x0], $0xffff  }
0x199: {  	[tilespmem:$0x1F6D0] =	vst v53;
	v53 =	vor.u32 v3, v45;
	v0 =	vld.idx.msk [tilespmem:v0+s23+$0x0], $0xffff  }
0x19a: {  	[tilespmem:$0x1F790] =	vst v54;
	v54 =	vor.u32 v3, v48  }
0x19b: {  	v38 =	vld.idx.msk [tilespmem:v38+s17+$0x0], $0xffff;
	[tilespmem:$0x1F7C0] =	vst v1;
	v1 =	vor.u32 v3, v47  }
0x19c: {  	v63 =	vld.idx.msk [tilespmem:v63+s17+$0x0], $0xffff;
	v57 =	vor.u32 v4, v45;
	[tilespmem:$0x1F760] =	vst v56  }
0x19d: {  	v60 =	vld.idx.msk [tilespmem:v60+s17+$0x0], $0xffff;
	[tilespmem:$0x1F770] =	vst v2  }
0x19e: {  	v28 =	vld.idx.msk [tilespmem:v53+s17+$0x0], $0xffff;
	[tilespmem:$0x1F7B0] =	vst v0  }
0x19f: {  	v56 =	vld.idx.msk [tilespmem:v54+s23+$0x0], $0xffff  }
0x1a0: {  	v2 =	vor.u32 v4, v49;
	v1 =	vld.idx.msk [tilespmem:v1+s23+$0x0], $0xffff  }
0x1a1: {  	v54 =	vld.idx.msk [tilespmem:v57+s17+$0x0], $0xffff;
	v57 =	vor.u32 v4, v52;
	_ =	sdelay $0x2  }
0x1a2: {  	v0 =	vor.u32 v4, v44  }
0x1a3: {  	v3 =	vor.u32 v4, v46;
	v2 =	vld.idx.msk [tilespmem:v2+s20+$0x0], $0xffff  }
0x1a4: {  	[tilespmem:$0x1F7E0] =	vst v1;
	v1 =	vor.u32 v4, v43;
	v53 =	vld.idx.msk [tilespmem:v57+s23+$0x0], $0xffff  }
0x1a5: {  	v57 =	vld [tilespmem:$0x1FDC0];
	_ =	sdelay $0x1  }
0x1a6: {  	v0 =	vld.idx.msk [tilespmem:v0+s20+$0x0], $0xffff  }
0x1a7: {  	v3 =	vld.idx.msk [tilespmem:v3+s20+$0x0], $0xffff  }
0x1a8: {  	[tilespmem:$0x1F810] =	vst v2;
	v2 =	vor.u32 v4, v51;
	v1 =	vld.idx.msk [tilespmem:v1+s20+$0x0], $0xffff  }
0x1a9: {  	[tilespmem:$0x1F7D0] =	vst v56;
	v56 =	vor.u32 v57, v45;
	_ =	sdelay $0x1  }
0x1aa: {  	[tilespmem:$0x1F820] =	vst v0;
	v0 =	vor.u32 v4, v50  }
0x1ab: {  	[tilespmem:$0x1F840] =	vst v3;
	v3 =	vor.u32 v4, v48  }
0x1ac: {  	v2 =	vld.idx.msk [tilespmem:v2+s23+$0x0], $0xffff;
	[tilespmem:$0x1F860] =	vst v1;
	v1 =	vor.u32 v4, v47  }
0x1ad: {  	[tilespmem:$0x1F7F0] =	vst v53;
	v53 =	vld.idx.msk [tilespmem:v56+s17+$0x0], $0xffff;
	v56 =	vor.u32 v57, v52  }
0x1ae: {  	v31 =	vadd.f32 v31, v35;
	v35 =	vld [tilespmem:$0x1F2A0]  }
0x1af: {  	v0 =	vld.idx.msk [tilespmem:v0+s23+$0x0], $0xffff  }
0x1b0: {  	v3 =	vld.idx.msk [tilespmem:v3+s23+$0x0], $0xffff  }
0x1b1: {  	[tilespmem:$0x1F800] =	vst v2;
	v2 =	vor.u32 v57, v49;
	v1 =	vld.idx.msk [tilespmem:v1+s23+$0x0], $0xffff  }
0x1b2: {  	v4 =	vld.idx.msk [tilespmem:v56+s23+$0x0], $0xffff  }
0x1b3: {  	v56 =	vld [tilespmem:$0x1F2B0]  }
0x1b4: {  	[tilespmem:$0x1F830] =	vst v0;
	v0 =	vor.u32 v57, v44  }
0x1b5: {  	[tilespmem:$0x1F850] =	vst v3;
	v3 =	vor.u32 v57, v46  }
0x1b6: {  	v2 =	vld.idx.msk [tilespmem:v2+s20+$0x0], $0xffff  }
0x1b7: {  	[tilespmem:$0x1F890] =	vst v1;
	v1 =	vor.u32 v57, v43  }
0x1b8: {  	v35 =	vadd.f32 v56, v35;
	v56 =	vld [tilespmem:$0x1F2C0]  }
0x1b9: {  	v0 =	vld.idx.msk [tilespmem:v0+s20+$0x0], $0xffff  }
0x1ba: {  	v3 =	vld.idx.msk [tilespmem:v3+s20+$0x0], $0xffff  }
0x1bb: {  	v31 =	vadd.f32 v37, v31;
	v37 =	vld [tilespmem:$0x1F2D0];
	[tilespmem:$0x1F8A0] =	vst v2;
	v2 =	vor.u32 v57, v51  }
0x1bc: {  	v1 =	vld.idx.msk [tilespmem:v1+s20+$0x0], $0xffff  }
0x1bd: {  	v8 =	vadd.f32 v8, v10;
	v10 =	vadd.f32 v56, v35;
	v56 =	vld [tilespmem:$0x1F2E0]  }
0x1be: {  	v36 =	vadd.f32 v33, v36;
	v33 =	vld [tilespmem:$0x1F320];
	[tilespmem:$0x1F8B0] =	vst v0;
	v0 =	vor.u32 v57, v50  }
0x1bf: {  	v8 =	vadd.f32 v11, v8;
	v7 =	vadd.f32 v7, v16;
	v16 =	vld [tilespmem:$0x1FE10];
	[tilespmem:$0x1F8D0] =	vst v3;
	v3 =	vor.u32 v57, v48  }
0x1c0: {  	v6 =	vadd.f32 v6, v17;
	v2 =	vld.idx.msk [tilespmem:v2+s23+$0x0], $0xffff  }
0x1c1: {  	v23 =	vadd.f32 v23, v24;
	v8 =	vadd.f32 v19, v8;
	[tilespmem:$0x1F8F0] =	vst v1;
	v1 =	vor.u32 v57, v47;
	v57 =	vld [tilespmem:$0x1FDD0]  }
0x1c2: {  	v6 =	vadd.f32 v22, v6;
	v10 =	vadd.f32 v56, v10;
	v56 =	vld [tilespmem:$0x1F2F0]  }
0x1c3: {  	v8 =	vadd.f32 v29, v8;
	v35 =	vadd.f32 v30, v23;
	v0 =	vld.idx.msk [tilespmem:v0+s23+$0x0], $0xffff  }
0x1c4: {  	v6 =	vadd.f32 v32, v6;
	v7 =	vadd.f32 v15, v7;
	v3 =	vld.idx.msk [tilespmem:v3+s23+$0x0], $0xffff  }
0x1c5: {  	v15 =	vld [tilespmem:$0x1F510];
	v24 =	vadd.f32 v37, v31;
	v11 =	vadd.f32 v39, v35  }
0x1c6: {  	v8 =	vmul.f32 v8, v26;
	v6 =	vadd.f32 v33, v6;
	v33 =	vld [tilespmem:$0x1F370];
	[tilespmem:$0x1F870] =	vst v4;
	v4 =	vor.u32 v57, v45  }
0x1c7: {  	v11 =	vmul.f32 v11, v26;
	v26 =	vld [tilespmem:$0x1F310];
	[tilespmem:$0x1F880] =	vst v2;
	v2 =	vor.u32 v57, v49;
	v23 =	vadd.f32 v56, v24  }
0x1c8: {  	[tilespmem:$0x1F8C0] =	vst v0;
	v0 =	vor.u32 v57, v44;
	v37 =	vld.idx.msk [tilespmem:v1+s23+$0x0], $0xffff  }
0x1c9: {  	[tilespmem:$0x1F8E0] =	vst v3;
	v3 =	vor.u32 v57, v46;
	v19 =	vmul.f32 v23, v59;
	v23 =	vld [tilespmem:$0x1FDE0]  }
0x1ca: {  	v10 =	vmul.f32 v10, v59;
	v1 =	vor.u32 v57, v43;
	v59 =	vld [tilespmem:$0x1F300]  }
0x1cb: {  	v35 =	vor.u32 v57, v47;
	v30 =	vld.idx.msk [tilespmem:v4+s17+$0x0], $0xffff  }
0x1cc: {  	v2 =	vld.idx.msk [tilespmem:v2+s20+$0x0], $0xffff  }
0x1cd: {  	v39 =	vld.idx.msk [tilespmem:v0+s20+$0x0], $0xffff  }
0x1ce: {  	v3 =	vld.idx.msk [tilespmem:v3+s20+$0x0], $0xffff  }
0x1cf: {  	v19 =	vadd.f32 $0.0e+00, v19;
	v56 =	vld.idx.msk [tilespmem:v1+s20+$0x0], $0xffff  }
0x1d0: {  	v10 =	vadd.f32 $0.0e+00, v10;
	v4 =	vor.u32 v57, v52;
	v1 =	vld.idx.msk [tilespmem:v35+s23+$0x0], $0xffff  }
0x1d1: {  	v0 =	vor.u32 v57, v50;
	v8 =	vadd.f32 v8, v19;
	v19 =	vld [tilespmem:$0x1F340];
	v17 =	vadd.f32 v59, v36  }
0x1d2: {  	v24 =	vor.u32 v57, v48;
	v36 =	vld [tilespmem:$0x1F330]  }
0x1d3: {  	v10 =	vadd.f32 v11, v10;
	v22 =	vor.u32 v23, v44;
	v11 =	vadd.f32 v26, v17;
	v26 =	vld [tilespmem:$0x1F360]  }
0x1d4: {  	v17 =	vld [tilespmem:$0x1FE40]  }
0x1d5: {  	v9 =	vadd.f32 v9, v12;
	v32 =	vor.u32 v23, v43;
	v4 =	vld.idx.msk [tilespmem:v4+s23+$0x0], $0xffff  }
0x1d6: {  	[tilespmem:$0x1F920] =	vst v2;
	v2 =	vor.u32 v57, v51;
	v57 =	vor.u32 v23, v45;
	v0 =	vld.idx.msk [tilespmem:v0+s23+$0x0], $0xffff  }
0x1d7: {  	v35 =	vor.u32 v23, v52;
	[tilespmem:$0x1F940] =	vst v3;
	v3 =	vld.idx.msk [tilespmem:v24+s23+$0x0], $0xffff  }
0x1d8: {  	v9 =	vadd.f32 v58, v9;
	v58 =	vld.idx.msk [tilespmem:v22+s20+$0x0], $0xffff  }
0x1d9: {  	v24 =	vor.u32 v23, v46;
	v22 =	vld [tilespmem:$0x1F350]  }
0x1da: {  	[tilespmem:$0x1F960] =	vst v1;
	v1 =	vld.idx.msk [tilespmem:v32+s20+$0x0], $0xffff  }
0x1db: {  	v6 =	vmul.f32 v6, v21;
	v59 =	vld.idx.msk [tilespmem:v57+s17+$0x0], $0xffff  }
0x1dc: {  	[tilespmem:$0x1F900] =	vst v4;
	v57 =	vor.u32 v23, v50;
	v4 =	vld.idx.msk [tilespmem:v35+s23+$0x0], $0xffff  }
0x1dd: {  	v6 =	vadd.f32 v6, v8;
	v11 =	vmul.f32 v11, v21;
	v21 =	vor.u32 v23, v48;
	v35 =	vld [tilespmem:$0x1F380]  }
0x1de: {  	v12 =	vadd.f32 v40, v36;
	[tilespmem:$0x1F950] =	vst v3;
	v3 =	vld.idx.msk [tilespmem:v24+s20+$0x0], $0xffff;
	v8 =	vadd.f32 v22, v9  }
0x1df: {  	v10 =	vadd.f32 v11, v10;
	v2 =	vld.idx.msk [tilespmem:v2+s23+$0x0], $0xffff;
	v24 =	vor.u32 v23, v47  }
0x1e0: {  	v11 =	vadd.f32 v19, v12;
	v8 =	vadd.f32 v33, v8;
	v33 =	vld [tilespmem:$0x1F3D0]  }
0x1e1: {  	[tilespmem:$0x1F930] =	vst v0;
	v0 =	vld.idx.msk [tilespmem:v57+s23+$0x0], $0xffff  }
0x1e2: {  	v9 =	vadd.f32 v26, v11;
	v11 =	vadd.f32 v41, v35;
	v41 =	vld [tilespmem:$0x1F390]  }
0x1e3: {  	[tilespmem:$0x1F9B0] =	vst v3;
	v3 =	vld.idx.msk [tilespmem:v21+s23+$0x0], $0xffff  }
0x1e4: {  	[tilespmem:$0x1F9F0] =	vst v1;
	v22 =	vor.u32 v16, v52;
	v1 =	vld.idx.msk [tilespmem:v24+s23+$0x0], $0xffff  }
0x1e5: {  	[tilespmem:$0x1F910] =	vst v2;
	v2 =	vor.u32 v23, v49;
	v21 =	vld [tilespmem:$0x1F3A0]  }
0x1e6: {  	v40 =	vor.u32 v23, v51;
	v57 =	vor.u32 v16, v46;
	v23 =	vld [tilespmem:$0x1F3B0]  }
0x1e7: {  	v24 =	vadd.f32 v13, v20;
	v20 =	vld [tilespmem:$0x1F400]  }
0x1e8: {  	v13 =	vld [tilespmem:$0x1F500]  }
0x1e9: {  	v7 =	vadd.f32 v61, v7;
	v61 =	vor.u32 v16, v43;
	[tilespmem:$0x1F970] =	vst v4;
	v4 =	vld.idx.msk [tilespmem:v22+s23+$0x0], $0xffff  }
0x1ea: {  	v32 =	vor.u32 v16, v45;
	v2 =	vld.idx.msk [tilespmem:v2+s20+$0x0], $0xffff  }
0x1eb: {  	[tilespmem:$0x1F9C0] =	vst v3;
	v3 =	vld.idx.msk [tilespmem:v57+s20+$0x0], $0xffff  }
0x1ec: {  	v9 =	vmul.f32 v9, v5;
	v5 =	vmul.f32 v8, v5;
	v8 =	vadd.f32 v41, v11;
	v41 =	vld [tilespmem:$0x1FE30]  }
0x1ed: {  	v57 =	vld [tilespmem:$0x1F3E0]  }
0x1ee: {  	[tilespmem:$0x1FA20] =	vst v1;
	v1 =	vld.idx.msk [tilespmem:v61+s20+$0x0], $0xffff  }
0x1ef: {  	v5 =	vadd.f32 v5, v6;
	v61 =	vor.u32 v16, v47;
	v6 =	vadd.f32 v21, v8;
	v21 =	vld.idx.msk [tilespmem:v32+s17+$0x0], $0xffff  }
0x1f0: {  	v32 =	vld [tilespmem:$0x1F3C0]  }
0x1f1: {  	v36 =	vor.u32 v16, v49;
	v7 =	vadd.f32 v23, v7;
	[tilespmem:$0x1F990] =	vst v2;
	v2 =	vld.idx.msk [tilespmem:v40+s23+$0x0], $0xffff  }
0x1f2: {  	v23 =	vld [tilespmem:$0x1F410];
	v40 =	vor.u32 v16, v44  }
0x1f3: {  	v7 =	vmul.f32 v7, v38;
	v6 =	vmul.f32 v6, v38;
	v38 =	vld [tilespmem:$0x1F440]  }
0x1f4: {  	[tilespmem:$0x1FA60] =	vst v1;
	v1 =	vld.idx.msk [tilespmem:v61+s23+$0x0], $0xffff  }
0x1f5: {  	v11 =	vadd.f32 v33, v32;
	v33 =	vld [tilespmem:$0x1F420]  }
0x1f6: {  	[tilespmem:$0x1F980] =	vst v2;
	v2 =	vld.idx.msk [tilespmem:v36+s20+$0x0], $0xffff  }
0x1f7: {  	v26 =	vor.u32 v16, v51;
	[tilespmem:$0x1F9A0] =	vst v0;
	v0 =	vld.idx.msk [tilespmem:v40+s20+$0x0], $0xffff  }
0x1f8: {  	v35 =	vor.u32 v16, v50;
	v36 =	vld [tilespmem:$0x1FED0]  }
0x1f9: {  	v9 =	vadd.f32 v9, v10;
	v11 =	vadd.f32 v57, v11;
	v57 =	vld [tilespmem:$0x1F460];
	v40 =	vor.u32 v16, v48  }
0x1fa: {  	v16 =	vld [tilespmem:$0x1F3F0]  }
0x1fb: {  	v6 =	vadd.f32 v6, v9;
	v9 =	vadd.f32 v20, v11;
	v20 =	vld [tilespmem:$0x1FE70]  }
0x1fc: {  	[tilespmem:$0x1FA00] =	vst v2;
	v2 =	vld.idx.msk [tilespmem:v26+s23+$0x0], $0xffff  }
0x1fd: {  	v8 =	vadd.f32 v27, v24;
	[tilespmem:$0x1FA10] =	vst v0;
	v10 =	vsel vm0, v36, v17;
	v0 =	vld.idx.msk [tilespmem:v35+s23+$0x0], $0xffff  }
0x1fe: {  	[tilespmem:$0x1FA40] =	vst v3;
	v3 =	vld.idx.msk [tilespmem:v40+s23+$0x0], $0xffff;
	v12 =	vcombine.low v41, v10  }
0x1ff: {  	v8 =	vadd.f32 v16, v8;
	v26 =	vadd.f32 v34, v42;
	v34 =	vld [tilespmem:$0x1F430]  }
0x200: {  	v16 =	vld [tilespmem:$0x1FEF0];
	v19 =	vor.u32 v12, v45  }
0x201: {  	v5 =	vadd.f32 v7, v5;
	v41 =	vld [tilespmem:$0x1F450];
	v7 =	vadd.f32 v23, v8;
	v22 =	vor.u32 v12, v49  }
0x202: {  	v8 =	vadd.f32 v38, v26;
	v26 =	vld [tilespmem:$0x1F490];
	v24 =	vor.u32 v12, v44  }
0x203: {  	v9 =	vmul.f32 v9, v25;
	v7 =	vmul.f32 v7, v25;
	v25 =	vld [tilespmem:$0x1F480]  }
0x204: {  	v32 =	vor.u32 v12, v46;
	v11 =	vadd.f32 v34, v33;
	v34 =	vld [tilespmem:$0x1F4B0]  }
0x205: {  	v38 =	vld.idx.msk [tilespmem:v19+s17+$0x0], $0xffff  }
0x206: {  	[tilespmem:$0x1F9E0] =	vst v2;
	v2 =	vld.idx.msk [tilespmem:v22+s20+$0x0], $0xffff  }
0x207: {  	v35 =	vor.u32 v12, v43;
	[tilespmem:$0x1FA30] =	vst v0;
	v0 =	vld.idx.msk [tilespmem:v24+s20+$0x0], $0xffff  }
0x208: {  	v22 =	vld [tilespmem:$0x1F470]  }
0x209: {  	v40 =	vor.u32 v12, v52;
	[tilespmem:$0x1FA50] =	vst v3;
	v3 =	vld.idx.msk [tilespmem:v32+s20+$0x0], $0xffff  }
0x20a: {  	v24 =	vld [tilespmem:$0x1FE60]  }
0x20b: {  	v32 =	vld [tilespmem:$0x1F4A0]  }
0x20c: {  	[tilespmem:$0x1FA70] =	vst v1;
	v42 =	vor.u32 v12, v51;
	v1 =	vld.idx.msk [tilespmem:v35+s20+$0x0], $0xffff  }
0x20d: {  	v35 =	vld [tilespmem:$0x1F4C0]  }
0x20e: {  	[tilespmem:$0x1F9D0] =	vst v4;
	v61 =	vor.u32 v12, v50;
	v4 =	vld.idx.msk [tilespmem:v40+s23+$0x0], $0xffff  }
0x20f: {  	v40 =	vld [tilespmem:$0x1F4D0]  }
0x210: {  	v23 =	vor.u32 v12, v48;
	v19 =	vsel vm0, v16, v20;
	v16 =	vld [tilespmem:$0x1F520]  }
0x211: {  	v33 =	vor.u32 v12, v47;
	[tilespmem:$0x1FAA0] =	vst v2;
	v2 =	vld.idx.msk [tilespmem:v42+s23+$0x0], $0xffff  }
0x212: {  	v42 =	vld [tilespmem:$0x1F4E0]  }
0x213: {  	[tilespmem:$0x1FAB0] =	vst v0;
	v0 =	vld.idx.msk [tilespmem:v61+s23+$0x0], $0xffff  }
0x214: {  	v6 =	vadd.f32 v9, v6;
	v8 =	vadd.f32 v57, v8;
	v61 =	vld [tilespmem:$0x1F4F0]  }
0x215: {  	v5 =	vadd.f32 v7, v5;
	v7 =	vadd.f32 v41, v11;
	[tilespmem:$0x1FAD0] =	vst v3;
	v3 =	vld.idx.msk [tilespmem:v23+s23+$0x0], $0xffff  }
0x216: {  	v8 =	vadd.f32 v25, v8;
	v9 =	vcombine.low v24, v19;
	[tilespmem:$0x1FAF0] =	vst v1;
	v1 =	vld.idx.msk [tilespmem:v33+s23+$0x0], $0xffff  }
0x217: {  	v11 =	vadd.f32 v32, v26;
	v26 =	vld [tilespmem:$0x1F560]  }
0x218: {  	v8 =	vmul.f32 v8, v63;
	v7 =	vadd.f32 v22, v7;
	v22 =	vld [tilespmem:$0x1F530];
	v36 =	vor.u32 v9, v45  }
0x219: {  	v23 =	vld [tilespmem:$0x1F540];
	v41 =	vor.u32 v9, v49  }
0x21a: {  	v5 =	vadd.f32 v8, v5;
	v8 =	vadd.f32 v16, v15;
	v24 =	vld [tilespmem:$0x1F550];
	v57 =	vor.u32 v9, v44  }
0x21b: {  	v12 =	vadd.f32 v35, v34;
	v34 =	vld [tilespmem:$0x1F570]  }
0x21c: {  	v7 =	vmul.f32 v7, v63;
	v63 =	vor.u32 v9, v46;
	v8 =	vadd.f32 v26, v8;
	v26 =	vld [tilespmem:$0x1F5D0]  }
0x21d: {  	v15 =	vld.idx.msk [tilespmem:v36+s17+$0x0], $0xffff  }
0x21e: {  	[tilespmem:$0x1FBE0] =	vst v19;
	v19 =	vor.u32 v9, v43;
	v32 =	vld.idx.msk [tilespmem:v41+s20+$0x0], $0xffff  }
0x21f: {  	v35 =	vld.idx.msk [tilespmem:v57+s20+$0x0], $0xffff  }
0x220: {  	v36 =	vld [tilespmem:$0x1F580]  }
0x221: {  	v11 =	vadd.f32 v40, v11;
	v41 =	vld.idx.msk [tilespmem:v63+s20+$0x0], $0xffff  }
0x222: {  	v25 =	vor.u32 v9, v52;
	v57 =	vld [tilespmem:$0x1F590]  }
0x223: {  	v33 =	vor.u32 v9, v51;
	[tilespmem:$0x1FAC0] =	vst v0;
	v0 =	vadd.f32 v61, v11;
	v61 =	vld.idx.msk [tilespmem:v19+s20+$0x0], $0xffff  }
0x224: {  	v6 =	vadd.f32 v7, v6;
	v7 =	vadd.f32 v42, v12;
	v19 =	vld [tilespmem:$0x1F5A0]  }
0x225: {  	v11 =	vadd.f32 v22, v0;
	v22 =	vld [tilespmem:$0x1F5B0]  }
0x226: {  	v7 =	vadd.f32 v13, v7;
	v13 =	vadd.f32 v24, v23;
	v23 =	vld [tilespmem:$0x1F5C0]  }
0x227: {  	v42 =	vor.u32 v9, v48;
	v24 =	vld.idx.msk [tilespmem:v25+s23+$0x0], $0xffff  }
0x228: {  	v63 =	vor.u32 v9, v47;
	v33 =	vld.idx.msk [tilespmem:v33+s23+$0x0], $0xffff  }
0x229: {  	v13 =	vadd.f32 v34, v13;
	[tilespmem:$0x1FB30] =	vst v32;
	v32 =	vld [tilespmem:$0x1F5E0]  }
0x22a: {  	[tilespmem:$0x1FB40] =	vst v35;
	v35 =	vld [tilespmem:$0x1F5F0]  }
0x22b: {  	v7 =	vmul.f32 v7, v60;
	v11 =	vmul.f32 v11, v60;
	v60 =	vadd.f32 v57, v13;
	v13 =	vld [tilespmem:$0x1F600]  }
0x22c: {  	v12 =	vor.u32 v9, v50;
	v9 =	vadd.f32 v23, v22;
	v22 =	vld.idx.msk [tilespmem:v42+s23+$0x0], $0xffff  }
0x22d: {  	v42 =	vld.idx.msk [tilespmem:v63+s23+$0x0], $0xffff  }
0x22e: {  	v57 =	vld [tilespmem:$0x1F620]  }
0x22f: {  	v40 =	vadd.f32 v36, v8;
	[tilespmem:$0x1FB70] =	vst v61;
	v61 =	vld [tilespmem:$0x1F640]  }
0x230: {  	[tilespmem:$0x1FB00] =	vst v24;
	v24 =	vld [tilespmem:$0x1F650]  }
0x231: {  	v6 =	vadd.f32 v7, v6;
	v7 =	vadd.f32 v19, v40;
	v19 =	vld [tilespmem:$0x1FE90]  }
0x232: {  	v40 =	vld [tilespmem:$0x1F610]  }
0x233: {  	v8 =	vmul.f32 v60, v18;
	v60 =	vld [tilespmem:$0x1F630]  }
0x234: {  	v7 =	vmul.f32 v7, v18;
	v18 =	vld.idx.msk [tilespmem:v12+s23+$0x0], $0xffff  }
0x235: {  	v5 =	vadd.f32 v11, v5;
	v11 =	vadd.f32 v32, v26;
	v32 =	vld [tilespmem:$0x1F670]  }
0x236: {  	[tilespmem:$0x1FB50] =	vst v41;
	v9 =	vadd.f32 v35, v9;
	v35 =	vld [tilespmem:$0x1F680]  }
0x237: {  	v6 =	vadd.f32 v8, v6;
	[tilespmem:$0x1FB80] =	vst v42;
	v42 =	vld [tilespmem:$0x1FE00]  }
0x238: {  	[tilespmem:$0x1FB60] =	vst v22;
	v22 =	vld [tilespmem:$0x1F690];
	v25 =	vor.u32 v19, v45;
	v16 =	vadd.f32 v13, v11;
	v41 =	vadd.f32 v40, v9  }
0x239: {  	v5 =	vadd.f32 v7, v5;
	v9 =	vadd.f32 v61, v60;
	v60 =	vld [tilespmem:$0x1FEA0]  }
0x23a: {  	v34 =	vor.u32 v19, v49;
	v8 =	vadd.f32 v57, v16;
	v7 =	vadd.f32 v24, v41;
	v41 =	vld [tilespmem:$0x1FDF0]  }
0x23b: {  	v36 =	vor.u32 v19, v44;
	v9 =	vadd.f32 v35, v9;
	v35 =	vld [tilespmem:$0x1F6E0]  }
0x23c: {  	v23 =	vor.u32 v19, v46;
	v8 =	vmul.f32 v8, v62;
	v7 =	vmul.f32 v7, v62;
	v62 =	vld [tilespmem:$0x1F6B0]  }
0x23d: {  	v26 =	vld.idx.msk [tilespmem:v25+s17+$0x0], $0xffff  }
0x23e: {  	[tilespmem:$0x1FB20] =	vst v1;
	v1 =	vor.u32 v19, v43;
	v25 =	vld [tilespmem:$0x1F660]  }
0x23f: {  	[tilespmem:$0x1FB10] =	vst v33;
	v61 =	vor.u32 v19, v48;
	v33 =	vld.idx.msk [tilespmem:v34+s20+$0x0], $0xffff  }
0x240: {  	v36 =	vld.idx.msk [tilespmem:v36+s20+$0x0], $0xffff  }
0x241: {  	v57 =	vld.idx.msk [tilespmem:v23+s20+$0x0], $0xffff  }
0x242: {  	v63 =	vor.u32 v19, v52;
	v23 =	vld [tilespmem:$0x1F6A0]  }
0x243: {  	v24 =	vld.idx.msk [tilespmem:v1+s20+$0x0], $0xffff  }
0x244: {  	v34 =	vor.u32 v19, v51;
	v12 =	vsel vm0, v42, v41;
	v41 =	vld.idx.msk [tilespmem:v61+s23+$0x0], $0xffff  }
0x245: {  	v61 =	vld [tilespmem:$0x1F710]  }
0x246: {  	[tilespmem:$0x1FAE0] =	vst v3;
	v40 =	vor.u32 v19, v50;
	v3 =	vcombine.low v12, v60;
	v60 =	vld [tilespmem:$0x1F700]  }
0x247: {  	v11 =	vadd.f32 v32, v25;
	v32 =	vld.idx.msk [tilespmem:v63+s23+$0x0], $0xffff  }
0x248: {  	v25 =	vor.u32 v19, v47;
	v19 =	vld [tilespmem:$0x1F6C0]  }
0x249: {  	v12 =	vld.idx.msk [tilespmem:v34+s23+$0x0], $0xffff  }
0x24a: {  	[tilespmem:$0x1FBA0] =	vst v33;
	v33 =	vor.u32 v3, v45;
	v34 =	vld [tilespmem:$0x1F6D0]  }
0x24b: {  	[tilespmem:$0x1FBB0] =	vst v36;
	v36 =	vld.idx.msk [tilespmem:v40+s23+$0x0], $0xffff  }
0x24c: {  	[tilespmem:$0x1FBD0] =	vst v57;
	v40 =	vor.u32 v3, v44;
	v57 =	vld [tilespmem:$0x1F6F0];
	v11 =	vadd.f32 v22, v11  }
0x24d: {  	v9 =	vadd.f32 v23, v9;
	v23 =	vld [tilespmem:$0x1F720]  }
0x24e: {  	v63 =	vadd.f32 v62, v11;
	v62 =	vld.idx.msk [tilespmem:v25+s23+$0x0], $0xffff  }
0x24f: {  	v5 =	vadd.f32 v7, v5;
	v7 =	vadd.f32 v35, v34;
	v34 =	vld.idx.msk [tilespmem:v33+s17+$0x0], $0xffff  }
0x250: {  	v42 =	vor.u32 v3, v46;
	v25 =	vld [tilespmem:$0x1F730]  }
0x251: {  	v9 =	vadd.f32 v19, v9;
	v19 =	vld.idx.msk [tilespmem:v40+s20+$0x0], $0xffff  }
0x252: {  	v33 =	vld [tilespmem:$0x1FE20]  }
0x253: {  	[tilespmem:$0x1FBC0] =	vst v36;
	v36 =	vld [tilespmem:$0x1F760]  }
0x254: {  	v40 =	vld [tilespmem:$0x1F770]  }
0x255: {  	[tilespmem:$0x1FBF0] =	vst v41;
	v41 =	vld.idx.msk [tilespmem:v42+s20+$0x0], $0xffff  }
0x256: {  	v6 =	vadd.f32 v8, v6;
	v42 =	vld [tilespmem:$0x1FEE0]  }
0x257: {  	v8 =	vmul.f32 v63, v14;
	v9 =	vmul.f32 v9, v14;
	v14 =	vadd.f32 v60, v57;
	v57 =	vld [tilespmem:$0x1F780]  }
0x258: {  	v22 =	vor.u32 v3, v49;
	v7 =	vadd.f32 v61, v7;
	v61 =	vld [tilespmem:$0x1F790]  }
0x259: {  	[tilespmem:$0x1FA80] =	vst v4;
	v4 =	vor.u32 v3, v52;
	v16 =	vadd.f32 v9, v5;
	v9 =	vld [tilespmem:$0x1F740]  }
0x25a: {  	[tilespmem:$0x1FC00] =	vst v24;
	v24 =	vadd.f32 v23, v14;
	v14 =	vld [tilespmem:$0x1F750]  }
0x25b: {  	v63 =	vor.u32 v3, v43;
	v23 =	vld [tilespmem:$0x1F7A0]  }
0x25c: {  	[tilespmem:$0x1FA90] =	vst v2;
	v2 =	vor.u32 v3, v51;
	v5 =	vld [tilespmem:$0x1F860]  }
0x25d: {  	[tilespmem:$0x1FB90] =	vst v32;
	v32 =	vadd.f32 v25, v7;
	v7 =	vld.idx.msk [tilespmem:v22+s20+$0x0], $0xffff  }
0x25e: {  	v25 =	vld.idx.msk [tilespmem:v4+s23+$0x0], $0xffff  }
0x25f: {  	v35 =	vsel vm0, v17, v33;
	v33 =	vld [tilespmem:$0x1F7C0]  }
0x260: {  	[tilespmem:$0x1FC10] =	vst v62;
	v62 =	vld.idx.msk [tilespmem:v63+s20+$0x0], $0xffff  }
0x261: {  	v22 =	vor.u32 v3, v50;
	v13 =	vcombine.low v35, v42;
	v35 =	vld.idx.msk [tilespmem:v2+s23+$0x0], $0xffff  }
0x262: {  	v11 =	vor.u32 v3, v48;
	v60 =	vadd.f32 v57, v24;
	v24 =	vld [tilespmem:$0x1F7B0]  }
0x263: {  	v63 =	vor.u32 v3, v47;
	v57 =	vld [tilespmem:$0x1F7E0]  }
0x264: {  	v8 =	vadd.f32 v8, v6;
	v6 =	vadd.f32 v23, v32;
	v23 =	vld [tilespmem:$0x1F920]  }
0x265: {  	[tilespmem:$0x1FC40] =	vst v7;
	v7 =	vadd.f32 v14, v9;
	v14 =	vadd.f32 v40, v36;
	v40 =	vld [tilespmem:$0x1F7D0]  }
0x266: {  	[tilespmem:$0x1FC70] =	vst v41;
	v2 =	vor.u32 v13, v49;
	v41 =	vld.idx.msk [tilespmem:v22+s23+$0x0], $0xffff  }
0x267: {  	v1 =	vor.u32 v13, v43;
	v17 =	vmul.f32 v60, v55;
	v36 =	vmul.f32 v6, v55;
	v55 =	vld.idx.msk [tilespmem:v11+s23+$0x0], $0xffff  }
0x268: {  	v60 =	vld.idx.msk [tilespmem:v63+s23+$0x0], $0xffff  }
0x269: {  	[tilespmem:$0x1FC90] =	vst v62;
	v62 =	vld [tilespmem:$0x1F800]  }
0x26a: {  	v42 =	vor.u32 v13, v44;
	v7 =	vadd.f32 v61, v7;
	v61 =	vld [tilespmem:$0x1F7F0]  }
0x26b: {  	v16 =	vadd.f32 v36, v16;
	v36 =	vld.idx.msk [tilespmem:v2+s20+$0x0], $0xffff  }
0x26c: {  	v32 =	vor.u32 v13, v45;
	v14 =	vadd.f32 v24, v14;
	v4 =	vld.idx.msk [tilespmem:v1+s20+$0x0], $0xffff  }
0x26d: {  	v7 =	vadd.f32 v33, v7;
	v33 =	vld [tilespmem:$0x1F820]  }
0x26e: {  	v8 =	vadd.f32 v17, v8;
	v17 =	vor.u32 v13, v46;
	v14 =	vadd.f32 v40, v14;
	v40 =	vld [tilespmem:$0x1F830]  }
0x26f: {  	[tilespmem:$0x1FC60] =	vst v41;
	v41 =	vld.idx.msk [tilespmem:v42+s20+$0x0], $0xffff  }
0x270: {  	v42 =	vld [tilespmem:$0x1FE50]  }
0x271: {  	[tilespmem:$0x1FC80] =	vst v55;
	v55 =	vld.idx.msk [tilespmem:v32+s17+$0x0], $0xffff  }
0x272: {  	v32 =	vld [tilespmem:$0x1F810]  }
0x273: {  	[tilespmem:$0x1FCA0] =	vst v60;
	v60 =	vld.idx.msk [tilespmem:v17+s20+$0x0], $0xffff  }
0x274: {  	v14 =	vadd.f32 v57, v14;
	v57 =	vld [tilespmem:$0x1F840]  }
0x275: {  	v2 =	vor.u32 v13, v51;
	v7 =	vmul.f32 v7, v28;
	v63 =	vadd.f32 v62, v61;
	v61 =	vld [tilespmem:$0x1FF00]  }
0x276: {  	v62 =	vld [tilespmem:$0x1F850]  }
0x277: {  	[tilespmem:$0x1FC50] =	vst v19;
	v19 =	vadd.f32 v7, v8;
	v7 =	vld [tilespmem:$0x1F870]  }
0x278: {  	v8 =	vld [tilespmem:$0x1F880]  }
0x279: {  	v11 =	vor.u32 v13, v52;
	[tilespmem:$0x1FCB0] =	vst v36;
	v36 =	vld [tilespmem:$0x1F8A0]  }
0x27a: {  	v31 =	vld.idx.msk [tilespmem:v2+s23+$0x0], $0xffff  }
0x27b: {  	v2 =	vld [tilespmem:$0x1FEC0]  }
0x27c: {  	v22 =	vor.u32 v13, v50;
	v27 =	vadd.f32 v40, v63;
	v40 =	vld [tilespmem:$0x1F8B0]  }
0x27d: {  	v1 =	vor.u32 v13, v47;
	[tilespmem:$0x1FCD0] =	vst v60;
	v60 =	vld [tilespmem:$0x1F8C0]  }
0x27e: {  	[tilespmem:$0x1FC30] =	vst v35;
	v35 =	vadd.f32 v33, v32;
	v63 =	vadd.f32 v62, v27;
	v27 =	vld.idx.msk [tilespmem:v11+s23+$0x0], $0xffff  }
0x27f: {  	v62 =	vld [tilespmem:$0x1F8D0]  }
0x280: {  	v24 =	vadd.f32 v57, v35;
	v35 =	vld [tilespmem:$0x1F890]  }
0x281: {  	v29 =	vsel vm0, v20, v42;
	v57 =	vld.idx.msk [tilespmem:v22+s23+$0x0], $0xffff  }
0x282: {  	v17 =	vcombine.low v29, v61;
	v29 =	vor.u32 v13, v48;
	v9 =	vadd.f32 v8, v7;
	v7 =	vld.idx.msk [tilespmem:v1+s23+$0x0], $0xffff  }
0x283: {  	v8 =	vld [tilespmem:$0x1F8F0];
	v1 =	vor.u32 v2, v43  }
0x284: {  	v42 =	vor.u32 v17, v49;
	v6 =	vadd.f32 v5, v24;
	v5 =	vld [tilespmem:$0x1F8E0]  }
0x285: {  	v61 =	vor.u32 v17, v44;
	v24 =	vadd.f32 v60, v9;
	v9 =	vld [tilespmem:$0x1F900]  }
0x286: {  	v60 =	vld [tilespmem:$0x1FEB0]  }
0x287: {  	[tilespmem:$0x1FCF0] =	vst v4;
	v14 =	vmul.f32 v14, v28;
	v11 =	vor.u32 v17, v45;
	v4 =	vld.idx.msk [tilespmem:v29+s23+$0x0], $0xffff  }
0x288: {  	v1 =	vld.idx.msk [tilespmem:v1+s20+$0x0], $0xffff  }
0x289: {  	v14 =	vadd.f32 v14, v16;
	v22 =	vld.idx.msk [tilespmem:v42+s20+$0x0], $0xffff  }
0x28a: {  	[tilespmem:$0x1FCC0] =	vst v41;
	v41 =	vadd.f32 v40, v36;
	v16 =	vadd.f32 v35, v63;
	v42 =	vld.idx.msk [tilespmem:v61+s20+$0x0], $0xffff  }
0x28b: {  	v13 =	vmul.f32 v6, v54;
	v61 =	vld [tilespmem:$0x1FE80]  }
0x28c: {  	v63 =	vadd.f32 v62, v41;
	v35 =	vor.u32 v17, v46;
	v16 =	vmul.f32 v16, v54;
	v54 =	vld.idx.msk [tilespmem:v11+s17+$0x0], $0xffff  }
0x28d: {  	v32 =	vor.u32 v17, v52;
	v6 =	vadd.f32 v5, v24;
	v11 =	vld [tilespmem:$0x1F910]  }
0x28e: {  	v14 =	vadd.f32 v16, v14;
	v16 =	vadd.f32 v8, v63;
	v63 =	vld [tilespmem:$0x1F930]  }
0x28f: {  	v36 =	vor.u32 v17, v43;
	v13 =	vadd.f32 v13, v19;
	v19 =	vadd.f32 v37, v6;
	v6 =	vld [tilespmem:$0x1FF10]  }
0x290: {  	v33 =	vor.u32 v17, v50;
	v8 =	vld [tilespmem:$0x1F940]  }
0x291: {  	v5 =	vld.idx.msk [tilespmem:v35+s20+$0x0], $0xffff  }
0x292: {  	v37 =	vor.u32 v17, v51;
	v35 =	vld.idx.msk [tilespmem:v32+s23+$0x0], $0xffff  }
0x293: {  	[tilespmem:$0x1FD00] =	vst v7;
	v62 =	vsel vm0, v60, v61;
	v61 =	vld [tilespmem:$0x1F960]  }
0x294: {  	v7 =	vor.u32 v17, v48;
	v17 =	vor.u32 v17, v47;
	v20 =	vadd.f32 v11, v9;
	v11 =	vld.idx.msk [tilespmem:v36+s20+$0x0], $0xffff  }
0x295: {  	[tilespmem:$0x1FC20] =	vst v25;
	v36 =	vld.idx.msk [tilespmem:v33+s23+$0x0], $0xffff  }
0x296: {  	v25 =	vadd.f32 v39, v23;
	[tilespmem:$0x1FCE0] =	vst v4;
	v4 =	vadd.f32 v63, v20;
	v20 =	vld [tilespmem:$0x1F950]  }
0x297: {  	v40 =	vld.idx.msk [tilespmem:v37+s23+$0x0], $0xffff  }
0x298: {  	v9 =	vadd.f32 v8, v25;
	v63 =	vld [tilespmem:$0x1F970]  }
0x299: {  	v8 =	vld.idx.msk [tilespmem:v17+s23+$0x0], $0xffff  }
0x29a: {  	[tilespmem:$0x1FD20] =	vst v42;
	v42 =	vcombine.low v62, v6;
	v24 =	vadd.f32 v56, v9;
	v56 =	vld.idx.msk [tilespmem:v7+s23+$0x0], $0xffff  }
0x29b: {  	v16 =	vmul.f32 v16, v53;
	v7 =	vld [tilespmem:$0x1F990]  }
0x29c: {  	v23 =	vor.u32 v42, v45;
	v9 =	vld [tilespmem:$0x1F9A0]  }
0x29d: {  	v13 =	vadd.f32 v16, v13;
	v25 =	vor.u32 v42, v49;
	v16 =	vmul.f32 v24, v30;
	v24 =	vld [tilespmem:$0x1F9D0]  }
0x29e: {  	[tilespmem:$0x1FD10] =	vst v22;
	v22 =	vadd.f32 v20, v4;
	v4 =	vld [tilespmem:$0x1F980]  }
0x29f: {  	v20 =	vld [tilespmem:$0x1F9B0]  }
0x2a0: {  	v33 =	vor.u32 v42, v44;
	[tilespmem:$0x1FD50] =	vst v8;
	v8 =	vld [tilespmem:$0x1FA30]  }
0x2a1: {  	v19 =	vmul.f32 v19, v53;
	v53 =	vld.idx.msk [tilespmem:v23+s17+$0x0], $0xffff  }
0x2a2: {  	v6 =	vor.u32 v42, v46;
	v37 =	vld.idx.msk [tilespmem:v25+s20+$0x0], $0xffff  }
0x2a3: {  	v23 =	vld [tilespmem:$0x1F9C0]  }
0x2a4: {  	v25 =	vld [tilespmem:$0x1F9E0]  }
0x2a5: {  	v41 =	vld.idx.msk [tilespmem:v33+s20+$0x0], $0xffff  }
0x2a6: {  	v60 =	vor.u32 v42, v52;
	v33 =	vld [tilespmem:$0x1F9F0]  }
0x2a7: {  	v17 =	vor.u32 v42, v43;
	v39 =	vld.idx.msk [tilespmem:v6+s20+$0x0], $0xffff  }
0x2a8: {  	v62 =	vadd.f32 v61, v22;
	v58 =	vadd.f32 v58, v7;
	v7 =	vld [tilespmem:$0x1FA20]  }
0x2a9: {  	v14 =	vadd.f32 v19, v14;
	[tilespmem:$0x1FD30] =	vst v5;
	v5 =	vadd.f32 v4, v63;
	v63 =	vld [tilespmem:$0x1FA00]  }
0x2aa: {  	v61 =	vor.u32 v42, v51;
	v19 =	vmul.f32 v62, v30;
	v22 =	vadd.f32 v20, v58;
	v4 =	vld [tilespmem:$0x1FA10]  }
0x2ab: {  	v6 =	vor.u32 v42, v48;
	v58 =	vld.idx.msk [tilespmem:v60+s23+$0x0], $0xffff  }
0x2ac: {  	v14 =	vadd.f32 v19, v14;
	v19 =	vadd.f32 v33, v22;
	v33 =	vld.idx.msk [tilespmem:v17+s20+$0x0], $0xffff  }
0x2ad: {  	[tilespmem:$0x1FD40] =	vst v11;
	v11 =	vadd.f32 v9, v5;
	v9 =	vld [tilespmem:$0x1FA40]  }
0x2ae: {  	v62 =	vor.u32 v42, v50;
	v22 =	vld [tilespmem:$0x1FA50]  }
0x2af: {  	v32 =	vadd.f32 v25, v24;
	v24 =	vld.idx.msk [tilespmem:v61+s23+$0x0], $0xffff  }
0x2b0: {  	v61 =	vld.idx.msk [tilespmem:v6+s23+$0x0], $0xffff  }
0x2b1: {  	v6 =	vld [tilespmem:$0x1FA80]  }
0x2b2: {  	v13 =	vadd.f32 v16, v13;
	v16 =	vadd.f32 v23, v11;
	v23 =	vld [tilespmem:$0x1FA60]  }
0x2b3: {  	v19 =	vmul.f32 v19, v59;
	v29 =	vld.idx.msk [tilespmem:v62+s23+$0x0], $0xffff  }
0x2b4: {  	v5 =	vadd.f32 v4, v63;
	v16 =	vadd.f32 v7, v16;
	v7 =	vld [tilespmem:$0x1FA90]  }
0x2b5: {  	v28 =	vadd.f32 v8, v32;
	v32 =	vor.u32 v2, v44;
	v13 =	vadd.f32 v19, v13;
	v19 =	vld [tilespmem:$0x1FAC0]  }
0x2b6: {  	v25 =	vor.u32 v2, v46;
	v11 =	vadd.f32 v9, v5;
	v5 =	vld [tilespmem:$0x1FA70]  }
0x2b7: {  	v17 =	vor.u32 v42, v47;
	v28 =	vadd.f32 v22, v28;
	v22 =	vld [tilespmem:$0x1FAD0]  }
0x2b8: {  	v63 =	vor.u32 v2, v49;
	v59 =	vmul.f32 v16, v59;
	v16 =	vld [tilespmem:$0x1FAB0]  }
0x2b9: {  	v42 =	vadd.f32 v23, v11;
	v11 =	vld [tilespmem:$0x1FAA0]  }
0x2ba: {  	v30 =	vld.idx.msk [tilespmem:v32+s20+$0x0], $0xffff  }
0x2bb: {  	v20 =	vor.u32 v2, v45;
	v32 =	vld.idx.msk [tilespmem:v25+s20+$0x0], $0xffff  }
0x2bc: {  	v14 =	vadd.f32 v59, v14;
	v59 =	vld.idx.msk [tilespmem:v17+s23+$0x0], $0xffff  }
0x2bd: {  	v62 =	vld.idx.msk [tilespmem:v63+s20+$0x0], $0xffff  }
0x2be: {  	v17 =	vld [tilespmem:$0x1FB00];
	v28 =	vadd.f32 v5, v28  }
0x2bf: {  	v8 =	vadd.f32 v7, v6;
	v7 =	vld [tilespmem:$0x1FBC0]  }
0x2c0: {  	v42 =	vmul.f32 v42, v21;
	v9 =	vmul.f32 v28, v21;
	v21 =	vld.idx.msk [tilespmem:v20+s17+$0x0], $0xffff  }
0x2c1: {  	v28 =	vadd.f32 v16, v11;
	v16 =	vld [tilespmem:$0x1FAF0]  }
0x2c2: {  	v11 =	vld [tilespmem:$0x1FF20]  }
0x2c3: {  	v20 =	vadd.f32 v19, v8;
	v19 =	vld [tilespmem:$0x1FB10]  }
0x2c4: {  	v6 =	vadd.f32 v9, v14;
	v23 =	vadd.f32 v22, v28;
	v9 =	vld [tilespmem:$0x1FAE0]  }
0x2c5: {  	v22 =	vld [tilespmem:$0x1FB30]  }
0x2c6: {  	v14 =	vadd.f32 v16, v23;
	v23 =	vld [tilespmem:$0x1FB40]  }
0x2c7: {  	v25 =	vcombine.low v10, v11;
	v11 =	vld [tilespmem:$0x1FB60]  }
0x2c8: {  	v16 =	vld [tilespmem:$0x1FB80]  }
0x2c9: {  	v60 =	vor.u32 v2, v52;
	v28 =	vadd.f32 v9, v20;
	v20 =	vld [tilespmem:$0x1FB20]  }
0x2ca: {  	v13 =	vadd.f32 v42, v13;
	v0 =	vadd.f32 v19, v17;
	v17 =	vld [tilespmem:$0x1FB90];
	v14 =	vmul.f32 v14, v38  }
0x2cb: {  	v63 =	vor.u32 v2, v51;
	v9 =	vld [tilespmem:$0x1FB50]  }
0x2cc: {  	v4 =	vor.u32 v2, v50;
	v10 =	vor.u32 v2, v48;
	v14 =	vadd.f32 v14, v13;
	v13 =	vld [tilespmem:$0x1FB70]  }
0x2cd: {  	v5 =	vor.u32 v2, v47;
	v0 =	vadd.f32 v18, v0;
	v2 =	vadd.f32 v23, v22;
	v23 =	vld [tilespmem:$0x1FBB0]  }
0x2ce: {  	[tilespmem:$0x1FD60] =	vst v1;
	v1 =	vadd.f32 v20, v28;
	v28 =	vld.idx.msk [tilespmem:v60+s23+$0x0], $0xffff;
	v60 =	vor.u32 v25, v45  }
0x2cf: {  	v0 =	vadd.f32 v11, v0;
	v11 =	vor.u32 v25, v46;
	v20 =	vld [tilespmem:$0x1FBA0]  }
0x2d0: {  	v18 =	vld.idx.msk [tilespmem:v63+s23+$0x0], $0xffff;
	v2 =	vadd.f32 v9, v2  }
0x2d1: {  	v42 =	vor.u32 v25, v49;
	v22 =	vld.idx.msk [tilespmem:v10+s23+$0x0], $0xffff  }
0x2d2: {  	v2 =	vadd.f32 v13, v2;
	v13 =	vld [tilespmem:$0x1FBE0]  }
0x2d3: {  	v10 =	vld.idx.msk [tilespmem:v60+s17+$0x0], $0xffff  }
0x2d4: {  	v38 =	vmul.f32 v1, v38;
	v1 =	vadd.f32 v23, v20;
	v20 =	vld.idx.msk [tilespmem:v11+s20+$0x0], $0xffff  }
0x2d5: {  	v60 =	vor.u32 v25, v52;
	v11 =	vld [tilespmem:$0x1FF30]  }
0x2d6: {  	v63 =	vld.idx.msk [tilespmem:v42+s20+$0x0], $0xffff  }
0x2d7: {  	v12 =	vadd.f32 v12, v17;
	v9 =	vld [tilespmem:$0x1FBD0];
	v2 =	vmul.f32 v2, v15  }
0x2d8: {  	v0 =	vadd.f32 v16, v0;
	v8 =	vadd.f32 v38, v6;
	v38 =	vld.idx.msk [tilespmem:v5+s23+$0x0], $0xffff  }
0x2d9: {  	v12 =	vadd.f32 v7, v12;
	v7 =	vadd.f32 v2, v14;
	v14 =	vld [tilespmem:$0x1FBF0]  }
0x2da: {  	v42 =	vmul.f32 v0, v15;
	v0 =	vcombine.low v13, v11;
	v11 =	vld.idx.msk [tilespmem:v60+s23+$0x0], $0xffff  }
0x2db: {  	v60 =	vld [tilespmem:$0x1FC10]  }
0x2dc: {  	v8 =	vadd.f32 v42, v8;
	v42 =	vld [tilespmem:$0x1FC00]  }
0x2dd: {  	v1 =	vadd.f32 v9, v1;
	v9 =	vld [tilespmem:$0x1FC20]  }
0x2de: {  	v5 =	vor.u32 v25, v43;
	v13 =	vld [tilespmem:$0x1FC40];
	v16 =	vadd.f32 v14, v12  }
0x2df: {  	v12 =	vld [tilespmem:$0x1FC30]  }
0x2e0: {  	v14 =	vadd.f32 v60, v16;
	v16 =	vld [tilespmem:$0x1FC50];
	_ =	sdelay $0x1  }
0x2e1: {  	v1 =	vadd.f32 v42, v1;
	v42 =	vld [tilespmem:$0x1FC60]  }
0x2e2: {  	v23 =	vld.idx.msk [tilespmem:v5+s20+$0x0], $0xffff;
	v5 =	vor.u32 v25, v47;
	_ =	sdelay $0x1  }
0x2e3: {  	v60 =	vadd.f32 v12, v9;
	v2 =	vadd.f32 v16, v13;
	v16 =	vld [tilespmem:$0x1FC70]  }
0x2e4: {  	v19 =	vld.idx.msk [tilespmem:v4+s23+$0x0], $0xffff;
	v4 =	vor.u32 v25, v44  }
0x2e5: {  	v1 =	vmul.f32 v1, v26;
	v14 =	vmul.f32 v14, v26;
	v26 =	vadd.f32 v42, v60;
	v42 =	vld [tilespmem:$0x1FC80]  }
0x2e6: {  	v13 =	vld.idx.msk [tilespmem:v5+s23+$0x0], $0xffff  }
0x2e7: {  	v5 =	vld [tilespmem:$0x1FC90]  }
0x2e8: {  	v2 =	vadd.f32 v16, v2;
	v16 =	vld [tilespmem:$0x1FCA0]  }
0x2e9: {  	v17 =	vld.idx.msk [tilespmem:v4+s20+$0x0], $0xffff;
	v4 =	vor.u32 v25, v48;
	_ =	sdelay $0x1  }
0x2ea: {  	v26 =	vadd.f32 v42, v26  }
0x2eb: {  	v42 =	vld [tilespmem:$0x1FCB0]  }
0x2ec: {  	v2 =	vadd.f32 v5, v2;
	v26 =	vadd.f32 v16, v26;
	v16 =	vld [tilespmem:$0x1FCC0]  }
0x2ed: {  	v12 =	vld.idx.msk [tilespmem:v4+s23+$0x0], $0xffff;
	v4 =	vor.u32 v0, v43  }
0x2ee: {  	v27 =	vadd.f32 v31, v27;
	v2 =	vmul.f32 v2, v34;
	v26 =	vmul.f32 v26, v34;
	v34 =	vld [tilespmem:$0x1FCE0];
	_ =	sdelay $0x1  }
0x2ef: {  	v27 =	vadd.f32 v57, v27  }
0x2f0: {  	v7 =	vadd.f32 v1, v7;
	v1 =	vadd.f32 v16, v42;
	v42 =	vld [tilespmem:$0x1FCD0]  }
0x2f1: {  	v16 =	vld.idx.msk [tilespmem:v4+s20+$0x0], $0xffff  }
0x2f2: {  	v4 =	vadd.f32 v2, v7;
	v7 =	vadd.f32 v34, v27;
	v34 =	vld [tilespmem:$0x1FCF0]  }
0x2f3: {  	v6 =	vor.u32 v25, v51  }
0x2f4: {  	v15 =	vor.u32 v25, v50;
	v25 =	vor.u32 v0, v45  }
0x2f5: {  	v60 =	vor.u32 v0, v46;
	v1 =	vadd.f32 v42, v1  }
0x2f6: {  	v42 =	vld [tilespmem:$0x1FFC0]  }
0x2f7: {  	v1 =	vadd.f32 v34, v1;
	v34 =	vld [tilespmem:$0x1FD00]  }
0x2f8: {  	v3 =	vor.u32 v0, v49;
	v9 =	vld.idx.msk [tilespmem:v6+s23+$0x0], $0xffff  }
0x2f9: {  	v31 =	vor.u32 v0, v51;
	v14 =	vadd.f32 v14, v8;
	v8 =	vld.idx.msk [tilespmem:v25+s17+$0x0], $0xffff  }
0x2fa: {  	v57 =	vld.idx.msk [tilespmem:v60+s20+$0x0], $0xffff  }
0x2fb: {  	v27 =	vor.u32 v42, v45;
	v42 =	vld [tilespmem:$0x1FFC0]  }
0x2fc: {  	v7 =	vadd.f32 v34, v7;
	v34 =	vadd.f32 v40, v35;
	v40 =	vld [tilespmem:$0x1FFC0]  }
0x2fd: {  	v5 =	vld.idx.msk [tilespmem:v3+s20+$0x0], $0xffff  }
0x2fe: {  	v14 =	vadd.f32 v26, v14;
	v26 =	vld.idx.msk [tilespmem:v31+s23+$0x0], $0xffff  }
0x2ff: {  	v6 =	vor.u32 v0, v44;
	v2 =	vld [tilespmem:$0x1FD10]  }
0x300: {  	v25 =	vor.u32 v0, v52;
	v60 =	vor.u32 v0, v48;
	v31 =	vor.u32 v42, v49;
	v42 =	vld [tilespmem:$0x1FFC0]  }
0x301: {  	v3 =	vor.u32 v0, v50;
	v0 =	vor.u32 v0, v47;
	v35 =	vor.u32 v40, v44;
	v40 =	vld [tilespmem:$0x1FD20];
	_ =	sdelay $0x1  }
0x302: {  	v1 =	vmul.f32 v1, v55;
	v7 =	vmul.f32 v7, v55;
	v55 =	vld [tilespmem:$0x1FFC0];
	_ =	sdelay $0x2  }
0x303: {  	v40 =	vadd.f32 v40, v2;
	v2 =	vor.u32 v42, v46;
	v42 =	vld.idx.msk [tilespmem:v0+s23+$0x0], $0xffff  }
0x304: {  	v0 =	vld [tilespmem:$0x1FD30]  }
0x305: {  	v34 =	vadd.f32 v36, v34;
	v36 =	vor.u32 v55, v43;
	v55 =	vld [tilespmem:$0x1FFC0]  }
0x306: {  	v24 =	vadd.f32 v24, v58;
	v58 =	vld [tilespmem:$0x1FFD0]  }
0x307: {  	v15 =	vld.idx.msk [tilespmem:v15+s23+$0x0], $0xffff  }
0x308: {  	v6 =	vld.idx.msk [tilespmem:v6+s20+$0x0], $0xffff  }
0x309: {  	v1 =	vadd.f32 v1, v4;
	v4 =	vadd.f32 v0, v40;
	v0 =	vld [tilespmem:$0x1FFC0]  }
0x30a: {  	v37 =	vadd.f32 v41, v37;
	v40 =	vor.u32 v55, v52;
	v55 =	vld [tilespmem:$0x1FD40]  }
0x30b: {  	v25 =	vld.idx.msk [tilespmem:v25+s23+$0x0], $0xffff  }
0x30c: {  	v37 =	vadd.f32 v39, v37;
	v60 =	vld.idx.msk [tilespmem:v60+s23+$0x0], $0xffff  }
0x30d: {  	v24 =	vadd.f32 v29, v24;
	v18 =	vadd.f32 v18, v28;
	v3 =	vld.idx.msk [tilespmem:v3+s23+$0x0], $0xffff  }
0x30e: {  	v7 =	vadd.f32 v7, v14;
	v14 =	vadd.f32 v56, v34;
	v56 =	vld [tilespmem:$0x1FD50];
	v34 =	vor.u32 v0, v51  }
0x30f: {  	v27 =	vld.idx.msk [tilespmem:v27+s17+$0x0], $0xffff;
	v4 =	vadd.f32 v55, v4;
	v55 =	vor.u32 v0, v50;
	v41 =	vor.u32 v0, v48  }
0x310: {  	v29 =	vld.idx.msk [tilespmem:v36+s20+$0x0], $0xffff;
	v36 =	vor.u32 v0, v47;
	v0 =	vadd.f32 v33, v37;
	v37 =	vor.u32 v58, v44  }
0x311: {  	v31 =	vld.idx.msk [tilespmem:v31+s20+$0x0], $0xffff  }
0x312: {  	v18 =	vadd.f32 v19, v18;
	v35 =	vld.idx.msk [tilespmem:v35+s20+$0x0], $0xffff  }
0x313: {  	v14 =	vadd.f32 v56, v14;
	v2 =	vld.idx.msk [tilespmem:v2+s20+$0x0], $0xffff  }
0x314: {  	v56 =	vadd.f32 v22, v18;
	v39 =	vld.idx.msk [tilespmem:v40+s23+$0x0], $0xffff  }
0x315: {  	v14 =	vmul.f32 v14, v54;
	v40 =	vor.u32 v58, v45;
	v4 =	vmul.f32 v4, v54;
	v18 =	vld.idx.msk [tilespmem:v37+s20+$0x0], $0xffff  }
0x316: {  	v61 =	vadd.f32 v61, v24;
	v30 =	vadd.f32 v30, v62;
	v54 =	vor.u32 v58, v43;
	v37 =	vld [tilespmem:$0x1FD60]  }
0x317: {  	v7 =	vadd.f32 v14, v7;
	v14 =	vmul.f32 v0, v53;
	v1 =	vadd.f32 v4, v1;
	v24 =	vld.idx.msk [tilespmem:v34+s23+$0x0], $0xffff  }
0x318: {  	v9 =	vadd.f32 v9, v11;
	v4 =	vadd.f32 v59, v61;
	v33 =	vld.idx.msk [tilespmem:v55+s23+$0x0], $0xffff  }
0x319: {  	v59 =	vor.u32 v58, v50;
	v28 =	vld.idx.msk [tilespmem:v41+s23+$0x0], $0xffff;
	v1 =	vadd.f32 v14, v1;
	v14 =	vadd.f32 v32, v30  }
0x31a: {  	v34 =	vor.u32 v58, v49;
	v19 =	vld.idx.msk [tilespmem:v40+s17+$0x0], $0xffff  }
0x31b: {  	v9 =	vadd.f32 v15, v9;
	v41 =	vor.u32 v58, v46;
	v14 =	vadd.f32 v37, v14;
	v37 =	vld.idx.msk [tilespmem:v54+s20+$0x0], $0xffff  }
0x31c: {  	v40 =	vor.u32 v58, v52;
	v4 =	vmul.f32 v4, v53;
	v54 =	vld [tilespmem:$0x1FFE0]  }
0x31d: {  	v17 =	vadd.f32 v17, v63;
	v9 =	vadd.f32 v12, v9;
	v36 =	vld.idx.msk [tilespmem:v36+s23+$0x0], $0xffff;
	v32 =	vor.u32 v58, v48  }
0x31e: {  	v4 =	vadd.f32 v4, v7;
	v7 =	vadd.f32 v38, v56;
	v38 =	vor.u32 v58, v47;
	v12 =	vld.idx.msk [tilespmem:v59+s23+$0x0], $0xffff  }
0x31f: {  	v30 =	vld.idx.msk [tilespmem:v34+s20+$0x0], $0xffff  }
0x320: {  	v17 =	vadd.f32 v20, v17;
	v34 =	vor.u32 v58, v51;
	v11 =	vld.idx.msk [tilespmem:v41+s20+$0x0], $0xffff  }
0x321: {  	v15 =	vld.idx.msk [tilespmem:v40+s23+$0x0], $0xffff;
	v14 =	vmul.f32 v14, v21;
	v56 =	vor.u32 v54, v45  }
0x322: {  	v59 =	vadd.f32 v23, v17;
	v17 =	vld.idx.msk [tilespmem:v32+s23+$0x0], $0xffff;
	v32 =	vadd.f32 v26, v25;
	v58 =	vor.u32 v54, v49  }
0x323: {  	v7 =	vmul.f32 v7, v21;
	v23 =	vld.idx.msk [tilespmem:v38+s23+$0x0], $0xffff;
	v1 =	vadd.f32 v14, v1;
	v14 =	vor.u32 v54, v44  }
0x324: {  	v3 =	vadd.f32 v3, v32;
	v32 =	vadd.f32 v24, v39;
	v39 =	vld [tilespmem:$0x1FFF0];
	v63 =	vor.u32 v54, v46  }
0x325: {  	v9 =	vadd.f32 v13, v9;
	v5 =	vadd.f32 v6, v5;
	v20 =	vld.idx.msk [tilespmem:v34+s23+$0x0], $0xffff;
	v34 =	vor.u32 v54, v43  }
0x326: {  	v4 =	vadd.f32 v7, v4;
	v7 =	vmul.f32 v59, v10;
	v26 =	vor.u32 v54, v52;
	v6 =	vld.idx.msk [tilespmem:v56+s17+$0x0], $0xffff  }
0x327: {  	v9 =	vmul.f32 v9, v10;
	v5 =	vadd.f32 v57, v5;
	v13 =	vor.u32 v54, v51;
	v10 =	vld.idx.msk [tilespmem:v58+s20+$0x0], $0xffff  }
0x328: {  	v59 =	vor.u32 v54, v50;
	v1 =	vadd.f32 v7, v1;
	v7 =	vld.idx.msk [tilespmem:v14+s20+$0x0], $0xffff  }
0x329: {  	v5 =	vadd.f32 v16, v5;
	v4 =	vadd.f32 v9, v4;
	v9 =	vld.idx.msk [tilespmem:v63+s20+$0x0], $0xffff;
	v63 =	vor.u32 v54, v48  }
0x32a: {  	v3 =	vadd.f32 v60, v3;
	v24 =	vor.u32 v54, v47;
	v22 =	vld.idx.msk [tilespmem:v34+s20+$0x0], $0xffff  }
0x32b: {  	v5 =	vmul.f32 v5, v8;
	v25 =	vld.idx.msk [tilespmem:v26+s23+$0x0], $0xffff;
	v54 =	vor.u32 v39, v49  }
0x32c: {  	v34 =	vadd.f32 v42, v3;
	v42 =	vadd.f32 v35, v31;
	v13 =	vld.idx.msk [tilespmem:v13+s23+$0x0], $0xffff;
	v31 =	vor.u32 v39, v52  }
0x32d: {  	v16 =	vadd.f32 v33, v32;
	v18 =	vadd.f32 v18, v30;
	v56 =	vld.idx.msk [tilespmem:v59+s23+$0x0], $0xffff;
	v58 =	vor.u32 v39, v51  }
0x32e: {  	v1 =	vadd.f32 v5, v1;
	v33 =	vor.u32 v39, v50;
	v60 =	vld.idx.msk [tilespmem:v63+s23+$0x0], $0xffff;
	v63 =	vor.u32 v39, v44  }
0x32f: {  	v43 =	vor.u32 v39, v43;
	v59 =	vadd.f32 v28, v16;
	v32 =	vld.idx.msk [tilespmem:v24+s23+$0x0], $0xffff;
	v15 =	vadd.f32 v20, v15  }
0x330: {  	v35 =	vor.u32 v39, v46;
	v0 =	vmul.f32 v34, v8;
	v2 =	vadd.f32 v2, v42;
	v34 =	vld.idx.msk [tilespmem:v54+s20+$0x0], $0xffff  }
0x331: {  	v28 =	vor.u32 v39, v48;
	v5 =	vadd.f32 v36, v59;
	v12 =	vadd.f32 v12, v15;
	v42 =	vld.idx.msk [tilespmem:v31+s23+$0x0], $0xffff  }
0x332: {  	v47 =	vor.u32 v39, v47;
	v0 =	vadd.f32 v0, v4;
	v2 =	vadd.f32 v29, v2;
	v8 =	vld.idx.msk [tilespmem:v58+s23+$0x0], $0xffff  }
0x333: {  	v5 =	vmul.f32 v5, v27;
	v48 =	vadd.f32 v17, v12;
	v44 =	vadd.f32 v11, v18;
	v46 =	vld.idx.msk [tilespmem:v63+s20+$0x0], $0xffff  }
0x334: {  	v49 =	vor.u32 v39, v45;
	v50 =	vld.idx.msk [tilespmem:v33+s23+$0x0], $0xffff;
	v13 =	vadd.f32 v13, v25;
	v7 =	vadd.f32 v7, v10  }
0x335: {  	v51 =	vld.idx.msk [tilespmem:v35+s20+$0x0], $0xffff;
	v2 =	vmul.f32 v2, v27;
	v0 =	vadd.f32 v5, v0;
	v5 =	vadd.f32 v23, v48  }
0x336: {  	v52 =	vld.idx.msk [tilespmem:v28+s23+$0x0], $0xffff;
	v3 =	vadd.f32 v56, v13;
	v7 =	vadd.f32 v9, v7  }
0x337: {  	v54 =	vld.idx.msk [tilespmem:v43+s20+$0x0], $0xffff;
	v1 =	vadd.f32 v2, v1;
	v8 =	vadd.f32 v8, v42  }
0x338: {  	v58 =	vld.idx.msk [tilespmem:v47+s23+$0x0], $0xffff;
	v2 =	vadd.f32 v37, v44;
	v56 =	vadd.f32 v46, v34  }
0x339: {  	v12 =	vld.idx.msk [tilespmem:v49+s17+$0x0], $0xffff;
	v3 =	vadd.f32 v60, v3;
	v8 =	vadd.f32 v50, v8  }
0x33a: {  	v7 =	vadd.f32 v22, v7;
	v2 =	vmul.f32 v2, v19;
	v9 =	vadd.f32 v51, v56  }
0x33b: {  	v5 =	vmul.f32 v5, v19;
	v3 =	vadd.f32 v32, v3;
	v59 =	vadd.f32 v52, v8  }
0x33c: {  	v62 =	vld [tilespmem:$0x1FFB0];
	v7 =	vmul.f32 v7, v6;
	v1 =	vadd.f32 v2, v1;
	v60 =	vadd.f32 v54, v9  }
0x33d: {  	v57 =	vld [tilespmem:$0x1FFA0];
	v0 =	vadd.f32 v5, v0;
	v3 =	vmul.f32 v3, v6;
	v4 =	vadd.f32 v58, v59  }
0x33e: {  	p0 =	sne.s32 s31, $0x30;
	v61 =	vld [tilespmem:$0x1FF70];
	v1 =	vadd.f32 v7, v1;
	v2 =	vmul.f32 v60, v12  }
.Ltmp0:
0x33f: {  	v55 =	vld [tilespmem:$0x1FF90];
	v0 =	vadd.f32 v3, v0;
	v63 =	vmul.f32 v4, v12;
	(pc) =	sbr.rel @p0 .LBB2_3-.Ltmp0, $4  }
0x340: {  	v53 =	vld [tilespmem:$0x1FF80];
	v1 =	vadd.f32 v2, v1  }
0x341: {  	v41 =	vld [tilespmem:$0x1FF60];
	v0 =	vadd.f32 v63, v0  }
0x342: {  	v40 =	vld [tilespmem:$0x1FF50];
	[tilespmem:s0+$0x0] =	vst v1  }
0x343: {  	s31 =	sadd.s32 $0x10, s31;
	v38 =	vld [tilespmem:$0x1FF40];
	v36 =	vimm.s32 $0x0;
	v28 =	vlaneseq.u32;
	s0 =	sadd.s32 $0x10, s0;
	[tilespmem:s8+$0x0] =	vst v0;
	s8 =	sadd.s32 $0x10, s8  }
0x344: {  	s0 =	sadd.s32 s7, s30  }
0x345: {  	[hbm4b:s0+s2] =	stream.linear.scatter [tilespmem:s25], [sflag:$0x2], $0x40, $0x38;
	[tilespmem:$0x14700] =	vst v63  }
0x346: {  	s29 =	sadd.s32 $0x1, s29;
	_ =	swait.ge [sflag:s12], $0x40  }
0x347: {  	p0 =	sne.s32 s29, $0x8;
	[sflag:s12] =	ssyncset.done $0x0  }
.Ltmp1:
0x348: {  	s31 =	sadd.s32 s9, s30;
	[sflag:s12] =	ssyncadd.s32 $0xFFFFFFC0;
	(pc) =	sbr.rel @p0 .LBB2_2-.Ltmp1, $4  }
0x349: {  	[hbm4b:s31+s2] =	stream.linear.scatter [tilespmem:s26], [sflag:$0x2], $0x40, $0x38;
	[tilespmem:$0x14700] =	vst v63  }
0x34a: {  	_ =	swait.ge [sflag:s12], $0x40  }
0x34b: {  	[sflag:s12] =	ssyncset.done $0x0  }
0x34c: {  	[sflag:s12] =	ssyncadd.s32 $0xFFFFFFC0  }
0x34d: {  	s28 =	sadd.s32 $0x1, s28  }
0x34e: {  	p0 =	sne.s32 s28, s11  }
.Ltmp2:
0x34f: {  	_ = 	snop;
	(pc) =	sbr.rel @p0 .LBB2_1-.Ltmp2, $1  }
0x350: {  	_ =	sdelay $0x3  }
0x351: {  	_ =	sfence.sel $0x180000  }
0x352: {  	[bflag:$0x0] =	sbarrier.arrive $0xFFFF  }
0x353: {  	_ =	strace $0x90000047  }
0x354: {  	s0 =	stileid.u32;
	[bflag:$0x2] =	sbarrier.arrive $0xFFFF  }
0x355: {  	p0 =	sne.s32 s0, $0x0;
	s0 =	rddreg [dreg:$0x2]  }
0x356: {  	s0 =	sadd.s32 @!p0 $0x100000, s0  }
0x357: {  	[sflag:s0] =	ssyncadd.tile.s32 @!p0 $0x1;
	_ =	shalt  }
.Lfunc_end2:
_tile_overlayer_lowered:
.L_overlay_start_2:
0x358: {  	(tag) =	ssettag $0x2  }
0x359: {  	s0 =	rddreg [dreg:$0x0];
	s2 =	stileid.u32  }
0x35a: {  	s1 =	rddreg [dreg:$0x1];
	p0 =	sne.s32 s2, $0x0  }
0x35b: {  	s3 =	rddreg [dreg:$0x2];
	[bflag:$0x3] =	sbarrier.arrive $0xFFFF;
	s2 =	simm.s32 @!p0 $0x1C02  }
0x35c: {  	[timem:s3], [sflag:s2] =	dma.local @!p0 [hbm:s0], s1  }
0x35d: {  	s0 =	simm.s32 @!p0 $0x2  }
0x35e: {  	_ =	swait.ge @!p0 [sflag:s0], s1  }
0x35f: {  	s1 =	ssub.s32 @!p0 $0x0, s1;
	[sflag:s0] =	ssyncset.done @!p0 $0x0  }
0x360: {  	[sflag:s0] =	ssyncadd.s32 @!p0 s1  }
0x361: {  	[bflag:$0x3] =	sbarrier.arrive $0xFFFF  }
0x362: {  	_ =	shalt  }

</sc_bundles>
